<compile_context>
chip_gen: v7x
topology: tpu7x:2x2x1
jax: 0.10.2.dev20260603
libtpu: 0.0.44.dev20260713+nightly
codegen_flags: <defaults>
</compile_context>

<pallas_src>
import jax
import jax.numpy as jnp
from jax import lax
from jax.experimental import pallas as pl
from jax.experimental.pallas import tpu as pltpu
from jax.experimental.pallas import tpu_sc as plsc

B = 8
A = 262144
N = B * A
G = 128
NC = 2
NS = 16
NW = NC * NS
PER_W = N // NW
CH = 8192
NCHUNK = PER_W // CH
L = 16

_LOG1P = (
    0.0009250321113059568,
    0.9797534129748469,
    -0.39353580230191654,
    0.10668473260368821,
)


def _ce_body(match_hbm, logits_hbm, out_hbm,
             m0, m1, lb0, lb1, stage, sm0, sm1, sl0, sl1):
    wid = lax.axis_index("s") * NC + lax.axis_index("c")
    base = wid * PER_W
    m_bufs, l_bufs = (m0, m1), (lb0, lb1)
    m_sems, l_sems = (sm0, sm1), (sl0, sl1)

    def issue(c):
        k = c % 2
        off = base + c * CH
        hm = pltpu.async_copy(match_hbm.at[pl.ds(off, CH)], m_bufs[k], m_sems[k])
        hl = pltpu.async_copy(
            logits_hbm.at[pl.ds(2 * off, 2 * CH)], l_bufs[k], l_sems[k])
        return hm, hl

    sum_vec = jnp.zeros((L,), jnp.float32)
    cnt_vec = jnp.zeros((L,), jnp.int32)

    pending = issue(0)
    for c in range(NCHUNK):
        k = c % 2
        nxt = issue(c + 1) if c + 1 < NCHUNK else None
        pending[0].wait()
        pending[1].wait()
        m_buf, l_buf = m_bufs[k], l_bufs[k]

        @plsc.parallel_loop(0, CH // G, carry=(sum_vec, cnt_vec))
        def body(i, carry):
            s, n = carry
            for j in range(G // L):
                m = m_buf[pl.ds(i * G + j * L, L)]
                l0 = l_buf[pl.ds(i * (2 * G) + j * L, L)]
                l1 = l_buf[pl.ds(i * (2 * G) + G + j * L, L)]
                d = l0 - l1
                nd = -d
                t = jnp.exp(jnp.minimum(d, nd))
                p = _LOG1P[3]
                for q in (2, 1, 0):
                    p = p * t + _LOG1P[q]
                ce = jnp.maximum(jnp.where(m == 1, d, nd), 0.0) + p
                valid = m != 0
                s = s + jnp.where(valid, ce, 0.0)
                n = n + plsc.all_reduce_population_count(valid)
            return s, n

        sum_vec, cnt_vec = body
        pending = nxt

    stage[pl.ds(0, L)] = sum_vec
    stage[pl.ds(L, L)] = cnt_vec.astype(jnp.float32)
    pltpu.sync_copy(stage, out_hbm.at[wid])


@jax.jit
def kernel(rpn_match, rpn_class_logits):
    match_flat = rpn_match.reshape(N)
    logits_flat = (
        rpn_class_logits.reshape(B, A // G, G, 2)
        .transpose(0, 1, 3, 2)
        .reshape(2 * N)
    )

    mesh = plsc.VectorSubcoreMesh(core_axis_name="c", subcore_axis_name="s")
    partials = pl.kernel(
        _ce_body,
        out_type=jax.ShapeDtypeStruct((NW, 2 * L), jnp.float32),
        mesh=mesh,
        compiler_params=pltpu.CompilerParams(needs_layout_passes=False),
        scratch_types=[
            pltpu.VMEM((CH,), jnp.int32),
            pltpu.VMEM((CH,), jnp.int32),
            pltpu.VMEM((2 * CH,), jnp.float32),
            pltpu.VMEM((2 * CH,), jnp.float32),
            pltpu.VMEM((2 * L,), jnp.float32),
            pltpu.SemaphoreType.DMA,
            pltpu.SemaphoreType.DMA,
            pltpu.SemaphoreType.DMA,
            pltpu.SemaphoreType.DMA,
        ],
    )(match_flat, logits_flat)

    s = jnp.sum(partials[:, :L])
    n = jnp.sum(partials[:, L])
    return jnp.where(n > 0, s / jnp.maximum(n, 1.0), jnp.float32(0.0))

# --- scband reference (transcript-rebuilt; emitter-appended) ---
"""Pipeline reference for scband-rpnclass-loss-20005957664938 (READ-ONLY COPY).

The authoritative reference and input builder live on the scoring server;
editing this copy changes nothing except your own understanding.
"""

import jax, jax.numpy as jnp
import numpy as np


def setup_inputs(seed: int = 0) -> dict:
    key = jax.random.key(seed)
    k1, k2 = jax.random.split(key)
    rpn_match = jax.random.randint(k1, (8, 262144, 1), 0, 3).astype(jnp.int32)
    rpn_class_logits = jax.random.normal(k2, (8, 262144, 2), dtype=jnp.float32)
    return {"rpn_match": rpn_match, "rpn_class_logits": rpn_class_logits}


def reference(rpn_match, rpn_class_logits):
    # rpn_match: [B, A, 1] int; 1=positive, 0=neutral, anything else=negative
    m = jnp.squeeze(rpn_match, -1)                       # [B, A]
    anchor_class = (m == 1).astype(jnp.int32)            # [B, A] in {0,1}
    valid = (m != 0)                                     # [B, A] bool; selected anchors
    # sparse categorical crossentropy from logits on selected anchors
    log_probs = jax.nn.log_softmax(rpn_class_logits, axis=-1)   # [B, A, 2]
    ce = -jnp.take_along_axis(log_probs, anchor_class[..., None], axis=-1)[..., 0]  # [B, A]
    vmask = valid.astype(jnp.float32)
    n = jnp.sum(vmask)
    # K.mean over gathered elements == masked sum / count; 0.0 if no valid anchors
    loss = jnp.where(n > 0, jnp.sum(ce * vmask) / jnp.maximum(n, 1.0), jnp.float32(0.0))
    return loss

if __name__ == "__main__":
    import jax
    _d = setup_inputs()
    print(jax.jit(kernel)(*tuple(_d.values())))

</pallas_src>

<mosaic_0001>
#map = affine_map<(d0, d1) -> (0)>
#map1 = affine_map<(d0, d1) -> (0, 0)>
module attributes {stable_mosaic.version = 14 : i64} {
  func.func @_ce_body(%arg0: i32, %arg1: i32, %arg2: memref<2097152xi32, #tpu.memory_space<hbm>>, %arg3: memref<4194304xf32, #tpu.memory_space<hbm>>, %arg4: memref<32x32xf32, #tpu.memory_space<hbm>>, %arg5: memref<8192xi32, #tpu.memory_space<vmem>>, %arg6: memref<8192xi32, #tpu.memory_space<vmem>>, %arg7: memref<16384xf32, #tpu.memory_space<vmem>>, %arg8: memref<16384xf32, #tpu.memory_space<vmem>>, %arg9: memref<32xf32, #tpu.memory_space<vmem>>, %arg10: memref<!tpu.dma_semaphore, #tpu.memory_space<semaphore_mem>>, %arg11: memref<!tpu.dma_semaphore, #tpu.memory_space<semaphore_mem>>, %arg12: memref<!tpu.dma_semaphore, #tpu.memory_space<semaphore_mem>>, %arg13: memref<!tpu.dma_semaphore, #tpu.memory_space<semaphore_mem>>) attributes {dimension_semantics = [#tpu.dimension_semantics<core_parallel>, #tpu.dimension_semantics<subcore_parallel>], iteration_bounds = array<i64: 2, 16>, scalar_prefetch = 0 : i64, scratch_operands = 9 : i64, tpu.core_type = #tpu.core_type<sc_vector_subcore>, window_params = [{transform_indices = #map}, {transform_indices = #map}, {transform_indices = #map1}]} {
    %mul3A = arith.constant 2 : i32
    %mul3A_0 = arith.muli %arg1, %mul3A : i32
    %add3A = arith.addi %mul3A_0, %arg0 : i32
    %mul3A_1 = arith.constant 65536 : i32
    %mul3A_2 = arith.muli %add3A, %mul3A_1 : i32
    %broadcast_in_dim3A = arith.constant 0.000000e+00 : f32
    %broadcast_in_dim3A_3 = vector.broadcast %broadcast_in_dim3A : f32 to vector<16xf32>
    %broadcast_in_dim3A_4 = arith.constant 0 : i32
    %broadcast_in_dim3A_5 = vector.broadcast %broadcast_in_dim3A_4 : i32 to vector<16xi32>
    %add3A_6 = arith.constant 0 : i32
    %add3A_7 = arith.addi %mul3A_2, %add3A_6 : i32
    %dma_start3A = tpu.memref_slice %arg2[%add3A_7] : memref<2097152xi32, #tpu.memory_space<hbm>> -> memref<8192xi32, #tpu.memory_space<hbm>>
    %dma_start3A_8 = tpu.memref_slice %arg2[%add3A_7] : memref<2097152xi32, #tpu.memory_space<hbm>> -> memref<8192xi32, #tpu.memory_space<hbm>>
    tpu.enqueue_dma source(%dma_start3A_8 : memref<8192xi32, #tpu.memory_space<hbm>>) target(%arg5 : memref<8192xi32, #tpu.memory_space<vmem>>) target_semaphore(%arg10 : memref<!tpu.dma_semaphore, #tpu.memory_space<semaphore_mem>>)
    %mul3A_9 = arith.constant 2 : i32
    %mul3A_10 = arith.muli %mul3A_9, %add3A_7 : i32
    %dma_start3A_11 = tpu.memref_slice %arg3[%mul3A_10] : memref<4194304xf32, #tpu.memory_space<hbm>> -> memref<16384xf32, #tpu.memory_space<hbm>>
    %dma_start3A_12 = tpu.memref_slice %arg3[%mul3A_10] : memref<4194304xf32, #tpu.memory_space<hbm>> -> memref<16384xf32, #tpu.memory_space<hbm>>
    tpu.enqueue_dma source(%dma_start3A_12 : memref<16384xf32, #tpu.memory_space<hbm>>) target(%arg7 : memref<16384xf32, #tpu.memory_space<vmem>>) target_semaphore(%arg12 : memref<!tpu.dma_semaphore, #tpu.memory_space<semaphore_mem>>)
    %add3A_13 = arith.constant 8192 : i32
    %add3A_14 = arith.addi %mul3A_2, %add3A_13 : i32
    %dma_start3A_15 = tpu.memref_slice %arg2[%add3A_14] : memref<2097152xi32, #tpu.memory_space<hbm>> -> memref<8192xi32, #tpu.memory_space<hbm>>
    %dma_start3A_16 = tpu.memref_slice %arg2[%add3A_14] : memref<2097152xi32, #tpu.memory_space<hbm>> -> memref<8192xi32, #tpu.memory_space<hbm>>
    tpu.enqueue_dma source(%dma_start3A_16 : memref<8192xi32, #tpu.memory_space<hbm>>) target(%arg6 : memref<8192xi32, #tpu.memory_space<vmem>>) target_semaphore(%arg11 : memref<!tpu.dma_semaphore, #tpu.memory_space<semaphore_mem>>)
    %mul3A_17 = arith.constant 2 : i32
    %mul3A_18 = arith.muli %mul3A_17, %add3A_14 : i32
    %dma_start3A_19 = tpu.memref_slice %arg3[%mul3A_18] : memref<4194304xf32, #tpu.memory_space<hbm>> -> memref<16384xf32, #tpu.memory_space<hbm>>
    %dma_start3A_20 = tpu.memref_slice %arg3[%mul3A_18] : memref<4194304xf32, #tpu.memory_space<hbm>> -> memref<16384xf32, #tpu.memory_space<hbm>>
    tpu.enqueue_dma source(%dma_start3A_20 : memref<16384xf32, #tpu.memory_space<hbm>>) target(%arg8 : memref<16384xf32, #tpu.memory_space<vmem>>) target_semaphore(%arg13 : memref<!tpu.dma_semaphore, #tpu.memory_space<semaphore_mem>>)
    %dma_wait3A = tpu.memref_slice %arg2[%add3A_7] : memref<2097152xi32, #tpu.memory_space<hbm>> -> memref<8192xi32, #tpu.memory_space<hbm>>
    %dma_wait3A_21 = tpu.memref_slice %arg2[%add3A_7] : memref<2097152xi32, #tpu.memory_space<hbm>> -> memref<8192xi32, #tpu.memory_space<hbm>>
    tpu.wait_dma2 semaphore(%arg10 : memref<!tpu.dma_semaphore, #tpu.memory_space<semaphore_mem>>) src(%dma_wait3A_21 : memref<8192xi32, #tpu.memory_space<hbm>>) dst(%arg5 : memref<8192xi32, #tpu.memory_space<vmem>>)
    %dma_wait3A_22 = tpu.memref_slice %arg3[%mul3A_10] : memref<4194304xf32, #tpu.memory_space<hbm>> -> memref<16384xf32, #tpu.memory_space<hbm>>
    %dma_wait3A_23 = tpu.memref_slice %arg3[%mul3A_10] : memref<4194304xf32, #tpu.memory_space<hbm>> -> memref<16384xf32, #tpu.memory_space<hbm>>
    tpu.wait_dma2 semaphore(%arg12 : memref<!tpu.dma_semaphore, #tpu.memory_space<semaphore_mem>>) src(%dma_wait3A_23 : memref<16384xf32, #tpu.memory_space<hbm>>) dst(%arg7 : memref<16384xf32, #tpu.memory_space<vmem>>)
    %parallel_loop3A = arith.constant 0 : i32
    %parallel_loop3A_24 = arith.constant 64 : i32
    %parallel_loop3A_25 = arith.constant 1 : i32
    %parallel_loop3A_26:2 = scf.for %parallel_loop3A_134 = %parallel_loop3A to %parallel_loop3A_24 step %parallel_loop3A_25 iter_args(%parallel_loop3A_135 = %broadcast_in_dim3A_3, %parallel_loop3A_136 = %broadcast_in_dim3A_5) -> (vector<16xf32>, vector<16xi32>)  : i32 {
      %parallel_loop3A_137 = arith.constant 128 : i32
      %parallel_loop3A_138 = arith.muli %parallel_loop3A_134, %parallel_loop3A_137 : i32
      %parallel_loop3A_139 = arith.constant 0 : i32
      %parallel_loop3A_140 = arith.addi %parallel_loop3A_138, %parallel_loop3A_139 : i32
      %parallel_loop3A_141 = arith.index_cast %parallel_loop3A_140 : i32 to index
      %parallel_loop3A_142 = tpu.vector_load %arg5[%parallel_loop3A_141] {strides = array<i32>} : memref<8192xi32, #tpu.memory_space<vmem>>, vector<16xi32>,
      %parallel_loop3A_143 = arith.constant 256 : i32
      %parallel_loop3A_144 = arith.muli %parallel_loop3A_134, %parallel_loop3A_143 : i32
      %parallel_loop3A_145 = arith.constant 0 : i32
      %parallel_loop3A_146 = arith.addi %parallel_loop3A_144, %parallel_loop3A_145 : i32
      %parallel_loop3A_147 = arith.index_cast %parallel_loop3A_146 : i32 to index
      %parallel_loop3A_148 = tpu.vector_load %arg7[%parallel_loop3A_147] {strides = array<i32>} : memref<16384xf32, #tpu.memory_space<vmem>>, vector<16xf32>,
      %parallel_loop3A_149 = arith.constant 256 : i32
      %parallel_loop3A_150 = arith.muli %parallel_loop3A_134, %parallel_loop3A_149 : i32
      %parallel_loop3A_151 = arith.constant 128 : i32
      %parallel_loop3A_152 = arith.addi %parallel_loop3A_150, %parallel_loop3A_151 : i32
      %parallel_loop3A_153 = arith.constant 0 : i32
      %parallel_loop3A_154 = arith.addi %parallel_loop3A_152, %parallel_loop3A_153 : i32
      %parallel_loop3A_155 = arith.index_cast %parallel_loop3A_154 : i32 to index
      %parallel_loop3A_156 = tpu.vector_load %arg7[%parallel_loop3A_155] {strides = array<i32>} : memref<16384xf32, #tpu.memory_space<vmem>>, vector<16xf32>,
      %parallel_loop3A_157 = arith.subf %parallel_loop3A_148, %parallel_loop3A_156 : vector<16xf32>
      %parallel_loop3A_158 = arith.constant 0.000000e+00 : f32
      %parallel_loop3A_159 = vector.broadcast %parallel_loop3A_158 : f32 to vector<16xf32>
      %parallel_loop3A_160 = arith.subf %parallel_loop3A_159, %parallel_loop3A_157 : vector<16xf32>
      %parallel_loop3A_161 = arith.minimumf %parallel_loop3A_157, %parallel_loop3A_160 : vector<16xf32>
      %parallel_loop3A_162 = math.exp %parallel_loop3A_161 : vector<16xf32>
      %parallel_loop3A_163 = arith.constant 0.106684729 : f32
      %parallel_loop3A_164 = vector.broadcast %parallel_loop3A_163 : f32 to vector<16xf32>
      %parallel_loop3A_165 = arith.mulf %parallel_loop3A_164, %parallel_loop3A_162 : vector<16xf32>
      %parallel_loop3A_166 = arith.constant -0.393535793 : f32
      %parallel_loop3A_167 = vector.broadcast %parallel_loop3A_166 : f32 to vector<16xf32>
      %parallel_loop3A_168 = arith.addf %parallel_loop3A_165, %parallel_loop3A_167 : vector<16xf32>
      %parallel_loop3A_169 = arith.mulf %parallel_loop3A_168, %parallel_loop3A_162 : vector<16xf32>
      %parallel_loop3A_170 = arith.constant 0.979753434 : f32
      %parallel_loop3A_171 = vector.broadcast %parallel_loop3A_170 : f32 to vector<16xf32>
      %parallel_loop3A_172 = arith.addf %parallel_loop3A_169, %parallel_loop3A_171 : vector<16xf32>
      %parallel_loop3A_173 = arith.mulf %parallel_loop3A_172, %parallel_loop3A_162 : vector<16xf32>
      %parallel_loop3A_174 = arith.constant 9.25032131E-4 : f32
      %parallel_loop3A_175 = vector.broadcast %parallel_loop3A_174 : f32 to vector<16xf32>
      %parallel_loop3A_176 = arith.addf %parallel_loop3A_173, %parallel_loop3A_175 : vector<16xf32>
      %parallel_loop3A_177 = arith.constant 1 : i32
      %parallel_loop3A_178 = vector.broadcast %parallel_loop3A_177 : i32 to vector<16xi32>
      %parallel_loop3A_179 = arith.cmpi eq, %parallel_loop3A_142, %parallel_loop3A_178 : vector<16xi32>
      %parallel_loop3A_180 = arith.select %parallel_loop3A_179, %parallel_loop3A_157, %parallel_loop3A_160 : vector<16xi1>, vector<16xf32>
      %parallel_loop3A_181 = arith.constant 0.000000e+00 : f32
      %parallel_loop3A_182 = vector.broadcast %parallel_loop3A_181 : f32 to vector<16xf32>
      %parallel_loop3A_183 = arith.maximumf %parallel_loop3A_180, %parallel_loop3A_182 : vector<16xf32>
      %parallel_loop3A_184 = arith.addf %parallel_loop3A_183, %parallel_loop3A_176 : vector<16xf32>
      %parallel_loop3A_185 = arith.constant 0 : i32
      %parallel_loop3A_186 = vector.broadcast %parallel_loop3A_185 : i32 to vector<16xi32>
      %parallel_loop3A_187 = arith.cmpi ne, %parallel_loop3A_142, %parallel_loop3A_186 : vector<16xi32>
      %parallel_loop3A_188 = arith.constant 0.000000e+00 : f32
      %parallel_loop3A_189 = vector.broadcast %parallel_loop3A_188 : f32 to vector<16xf32>
      %parallel_loop3A_190 = arith.select %parallel_loop3A_187, %parallel_loop3A_184, %parallel_loop3A_189 : vector<16xi1>, vector<16xf32>
      %parallel_loop3A_191 = arith.addf %parallel_loop3A_135, %parallel_loop3A_190 : vector<16xf32>
      %parallel_loop3A_192 = tpu.all_reduce %parallel_loop3A_187 {dim = 0 : i64, kind = #tpu.reduction_kind<sum>} : vector<16xi1> -> vector<16xi32>
      %parallel_loop3A_193 = arith.addi %parallel_loop3A_136, %parallel_loop3A_192 : vector<16xi32>
      %parallel_loop3A_194 = arith.constant 128 : i32
      %parallel_loop3A_195 = arith.muli %parallel_loop3A_134, %parallel_loop3A_194 : i32
      %parallel_loop3A_196 = arith.constant 16 : i32
      %parallel_loop3A_197 = arith.addi %parallel_loop3A_195, %parallel_loop3A_196 : i32
      %parallel_loop3A_198 = arith.index_cast %parallel_loop3A_197 : i32 to index
      %parallel_loop3A_199 = tpu.vector_load %arg5[%parallel_loop3A_198] {strides = array<i32>} : memref<8192xi32, #tpu.memory_space<vmem>>, vector<16xi32>,
      %parallel_loop3A_200 = arith.constant 256 : i32
      %parallel_loop3A_201 = arith.muli %parallel_loop3A_134, %parallel_loop3A_200 : i32
      %parallel_loop3A_202 = arith.constant 16 : i32
      %parallel_loop3A_203 = arith.addi %parallel_loop3A_201, %parallel_loop3A_202 : i32
      %parallel_loop3A_204 = arith.index_cast %parallel_loop3A_203 : i32 to index
      %parallel_loop3A_205 = tpu.vector_load %arg7[%parallel_loop3A_204] {strides = array<i32>} : memref<16384xf32, #tpu.memory_space<vmem>>, vector<16xf32>,
      %parallel_loop3A_206 = arith.constant 256 : i32
      %parallel_loop3A_207 = arith.muli %parallel_loop3A_134, %parallel_loop3A_206 : i32
      %parallel_loop3A_208 = arith.constant 128 : i32
      %parallel_loop3A_209 = arith.addi %parallel_loop3A_207, %parallel_loop3A_208 : i32
      %parallel_loop3A_210 = arith.constant 16 : i32
      %parallel_loop3A_211 = arith.addi %parallel_loop3A_209, %parallel_loop3A_210 : i32
      %parallel_loop3A_212 = arith.index_cast %parallel_loop3A_211 : i32 to index
      %parallel_loop3A_213 = tpu.vector_load %arg7[%parallel_loop3A_212] {strides = array<i32>} : memref<16384xf32, #tpu.memory_space<vmem>>, vector<16xf32>,
      %parallel_loop3A_214 = arith.subf %parallel_loop3A_205, %parallel_loop3A_213 : vector<16xf32>
      %parallel_loop3A_215 = arith.constant 0.000000e+00 : f32
      %parallel_loop3A_216 = vector.broadcast %parallel_loop3A_215 : f32 to vector<16xf32>
      %parallel_loop3A_217 = arith.subf %parallel_loop3A_216, %parallel_loop3A_214 : vector<16xf32>
      %parallel_loop3A_218 = arith.minimumf %parallel_loop3A_214, %parallel_loop3A_217 : vector<16xf32>
      %parallel_loop3A_219 = math.exp %parallel_loop3A_218 : vector<16xf32>
      %parallel_loop3A_220 = arith.constant 0.106684729 : f32
      %parallel_loop3A_221 = vector.broadcast %parallel_loop3A_220 : f32 to vector<16xf32>
      %parallel_loop3A_222 = arith.mulf %parallel_loop3A_221, %parallel_loop3A_219 : vector<16xf32>
      %parallel_loop3A_223 = arith.constant -0.393535793 : f32
      %parallel_loop3A_224 = vector.broadcast %parallel_loop3A_223 : f32 to vector<16xf32>
      %parallel_loop3A_225 = arith.addf %parallel_loop3A_222, %parallel_loop3A_224 : vector<16xf32>
      %parallel_loop3A_226 = arith.mulf %parallel_loop3A_225, %parallel_loop3A_219 : vector<16xf32>
      %parallel_loop3A_227 = arith.constant 0.979753434 : f32
      %parallel_loop3A_228 = vector.broadcast %parallel_loop3A_227 : f32 to vector<16xf32>
      %parallel_loop3A_229 = arith.addf %parallel_loop3A_226, %parallel_loop3A_228 : vector<16xf32>
      %parallel_loop3A_230 = arith.mulf %parallel_loop3A_229, %parallel_loop3A_219 : vector<16xf32>
      %parallel_loop3A_231 = arith.constant 9.25032131E-4 : f32
      %parallel_loop3A_232 = vector.broadcast %parallel_loop3A_231 : f32 to vector<16xf32>
      %parallel_loop3A_233 = arith.addf %parallel_loop3A_230, %parallel_loop3A_232 : vector<16xf32>
      %parallel_loop3A_234 = arith.constant 1 : i32
      %parallel_loop3A_235 = vector.broadcast %parallel_loop3A_234 : i32 to vector<16xi32>
      %parallel_loop3A_236 = arith.cmpi eq, %parallel_loop3A_199, %parallel_loop3A_235 : vector<16xi32>
      %parallel_loop3A_237 = arith.select %parallel_loop3A_236, %parallel_loop3A_214, %parallel_loop3A_217 : vector<16xi1>, vector<16xf32>
      %parallel_loop3A_238 = arith.constant 0.000000e+00 : f32
      %parallel_loop3A_239 = vector.broadcast %parallel_loop3A_238 : f32 to vector<16xf32>
      %parallel_loop3A_240 = arith.maximumf %parallel_loop3A_237, %parallel_loop3A_239 : vector<16xf32>
      %parallel_loop3A_241 = arith.addf %parallel_loop3A_240, %parallel_loop3A_233 : vector<16xf32>
      %parallel_loop3A_242 = arith.constant 0 : i32
      %parallel_loop3A_243 = vector.broadcast %parallel_loop3A_242 : i32 to vector<16xi32>
      %parallel_loop3A_244 = arith.cmpi ne, %parallel_loop3A_199, %parallel_loop3A_243 : vector<16xi32>
      %parallel_loop3A_245 = arith.constant 0.000000e+00 : f32
      %parallel_loop3A_246 = vector.broadcast %parallel_loop3A_245 : f32 to vector<16xf32>
      %parallel_loop3A_247 = arith.select %parallel_loop3A_244, %parallel_loop3A_241, %parallel_loop3A_246 : vector<16xi1>, vector<16xf32>
      %parallel_loop3A_248 = arith.addf %parallel_loop3A_191, %parallel_loop3A_247 : vector<16xf32>
      %parallel_loop3A_249 = tpu.all_reduce %parallel_loop3A_244 {dim = 0 : i64, kind = #tpu.reduction_kind<sum>} : vector<16xi1> -> vector<16xi32>
      %parallel_loop3A_250 = arith.addi %parallel_loop3A_193, %parallel_loop3A_249 : vector<16xi32>
      %parallel_loop3A_251 = arith.constant 128 : i32
      %parallel_loop3A_252 = arith.muli %parallel_loop3A_134, %parallel_loop3A_251 : i32
      %parallel_loop3A_253 = arith.constant 32 : i32
      %parallel_loop3A_254 = arith.addi %parallel_loop3A_252, %parallel_loop3A_253 : i32
      %parallel_loop3A_255 = arith.index_cast %parallel_loop3A_254 : i32 to index
      %parallel_loop3A_256 = tpu.vector_load %arg5[%parallel_loop3A_255] {strides = array<i32>} : memref<8192xi32, #tpu.memory_space<vmem>>, vector<16xi32>,
      %parallel_loop3A_257 = arith.constant 256 : i32
      %parallel_loop3A_258 = arith.muli %parallel_loop3A_134, %parallel_loop3A_257 : i32
      %parallel_loop3A_259 = arith.constant 32 : i32
      %parallel_loop3A_260 = arith.addi %parallel_loop3A_258, %parallel_loop3A_259 : i32
      %parallel_loop3A_261 = arith.index_cast %parallel_loop3A_260 : i32 to index
      %parallel_loop3A_262 = tpu.vector_load %arg7[%parallel_loop3A_261] {strides = array<i32>} : memref<16384xf32, #tpu.memory_space<vmem>>, vector<16xf32>,
      %parallel_loop3A_263 = arith.constant 256 : i32
      %parallel_loop3A_264 = arith.muli %parallel_loop3A_134, %parallel_loop3A_263 : i32
      %parallel_loop3A_265 = arith.constant 128 : i32
      %parallel_loop3A_266 = arith.addi %parallel_loop3A_264, %parallel_loop3A_265 : i32
      %parallel_loop3A_267 = arith.constant 32 : i32
      %parallel_loop3A_268 = arith.addi %parallel_loop3A_266, %parallel_loop3A_267 : i32
      %parallel_loop3A_269 = arith.index_cast %parallel_loop3A_268 : i32 to index
      %parallel_loop3A_270 = tpu.vector_load %arg7[%parallel_loop3A_269] {strides = array<i32>} : memref<16384xf32, #tpu.memory_space<vmem>>, vector<16xf32>,
      %parallel_loop3A_271 = arith.subf %parallel_loop3A_262, %parallel_loop3A_270 : vector<16xf32>
      %parallel_loop3A_272 = arith.constant 0.000000e+00 : f32
      %parallel_loop3A_273 = vector.broadcast %parallel_loop3A_272 : f32 to vector<16xf32>
      %parallel_loop3A_274 = arith.subf %parallel_loop3A_273, %parallel_loop3A_271 : vector<16xf32>
      %parallel_loop3A_275 = arith.minimumf %parallel_loop3A_271, %parallel_loop3A_274 : vector<16xf32>
      %parallel_loop3A_276 = math.exp %parallel_loop3A_275 : vector<16xf32>
      %parallel_loop3A_277 = arith.constant 0.106684729 : f32
      %parallel_loop3A_278 = vector.broadcast %parallel_loop3A_277 : f32 to vector<16xf32>
      %parallel_loop3A_279 = arith.mulf %parallel_loop3A_278, %parallel_loop3A_276 : vector<16xf32>
      %parallel_loop3A_280 = arith.constant -0.393535793 : f32
      %parallel_loop3A_281 = vector.broadcast %parallel_loop3A_280 : f32 to vector<16xf32>
      %parallel_loop3A_282 = arith.addf %parallel_loop3A_279, %parallel_loop3A_281 : vector<16xf32>
      %parallel_loop3A_283 = arith.mulf %parallel_loop3A_282, %parallel_loop3A_276 : vector<16xf32>
      %parallel_loop3A_284 = arith.constant 0.979753434 : f32
      %parallel_loop3A_285 = vector.broadcast %parallel_loop3A_284 : f32 to vector<16xf32>
      %parallel_loop3A_286 = arith.addf %parallel_loop3A_283, %parallel_loop3A_285 : vector<16xf32>
      %parallel_loop3A_287 = arith.mulf %parallel_loop3A_286, %parallel_loop3A_276 : vector<16xf32>
      %parallel_loop3A_288 = arith.constant 9.25032131E-4 : f32
      %parallel_loop3A_289 = vector.broadcast %parallel_loop3A_288 : f32 to vector<16xf32>
      %parallel_loop3A_290 = arith.addf %parallel_loop3A_287, %parallel_loop3A_289 : vector<16xf32>
      %parallel_loop3A_291 = arith.constant 1 : i32
      %parallel_loop3A_292 = vector.broadcast %parallel_loop3A_291 : i32 to vector<16xi32>
      %parallel_loop3A_293 = arith.cmpi eq, %parallel_loop3A_256, %parallel_loop3A_292 : vector<16xi32>
      %parallel_loop3A_294 = arith.select %parallel_loop3A_293, %parallel_loop3A_271, %parallel_loop3A_274 : vector<16xi1>, vector<16xf32>
      %parallel_loop3A_295 = arith.constant 0.000000e+00 : f32
      %parallel_loop3A_296 = vector.broadcast %parallel_loop3A_295 : f32 to vector<16xf32>
      %parallel_loop3A_297 = arith.maximumf %parallel_loop3A_294, %parallel_loop3A_296 : vector<16xf32>
      %parallel_loop3A_298 = arith.addf %parallel_loop3A_297, %parallel_loop3A_290 : vector<16xf32>
      %parallel_loop3A_299 = arith.constant 0 : i32
      %parallel_loop3A_300 = vector.broadcast %parallel_loop3A_299 : i32 to vector<16xi32>
      %parallel_loop3A_301 = arith.cmpi ne, %parallel_loop3A_256, %parallel_loop3A_300 : vector<16xi32>
      %parallel_loop3A_302 = arith.constant 0.000000e+00 : f32
      %parallel_loop3A_303 = vector.broadcast %parallel_loop3A_302 : f32 to vector<16xf32>
      %parallel_loop3A_304 = arith.select %parallel_loop3A_301, %parallel_loop3A_298, %parallel_loop3A_303 : vector<16xi1>, vector<16xf32>
      %parallel_loop3A_305 = arith.addf %parallel_loop3A_248, %parallel_loop3A_304 : vector<16xf32>
      %parallel_loop3A_306 = tpu.all_reduce %parallel_loop3A_301 {dim = 0 : i64, kind = #tpu.reduction_kind<sum>} : vector<16xi1> -> vector<16xi32>
      %parallel_loop3A_307 = arith.addi %parallel_loop3A_250, %parallel_loop3A_306 : vector<16xi32>
      %parallel_loop3A_308 = arith.constant 128 : i32
      %parallel_loop3A_309 = arith.muli %parallel_loop3A_134, %parallel_loop3A_308 : i32
      %parallel_loop3A_310 = arith.constant 48 : i32
      %parallel_loop3A_311 = arith.addi %parallel_loop3A_309, %parallel_loop3A_310 : i32
      %parallel_loop3A_312 = arith.index_cast %parallel_loop3A_311 : i32 to index
      %parallel_loop3A_313 = tpu.vector_load %arg5[%parallel_loop3A_312] {strides = array<i32>} : memref<8192xi32, #tpu.memory_space<vmem>>, vector<16xi32>,
      %parallel_loop3A_314 = arith.constant 256 : i32
      %parallel_loop3A_315 = arith.muli %parallel_loop3A_134, %parallel_loop3A_314 : i32
      %parallel_loop3A_316 = arith.constant 48 : i32
      %parallel_loop3A_317 = arith.addi %parallel_loop3A_315, %parallel_loop3A_316 : i32
      %parallel_loop3A_318 = arith.index_cast %parallel_loop3A_317 : i32 to index
      %parallel_loop3A_319 = tpu.vector_load %arg7[%parallel_loop3A_318] {strides = array<i32>} : memref<16384xf32, #tpu.memory_space<vmem>>, vector<16xf32>,
      %parallel_loop3A_320 = arith.constant 256 : i32
      %parallel_loop3A_321 = arith.muli %parallel_loop3A_134, %parallel_loop3A_320 : i32
      %parallel_loop3A_322 = arith.constant 128 : i32
      %parallel_loop3A_323 = arith.addi %parallel_loop3A_321, %parallel_loop3A_322 : i32
      %parallel_loop3A_324 = arith.constant 48 : i32
      %parallel_loop3A_325 = arith.addi %parallel_loop3A_323, %parallel_loop3A_324 : i32
      %parallel_loop3A_326 = arith.index_cast %parallel_loop3A_325 : i32 to index
      %parallel_loop3A_327 = tpu.vector_load %arg7[%parallel_loop3A_326] {strides = array<i32>} : memref<16384xf32, #tpu.memory_space<vmem>>, vector<16xf32>,
      %parallel_loop3A_328 = arith.subf %parallel_loop3A_319, %parallel_loop3A_327 : vector<16xf32>
      %parallel_loop3A_329 = arith.constant 0.000000e+00 : f32
      %parallel_loop3A_330 = vector.broadcast %parallel_loop3A_329 : f32 to vector<16xf32>
      %parallel_loop3A_331 = arith.subf %parallel_loop3A_330, %parallel_loop3A_328 : vector<16xf32>
      %parallel_loop3A_332 = arith.minimumf %parallel_loop3A_328, %parallel_loop3A_331 : vector<16xf32>
      %parallel_loop3A_333 = math.exp %parallel_loop3A_332 : vector<16xf32>
      %parallel_loop3A_334 = arith.constant 0.106684729 : f32
      %parallel_loop3A_335 = vector.broadcast %parallel_loop3A_334 : f32 to vector<16xf32>
      %parallel_loop3A_336 = arith.mulf %parallel_loop3A_335, %parallel_loop3A_333 : vector<16xf32>
      %parallel_loop3A_337 = arith.constant -0.393535793 : f32
      %parallel_loop3A_338 = vector.broadcast %parallel_loop3A_337 : f32 to vector<16xf32>
      %parallel_loop3A_339 = arith.addf %parallel_loop3A_336, %parallel_loop3A_338 : vector<16xf32>
      %parallel_loop3A_340 = arith.mulf %parallel_loop3A_339, %parallel_loop3A_333 : vector<16xf32>
      %parallel_loop3A_341 = arith.constant 0.979753434 : f32
      %parallel_loop3A_342 = vector.broadcast %parallel_loop3A_341 : f32 to vector<16xf32>
      %parallel_loop3A_343 = arith.addf %parallel_loop3A_340, %parallel_loop3A_342 : vector<16xf32>
      %parallel_loop3A_344 = arith.mulf %parallel_loop3A_343, %parallel_loop3A_333 : vector<16xf32>
      %parallel_loop3A_345 = arith.constant 9.25032131E-4 : f32
      %parallel_loop3A_346 = vector.broadcast %parallel_loop3A_345 : f32 to vector<16xf32>
      %parallel_loop3A_347 = arith.addf %parallel_loop3A_344, %parallel_loop3A_346 : vector<16xf32>
      %parallel_loop3A_348 = arith.constant 1 : i32
      %parallel_loop3A_349 = vector.broadcast %parallel_loop3A_348 : i32 to vector<16xi32>
      %parallel_loop3A_350 = arith.cmpi eq, %parallel_loop3A_313, %parallel_loop3A_349 : vector<16xi32>
      %parallel_loop3A_351 = arith.select %parallel_loop3A_350, %parallel_loop3A_328, %parallel_loop3A_331 : vector<16xi1>, vector<16xf32>
      %parallel_loop3A_352 = arith.constant 0.000000e+00 : f32
      %parallel_loop3A_353 = vector.broadcast %parallel_loop3A_352 : f32 to vector<16xf32>
      %parallel_loop3A_354 = arith.maximumf %parallel_loop3A_351, %parallel_loop3A_353 : vector<16xf32>
      %parallel_loop3A_355 = arith.addf %parallel_loop3A_354, %parallel_loop3A_347 : vector<16xf32>
      %parallel_loop3A_356 = arith.constant 0 : i32
      %parallel_loop3A_357 = vector.broadcast %parallel_loop3A_356 : i32 to vector<16xi32>
      %parallel_loop3A_358 = arith.cmpi ne, %parallel_loop3A_313, %parallel_loop3A_357 : vector<16xi32>
      %parallel_loop3A_359 = arith.constant 0.000000e+00 : f32
      %parallel_loop3A_360 = vector.broadcast %parallel_loop3A_359 : f32 to vector<16xf32>
      %parallel_loop3A_361 = arith.select %parallel_loop3A_358, %parallel_loop3A_355, %parallel_loop3A_360 : vector<16xi1>, vector<16xf32>
      %parallel_loop3A_362 = arith.addf %parallel_loop3A_305, %parallel_loop3A_361 : vector<16xf32>
      %parallel_loop3A_363 = tpu.all_reduce %parallel_loop3A_358 {dim = 0 : i64, kind = #tpu.reduction_kind<sum>} : vector<16xi1> -> vector<16xi32>
      %parallel_loop3A_364 = arith.addi %parallel_loop3A_307, %parallel_loop3A_363 : vector<16xi32>
      %parallel_loop3A_365 = arith.constant 128 : i32
      %parallel_loop3A_366 = arith.muli %parallel_loop3A_134, %parallel_loop3A_365 : i32
      %parallel_loop3A_367 = arith.constant 64 : i32
      %parallel_loop3A_368 = arith.addi %parallel_loop3A_366, %parallel_loop3A_367 : i32
      %parallel_loop3A_369 = arith.index_cast %parallel_loop3A_368 : i32 to index
      %parallel_loop3A_370 = tpu.vector_load %arg5[%parallel_loop3A_369] {strides = array<i32>} : memref<8192xi32, #tpu.memory_space<vmem>>, vector<16xi32>,
      %parallel_loop3A_371 = arith.constant 256 : i32
      %parallel_loop3A_372 = arith.muli %parallel_loop3A_134, %parallel_loop3A_371 : i32
      %parallel_loop3A_373 = arith.constant 64 : i32
      %parallel_loop3A_374 = arith.addi %parallel_loop3A_372, %parallel_loop3A_373 : i32
      %parallel_loop3A_375 = arith.index_cast %parallel_loop3A_374 : i32 to index
      %parallel_loop3A_376 = tpu.vector_load %arg7[%parallel_loop3A_375] {strides = array<i32>} : memref<16384xf32, #tpu.memory_space<vmem>>, vector<16xf32>,
      %parallel_loop3A_377 = arith.constant 256 : i32
      %parallel_loop3A_378 = arith.muli %parallel_loop3A_134, %parallel_loop3A_377 : i32
      %parallel_loop3A_379 = arith.constant 128 : i32
      %parallel_loop3A_380 = arith.addi %parallel_loop3A_378, %parallel_loop3A_379 : i32
      %parallel_loop3A_381 = arith.constant 64 : i32
      %parallel_loop3A_382 = arith.addi %parallel_loop3A_380, %parallel_loop3A_381 : i32
      %parallel_loop3A_383 = arith.index_cast %parallel_loop3A_382 : i32 to index
      %parallel_loop3A_384 = tpu.vector_load %arg7[%parallel_loop3A_383] {strides = array<i32>} : memref<16384xf32, #tpu.memory_space<vmem>>, vector<16xf32>,
      %parallel_loop3A_385 = arith.subf %parallel_loop3A_376, %parallel_loop3A_384 : vector<16xf32>
      %parallel_loop3A_386 = arith.constant 0.000000e+00 : f32
      %parallel_loop3A_387 = vector.broadcast %parallel_loop3A_386 : f32 to vector<16xf32>
      %parallel_loop3A_388 = arith.subf %parallel_loop3A_387, %parallel_loop3A_385 : vector<16xf32>
      %parallel_loop3A_389 = arith.minimumf %parallel_loop3A_385, %parallel_loop3A_388 : vector<16xf32>
      %parallel_loop3A_390 = math.exp %parallel_loop3A_389 : vector<16xf32>
      %parallel_loop3A_391 = arith.constant 0.106684729 : f32
      %parallel_loop3A_392 = vector.broadcast %parallel_loop3A_391 : f32 to vector<16xf32>
      %parallel_loop3A_393 = arith.mulf %parallel_loop3A_392, %parallel_loop3A_390 : vector<16xf32>
      %parallel_loop3A_394 = arith.constant -0.393535793 : f32
      %parallel_loop3A_395 = vector.broadcast %parallel_loop3A_394 : f32 to vector<16xf32>
      %parallel_loop3A_396 = arith.addf %parallel_loop3A_393, %parallel_loop3A_395 : vector<16xf32>
      %parallel_loop3A_397 = arith.mulf %parallel_loop3A_396, %parallel_loop3A_390 : vector<16xf32>
      %parallel_loop3A_398 = arith.constant 0.979753434 : f32
      %parallel_loop3A_399 = vector.broadcast %parallel_loop3A_398 : f32 to vector<16xf32>
      %parallel_loop3A_400 = arith.addf %parallel_loop3A_397, %parallel_loop3A_399 : vector<16xf32>
      %parallel_loop3A_401 = arith.mulf %parallel_loop3A_400, %parallel_loop3A_390 : vector<16xf32>
      %parallel_loop3A_402 = arith.constant 9.25032131E-4 : f32
      %parallel_loop3A_403 = vector.broadcast %parallel_loop3A_402 : f32 to vector<16xf32>
      %parallel_loop3A_404 = arith.addf %parallel_loop3A_401, %parallel_loop3A_403 : vector<16xf32>
      %parallel_loop3A_405 = arith.constant 1 : i32
      %parallel_loop3A_406 = vector.broadcast %parallel_loop3A_405 : i32 to vector<16xi32>
      %parallel_loop3A_407 = arith.cmpi eq, %parallel_loop3A_370, %parallel_loop3A_406 : vector<16xi32>
      %parallel_loop3A_408 = arith.select %parallel_loop3A_407, %parallel_loop3A_385, %parallel_loop3A_388 : vector<16xi1>, vector<16xf32>
      %parallel_loop3A_409 = arith.constant 0.000000e+00 : f32
      %parallel_loop3A_410 = vector.broadcast %parallel_loop3A_409 : f32 to vector<16xf32>
      %parallel_loop3A_411 = arith.maximumf %parallel_loop3A_408, %parallel_loop3A_410 : vector<16xf32>
      %parallel_loop3A_412 = arith.addf %parallel_loop3A_411, %parallel_loop3A_404 : vector<16xf32>
      %parallel_loop3A_413 = arith.constant 0 : i32
      %parallel_loop3A_414 = vector.broadcast %parallel_loop3A_413 : i32 to vector<16xi32>
      %parallel_loop3A_415 = arith.cmpi ne, %parallel_loop3A_370, %parallel_loop3A_414 : vector<16xi32>
      %parallel_loop3A_416 = arith.constant 0.000000e+00 : f32
      %parallel_loop3A_417 = vector.broadcast %parallel_loop3A_416 : f32 to vector<16xf32>
      %parallel_loop3A_418 = arith.select %parallel_loop3A_415, %parallel_loop3A_412, %parallel_loop3A_417 : vector<16xi1>, vector<16xf32>
      %parallel_loop3A_419 = arith.addf %parallel_loop3A_362, %parallel_loop3A_418 : vector<16xf32>
      %parallel_loop3A_420 = tpu.all_reduce %parallel_loop3A_415 {dim = 0 : i64, kind = #tpu.reduction_kind<sum>} : vector<16xi1> -> vector<16xi32>
      %parallel_loop3A_421 = arith.addi %parallel_loop3A_364, %parallel_loop3A_420 : vector<16xi32>
      %parallel_loop3A_422 = arith.constant 128 : i32
      %parallel_loop3A_423 = arith.muli %parallel_loop3A_134, %parallel_loop3A_422 : i32
      %parallel_loop3A_424 = arith.constant 80 : i32
      %parallel_loop3A_425 = arith.addi %parallel_loop3A_423, %parallel_loop3A_424 : i32
      %parallel_loop3A_426 = arith.index_cast %parallel_loop3A_425 : i32 to index
      %parallel_loop3A_427 = tpu.vector_load %arg5[%parallel_loop3A_426] {strides = array<i32>} : memref<8192xi32, #tpu.memory_space<vmem>>, vector<16xi32>,
      %parallel_loop3A_428 = arith.constant 256 : i32
      %parallel_loop3A_429 = arith.muli %parallel_loop3A_134, %parallel_loop3A_428 : i32
      %parallel_loop3A_430 = arith.constant 80 : i32
      %parallel_loop3A_431 = arith.addi %parallel_loop3A_429, %parallel_loop3A_430 : i32
      %parallel_loop3A_432 = arith.index_cast %parallel_loop3A_431 : i32 to index
      %parallel_loop3A_433 = tpu.vector_load %arg7[%parallel_loop3A_432] {strides = array<i32>} : memref<16384xf32, #tpu.memory_space<vmem>>, vector<16xf32>,
      %parallel_loop3A_434 = arith.constant 256 : i32
      %parallel_loop3A_435 = arith.muli %parallel_loop3A_134, %parallel_loop3A_434 : i32
      %parallel_loop3A_436 = arith.constant 128 : i32
      %parallel_loop3A_437 = arith.addi %parallel_loop3A_435, %parallel_loop3A_436 : i32
      %parallel_loop3A_438 = arith.constant 80 : i32
      %parallel_loop3A_439 = arith.addi %parallel_loop3A_437, %parallel_loop3A_438 : i32
      %parallel_loop3A_440 = arith.index_cast %parallel_loop3A_439 : i32 to index
      %parallel_loop3A_441 = tpu.vector_load %arg7[%parallel_loop3A_440] {strides = array<i32>} : memref<16384xf32, #tpu.memory_space<vmem>>, vector<16xf32>,
      %parallel_loop3A_442 = arith.subf %parallel_loop3A_433, %parallel_loop3A_441 : vector<16xf32>
      %parallel_loop3A_443 = arith.constant 0.000000e+00 : f32
      %parallel_loop3A_444 = vector.broadcast %parallel_loop3A_443 : f32 to vector<16xf32>
      %parallel_loop3A_445 = arith.subf %parallel_loop3A_444, %parallel_loop3A_442 : vector<16xf32>
      %parallel_loop3A_446 = arith.minimumf %parallel_loop3A_442, %parallel_loop3A_445 : vector<16xf32>
      %parallel_loop3A_447 = math.exp %parallel_loop3A_446 : vector<16xf32>
      %parallel_loop3A_448 = arith.constant 0.106684729 : f32
      %parallel_loop3A_449 = vector.broadcast %parallel_loop3A_448 : f32 to vector<16xf32>
      %parallel_loop3A_450 = arith.mulf %parallel_loop3A_449, %parallel_loop3A_447 : vector<16xf32>
      %parallel_loop3A_451 = arith.constant -0.393535793 : f32
      %parallel_loop3A_452 = vector.broadcast %parallel_loop3A_451 : f32 to vector<16xf32>
      %parallel_loop3A_453 = arith.addf %parallel_loop3A_450, %parallel_loop3A_452 : vector<16xf32>
      %parallel_loop3A_454 = arith.mulf %parallel_loop3A_453, %parallel_loop3A_447 : vector<16xf32>
      %parallel_loop3A_455 = arith.constant 0.979753434 : f32
      %parallel_loop3A_456 = vector.broadcast %parallel_loop3A_455 : f32 to vector<16xf32>
      %parallel_loop3A_457 = arith.addf %parallel_loop3A_454, %parallel_loop3A_456 : vector<16xf32>
      %parallel_loop3A_458 = arith.mulf %parallel_loop3A_457, %parallel_loop3A_447 : vector<16xf32>
      %parallel_loop3A_459 = arith.constant 9.25032131E-4 : f32
      %parallel_loop3A_460 = vector.broadcast %parallel_loop3A_459 : f32 to vector<16xf32>
      %parallel_loop3A_461 = arith.addf %parallel_loop3A_458, %parallel_loop3A_460 : vector<16xf32>
      %parallel_loop3A_462 = arith.constant 1 : i32
      %parallel_loop3A_463 = vector.broadcast %parallel_loop3A_462 : i32 to vector<16xi32>
      %parallel_loop3A_464 = arith.cmpi eq, %parallel_loop3A_427, %parallel_loop3A_463 : vector<16xi32>
      %parallel_loop3A_465 = arith.select %parallel_loop3A_464, %parallel_loop3A_442, %parallel_loop3A_445 : vector<16xi1>, vector<16xf32>
      %parallel_loop3A_466 = arith.constant 0.000000e+00 : f32
      %parallel_loop3A_467 = vector.broadcast %parallel_loop3A_466 : f32 to vector<16xf32>
      %parallel_loop3A_468 = arith.maximumf %parallel_loop3A_465, %parallel_loop3A_467 : vector<16xf32>
      %parallel_loop3A_469 = arith.addf %parallel_loop3A_468, %parallel_loop3A_461 : vector<16xf32>
      %parallel_loop3A_470 = arith.constant 0 : i32
      %parallel_loop3A_471 = vector.broadcast %parallel_loop3A_470 : i32 to vector<16xi32>
      %parallel_loop3A_472 = arith.cmpi ne, %parallel_loop3A_427, %parallel_loop3A_471 : vector<16xi32>
      %parallel_loop3A_473 = arith.constant 0.000000e+00 : f32
      %parallel_loop3A_474 = vector.broadcast %parallel_loop3A_473 : f32 to vector<16xf32>
      %parallel_loop3A_475 = arith.select %parallel_loop3A_472, %parallel_loop3A_469, %parallel_loop3A_474 : vector<16xi1>, vector<16xf32>
      %parallel_loop3A_476 = arith.addf %parallel_loop3A_419, %parallel_loop3A_475 : vector<16xf32>
      %parallel_loop3A_477 = tpu.all_reduce %parallel_loop3A_472 {dim = 0 : i64, kind = #tpu.reduction_kind<sum>} : vector<16xi1> -> vector<16xi32>
      %parallel_loop3A_478 = arith.addi %parallel_loop3A_421, %parallel_loop3A_477 : vector<16xi32>
      %parallel_loop3A_479 = arith.constant 128 : i32
      %parallel_loop3A_480 = arith.muli %parallel_loop3A_134, %parallel_loop3A_479 : i32
      %parallel_loop3A_481 = arith.constant 96 : i32
      %parallel_loop3A_482 = arith.addi %parallel_loop3A_480, %parallel_loop3A_481 : i32
      %parallel_loop3A_483 = arith.index_cast %parallel_loop3A_482 : i32 to index
      %parallel_loop3A_484 = tpu.vector_load %arg5[%parallel_loop3A_483] {strides = array<i32>} : memref<8192xi32, #tpu.memory_space<vmem>>, vector<16xi32>,
      %parallel_loop3A_485 = arith.constant 256 : i32
      %parallel_loop3A_486 = arith.muli %parallel_loop3A_134, %parallel_loop3A_485 : i32
      %parallel_loop3A_487 = arith.constant 96 : i32
      %parallel_loop3A_488 = arith.addi %parallel_loop3A_486, %parallel_loop3A_487 : i32
      %parallel_loop3A_489 = arith.index_cast %parallel_loop3A_488 : i32 to index
      %parallel_loop3A_490 = tpu.vector_load %arg7[%parallel_loop3A_489] {strides = array<i32>} : memref<16384xf32, #tpu.memory_space<vmem>>, vector<16xf32>,
      %parallel_loop3A_491 = arith.constant 256 : i32
      %parallel_loop3A_492 = arith.muli %parallel_loop3A_134, %parallel_loop3A_491 : i32
      %parallel_loop3A_493 = arith.constant 128 : i32
      %parallel_loop3A_494 = arith.addi %parallel_loop3A_492, %parallel_loop3A_493 : i32
      %parallel_loop3A_495 = arith.constant 96 : i32
      %parallel_loop3A_496 = arith.addi %parallel_loop3A_494, %parallel_loop3A_495 : i32
      %parallel_loop3A_497 = arith.index_cast %parallel_loop3A_496 : i32 to index
      %parallel_loop3A_498 = tpu.vector_load %arg7[%parallel_loop3A_497] {strides = array<i32>} : memref<16384xf32, #tpu.memory_space<vmem>>, vector<16xf32>,
      %parallel_loop3A_499 = arith.subf %parallel_loop3A_490, %parallel_loop3A_498 : vector<16xf32>
      %parallel_loop3A_500 = arith.constant 0.000000e+00 : f32
      %parallel_loop3A_501 = vector.broadcast %parallel_loop3A_500 : f32 to vector<16xf32>
      %parallel_loop3A_502 = arith.subf %parallel_loop3A_501, %parallel_loop3A_499 : vector<16xf32>
      %parallel_loop3A_503 = arith.minimumf %parallel_loop3A_499, %parallel_loop3A_502 : vector<16xf32>
      %parallel_loop3A_504 = math.exp %parallel_loop3A_503 : vector<16xf32>
      %parallel_loop3A_505 = arith.constant 0.106684729 : f32
      %parallel_loop3A_506 = vector.broadcast %parallel_loop3A_505 : f32 to vector<16xf32>
      %parallel_loop3A_507 = arith.mulf %parallel_loop3A_506, %parallel_loop3A_504 : vector<16xf32>
      %parallel_loop3A_508 = arith.constant -0.393535793 : f32
      %parallel_loop3A_509 = vector.broadcast %parallel_loop3A_508 : f32 to vector<16xf32>
      %parallel_loop3A_510 = arith.addf %parallel_loop3A_507, %parallel_loop3A_509 : vector<16xf32>
      %parallel_loop3A_511 = arith.mulf %parallel_loop3A_510, %parallel_loop3A_504 : vector<16xf32>
      %parallel_loop3A_512 = arith.constant 0.979753434 : f32
      %parallel_loop3A_513 = vector.broadcast %parallel_loop3A_512 : f32 to vector<16xf32>
      %parallel_loop3A_514 = arith.addf %parallel_loop3A_511, %parallel_loop3A_513 : vector<16xf32>
      %parallel_loop3A_515 = arith.mulf %parallel_loop3A_514, %parallel_loop3A_504 : vector<16xf32>
      %parallel_loop3A_516 = arith.constant 9.25032131E-4 : f32
      %parallel_loop3A_517 = vector.broadcast %parallel_loop3A_516 : f32 to vector<16xf32>
      %parallel_loop3A_518 = arith.addf %parallel_loop3A_515, %parallel_loop3A_517 : vector<16xf32>
      %parallel_loop3A_519 = arith.constant 1 : i32
      %parallel_loop3A_520 = vector.broadcast %parallel_loop3A_519 : i32 to vector<16xi32>
      %parallel_loop3A_521 = arith.cmpi eq, %parallel_loop3A_484, %parallel_loop3A_520 : vector<16xi32>
      %parallel_loop3A_522 = arith.select %parallel_loop3A_521, %parallel_loop3A_499, %parallel_loop3A_502 : vector<16xi1>, vector<16xf32>
      %parallel_loop3A_523 = arith.constant 0.000000e+00 : f32
      %parallel_loop3A_524 = vector.broadcast %parallel_loop3A_523 : f32 to vector<16xf32>
      %parallel_loop3A_525 = arith.maximumf %parallel_loop3A_522, %parallel_loop3A_524 : vector<16xf32>
      %parallel_loop3A_526 = arith.addf %parallel_loop3A_525, %parallel_loop3A_518 : vector<16xf32>
      %parallel_loop3A_527 = arith.constant 0 : i32
      %parallel_loop3A_528 = vector.broadcast %parallel_loop3A_527 : i32 to vector<16xi32>
      %parallel_loop3A_529 = arith.cmpi ne, %parallel_loop3A_484, %parallel_loop3A_528 : vector<16xi32>
      %parallel_loop3A_530 = arith.constant 0.000000e+00 : f32
      %parallel_loop3A_531 = vector.broadcast %parallel_loop3A_530 : f32 to vector<16xf32>
      %parallel_loop3A_532 = arith.select %parallel_loop3A_529, %parallel_loop3A_526, %parallel_loop3A_531 : vector<16xi1>, vector<16xf32>
      %parallel_loop3A_533 = arith.addf %parallel_loop3A_476, %parallel_loop3A_532 : vector<16xf32>
      %parallel_loop3A_534 = tpu.all_reduce %parallel_loop3A_529 {dim = 0 : i64, kind = #tpu.reduction_kind<sum>} : vector<16xi1> -> vector<16xi32>
      %parallel_loop3A_535 = arith.addi %parallel_loop3A_478, %parallel_loop3A_534 : vector<16xi32>
      %parallel_loop3A_536 = arith.constant 128 : i32
      %parallel_loop3A_537 = arith.muli %parallel_loop3A_134, %parallel_loop3A_536 : i32
      %parallel_loop3A_538 = arith.constant 112 : i32
      %parallel_loop3A_539 = arith.addi %parallel_loop3A_537, %parallel_loop3A_538 : i32
      %parallel_loop3A_540 = arith.index_cast %parallel_loop3A_539 : i32 to index
      %parallel_loop3A_541 = tpu.vector_load %arg5[%parallel_loop3A_540] {strides = array<i32>} : memref<8192xi32, #tpu.memory_space<vmem>>, vector<16xi32>,
      %parallel_loop3A_542 = arith.constant 256 : i32
      %parallel_loop3A_543 = arith.muli %parallel_loop3A_134, %parallel_loop3A_542 : i32
      %parallel_loop3A_544 = arith.constant 112 : i32
      %parallel_loop3A_545 = arith.addi %parallel_loop3A_543, %parallel_loop3A_544 : i32
      %parallel_loop3A_546 = arith.index_cast %parallel_loop3A_545 : i32 to index
      %parallel_loop3A_547 = tpu.vector_load %arg7[%parallel_loop3A_546] {strides = array<i32>} : memref<16384xf32, #tpu.memory_space<vmem>>, vector<16xf32>,
      %parallel_loop3A_548 = arith.constant 256 : i32
      %parallel_loop3A_549 = arith.muli %parallel_loop3A_134, %parallel_loop3A_548 : i32
      %parallel_loop3A_550 = arith.constant 128 : i32
      %parallel_loop3A_551 = arith.addi %parallel_loop3A_549, %parallel_loop3A_550 : i32
      %parallel_loop3A_552 = arith.constant 112 : i32
      %parallel_loop3A_553 = arith.addi %parallel_loop3A_551, %parallel_loop3A_552 : i32
      %parallel_loop3A_554 = arith.index_cast %parallel_loop3A_553 : i32 to index
      %parallel_loop3A_555 = tpu.vector_load %arg7[%parallel_loop3A_554] {strides = array<i32>} : memref<16384xf32, #tpu.memory_space<vmem>>, vector<16xf32>,
      %parallel_loop3A_556 = arith.subf %parallel_loop3A_547, %parallel_loop3A_555 : vector<16xf32>
      %parallel_loop3A_557 = arith.constant 0.000000e+00 : f32
      %parallel_loop3A_558 = vector.broadcast %parallel_loop3A_557 : f32 to vector<16xf32>
      %parallel_loop3A_559 = arith.subf %parallel_loop3A_558, %parallel_loop3A_556 : vector<16xf32>
      %parallel_loop3A_560 = arith.minimumf %parallel_loop3A_556, %parallel_loop3A_559 : vector<16xf32>
      %parallel_loop3A_561 = math.exp %parallel_loop3A_560 : vector<16xf32>
      %parallel_loop3A_562 = arith.constant 0.106684729 : f32
      %parallel_loop3A_563 = vector.broadcast %parallel_loop3A_562 : f32 to vector<16xf32>
      %parallel_loop3A_564 = arith.mulf %parallel_loop3A_563, %parallel_loop3A_561 : vector<16xf32>
      %parallel_loop3A_565 = arith.constant -0.393535793 : f32
      %parallel_loop3A_566 = vector.broadcast %parallel_loop3A_565 : f32 to vector<16xf32>
      %parallel_loop3A_567 = arith.addf %parallel_loop3A_564, %parallel_loop3A_566 : vector<16xf32>
      %parallel_loop3A_568 = arith.mulf %parallel_loop3A_567, %parallel_loop3A_561 : vector<16xf32>
      %parallel_loop3A_569 = arith.constant 0.979753434 : f32
      %parallel_loop3A_570 = vector.broadcast %parallel_loop3A_569 : f32 to vector<16xf32>
      %parallel_loop3A_571 = arith.addf %parallel_loop3A_568, %parallel_loop3A_570 : vector<16xf32>
      %parallel_loop3A_572 = arith.mulf %parallel_loop3A_571, %parallel_loop3A_561 : vector<16xf32>
      %parallel_loop3A_573 = arith.constant 9.25032131E-4 : f32
      %parallel_loop3A_574 = vector.broadcast %parallel_loop3A_573 : f32 to vector<16xf32>
      %parallel_loop3A_575 = arith.addf %parallel_loop3A_572, %parallel_loop3A_574 : vector<16xf32>
      %parallel_loop3A_576 = arith.constant 1 : i32
      %parallel_loop3A_577 = vector.broadcast %parallel_loop3A_576 : i32 to vector<16xi32>
      %parallel_loop3A_578 = arith.cmpi eq, %parallel_loop3A_541, %parallel_loop3A_577 : vector<16xi32>
      %parallel_loop3A_579 = arith.select %parallel_loop3A_578, %parallel_loop3A_556, %parallel_loop3A_559 : vector<16xi1>, vector<16xf32>
      %parallel_loop3A_580 = arith.constant 0.000000e+00 : f32
      %parallel_loop3A_581 = vector.broadcast %parallel_loop3A_580 : f32 to vector<16xf32>
      %parallel_loop3A_582 = arith.maximumf %parallel_loop3A_579, %parallel_loop3A_581 : vector<16xf32>
      %parallel_loop3A_583 = arith.addf %parallel_loop3A_582, %parallel_loop3A_575 : vector<16xf32>
      %parallel_loop3A_584 = arith.constant 0 : i32
      %parallel_loop3A_585 = vector.broadcast %parallel_loop3A_584 : i32 to vector<16xi32>
      %parallel_loop3A_586 = arith.cmpi ne, %parallel_loop3A_541, %parallel_loop3A_585 : vector<16xi32>
      %parallel_loop3A_587 = arith.constant 0.000000e+00 : f32
      %parallel_loop3A_588 = vector.broadcast %parallel_loop3A_587 : f32 to vector<16xf32>
      %parallel_loop3A_589 = arith.select %parallel_loop3A_586, %parallel_loop3A_583, %parallel_loop3A_588 : vector<16xi1>, vector<16xf32>
      %parallel_loop3A_590 = arith.addf %parallel_loop3A_533, %parallel_loop3A_589 : vector<16xf32>
      %parallel_loop3A_591 = tpu.all_reduce %parallel_loop3A_586 {dim = 0 : i64, kind = #tpu.reduction_kind<sum>} : vector<16xi1> -> vector<16xi32>
      %parallel_loop3A_592 = arith.addi %parallel_loop3A_535, %parallel_loop3A_591 : vector<16xi32>
      scf.yield %parallel_loop3A_590, %parallel_loop3A_592 : vector<16xf32>, vector<16xi32>
    } {sc.loop_unroll_factor = 1 : i64, sc.parallel_access}
    %add3A_27 = arith.constant 16384 : i32
    %add3A_28 = arith.addi %mul3A_2, %add3A_27 : i32
    %dma_start3A_29 = tpu.memref_slice %arg2[%add3A_28] : memref<2097152xi32, #tpu.memory_space<hbm>> -> memref<8192xi32, #tpu.memory_space<hbm>>
    %dma_start3A_30 = tpu.memref_slice %arg2[%add3A_28] : memref<2097152xi32, #tpu.memory_space<hbm>> -> memref<8192xi32, #tpu.memory_space<hbm>>
    tpu.enqueue_dma source(%dma_start3A_30 : memref<8192xi32, #tpu.memory_space<hbm>>) target(%arg5 : memref<8192xi32, #tpu.memory_space<vmem>>) target_semaphore(%arg10 : memref<!tpu.dma_semaphore, #tpu.memory_space<semaphore_mem>>)
    %mul3A_31 = arith.constant 2 : i32
    %mul3A_32 = arith.muli %mul3A_31, %add3A_28 : i32
    %dma_start3A_33 = tpu.memref_slice %arg3[%mul3A_32] : memref<4194304xf32, #tpu.memory_space<hbm>> -> memref<16384xf32, #tpu.memory_space<hbm>>
    %dma_start3A_34 = tpu.memref_slice %arg3[%mul3A_32] : memref<4194304xf32, #tpu.memory_space<hbm>> -> memref<16384xf32, #tpu.memory_space<hbm>>
    tpu.enqueue_dma source(%dma_start3A_34 : memref<16384xf32, #tpu.memory_space<hbm>>) target(%arg7 : memref<16384xf32, #tpu.memory_space<vmem>>) target_semaphore(%arg12 : memref<!tpu.dma_semaphore, #tpu.memory_space<semaphore_mem>>)
    %dma_wait3A_35 = tpu.memref_slice %arg2[%add3A_14] : memref<2097152xi32, #tpu.memory_space<hbm>> -> memref<8192xi32, #tpu.memory_space<hbm>>
    %dma_wait3A_36 = tpu.memref_slice %arg2[%add3A_14] : memref<2097152xi32, #tpu.memory_space<hbm>> -> memref<8192xi32, #tpu.memory_space<hbm>>
    tpu.wait_dma2 semaphore(%arg11 : memref<!tpu.dma_semaphore, #tpu.memory_space<semaphore_mem>>) src(%dma_wait3A_36 : memref<8192xi32, #tpu.memory_space<hbm>>) dst(%arg6 : memref<8192xi32, #tpu.memory_space<vmem>>)
    %dma_wait3A_37 = tpu.memref_slice %arg3[%mul3A_18] : memref<4194304xf32, #tpu.memory_space<hbm>> -> memref<16384xf32, #tpu.memory_space<hbm>>
    %dma_wait3A_38 = tpu.memref_slice %arg3[%mul3A_18] : memref<4194304xf32, #tpu.memory_space<hbm>> -> memref<16384xf32, #tpu.memory_space<hbm>>
    tpu.wait_dma2 semaphore(%arg13 : memref<!tpu.dma_semaphore, #tpu.memory_space<semaphore_mem>>) src(%dma_wait3A_38 : memref<16384xf32, #tpu.memory_space<hbm>>) dst(%arg8 : memref<16384xf32, #tpu.memory_space<vmem>>)
    %parallel_loop3A_39 = arith.constant 0 : i32
    %parallel_loop3A_40 = arith.constant 64 : i32
    %parallel_loop3A_41 = arith.constant 1 : i32
    %parallel_loop3A_42:2 = scf.for %parallel_loop3A_134 = %parallel_loop3A_39 to %parallel_loop3A_40 step %parallel_loop3A_41 iter_args(%parallel_loop3A_135 = %parallel_loop3A_26#0, %parallel_loop3A_136 = %parallel_loop3A_26#1) -> (vector<16xf32>, vector<16xi32>)  : i32 {
      %parallel_loop3A_137 = arith.constant 128 : i32
      %parallel_loop3A_138 = arith.muli %parallel_loop3A_134, %parallel_loop3A_137 : i32
      %parallel_loop3A_139 = arith.constant 0 : i32
      %parallel_loop3A_140 = arith.addi %parallel_loop3A_138, %parallel_loop3A_139 : i32
      %parallel_loop3A_141 = arith.index_cast %parallel_loop3A_140 : i32 to index
      %parallel_loop3A_142 = tpu.vector_load %arg6[%parallel_loop3A_141] {strides = array<i32>} : memref<8192xi32, #tpu.memory_space<vmem>>, vector<16xi32>,
      %parallel_loop3A_143 = arith.constant 256 : i32
      %parallel_loop3A_144 = arith.muli %parallel_loop3A_134, %parallel_loop3A_143 : i32
      %parallel_loop3A_145 = arith.constant 0 : i32
      %parallel_loop3A_146 = arith.addi %parallel_loop3A_144, %parallel_loop3A_145 : i32
      %parallel_loop3A_147 = arith.index_cast %parallel_loop3A_146 : i32 to index
      %parallel_loop3A_148 = tpu.vector_load %arg8[%parallel_loop3A_147] {strides = array<i32>} : memref<16384xf32, #tpu.memory_space<vmem>>, vector<16xf32>,
      %parallel_loop3A_149 = arith.constant 256 : i32
      %parallel_loop3A_150 = arith.muli %parallel_loop3A_134, %parallel_loop3A_149 : i32
      %parallel_loop3A_151 = arith.constant 128 : i32
      %parallel_loop3A_152 = arith.addi %parallel_loop3A_150, %parallel_loop3A_151 : i32
      %parallel_loop3A_153 = arith.constant 0 : i32
      %parallel_loop3A_154 = arith.addi %parallel_loop3A_152, %parallel_loop3A_153 : i32
      %parallel_loop3A_155 = arith.index_cast %parallel_loop3A_154 : i32 to index
      %parallel_loop3A_156 = tpu.vector_load %arg8[%parallel_loop3A_155] {strides = array<i32>} : memref<16384xf32, #tpu.memory_space<vmem>>, vector<16xf32>,
      %parallel_loop3A_157 = arith.subf %parallel_loop3A_148, %parallel_loop3A_156 : vector<16xf32>
      %parallel_loop3A_158 = arith.constant 0.000000e+00 : f32
      %parallel_loop3A_159 = vector.broadcast %parallel_loop3A_158 : f32 to vector<16xf32>
      %parallel_loop3A_160 = arith.subf %parallel_loop3A_159, %parallel_loop3A_157 : vector<16xf32>
      %parallel_loop3A_161 = arith.minimumf %parallel_loop3A_157, %parallel_loop3A_160 : vector<16xf32>
      %parallel_loop3A_162 = math.exp %parallel_loop3A_161 : vector<16xf32>
      %parallel_loop3A_163 = arith.constant 0.106684729 : f32
      %parallel_loop3A_164 = vector.broadcast %parallel_loop3A_163 : f32 to vector<16xf32>
      %parallel_loop3A_165 = arith.mulf %parallel_loop3A_164, %parallel_loop3A_162 : vector<16xf32>
      %parallel_loop3A_166 = arith.constant -0.393535793 : f32
      %parallel_loop3A_167 = vector.broadcast %parallel_loop3A_166 : f32 to vector<16xf32>
      %parallel_loop3A_168 = arith.addf %parallel_loop3A_165, %parallel_loop3A_167 : vector<16xf32>
      %parallel_loop3A_169 = arith.mulf %parallel_loop3A_168, %parallel_loop3A_162 : vector<16xf32>
      %parallel_loop3A_170 = arith.constant 0.979753434 : f32
      %parallel_loop3A_171 = vector.broadcast %parallel_loop3A_170 : f32 to vector<16xf32>
      %parallel_loop3A_172 = arith.addf %parallel_loop3A_169, %parallel_loop3A_171 : vector<16xf32>
      %parallel_loop3A_173 = arith.mulf %parallel_loop3A_172, %parallel_loop3A_162 : vector<16xf32>
      %parallel_loop3A_174 = arith.constant 9.25032131E-4 : f32
      %parallel_loop3A_175 = vector.broadcast %parallel_loop3A_174 : f32 to vector<16xf32>
      %parallel_loop3A_176 = arith.addf %parallel_loop3A_173, %parallel_loop3A_175 : vector<16xf32>
      %parallel_loop3A_177 = arith.constant 1 : i32
      %parallel_loop3A_178 = vector.broadcast %parallel_loop3A_177 : i32 to vector<16xi32>
      %parallel_loop3A_179 = arith.cmpi eq, %parallel_loop3A_142, %parallel_loop3A_178 : vector<16xi32>
      %parallel_loop3A_180 = arith.select %parallel_loop3A_179, %parallel_loop3A_157, %parallel_loop3A_160 : vector<16xi1>, vector<16xf32>
      %parallel_loop3A_181 = arith.constant 0.000000e+00 : f32
      %parallel_loop3A_182 = vector.broadcast %parallel_loop3A_181 : f32 to vector<16xf32>
      %parallel_loop3A_183 = arith.maximumf %parallel_loop3A_180, %parallel_loop3A_182 : vector<16xf32>
      %parallel_loop3A_184 = arith.addf %parallel_loop3A_183, %parallel_loop3A_176 : vector<16xf32>
      %parallel_loop3A_185 = arith.constant 0 : i32
      %parallel_loop3A_186 = vector.broadcast %parallel_loop3A_185 : i32 to vector<16xi32>
      %parallel_loop3A_187 = arith.cmpi ne, %parallel_loop3A_142, %parallel_loop3A_186 : vector<16xi32>
      %parallel_loop3A_188 = arith.constant 0.000000e+00 : f32
      %parallel_loop3A_189 = vector.broadcast %parallel_loop3A_188 : f32 to vector<16xf32>
      %parallel_loop3A_190 = arith.select %parallel_loop3A_187, %parallel_loop3A_184, %parallel_loop3A_189 : vector<16xi1>, vector<16xf32>
      %parallel_loop3A_191 = arith.addf %parallel_loop3A_135, %parallel_loop3A_190 : vector<16xf32>
      %parallel_loop3A_192 = tpu.all_reduce %parallel_loop3A_187 {dim = 0 : i64, kind = #tpu.reduction_kind<sum>} : vector<16xi1> -> vector<16xi32>
      %parallel_loop3A_193 = arith.addi %parallel_loop3A_136, %parallel_loop3A_192 : vector<16xi32>
      %parallel_loop3A_194 = arith.constant 128 : i32
      %parallel_loop3A_195 = arith.muli %parallel_loop3A_134, %parallel_loop3A_194 : i32
      %parallel_loop3A_196 = arith.constant 16 : i32
      %parallel_loop3A_197 = arith.addi %parallel_loop3A_195, %parallel_loop3A_196 : i32
      %parallel_loop3A_198 = arith.index_cast %parallel_loop3A_197 : i32 to index
      %parallel_loop3A_199 = tpu.vector_load %arg6[%parallel_loop3A_198] {strides = array<i32>} : memref<8192xi32, #tpu.memory_space<vmem>>, vector<16xi32>,
      %parallel_loop3A_200 = arith.constant 256 : i32
      %parallel_loop3A_201 = arith.muli %parallel_loop3A_134, %parallel_loop3A_200 : i32
      %parallel_loop3A_202 = arith.constant 16 : i32
      %parallel_loop3A_203 = arith.addi %parallel_loop3A_201, %parallel_loop3A_202 : i32
      %parallel_loop3A_204 = arith.index_cast %parallel_loop3A_203 : i32 to index
      %parallel_loop3A_205 = tpu.vector_load %arg8[%parallel_loop3A_204] {strides = array<i32>} : memref<16384xf32, #tpu.memory_space<vmem>>, vector<16xf32>,
      %parallel_loop3A_206 = arith.constant 256 : i32
      %parallel_loop3A_207 = arith.muli %parallel_loop3A_134, %parallel_loop3A_206 : i32
      %parallel_loop3A_208 = arith.constant 128 : i32
      %parallel_loop3A_209 = arith.addi %parallel_loop3A_207, %parallel_loop3A_208 : i32
      %parallel_loop3A_210 = arith.constant 16 : i32
      %parallel_loop3A_211 = arith.addi %parallel_loop3A_209, %parallel_loop3A_210 : i32
      %parallel_loop3A_212 = arith.index_cast %parallel_loop3A_211 : i32 to index
      %parallel_loop3A_213 = tpu.vector_load %arg8[%parallel_loop3A_212] {strides = array<i32>} : memref<16384xf32, #tpu.memory_space<vmem>>, vector<16xf32>,
      %parallel_loop3A_214 = arith.subf %parallel_loop3A_205, %parallel_loop3A_213 : vector<16xf32>
      %parallel_loop3A_215 = arith.constant 0.000000e+00 : f32
      %parallel_loop3A_216 = vector.broadcast %parallel_loop3A_215 : f32 to vector<16xf32>
      %parallel_loop3A_217 = arith.subf %parallel_loop3A_216, %parallel_loop3A_214 : vector<16xf32>
      %parallel_loop3A_218 = arith.minimumf %parallel_loop3A_214, %parallel_loop3A_217 : vector<16xf32>
      %parallel_loop3A_219 = math.exp %parallel_loop3A_218 : vector<16xf32>
      %parallel_loop3A_220 = arith.constant 0.106684729 : f32
      %parallel_loop3A_221 = vector.broadcast %parallel_loop3A_220 : f32 to vector<16xf32>
      %parallel_loop3A_222 = arith.mulf %parallel_loop3A_221, %parallel_loop3A_219 : vector<16xf32>
      %parallel_loop3A_223 = arith.constant -0.393535793 : f32
      %parallel_loop3A_224 = vector.broadcast %parallel_loop3A_223 : f32 to vector<16xf32>
      %parallel_loop3A_225 = arith.addf %parallel_loop3A_222, %parallel_loop3A_224 : vector<16xf32>
      %parallel_loop3A_226 = arith.mulf %parallel_loop3A_225, %parallel_loop3A_219 : vector<16xf32>
      %parallel_loop3A_227 = arith.constant 0.979753434 : f32
      %parallel_loop3A_228 = vector.broadcast %parallel_loop3A_227 : f32 to vector<16xf32>
      %parallel_loop3A_229 = arith.addf %parallel_loop3A_226, %parallel_loop3A_228 : vector<16xf32>
      %parallel_loop3A_230 = arith.mulf %parallel_loop3A_229, %parallel_loop3A_219 : vector<16xf32>
      %parallel_loop3A_231 = arith.constant 9.25032131E-4 : f32
      %parallel_loop3A_232 = vector.broadcast %parallel_loop3A_231 : f32 to vector<16xf32>
      %parallel_loop3A_233 = arith.addf %parallel_loop3A_230, %parallel_loop3A_232 : vector<16xf32>
      %parallel_loop3A_234 = arith.constant 1 : i32
      %parallel_loop3A_235 = vector.broadcast %parallel_loop3A_234 : i32 to vector<16xi32>
      %parallel_loop3A_236 = arith.cmpi eq, %parallel_loop3A_199, %parallel_loop3A_235 : vector<16xi32>
      %parallel_loop3A_237 = arith.select %parallel_loop3A_236, %parallel_loop3A_214, %parallel_loop3A_217 : vector<16xi1>, vector<16xf32>
      %parallel_loop3A_238 = arith.constant 0.000000e+00 : f32
      %parallel_loop3A_239 = vector.broadcast %parallel_loop3A_238 : f32 to vector<16xf32>
      %parallel_loop3A_240 = arith.maximumf %parallel_loop3A_237, %parallel_loop3A_239 : vector<16xf32>
      %parallel_loop3A_241 = arith.addf %parallel_loop3A_240, %parallel_loop3A_233 : vector<16xf32>
      %parallel_loop3A_242 = arith.constant 0 : i32
      %parallel_loop3A_243 = vector.broadcast %parallel_loop3A_242 : i32 to vector<16xi32>
      %parallel_loop3A_244 = arith.cmpi ne, %parallel_loop3A_199, %parallel_loop3A_243 : vector<16xi32>
      %parallel_loop3A_245 = arith.constant 0.000000e+00 : f32
      %parallel_loop3A_246 = vector.broadcast %parallel_loop3A_245 : f32 to vector<16xf32>
      %parallel_loop3A_247 = arith.select %parallel_loop3A_244, %parallel_loop3A_241, %parallel_loop3A_246 : vector<16xi1>, vector<16xf32>
      %parallel_loop3A_248 = arith.addf %parallel_loop3A_191, %parallel_loop3A_247 : vector<16xf32>
      %parallel_loop3A_249 = tpu.all_reduce %parallel_loop3A_244 {dim = 0 : i64, kind = #tpu.reduction_kind<sum>} : vector<16xi1> -> vector<16xi32>
      %parallel_loop3A_250 = arith.addi %parallel_loop3A_193, %parallel_loop3A_249 : vector<16xi32>
      %parallel_loop3A_251 = arith.constant 128 : i32
      %parallel_loop3A_252 = arith.muli %parallel_loop3A_134, %parallel_loop3A_251 : i32
      %parallel_loop3A_253 = arith.constant 32 : i32
      %parallel_loop3A_254 = arith.addi %parallel_loop3A_252, %parallel_loop3A_253 : i32
      %parallel_loop3A_255 = arith.index_cast %parallel_loop3A_254 : i32 to index
      %parallel_loop3A_256 = tpu.vector_load %arg6[%parallel_loop3A_255] {strides = array<i32>} : memref<8192xi32, #tpu.memory_space<vmem>>, vector<16xi32>,
      %parallel_loop3A_257 = arith.constant 256 : i32
      %parallel_loop3A_258 = arith.muli %parallel_loop3A_134, %parallel_loop3A_257 : i32
      %parallel_loop3A_259 = arith.constant 32 : i32
      %parallel_loop3A_260 = arith.addi %parallel_loop3A_258, %parallel_loop3A_259 : i32
      %parallel_loop3A_261 = arith.index_cast %parallel_loop3A_260 : i32 to index
      %parallel_loop3A_262 = tpu.vector_load %arg8[%parallel_loop3A_261] {strides = array<i32>} : memref<16384xf32, #tpu.memory_space<vmem>>, vector<16xf32>,
      %parallel_loop3A_263 = arith.constant 256 : i32
      %parallel_loop3A_264 = arith.muli %parallel_loop3A_134, %parallel_loop3A_263 : i32
      %parallel_loop3A_265 = arith.constant 128 : i32
      %parallel_loop3A_266 = arith.addi %parallel_loop3A_264, %parallel_loop3A_265 : i32
      %parallel_loop3A_267 = arith.constant 32 : i32
      %parallel_loop3A_268 = arith.addi %parallel_loop3A_266, %parallel_loop3A_267 : i32
      %parallel_loop3A_269 = arith.index_cast %parallel_loop3A_268 : i32 to index
      %parallel_loop3A_270 = tpu.vector_load %arg8[%parallel_loop3A_269] {strides = array<i32>} : memref<16384xf32, #tpu.memory_space<vmem>>, vector<16xf32>,
      %parallel_loop3A_271 = arith.subf %parallel_loop3A_262, %parallel_loop3A_270 : vector<16xf32>
      %parallel_loop3A_272 = arith.constant 0.000000e+00 : f32
      %parallel_loop3A_273 = vector.broadcast %parallel_loop3A_272 : f32 to vector<16xf32>
      %parallel_loop3A_274 = arith.subf %parallel_loop3A_273, %parallel_loop3A_271 : vector<16xf32>
      %parallel_loop3A_275 = arith.minimumf %parallel_loop3A_271, %parallel_loop3A_274 : vector<16xf32>
      %parallel_loop3A_276 = math.exp %parallel_loop3A_275 : vector<16xf32>
      %parallel_loop3A_277 = arith.constant 0.106684729 : f32
      %parallel_loop3A_278 = vector.broadcast %parallel_loop3A_277 : f32 to vector<16xf32>
      %parallel_loop3A_279 = arith.mulf %parallel_loop3A_278, %parallel_loop3A_276 : vector<16xf32>
      %parallel_loop3A_280 = arith.constant -0.393535793 : f32
      %parallel_loop3A_281 = vector.broadcast %parallel_loop3A_280 : f32 to vector<16xf32>
      %parallel_loop3A_282 = arith.addf %parallel_loop3A_279, %parallel_loop3A_281 : vector<16xf32>
      %parallel_loop3A_283 = arith.mulf %parallel_loop3A_282, %parallel_loop3A_276 : vector<16xf32>
      %parallel_loop3A_284 = arith.constant 0.979753434 : f32
      %parallel_loop3A_285 = vector.broadcast %parallel_loop3A_284 : f32 to vector<16xf32>
      %parallel_loop3A_286 = arith.addf %parallel_loop3A_283, %parallel_loop3A_285 : vector<16xf32>
      %parallel_loop3A_287 = arith.mulf %parallel_loop3A_286, %parallel_loop3A_276 : vector<16xf32>
      %parallel_loop3A_288 = arith.constant 9.25032131E-4 : f32
      %parallel_loop3A_289 = vector.broadcast %parallel_loop3A_288 : f32 to vector<16xf32>
      %parallel_loop3A_290 = arith.addf %parallel_loop3A_287, %parallel_loop3A_289 : vector<16xf32>
      %parallel_loop3A_291 = arith.constant 1 : i32
      %parallel_loop3A_292 = vector.broadcast %parallel_loop3A_291 : i32 to vector<16xi32>
      %parallel_loop3A_293 = arith.cmpi eq, %parallel_loop3A_256, %parallel_loop3A_292 : vector<16xi32>
      %parallel_loop3A_294 = arith.select %parallel_loop3A_293, %parallel_loop3A_271, %parallel_loop3A_274 : vector<16xi1>, vector<16xf32>
      %parallel_loop3A_295 = arith.constant 0.000000e+00 : f32
      %parallel_loop3A_296 = vector.broadcast %parallel_loop3A_295 : f32 to vector<16xf32>
      %parallel_loop3A_297 = arith.maximumf %parallel_loop3A_294, %parallel_loop3A_296 : vector<16xf32>
      %parallel_loop3A_298 = arith.addf %parallel_loop3A_297, %parallel_loop3A_290 : vector<16xf32>
      %parallel_loop3A_299 = arith.constant 0 : i32
      %parallel_loop3A_300 = vector.broadcast %parallel_loop3A_299 : i32 to vector<16xi32>
      %parallel_loop3A_301 = arith.cmpi ne, %parallel_loop3A_256, %parallel_loop3A_300 : vector<16xi32>
      %parallel_loop3A_302 = arith.constant 0.000000e+00 : f32
      %parallel_loop3A_303 = vector.broadcast %parallel_loop3A_302 : f32 to vector<16xf32>
      %parallel_loop3A_304 = arith.select %parallel_loop3A_301, %parallel_loop3A_298, %parallel_loop3A_303 : vector<16xi1>, vector<16xf32>
      %parallel_loop3A_305 = arith.addf %parallel_loop3A_248, %parallel_loop3A_304 : vector<16xf32>
      %parallel_loop3A_306 = tpu.all_reduce %parallel_loop3A_301 {dim = 0 : i64, kind = #tpu.reduction_kind<sum>} : vector<16xi1> -> vector<16xi32>
      %parallel_loop3A_307 = arith.addi %parallel_loop3A_250, %parallel_loop3A_306 : vector<16xi32>
      %parallel_loop3A_308 = arith.constant 128 : i32
      %parallel_loop3A_309 = arith.muli %parallel_loop3A_134, %parallel_loop3A_308 : i32
      %parallel_loop3A_310 = arith.constant 48 : i32
      %parallel_loop3A_311 = arith.addi %parallel_loop3A_309, %parallel_loop3A_310 : i32
      %parallel_loop3A_312 = arith.index_cast %parallel_loop3A_311 : i32 to index
      %parallel_loop3A_313 = tpu.vector_load %arg6[%parallel_loop3A_312] {strides = array<i32>} : memref<8192xi32, #tpu.memory_space<vmem>>, vector<16xi32>,
      %parallel_loop3A_314 = arith.constant 256 : i32
      %parallel_loop3A_315 = arith.muli %parallel_loop3A_134, %parallel_loop3A_314 : i32
      %parallel_loop3A_316 = arith.constant 48 : i32
      %parallel_loop3A_317 = arith.addi %parallel_loop3A_315, %parallel_loop3A_316 : i32
      %parallel_loop3A_318 = arith.index_cast %parallel_loop3A_317 : i32 to index
      %parallel_loop3A_319 = tpu.vector_load %arg8[%parallel_loop3A_318] {strides = array<i32>} : memref<16384xf32, #tpu.memory_space<vmem>>, vector<16xf32>,
      %parallel_loop3A_320 = arith.constant 256 : i32
      %parallel_loop3A_321 = arith.muli %parallel_loop3A_134, %parallel_loop3A_320 : i32
      %parallel_loop3A_322 = arith.constant 128 : i32
      %parallel_loop3A_323 = arith.addi %parallel_loop3A_321, %parallel_loop3A_322 : i32
      %parallel_loop3A_324 = arith.constant 48 : i32
      %parallel_loop3A_325 = arith.addi %parallel_loop3A_323, %parallel_loop3A_324 : i32
      %parallel_loop3A_326 = arith.index_cast %parallel_loop3A_325 : i32 to index
      %parallel_loop3A_327 = tpu.vector_load %arg8[%parallel_loop3A_326] {strides = array<i32>} : memref<16384xf32, #tpu.memory_space<vmem>>, vector<16xf32>,
      %parallel_loop3A_328 = arith.subf %parallel_loop3A_319, %parallel_loop3A_327 : vector<16xf32>
      %parallel_loop3A_329 = arith.constant 0.000000e+00 : f32
      %parallel_loop3A_330 = vector.broadcast %parallel_loop3A_329 : f32 to vector<16xf32>
      %parallel_loop3A_331 = arith.subf %parallel_loop3A_330, %parallel_loop3A_328 : vector<16xf32>
      %parallel_loop3A_332 = arith.minimumf %parallel_loop3A_328, %parallel_loop3A_331 : vector<16xf32>
      %parallel_loop3A_333 = math.exp %parallel_loop3A_332 : vector<16xf32>
      %parallel_loop3A_334 = arith.constant 0.106684729 : f32
      %parallel_loop3A_335 = vector.broadcast %parallel_loop3A_334 : f32 to vector<16xf32>
      %parallel_loop3A_336 = arith.mulf %parallel_loop3A_335, %parallel_loop3A_333 : vector<16xf32>
      %parallel_loop3A_337 = arith.constant -0.393535793 : f32
      %parallel_loop3A_338 = vector.broadcast %parallel_loop3A_337 : f32 to vector<16xf32>
      %parallel_loop3A_339 = arith.addf %parallel_loop3A_336, %parallel_loop3A_338 : vector<16xf32>
      %parallel_loop3A_340 = arith.mulf %parallel_loop3A_339, %parallel_loop3A_333 : vector<16xf32>
      %parallel_loop3A_341 = arith.constant 0.979753434 : f32
      %parallel_loop3A_342 = vector.broadcast %parallel_loop3A_341 : f32 to vector<16xf32>
      %parallel_loop3A_343 = arith.addf %parallel_loop3A_340, %parallel_loop3A_342 : vector<16xf32>
      %parallel_loop3A_344 = arith.mulf %parallel_loop3A_343, %parallel_loop3A_333 : vector<16xf32>
      %parallel_loop3A_345 = arith.constant 9.25032131E-4 : f32
      %parallel_loop3A_346 = vector.broadcast %parallel_loop3A_345 : f32 to vector<16xf32>
      %parallel_loop3A_347 = arith.addf %parallel_loop3A_344, %parallel_loop3A_346 : vector<16xf32>
      %parallel_loop3A_348 = arith.constant 1 : i32
      %parallel_loop3A_349 = vector.broadcast %parallel_loop3A_348 : i32 to vector<16xi32>
      %parallel_loop3A_350 = arith.cmpi eq, %parallel_loop3A_313, %parallel_loop3A_349 : vector<16xi32>
      %parallel_loop3A_351 = arith.select %parallel_loop3A_350, %parallel_loop3A_328, %parallel_loop3A_331 : vector<16xi1>, vector<16xf32>
      %parallel_loop3A_352 = arith.constant 0.000000e+00 : f32
      %parallel_loop3A_353 = vector.broadcast %parallel_loop3A_352 : f32 to vector<16xf32>
      %parallel_loop3A_354 = arith.maximumf %parallel_loop3A_351, %parallel_loop3A_353 : vector<16xf32>
      %parallel_loop3A_355 = arith.addf %parallel_loop3A_354, %parallel_loop3A_347 : vector<16xf32>
      %parallel_loop3A_356 = arith.constant 0 : i32
      %parallel_loop3A_357 = vector.broadcast %parallel_loop3A_356 : i32 to vector<16xi32>
      %parallel_loop3A_358 = arith.cmpi ne, %parallel_loop3A_313, %parallel_loop3A_357 : vector<16xi32>
      %parallel_loop3A_359 = arith.constant 0.000000e+00 : f32
      %parallel_loop3A_360 = vector.broadcast %parallel_loop3A_359 : f32 to vector<16xf32>
      %parallel_loop3A_361 = arith.select %parallel_loop3A_358, %parallel_loop3A_355, %parallel_loop3A_360 : vector<16xi1>, vector<16xf32>
      %parallel_loop3A_362 = arith.addf %parallel_loop3A_305, %parallel_loop3A_361 : vector<16xf32>
      %parallel_loop3A_363 = tpu.all_reduce %parallel_loop3A_358 {dim = 0 : i64, kind = #tpu.reduction_kind<sum>} : vector<16xi1> -> vector<16xi32>
      %parallel_loop3A_364 = arith.addi %parallel_loop3A_307, %parallel_loop3A_363 : vector<16xi32>
      %parallel_loop3A_365 = arith.constant 128 : i32
      %parallel_loop3A_366 = arith.muli %parallel_loop3A_134, %parallel_loop3A_365 : i32
      %parallel_loop3A_367 = arith.constant 64 : i32
      %parallel_loop3A_368 = arith.addi %parallel_loop3A_366, %parallel_loop3A_367 : i32
      %parallel_loop3A_369 = arith.index_cast %parallel_loop3A_368 : i32 to index
      %parallel_loop3A_370 = tpu.vector_load %arg6[%parallel_loop3A_369] {strides = array<i32>} : memref<8192xi32, #tpu.memory_space<vmem>>, vector<16xi32>,
      %parallel_loop3A_371 = arith.constant 256 : i32
      %parallel_loop3A_372 = arith.muli %parallel_loop3A_134, %parallel_loop3A_371 : i32
      %parallel_loop3A_373 = arith.constant 64 : i32
      %parallel_loop3A_374 = arith.addi %parallel_loop3A_372, %parallel_loop3A_373 : i32
      %parallel_loop3A_375 = arith.index_cast %parallel_loop3A_374 : i32 to index
      %parallel_loop3A_376 = tpu.vector_load %arg8[%parallel_loop3A_375] {strides = array<i32>} : memref<16384xf32, #tpu.memory_space<vmem>>, vector<16xf32>,
      %parallel_loop3A_377 = arith.constant 256 : i32
      %parallel_loop3A_378 = arith.muli %parallel_loop3A_134, %parallel_loop3A_377 : i32
      %parallel_loop3A_379 = arith.constant 128 : i32
      %parallel_loop3A_380 = arith.addi %parallel_loop3A_378, %parallel_loop3A_379 : i32
      %parallel_loop3A_381 = arith.constant 64 : i32
      %parallel_loop3A_382 = arith.addi %parallel_loop3A_380, %parallel_loop3A_381 : i32
      %parallel_loop3A_383 = arith.index_cast %parallel_loop3A_382 : i32 to index
      %parallel_loop3A_384 = tpu.vector_load %arg8[%parallel_loop3A_383] {strides = array<i32>} : memref<16384xf32, #tpu.memory_space<vmem>>, vector<16xf32>,
      %parallel_loop3A_385 = arith.subf %parallel_loop3A_376, %parallel_loop3A_384 : vector<16xf32>
      %parallel_loop3A_386 = arith.constant 0.000000e+00 : f32
      %parallel_loop3A_387 = vector.broadcast %parallel_loop3A_386 : f32 to vector<16xf32>
      %parallel_loop3A_388 = arith.subf %parallel_loop3A_387, %parallel_loop3A_385 : vector<16xf32>
      %parallel_loop3A_389 = arith.minimumf %parallel_loop3A_385, %parallel_loop3A_388 : vector<16xf32>
      %parallel_loop3A_390 = math.exp %parallel_loop3A_389 : vector<16xf32>
      %parallel_loop3A_391 = arith.constant 0.106684729 : f32
      %parallel_loop3A_392 = vector.broadcast %parallel_loop3A_391 : f32 to vector<16xf32>
      %parallel_loop3A_393 = arith.mulf %parallel_loop3A_392, %parallel_loop3A_390 : vector<16xf32>
      %parallel_loop3A_394 = arith.constant -0.393535793 : f32
      %parallel_loop3A_395 = vector.broadcast %parallel_loop3A_394 : f32 to vector<16xf32>
      %parallel_loop3A_396 = arith.addf %parallel_loop3A_393, %parallel_loop3A_395 : vector<16xf32>
      %parallel_loop3A_397 = arith.mulf %parallel_loop3A_396, %parallel_loop3A_390 : vector<16xf32>
      %parallel_loop3A_398 = arith.constant 0.979753434 : f32
      %parallel_loop3A_399 = vector.broadcast %parallel_loop3A_398 : f32 to vector<16xf32>
      %parallel_loop3A_400 = arith.addf %parallel_loop3A_397, %parallel_loop3A_399 : vector<16xf32>
      %parallel_loop3A_401 = arith.mulf %parallel_loop3A_400, %parallel_loop3A_390 : vector<16xf32>
      %parallel_loop3A_402 = arith.constant 9.25032131E-4 : f32
      %parallel_loop3A_403 = vector.broadcast %parallel_loop3A_402 : f32 to vector<16xf32>
      %parallel_loop3A_404 = arith.addf %parallel_loop3A_401, %parallel_loop3A_403 : vector<16xf32>
      %parallel_loop3A_405 = arith.constant 1 : i32
      %parallel_loop3A_406 = vector.broadcast %parallel_loop3A_405 : i32 to vector<16xi32>
      %parallel_loop3A_407 = arith.cmpi eq, %parallel_loop3A_370, %parallel_loop3A_406 : vector<16xi32>
      %parallel_loop3A_408 = arith.select %parallel_loop3A_407, %parallel_loop3A_385, %parallel_loop3A_388 : vector<16xi1>, vector<16xf32>
      %parallel_loop3A_409 = arith.constant 0.000000e+00 : f32
      %parallel_loop3A_410 = vector.broadcast %parallel_loop3A_409 : f32 to vector<16xf32>
      %parallel_loop3A_411 = arith.maximumf %parallel_loop3A_408, %parallel_loop3A_410 : vector<16xf32>
      %parallel_loop3A_412 = arith.addf %parallel_loop3A_411, %parallel_loop3A_404 : vector<16xf32>
      %parallel_loop3A_413 = arith.constant 0 : i32
      %parallel_loop3A_414 = vector.broadcast %parallel_loop3A_413 : i32 to vector<16xi32>
      %parallel_loop3A_415 = arith.cmpi ne, %parallel_loop3A_370, %parallel_loop3A_414 : vector<16xi32>
      %parallel_loop3A_416 = arith.constant 0.000000e+00 : f32
      %parallel_loop3A_417 = vector.broadcast %parallel_loop3A_416 : f32 to vector<16xf32>
      %parallel_loop3A_418 = arith.select %parallel_loop3A_415, %parallel_loop3A_412, %parallel_loop3A_417 : vector<16xi1>, vector<16xf32>
      %parallel_loop3A_419 = arith.addf %parallel_loop3A_362, %parallel_loop3A_418 : vector<16xf32>
      %parallel_loop3A_420 = tpu.all_reduce %parallel_loop3A_415 {dim = 0 : i64, kind = #tpu.reduction_kind<sum>} : vector<16xi1> -> vector<16xi32>
      %parallel_loop3A_421 = arith.addi %parallel_loop3A_364, %parallel_loop3A_420 : vector<16xi32>
      %parallel_loop3A_422 = arith.constant 128 : i32
      %parallel_loop3A_423 = arith.muli %parallel_loop3A_134, %parallel_loop3A_422 : i32
      %parallel_loop3A_424 = arith.constant 80 : i32
      %parallel_loop3A_425 = arith.addi %parallel_loop3A_423, %parallel_loop3A_424 : i32
      %parallel_loop3A_426 = arith.index_cast %parallel_loop3A_425 : i32 to index
      %parallel_loop3A_427 = tpu.vector_load %arg6[%parallel_loop3A_426] {strides = array<i32>} : memref<8192xi32, #tpu.memory_space<vmem>>, vector<16xi32>,
      %parallel_loop3A_428 = arith.constant 256 : i32
      %parallel_loop3A_429 = arith.muli %parallel_loop3A_134, %parallel_loop3A_428 : i32
      %parallel_loop3A_430 = arith.constant 80 : i32
      %parallel_loop3A_431 = arith.addi %parallel_loop3A_429, %parallel_loop3A_430 : i32
      %parallel_loop3A_432 = arith.index_cast %parallel_loop3A_431 : i32 to index
      %parallel_loop3A_433 = tpu.vector_load %arg8[%parallel_loop3A_432] {strides = array<i32>} : memref<16384xf32, #tpu.memory_space<vmem>>, vector<16xf32>,
      %parallel_loop3A_434 = arith.constant 256 : i32
      %parallel_loop3A_435 = arith.muli %parallel_loop3A_134, %parallel_loop3A_434 : i32
      %parallel_loop3A_436 = arith.constant 128 : i32
      %parallel_loop3A_437 = arith.addi %parallel_loop3A_435, %parallel_loop3A_436 : i32
      %parallel_loop3A_438 = arith.constant 80 : i32
      %parallel_loop3A_439 = arith.addi %parallel_loop3A_437, %parallel_loop3A_438 : i32
      %parallel_loop3A_440 = arith.index_cast %parallel_loop3A_439 : i32 to index
      %parallel_loop3A_441 = tpu.vector_load %arg8[%parallel_loop3A_440] {strides = array<i32>} : memref<16384xf32, #tpu.memory_space<vmem>>, vector<16xf32>,
      %parallel_loop3A_442 = arith.subf %parallel_loop3A_433, %parallel_loop3A_441 : vector<16xf32>
      %parallel_loop3A_443 = arith.constant 0.000000e+00 : f32
      %parallel_loop3A_444 = vector.broadcast %parallel_loop3A_443 : f32 to vector<16xf32>
      %parallel_loop3A_445 = arith.subf %parallel_loop3A_444, %parallel_loop3A_442 : vector<16xf32>
      %parallel_loop3A_446 = arith.minimumf %parallel_loop3A_442, %parallel_loop3A_445 : vector<16xf32>
      %parallel_loop3A_447 = math.exp %parallel_loop3A_446 : vector<16xf32>
      %parallel_loop3A_448 = arith.constant 0.106684729 : f32
      %parallel_loop3A_449 = vector.broadcast %parallel_loop3A_448 : f32 to vector<16xf32>
      %parallel_loop3A_450 = arith.mulf %parallel_loop3A_449, %parallel_loop3A_447 : vector<16xf32>
      %parallel_loop3A_451 = arith.constant -0.393535793 : f32
      %parallel_loop3A_452 = vector.broadcast %parallel_loop3A_451 : f32 to vector<16xf32>
      %parallel_loop3A_453 = arith.addf %parallel_loop3A_450, %parallel_loop3A_452 : vector<16xf32>
      %parallel_loop3A_454 = arith.mulf %parallel_loop3A_453, %parallel_loop3A_447 : vector<16xf32>
      %parallel_loop3A_455 = arith.constant 0.979753434 : f32
      %parallel_loop3A_456 = vector.broadcast %parallel_loop3A_455 : f32 to vector<16xf32>
      %parallel_loop3A_457 = arith.addf %parallel_loop3A_454, %parallel_loop3A_456 : vector<16xf32>
      %parallel_loop3A_458 = arith.mulf %parallel_loop3A_457, %parallel_loop3A_447 : vector<16xf32>
      %parallel_loop3A_459 = arith.constant 9.25032131E-4 : f32
      %parallel_loop3A_460 = vector.broadcast %parallel_loop3A_459 : f32 to vector<16xf32>
      %parallel_loop3A_461 = arith.addf %parallel_loop3A_458, %parallel_loop3A_460 : vector<16xf32>
      %parallel_loop3A_462 = arith.constant 1 : i32
      %parallel_loop3A_463 = vector.broadcast %parallel_loop3A_462 : i32 to vector<16xi32>
      %parallel_loop3A_464 = arith.cmpi eq, %parallel_loop3A_427, %parallel_loop3A_463 : vector<16xi32>
      %parallel_loop3A_465 = arith.select %parallel_loop3A_464, %parallel_loop3A_442, %parallel_loop3A_445 : vector<16xi1>, vector<16xf32>
      %parallel_loop3A_466 = arith.constant 0.000000e+00 : f32
      %parallel_loop3A_467 = vector.broadcast %parallel_loop3A_466 : f32 to vector<16xf32>
      %parallel_loop3A_468 = arith.maximumf %parallel_loop3A_465, %parallel_loop3A_467 : vector<16xf32>
      %parallel_loop3A_469 = arith.addf %parallel_loop3A_468, %parallel_loop3A_461 : vector<16xf32>
      %parallel_loop3A_470 = arith.constant 0 : i32
      %parallel_loop3A_471 = vector.broadcast %parallel_loop3A_470 : i32 to vector<16xi32>
      %parallel_loop3A_472 = arith.cmpi ne, %parallel_loop3A_427, %parallel_loop3A_471 : vector<16xi32>
      %parallel_loop3A_473 = arith.constant 0.000000e+00 : f32
      %parallel_loop3A_474 = vector.broadcast %parallel_loop3A_473 : f32 to vector<16xf32>
      %parallel_loop3A_475 = arith.select %parallel_loop3A_472, %parallel_loop3A_469, %parallel_loop3A_474 : vector<16xi1>, vector<16xf32>
      %parallel_loop3A_476 = arith.addf %parallel_loop3A_419, %parallel_loop3A_475 : vector<16xf32>
      %parallel_loop3A_477 = tpu.all_reduce %parallel_loop3A_472 {dim = 0 : i64, kind = #tpu.reduction_kind<sum>} : vector<16xi1> -> vector<16xi32>
      %parallel_loop3A_478 = arith.addi %parallel_loop3A_421, %parallel_loop3A_477 : vector<16xi32>
      %parallel_loop3A_479 = arith.constant 128 : i32
      %parallel_loop3A_480 = arith.muli %parallel_loop3A_134, %parallel_loop3A_479 : i32
      %parallel_loop3A_481 = arith.constant 96 : i32
      %parallel_loop3A_482 = arith.addi %parallel_loop3A_480, %parallel_loop3A_481 : i32
      %parallel_loop3A_483 = arith.index_cast %parallel_loop3A_482 : i32 to index
      %parallel_loop3A_484 = tpu.vector_load %arg6[%parallel_loop3A_483] {strides = array<i32>} : memref<8192xi32, #tpu.memory_space<vmem>>, vector<16xi32>,
      %parallel_loop3A_485 = arith.constant 256 : i32
      %parallel_loop3A_486 = arith.muli %parallel_loop3A_134, %parallel_loop3A_485 : i32
      %parallel_loop3A_487 = arith.constant 96 : i32
      %parallel_loop3A_488 = arith.addi %parallel_loop3A_486, %parallel_loop3A_487 : i32
      %parallel_loop3A_489 = arith.index_cast %parallel_loop3A_488 : i32 to index
      %parallel_loop3A_490 = tpu.vector_load %arg8[%parallel_loop3A_489] {strides = array<i32>} : memref<16384xf32, #tpu.memory_space<vmem>>, vector<16xf32>,
      %parallel_loop3A_491 = arith.constant 256 : i32
      %parallel_loop3A_492 = arith.muli %parallel_loop3A_134, %parallel_loop3A_491 : i32
      %parallel_loop3A_493 = arith.constant 128 : i32
      %parallel_loop3A_494 = arith.addi %parallel_loop3A_492, %parallel_loop3A_493 : i32
      %parallel_loop3A_495 = arith.constant 96 : i32
      %parallel_loop3A_496 = arith.addi %parallel_loop3A_494, %parallel_loop3A_495 : i32
      %parallel_loop3A_497 = arith.index_cast %parallel_loop3A_496 : i32 to index
      %parallel_loop3A_498 = tpu.vector_load %arg8[%parallel_loop3A_497] {strides = array<i32>} : memref<16384xf32, #tpu.memory_space<vmem>>, vector<16xf32>,
      %parallel_loop3A_499 = arith.subf %parallel_loop3A_490, %parallel_loop3A_498 : vector<16xf32>
      %parallel_loop3A_500 = arith.constant 0.000000e+00 : f32
      %parallel_loop3A_501 = vector.broadcast %parallel_loop3A_500 : f32 to vector<16xf32>
      %parallel_loop3A_502 = arith.subf %parallel_loop3A_501, %parallel_loop3A_499 : vector<16xf32>
      %parallel_loop3A_503 = arith.minimumf %parallel_loop3A_499, %parallel_loop3A_502 : vector<16xf32>
      %parallel_loop3A_504 = math.exp %parallel_loop3A_503 : vector<16xf32>
      %parallel_loop3A_505 = arith.constant 0.106684729 : f32
      %parallel_loop3A_506 = vector.broadcast %parallel_loop3A_505 : f32 to vector<16xf32>
      %parallel_loop3A_507 = arith.mulf %parallel_loop3A_506, %parallel_loop3A_504 : vector<16xf32>
      %parallel_loop3A_508 = arith.constant -0.393535793 : f32
      %parallel_loop3A_509 = vector.broadcast %parallel_loop3A_508 : f32 to vector<16xf32>
      %parallel_loop3A_510 = arith.addf %parallel_loop3A_507, %parallel_loop3A_509 : vector<16xf32>
      %parallel_loop3A_511 = arith.mulf %parallel_loop3A_510, %parallel_loop3A_504 : vector<16xf32>
      %parallel_loop3A_512 = arith.constant 0.979753434 : f32
      %parallel_loop3A_513 = vector.broadcast %parallel_loop3A_512 : f32 to vector<16xf32>
      %parallel_loop3A_514 = arith.addf %parallel_loop3A_511, %parallel_loop3A_513 : vector<16xf32>
      %parallel_loop3A_515 = arith.mulf %parallel_loop3A_514, %parallel_loop3A_504 : vector<16xf32>
      %parallel_loop3A_516 = arith.constant 9.25032131E-4 : f32
      %parallel_loop3A_517 = vector.broadcast %parallel_loop3A_516 : f32 to vector<16xf32>
      %parallel_loop3A_518 = arith.addf %parallel_loop3A_515, %parallel_loop3A_517 : vector<16xf32>
      %parallel_loop3A_519 = arith.constant 1 : i32
      %parallel_loop3A_520 = vector.broadcast %parallel_loop3A_519 : i32 to vector<16xi32>
      %parallel_loop3A_521 = arith.cmpi eq, %parallel_loop3A_484, %parallel_loop3A_520 : vector<16xi32>
      %parallel_loop3A_522 = arith.select %parallel_loop3A_521, %parallel_loop3A_499, %parallel_loop3A_502 : vector<16xi1>, vector<16xf32>
      %parallel_loop3A_523 = arith.constant 0.000000e+00 : f32
      %parallel_loop3A_524 = vector.broadcast %parallel_loop3A_523 : f32 to vector<16xf32>
      %parallel_loop3A_525 = arith.maximumf %parallel_loop3A_522, %parallel_loop3A_524 : vector<16xf32>
      %parallel_loop3A_526 = arith.addf %parallel_loop3A_525, %parallel_loop3A_518 : vector<16xf32>
      %parallel_loop3A_527 = arith.constant 0 : i32
      %parallel_loop3A_528 = vector.broadcast %parallel_loop3A_527 : i32 to vector<16xi32>
      %parallel_loop3A_529 = arith.cmpi ne, %parallel_loop3A_484, %parallel_loop3A_528 : vector<16xi32>
      %parallel_loop3A_530 = arith.constant 0.000000e+00 : f32
      %parallel_loop3A_531 = vector.broadcast %parallel_loop3A_530 : f32 to vector<16xf32>
      %parallel_loop3A_532 = arith.select %parallel_loop3A_529, %parallel_loop3A_526, %parallel_loop3A_531 : vector<16xi1>, vector<16xf32>
      %parallel_loop3A_533 = arith.addf %parallel_loop3A_476, %parallel_loop3A_532 : vector<16xf32>
      %parallel_loop3A_534 = tpu.all_reduce %parallel_loop3A_529 {dim = 0 : i64, kind = #tpu.reduction_kind<sum>} : vector<16xi1> -> vector<16xi32>
      %parallel_loop3A_535 = arith.addi %parallel_loop3A_478, %parallel_loop3A_534 : vector<16xi32>
      %parallel_loop3A_536 = arith.constant 128 : i32
      %parallel_loop3A_537 = arith.muli %parallel_loop3A_134, %parallel_loop3A_536 : i32
      %parallel_loop3A_538 = arith.constant 112 : i32
      %parallel_loop3A_539 = arith.addi %parallel_loop3A_537, %parallel_loop3A_538 : i32
      %parallel_loop3A_540 = arith.index_cast %parallel_loop3A_539 : i32 to index
      %parallel_loop3A_541 = tpu.vector_load %arg6[%parallel_loop3A_540] {strides = array<i32>} : memref<8192xi32, #tpu.memory_space<vmem>>, vector<16xi32>,
      %parallel_loop3A_542 = arith.constant 256 : i32
      %parallel_loop3A_543 = arith.muli %parallel_loop3A_134, %parallel_loop3A_542 : i32
      %parallel_loop3A_544 = arith.constant 112 : i32
      %parallel_loop3A_545 = arith.addi %parallel_loop3A_543, %parallel_loop3A_544 : i32
      %parallel_loop3A_546 = arith.index_cast %parallel_loop3A_545 : i32 to index
      %parallel_loop3A_547 = tpu.vector_load %arg8[%parallel_loop3A_546] {strides = array<i32>} : memref<16384xf32, #tpu.memory_space<vmem>>, vector<16xf32>,
      %parallel_loop3A_548 = arith.constant 256 : i32
      %parallel_loop3A_549 = arith.muli %parallel_loop3A_134, %parallel_loop3A_548 : i32
      %parallel_loop3A_550 = arith.constant 128 : i32
      %parallel_loop3A_551 = arith.addi %parallel_loop3A_549, %parallel_loop3A_550 : i32
      %parallel_loop3A_552 = arith.constant 112 : i32
      %parallel_loop3A_553 = arith.addi %parallel_loop3A_551, %parallel_loop3A_552 : i32
      %parallel_loop3A_554 = arith.index_cast %parallel_loop3A_553 : i32 to index
      %parallel_loop3A_555 = tpu.vector_load %arg8[%parallel_loop3A_554] {strides = array<i32>} : memref<16384xf32, #tpu.memory_space<vmem>>, vector<16xf32>,
      %parallel_loop3A_556 = arith.subf %parallel_loop3A_547, %parallel_loop3A_555 : vector<16xf32>
      %parallel_loop3A_557 = arith.constant 0.000000e+00 : f32
      %parallel_loop3A_558 = vector.broadcast %parallel_loop3A_557 : f32 to vector<16xf32>
      %parallel_loop3A_559 = arith.subf %parallel_loop3A_558, %parallel_loop3A_556 : vector<16xf32>
      %parallel_loop3A_560 = arith.minimumf %parallel_loop3A_556, %parallel_loop3A_559 : vector<16xf32>
      %parallel_loop3A_561 = math.exp %parallel_loop3A_560 : vector<16xf32>
      %parallel_loop3A_562 = arith.constant 0.106684729 : f32
      %parallel_loop3A_563 = vector.broadcast %parallel_loop3A_562 : f32 to vector<16xf32>
      %parallel_loop3A_564 = arith.mulf %parallel_loop3A_563, %parallel_loop3A_561 : vector<16xf32>
      %parallel_loop3A_565 = arith.constant -0.393535793 : f32
      %parallel_loop3A_566 = vector.broadcast %parallel_loop3A_565 : f32 to vector<16xf32>
      %parallel_loop3A_567 = arith.addf %parallel_loop3A_564, %parallel_loop3A_566 : vector<16xf32>
      %parallel_loop3A_568 = arith.mulf %parallel_loop3A_567, %parallel_loop3A_561 : vector<16xf32>
      %parallel_loop3A_569 = arith.constant 0.979753434 : f32
      %parallel_loop3A_570 = vector.broadcast %parallel_loop3A_569 : f32 to vector<16xf32>
      %parallel_loop3A_571 = arith.addf %parallel_loop3A_568, %parallel_loop3A_570 : vector<16xf32>
      %parallel_loop3A_572 = arith.mulf %parallel_loop3A_571, %parallel_loop3A_561 : vector<16xf32>
      %parallel_loop3A_573 = arith.constant 9.25032131E-4 : f32
      %parallel_loop3A_574 = vector.broadcast %parallel_loop3A_573 : f32 to vector<16xf32>
      %parallel_loop3A_575 = arith.addf %parallel_loop3A_572, %parallel_loop3A_574 : vector<16xf32>
      %parallel_loop3A_576 = arith.constant 1 : i32
      %parallel_loop3A_577 = vector.broadcast %parallel_loop3A_576 : i32 to vector<16xi32>
      %parallel_loop3A_578 = arith.cmpi eq, %parallel_loop3A_541, %parallel_loop3A_577 : vector<16xi32>
      %parallel_loop3A_579 = arith.select %parallel_loop3A_578, %parallel_loop3A_556, %parallel_loop3A_559 : vector<16xi1>, vector<16xf32>
      %parallel_loop3A_580 = arith.constant 0.000000e+00 : f32
      %parallel_loop3A_581 = vector.broadcast %parallel_loop3A_580 : f32 to vector<16xf32>
      %parallel_loop3A_582 = arith.maximumf %parallel_loop3A_579, %parallel_loop3A_581 : vector<16xf32>
      %parallel_loop3A_583 = arith.addf %parallel_loop3A_582, %parallel_loop3A_575 : vector<16xf32>
      %parallel_loop3A_584 = arith.constant 0 : i32
      %parallel_loop3A_585 = vector.broadcast %parallel_loop3A_584 : i32 to vector<16xi32>
      %parallel_loop3A_586 = arith.cmpi ne, %parallel_loop3A_541, %parallel_loop3A_585 : vector<16xi32>
      %parallel_loop3A_587 = arith.constant 0.000000e+00 : f32
      %parallel_loop3A_588 = vector.broadcast %parallel_loop3A_587 : f32 to vector<16xf32>
      %parallel_loop3A_589 = arith.select %parallel_loop3A_586, %parallel_loop3A_583, %parallel_loop3A_588 : vector<16xi1>, vector<16xf32>
      %parallel_loop3A_590 = arith.addf %parallel_loop3A_533, %parallel_loop3A_589 : vector<16xf32>
      %parallel_loop3A_591 = tpu.all_reduce %parallel_loop3A_586 {dim = 0 : i64, kind = #tpu.reduction_kind<sum>} : vector<16xi1> -> vector<16xi32>
      %parallel_loop3A_592 = arith.addi %parallel_loop3A_535, %parallel_loop3A_591 : vector<16xi32>
      scf.yield %parallel_loop3A_590, %parallel_loop3A_592 : vector<16xf32>, vector<16xi32>
    } {sc.loop_unroll_factor = 1 : i64, sc.parallel_access}
    %add3A_43 = arith.constant 24576 : i32
    %add3A_44 = arith.addi %mul3A_2, %add3A_43 : i32
    %dma_start3A_45 = tpu.memref_slice %arg2[%add3A_44] : memref<2097152xi32, #tpu.memory_space<hbm>> -> memref<8192xi32, #tpu.memory_space<hbm>>
    %dma_start3A_46 = tpu.memref_slice %arg2[%add3A_44] : memref<2097152xi32, #tpu.memory_space<hbm>> -> memref<8192xi32, #tpu.memory_space<hbm>>
    tpu.enqueue_dma source(%dma_start3A_46 : memref<8192xi32, #tpu.memory_space<hbm>>) target(%arg6 : memref<8192xi32, #tpu.memory_space<vmem>>) target_semaphore(%arg11 : memref<!tpu.dma_semaphore, #tpu.memory_space<semaphore_mem>>)
    %mul3A_47 = arith.constant 2 : i32
    %mul3A_48 = arith.muli %mul3A_47, %add3A_44 : i32
    %dma_start3A_49 = tpu.memref_slice %arg3[%mul3A_48] : memref<4194304xf32, #tpu.memory_space<hbm>> -> memref<16384xf32, #tpu.memory_space<hbm>>
    %dma_start3A_50 = tpu.memref_slice %arg3[%mul3A_48] : memref<4194304xf32, #tpu.memory_space<hbm>> -> memref<16384xf32, #tpu.memory_space<hbm>>
    tpu.enqueue_dma source(%dma_start3A_50 : memref<16384xf32, #tpu.memory_space<hbm>>) target(%arg8 : memref<16384xf32, #tpu.memory_space<vmem>>) target_semaphore(%arg13 : memref<!tpu.dma_semaphore, #tpu.memory_space<semaphore_mem>>)
    %dma_wait3A_51 = tpu.memref_slice %arg2[%add3A_28] : memref<2097152xi32, #tpu.memory_space<hbm>> -> memref<8192xi32, #tpu.memory_space<hbm>>
    %dma_wait3A_52 = tpu.memref_slice %arg2[%add3A_28] : memref<2097152xi32, #tpu.memory_space<hbm>> -> memref<8192xi32, #tpu.memory_space<hbm>>
    tpu.wait_dma2 semaphore(%arg10 : memref<!tpu.dma_semaphore, #tpu.memory_space<semaphore_mem>>) src(%dma_wait3A_52 : memref<8192xi32, #tpu.memory_space<hbm>>) dst(%arg5 : memref<8192xi32, #tpu.memory_space<vmem>>)
    %dma_wait3A_53 = tpu.memref_slice %arg3[%mul3A_32] : memref<4194304xf32, #tpu.memory_space<hbm>> -> memref<16384xf32, #tpu.memory_space<hbm>>
    %dma_wait3A_54 = tpu.memref_slice %arg3[%mul3A_32] : memref<4194304xf32, #tpu.memory_space<hbm>> -> memref<16384xf32, #tpu.memory_space<hbm>>
    tpu.wait_dma2 semaphore(%arg12 : memref<!tpu.dma_semaphore, #tpu.memory_space<semaphore_mem>>) src(%dma_wait3A_54 : memref<16384xf32, #tpu.memory_space<hbm>>) dst(%arg7 : memref<16384xf32, #tpu.memory_space<vmem>>)
    %parallel_loop3A_55 = arith.constant 0 : i32
    %parallel_loop3A_56 = arith.constant 64 : i32
    %parallel_loop3A_57 = arith.constant 1 : i32
    %parallel_loop3A_58:2 = scf.for %parallel_loop3A_134 = %parallel_loop3A_55 to %parallel_loop3A_56 step %parallel_loop3A_57 iter_args(%parallel_loop3A_135 = %parallel_loop3A_42#0, %parallel_loop3A_136 = %parallel_loop3A_42#1) -> (vector<16xf32>, vector<16xi32>)  : i32 {
      %parallel_loop3A_137 = arith.constant 128 : i32
      %parallel_loop3A_138 = arith.muli %parallel_loop3A_134, %parallel_loop3A_137 : i32
      %parallel_loop3A_139 = arith.constant 0 : i32
      %parallel_loop3A_140 = arith.addi %parallel_loop3A_138, %parallel_loop3A_139 : i32
      %parallel_loop3A_141 = arith.index_cast %parallel_loop3A_140 : i32 to index
      %parallel_loop3A_142 = tpu.vector_load %arg5[%parallel_loop3A_141] {strides = array<i32>} : memref<8192xi32, #tpu.memory_space<vmem>>, vector<16xi32>,
      %parallel_loop3A_143 = arith.constant 256 : i32
      %parallel_loop3A_144 = arith.muli %parallel_loop3A_134, %parallel_loop3A_143 : i32
      %parallel_loop3A_145 = arith.constant 0 : i32
      %parallel_loop3A_146 = arith.addi %parallel_loop3A_144, %parallel_loop3A_145 : i32
      %parallel_loop3A_147 = arith.index_cast %parallel_loop3A_146 : i32 to index
      %parallel_loop3A_148 = tpu.vector_load %arg7[%parallel_loop3A_147] {strides = array<i32>} : memref<16384xf32, #tpu.memory_space<vmem>>, vector<16xf32>,
      %parallel_loop3A_149 = arith.constant 256 : i32
      %parallel_loop3A_150 = arith.muli %parallel_loop3A_134, %parallel_loop3A_149 : i32
      %parallel_loop3A_151 = arith.constant 128 : i32
      %parallel_loop3A_152 = arith.addi %parallel_loop3A_150, %parallel_loop3A_151 : i32
      %parallel_loop3A_153 = arith.constant 0 : i32
      %parallel_loop3A_154 = arith.addi %parallel_loop3A_152, %parallel_loop3A_153 : i32
      %parallel_loop3A_155 = arith.index_cast %parallel_loop3A_154 : i32 to index
      %parallel_loop3A_156 = tpu.vector_load %arg7[%parallel_loop3A_155] {strides = array<i32>} : memref<16384xf32, #tpu.memory_space<vmem>>, vector<16xf32>,
      %parallel_loop3A_157 = arith.subf %parallel_loop3A_148, %parallel_loop3A_156 : vector<16xf32>
      %parallel_loop3A_158 = arith.constant 0.000000e+00 : f32
      %parallel_loop3A_159 = vector.broadcast %parallel_loop3A_158 : f32 to vector<16xf32>
      %parallel_loop3A_160 = arith.subf %parallel_loop3A_159, %parallel_loop3A_157 : vector<16xf32>
      %parallel_loop3A_161 = arith.minimumf %parallel_loop3A_157, %parallel_loop3A_160 : vector<16xf32>
      %parallel_loop3A_162 = math.exp %parallel_loop3A_161 : vector<16xf32>
      %parallel_loop3A_163 = arith.constant 0.106684729 : f32
      %parallel_loop3A_164 = vector.broadcast %parallel_loop3A_163 : f32 to vector<16xf32>
      %parallel_loop3A_165 = arith.mulf %parallel_loop3A_164, %parallel_loop3A_162 : vector<16xf32>
      %parallel_loop3A_166 = arith.constant -0.393535793 : f32
      %parallel_loop3A_167 = vector.broadcast %parallel_loop3A_166 : f32 to vector<16xf32>
      %parallel_loop3A_168 = arith.addf %parallel_loop3A_165, %parallel_loop3A_167 : vector<16xf32>
      %parallel_loop3A_169 = arith.mulf %parallel_loop3A_168, %parallel_loop3A_162 : vector<16xf32>
      %parallel_loop3A_170 = arith.constant 0.979753434 : f32
      %parallel_loop3A_171 = vector.broadcast %parallel_loop3A_170 : f32 to vector<16xf32>
      %parallel_loop3A_172 = arith.addf %parallel_loop3A_169, %parallel_loop3A_171 : vector<16xf32>
      %parallel_loop3A_173 = arith.mulf %parallel_loop3A_172, %parallel_loop3A_162 : vector<16xf32>
      %parallel_loop3A_174 = arith.constant 9.25032131E-4 : f32
      %parallel_loop3A_175 = vector.broadcast %parallel_loop3A_174 : f32 to vector<16xf32>
      %parallel_loop3A_176 = arith.addf %parallel_loop3A_173, %parallel_loop3A_175 : vector<16xf32>
      %parallel_loop3A_177 = arith.constant 1 : i32
      %parallel_loop3A_178 = vector.broadcast %parallel_loop3A_177 : i32 to vector<16xi32>
      %parallel_loop3A_179 = arith.cmpi eq, %parallel_loop3A_142, %parallel_loop3A_178 : vector<16xi32>
      %parallel_loop3A_180 = arith.select %parallel_loop3A_179, %parallel_loop3A_157, %parallel_loop3A_160 : vector<16xi1>, vector<16xf32>
      %parallel_loop3A_181 = arith.constant 0.000000e+00 : f32
      %parallel_loop3A_182 = vector.broadcast %parallel_loop3A_181 : f32 to vector<16xf32>
      %parallel_loop3A_183 = arith.maximumf %parallel_loop3A_180, %parallel_loop3A_182 : vector<16xf32>
      %parallel_loop3A_184 = arith.addf %parallel_loop3A_183, %parallel_loop3A_176 : vector<16xf32>
      %parallel_loop3A_185 = arith.constant 0 : i32
      %parallel_loop3A_186 = vector.broadcast %parallel_loop3A_185 : i32 to vector<16xi32>
      %parallel_loop3A_187 = arith.cmpi ne, %parallel_loop3A_142, %parallel_loop3A_186 : vector<16xi32>
      %parallel_loop3A_188 = arith.constant 0.000000e+00 : f32
      %parallel_loop3A_189 = vector.broadcast %parallel_loop3A_188 : f32 to vector<16xf32>
      %parallel_loop3A_190 = arith.select %parallel_loop3A_187, %parallel_loop3A_184, %parallel_loop3A_189 : vector<16xi1>, vector<16xf32>
      %parallel_loop3A_191 = arith.addf %parallel_loop3A_135, %parallel_loop3A_190 : vector<16xf32>
      %parallel_loop3A_192 = tpu.all_reduce %parallel_loop3A_187 {dim = 0 : i64, kind = #tpu.reduction_kind<sum>} : vector<16xi1> -> vector<16xi32>
      %parallel_loop3A_193 = arith.addi %parallel_loop3A_136, %parallel_loop3A_192 : vector<16xi32>
      %parallel_loop3A_194 = arith.constant 128 : i32
      %parallel_loop3A_195 = arith.muli %parallel_loop3A_134, %parallel_loop3A_194 : i32
      %parallel_loop3A_196 = arith.constant 16 : i32
      %parallel_loop3A_197 = arith.addi %parallel_loop3A_195, %parallel_loop3A_196 : i32
      %parallel_loop3A_198 = arith.index_cast %parallel_loop3A_197 : i32 to index
      %parallel_loop3A_199 = tpu.vector_load %arg5[%parallel_loop3A_198] {strides = array<i32>} : memref<8192xi32, #tpu.memory_space<vmem>>, vector<16xi32>,
      %parallel_loop3A_200 = arith.constant 256 : i32
      %parallel_loop3A_201 = arith.muli %parallel_loop3A_134, %parallel_loop3A_200 : i32
      %parallel_loop3A_202 = arith.constant 16 : i32
      %parallel_loop3A_203 = arith.addi %parallel_loop3A_201, %parallel_loop3A_202 : i32
      %parallel_loop3A_204 = arith.index_cast %parallel_loop3A_203 : i32 to index
      %parallel_loop3A_205 = tpu.vector_load %arg7[%parallel_loop3A_204] {strides = array<i32>} : memref<16384xf32, #tpu.memory_space<vmem>>, vector<16xf32>,
      %parallel_loop3A_206 = arith.constant 256 : i32
      %parallel_loop3A_207 = arith.muli %parallel_loop3A_134, %parallel_loop3A_206 : i32
      %parallel_loop3A_208 = arith.constant 128 : i32
      %parallel_loop3A_209 = arith.addi %parallel_loop3A_207, %parallel_loop3A_208 : i32
      %parallel_loop3A_210 = arith.constant 16 : i32
      %parallel_loop3A_211 = arith.addi %parallel_loop3A_209, %parallel_loop3A_210 : i32
      %parallel_loop3A_212 = arith.index_cast %parallel_loop3A_211 : i32 to index
      %parallel_loop3A_213 = tpu.vector_load %arg7[%parallel_loop3A_212] {strides = array<i32>} : memref<16384xf32, #tpu.memory_space<vmem>>, vector<16xf32>,
      %parallel_loop3A_214 = arith.subf %parallel_loop3A_205, %parallel_loop3A_213 : vector<16xf32>
      %parallel_loop3A_215 = arith.constant 0.000000e+00 : f32
      %parallel_loop3A_216 = vector.broadcast %parallel_loop3A_215 : f32 to vector<16xf32>
      %parallel_loop3A_217 = arith.subf %parallel_loop3A_216, %parallel_loop3A_214 : vector<16xf32>
      %parallel_loop3A_218 = arith.minimumf %parallel_loop3A_214, %parallel_loop3A_217 : vector<16xf32>
      %parallel_loop3A_219 = math.exp %parallel_loop3A_218 : vector<16xf32>
      %parallel_loop3A_220 = arith.constant 0.106684729 : f32
      %parallel_loop3A_221 = vector.broadcast %parallel_loop3A_220 : f32 to vector<16xf32>
      %parallel_loop3A_222 = arith.mulf %parallel_loop3A_221, %parallel_loop3A_219 : vector<16xf32>
      %parallel_loop3A_223 = arith.constant -0.393535793 : f32
      %parallel_loop3A_224 = vector.broadcast %parallel_loop3A_223 : f32 to vector<16xf32>
      %parallel_loop3A_225 = arith.addf %parallel_loop3A_222, %parallel_loop3A_224 : vector<16xf32>
      %parallel_loop3A_226 = arith.mulf %parallel_loop3A_225, %parallel_loop3A_219 : vector<16xf32>
      %parallel_loop3A_227 = arith.constant 0.979753434 : f32
      %parallel_loop3A_228 = vector.broadcast %parallel_loop3A_227 : f32 to vector<16xf32>
      %parallel_loop3A_229 = arith.addf %parallel_loop3A_226, %parallel_loop3A_228 : vector<16xf32>
      %parallel_loop3A_230 = arith.mulf %parallel_loop3A_229, %parallel_loop3A_219 : vector<16xf32>
      %parallel_loop3A_231 = arith.constant 9.25032131E-4 : f32
      %parallel_loop3A_232 = vector.broadcast %parallel_loop3A_231 : f32 to vector<16xf32>
      %parallel_loop3A_233 = arith.addf %parallel_loop3A_230, %parallel_loop3A_232 : vector<16xf32>
      %parallel_loop3A_234 = arith.constant 1 : i32
      %parallel_loop3A_235 = vector.broadcast %parallel_loop3A_234 : i32 to vector<16xi32>
      %parallel_loop3A_236 = arith.cmpi eq, %parallel_loop3A_199, %parallel_loop3A_235 : vector<16xi32>
      %parallel_loop3A_237 = arith.select %parallel_loop3A_236, %parallel_loop3A_214, %parallel_loop3A_217 : vector<16xi1>, vector<16xf32>
      %parallel_loop3A_238 = arith.constant 0.000000e+00 : f32
      %parallel_loop3A_239 = vector.broadcast %parallel_loop3A_238 : f32 to vector<16xf32>
      %parallel_loop3A_240 = arith.maximumf %parallel_loop3A_237, %parallel_loop3A_239 : vector<16xf32>
      %parallel_loop3A_241 = arith.addf %parallel_loop3A_240, %parallel_loop3A_233 : vector<16xf32>
      %parallel_loop3A_242 = arith.constant 0 : i32
      %parallel_loop3A_243 = vector.broadcast %parallel_loop3A_242 : i32 to vector<16xi32>
      %parallel_loop3A_244 = arith.cmpi ne, %parallel_loop3A_199, %parallel_loop3A_243 : vector<16xi32>
      %parallel_loop3A_245 = arith.constant 0.000000e+00 : f32
      %parallel_loop3A_246 = vector.broadcast %parallel_loop3A_245 : f32 to vector<16xf32>
      %parallel_loop3A_247 = arith.select %parallel_loop3A_244, %parallel_loop3A_241, %parallel_loop3A_246 : vector<16xi1>, vector<16xf32>
      %parallel_loop3A_248 = arith.addf %parallel_loop3A_191, %parallel_loop3A_247 : vector<16xf32>
      %parallel_loop3A_249 = tpu.all_reduce %parallel_loop3A_244 {dim = 0 : i64, kind = #tpu.reduction_kind<sum>} : vector<16xi1> -> vector<16xi32>
      %parallel_loop3A_250 = arith.addi %parallel_loop3A_193, %parallel_loop3A_249 : vector<16xi32>
      %parallel_loop3A_251 = arith.constant 128 : i32
      %parallel_loop3A_252 = arith.muli %parallel_loop3A_134, %parallel_loop3A_251 : i32
      %parallel_loop3A_253 = arith.constant 32 : i32
      %parallel_loop3A_254 = arith.addi %parallel_loop3A_252, %parallel_loop3A_253 : i32
      %parallel_loop3A_255 = arith.index_cast %parallel_loop3A_254 : i32 to index
      %parallel_loop3A_256 = tpu.vector_load %arg5[%parallel_loop3A_255] {strides = array<i32>} : memref<8192xi32, #tpu.memory_space<vmem>>, vector<16xi32>,
      %parallel_loop3A_257 = arith.constant 256 : i32
      %parallel_loop3A_258 = arith.muli %parallel_loop3A_134, %parallel_loop3A_257 : i32
      %parallel_loop3A_259 = arith.constant 32 : i32
      %parallel_loop3A_260 = arith.addi %parallel_loop3A_258, %parallel_loop3A_259 : i32
      %parallel_loop3A_261 = arith.index_cast %parallel_loop3A_260 : i32 to index
      %parallel_loop3A_262 = tpu.vector_load %arg7[%parallel_loop3A_261] {strides = array<i32>} : memref<16384xf32, #tpu.memory_space<vmem>>, vector<16xf32>,
      %parallel_loop3A_263 = arith.constant 256 : i32
      %parallel_loop3A_264 = arith.muli %parallel_loop3A_134, %parallel_loop3A_263 : i32
      %parallel_loop3A_265 = arith.constant 128 : i32
      %parallel_loop3A_266 = arith.addi %parallel_loop3A_264, %parallel_loop3A_265 : i32
      %parallel_loop3A_267 = arith.constant 32 : i32
      %parallel_loop3A_268 = arith.addi %parallel_loop3A_266, %parallel_loop3A_267 : i32
      %parallel_loop3A_269 = arith.index_cast %parallel_loop3A_268 : i32 to index
      %parallel_loop3A_270 = tpu.vector_load %arg7[%parallel_loop3A_269] {strides = array<i32>} : memref<16384xf32, #tpu.memory_space<vmem>>, vector<16xf32>,
      %parallel_loop3A_271 = arith.subf %parallel_loop3A_262, %parallel_loop3A_270 : vector<16xf32>
      %parallel_loop3A_272 = arith.constant 0.000000e+00 : f32
      %parallel_loop3A_273 = vector.broadcast %parallel_loop3A_272 : f32 to vector<16xf32>
      %parallel_loop3A_274 = arith.subf %parallel_loop3A_273, %parallel_loop3A_271 : vector<16xf32>
      %parallel_loop3A_275 = arith.minimumf %parallel_loop3A_271, %parallel_loop3A_274 : vector<16xf32>
      %parallel_loop3A_276 = math.exp %parallel_loop3A_275 : vector<16xf32>
      %parallel_loop3A_277 = arith.constant 0.106684729 : f32
      %parallel_loop3A_278 = vector.broadcast %parallel_loop3A_277 : f32 to vector<16xf32>
      %parallel_loop3A_279 = arith.mulf %parallel_loop3A_278, %parallel_loop3A_276 : vector<16xf32>
      %parallel_loop3A_280 = arith.constant -0.393535793 : f32
      %parallel_loop3A_281 = vector.broadcast %parallel_loop3A_280 : f32 to vector<16xf32>
      %parallel_loop3A_282 = arith.addf %parallel_loop3A_279, %parallel_loop3A_281 : vector<16xf32>
      %parallel_loop3A_283 = arith.mulf %parallel_loop3A_282, %parallel_loop3A_276 : vector<16xf32>
      %parallel_loop3A_284 = arith.constant 0.979753434 : f32
      %parallel_loop3A_285 = vector.broadcast %parallel_loop3A_284 : f32 to vector<16xf32>
      %parallel_loop3A_286 = arith.addf %parallel_loop3A_283, %parallel_loop3A_285 : vector<16xf32>
      %parallel_loop3A_287 = arith.mulf %parallel_loop3A_286, %parallel_loop3A_276 : vector<16xf32>
      %parallel_loop3A_288 = arith.constant 9.25032131E-4 : f32
      %parallel_loop3A_289 = vector.broadcast %parallel_loop3A_288 : f32 to vector<16xf32>
      %parallel_loop3A_290 = arith.addf %parallel_loop3A_287, %parallel_loop3A_289 : vector<16xf32>
      %parallel_loop3A_291 = arith.constant 1 : i32
      %parallel_loop3A_292 = vector.broadcast %parallel_loop3A_291 : i32 to vector<16xi32>
      %parallel_loop3A_293 = arith.cmpi eq, %parallel_loop3A_256, %parallel_loop3A_292 : vector<16xi32>
      %parallel_loop3A_294 = arith.select %parallel_loop3A_293, %parallel_loop3A_271, %parallel_loop3A_274 : vector<16xi1>, vector<16xf32>
      %parallel_loop3A_295 = arith.constant 0.000000e+00 : f32
      %parallel_loop3A_296 = vector.broadcast %parallel_loop3A_295 : f32 to vector<16xf32>
      %parallel_loop3A_297 = arith.maximumf %parallel_loop3A_294, %parallel_loop3A_296 : vector<16xf32>
      %parallel_loop3A_298 = arith.addf %parallel_loop3A_297, %parallel_loop3A_290 : vector<16xf32>
      %parallel_loop3A_299 = arith.constant 0 : i32
      %parallel_loop3A_300 = vector.broadcast %parallel_loop3A_299 : i32 to vector<16xi32>
      %parallel_loop3A_301 = arith.cmpi ne, %parallel_loop3A_256, %parallel_loop3A_300 : vector<16xi32>
      %parallel_loop3A_302 = arith.constant 0.000000e+00 : f32
      %parallel_loop3A_303 = vector.broadcast %parallel_loop3A_302 : f32 to vector<16xf32>
      %parallel_loop3A_304 = arith.select %parallel_loop3A_301, %parallel_loop3A_298, %parallel_loop3A_303 : vector<16xi1>, vector<16xf32>
      %parallel_loop3A_305 = arith.addf %parallel_loop3A_248, %parallel_loop3A_304 : vector<16xf32>
      %parallel_loop3A_306 = tpu.all_reduce %parallel_loop3A_301 {dim = 0 : i64, kind = #tpu.reduction_kind<sum>} : vector<16xi1> -> vector<16xi32>
      %parallel_loop3A_307 = arith.addi %parallel_loop3A_250, %parallel_loop3A_306 : vector<16xi32>
      %parallel_loop3A_308 = arith.constant 128 : i32
      %parallel_loop3A_309 = arith.muli %parallel_loop3A_134, %parallel_loop3A_308 : i32
      %parallel_loop3A_310 = arith.constant 48 : i32
      %parallel_loop3A_311 = arith.addi %parallel_loop3A_309, %parallel_loop3A_310 : i32
      %parallel_loop3A_312 = arith.index_cast %parallel_loop3A_311 : i32 to index
      %parallel_loop3A_313 = tpu.vector_load %arg5[%parallel_loop3A_312] {strides = array<i32>} : memref<8192xi32, #tpu.memory_space<vmem>>, vector<16xi32>,
      %parallel_loop3A_314 = arith.constant 256 : i32
      %parallel_loop3A_315 = arith.muli %parallel_loop3A_134, %parallel_loop3A_314 : i32
      %parallel_loop3A_316 = arith.constant 48 : i32
      %parallel_loop3A_317 = arith.addi %parallel_loop3A_315, %parallel_loop3A_316 : i32
      %parallel_loop3A_318 = arith.index_cast %parallel_loop3A_317 : i32 to index
      %parallel_loop3A_319 = tpu.vector_load %arg7[%parallel_loop3A_318] {strides = array<i32>} : memref<16384xf32, #tpu.memory_space<vmem>>, vector<16xf32>,
      %parallel_loop3A_320 = arith.constant 256 : i32
      %parallel_loop3A_321 = arith.muli %parallel_loop3A_134, %parallel_loop3A_320 : i32
      %parallel_loop3A_322 = arith.constant 128 : i32
      %parallel_loop3A_323 = arith.addi %parallel_loop3A_321, %parallel_loop3A_322 : i32
      %parallel_loop3A_324 = arith.constant 48 : i32
      %parallel_loop3A_325 = arith.addi %parallel_loop3A_323, %parallel_loop3A_324 : i32
      %parallel_loop3A_326 = arith.index_cast %parallel_loop3A_325 : i32 to index
      %parallel_loop3A_327 = tpu.vector_load %arg7[%parallel_loop3A_326] {strides = array<i32>} : memref<16384xf32, #tpu.memory_space<vmem>>, vector<16xf32>,
      %parallel_loop3A_328 = arith.subf %parallel_loop3A_319, %parallel_loop3A_327 : vector<16xf32>
      %parallel_loop3A_329 = arith.constant 0.000000e+00 : f32
      %parallel_loop3A_330 = vector.broadcast %parallel_loop3A_329 : f32 to vector<16xf32>
      %parallel_loop3A_331 = arith.subf %parallel_loop3A_330, %parallel_loop3A_328 : vector<16xf32>
      %parallel_loop3A_332 = arith.minimumf %parallel_loop3A_328, %parallel_loop3A_331 : vector<16xf32>
      %parallel_loop3A_333 = math.exp %parallel_loop3A_332 : vector<16xf32>
      %parallel_loop3A_334 = arith.constant 0.106684729 : f32
      %parallel_loop3A_335 = vector.broadcast %parallel_loop3A_334 : f32 to vector<16xf32>
      %parallel_loop3A_336 = arith.mulf %parallel_loop3A_335, %parallel_loop3A_333 : vector<16xf32>
      %parallel_loop3A_337 = arith.constant -0.393535793 : f32
      %parallel_loop3A_338 = vector.broadcast %parallel_loop3A_337 : f32 to vector<16xf32>
      %parallel_loop3A_339 = arith.addf %parallel_loop3A_336, %parallel_loop3A_338 : vector<16xf32>
      %parallel_loop3A_340 = arith.mulf %parallel_loop3A_339, %parallel_loop3A_333 : vector<16xf32>
      %parallel_loop3A_341 = arith.constant 0.979753434 : f32
      %parallel_loop3A_342 = vector.broadcast %parallel_loop3A_341 : f32 to vector<16xf32>
      %parallel_loop3A_343 = arith.addf %parallel_loop3A_340, %parallel_loop3A_342 : vector<16xf32>
      %parallel_loop3A_344 = arith.mulf %parallel_loop3A_343, %parallel_loop3A_333 : vector<16xf32>
      %parallel_loop3A_345 = arith.constant 9.25032131E-4 : f32
      %parallel_loop3A_346 = vector.broadcast %parallel_loop3A_345 : f32 to vector<16xf32>
      %parallel_loop3A_347 = arith.addf %parallel_loop3A_344, %parallel_loop3A_346 : vector<16xf32>
      %parallel_loop3A_348 = arith.constant 1 : i32
      %parallel_loop3A_349 = vector.broadcast %parallel_loop3A_348 : i32 to vector<16xi32>
      %parallel_loop3A_350 = arith.cmpi eq, %parallel_loop3A_313, %parallel_loop3A_349 : vector<16xi32>
      %parallel_loop3A_351 = arith.select %parallel_loop3A_350, %parallel_loop3A_328, %parallel_loop3A_331 : vector<16xi1>, vector<16xf32>
      %parallel_loop3A_352 = arith.constant 0.000000e+00 : f32
      %parallel_loop3A_353 = vector.broadcast %parallel_loop3A_352 : f32 to vector<16xf32>
      %parallel_loop3A_354 = arith.maximumf %parallel_loop3A_351, %parallel_loop3A_353 : vector<16xf32>
      %parallel_loop3A_355 = arith.addf %parallel_loop3A_354, %parallel_loop3A_347 : vector<16xf32>
      %parallel_loop3A_356 = arith.constant 0 : i32
      %parallel_loop3A_357 = vector.broadcast %parallel_loop3A_356 : i32 to vector<16xi32>
      %parallel_loop3A_358 = arith.cmpi ne, %parallel_loop3A_313, %parallel_loop3A_357 : vector<16xi32>
      %parallel_loop3A_359 = arith.constant 0.000000e+00 : f32
      %parallel_loop3A_360 = vector.broadcast %parallel_loop3A_359 : f32 to vector<16xf32>
      %parallel_loop3A_361 = arith.select %parallel_loop3A_358, %parallel_loop3A_355, %parallel_loop3A_360 : vector<16xi1>, vector<16xf32>
      %parallel_loop3A_362 = arith.addf %parallel_loop3A_305, %parallel_loop3A_361 : vector<16xf32>
      %parallel_loop3A_363 = tpu.all_reduce %parallel_loop3A_358 {dim = 0 : i64, kind = #tpu.reduction_kind<sum>} : vector<16xi1> -> vector<16xi32>
      %parallel_loop3A_364 = arith.addi %parallel_loop3A_307, %parallel_loop3A_363 : vector<16xi32>
      %parallel_loop3A_365 = arith.constant 128 : i32
      %parallel_loop3A_366 = arith.muli %parallel_loop3A_134, %parallel_loop3A_365 : i32
      %parallel_loop3A_367 = arith.constant 64 : i32
      %parallel_loop3A_368 = arith.addi %parallel_loop3A_366, %parallel_loop3A_367 : i32
      %parallel_loop3A_369 = arith.index_cast %parallel_loop3A_368 : i32 to index
      %parallel_loop3A_370 = tpu.vector_load %arg5[%parallel_loop3A_369] {strides = array<i32>} : memref<8192xi32, #tpu.memory_space<vmem>>, vector<16xi32>,
      %parallel_loop3A_371 = arith.constant 256 : i32
      %parallel_loop3A_372 = arith.muli %parallel_loop3A_134, %parallel_loop3A_371 : i32
      %parallel_loop3A_373 = arith.constant 64 : i32
      %parallel_loop3A_374 = arith.addi %parallel_loop3A_372, %parallel_loop3A_373 : i32
      %parallel_loop3A_375 = arith.index_cast %parallel_loop3A_374 : i32 to index
      %parallel_loop3A_376 = tpu.vector_load %arg7[%parallel_loop3A_375] {strides = array<i32>} : memref<16384xf32, #tpu.memory_space<vmem>>, vector<16xf32>,
      %parallel_loop3A_377 = arith.constant 256 : i32
      %parallel_loop3A_378 = arith.muli %parallel_loop3A_134, %parallel_loop3A_377 : i32
      %parallel_loop3A_379 = arith.constant 128 : i32
      %parallel_loop3A_380 = arith.addi %parallel_loop3A_378, %parallel_loop3A_379 : i32
      %parallel_loop3A_381 = arith.constant 64 : i32
      %parallel_loop3A_382 = arith.addi %parallel_loop3A_380, %parallel_loop3A_381 : i32
      %parallel_loop3A_383 = arith.index_cast %parallel_loop3A_382 : i32 to index
      %parallel_loop3A_384 = tpu.vector_load %arg7[%parallel_loop3A_383] {strides = array<i32>} : memref<16384xf32, #tpu.memory_space<vmem>>, vector<16xf32>,
      %parallel_loop3A_385 = arith.subf %parallel_loop3A_376, %parallel_loop3A_384 : vector<16xf32>
      %parallel_loop3A_386 = arith.constant 0.000000e+00 : f32
      %parallel_loop3A_387 = vector.broadcast %parallel_loop3A_386 : f32 to vector<16xf32>
      %parallel_loop3A_388 = arith.subf %parallel_loop3A_387, %parallel_loop3A_385 : vector<16xf32>
      %parallel_loop3A_389 = arith.minimumf %parallel_loop3A_385, %parallel_loop3A_388 : vector<16xf32>
      %parallel_loop3A_390 = math.exp %parallel_loop3A_389 : vector<16xf32>
      %parallel_loop3A_391 = arith.constant 0.106684729 : f32
      %parallel_loop3A_392 = vector.broadcast %parallel_loop3A_391 : f32 to vector<16xf32>
      %parallel_loop3A_393 = arith.mulf %parallel_loop3A_392, %parallel_loop3A_390 : vector<16xf32>
      %parallel_loop3A_394 = arith.constant -0.393535793 : f32
      %parallel_loop3A_395 = vector.broadcast %parallel_loop3A_394 : f32 to vector<16xf32>
      %parallel_loop3A_396 = arith.addf %parallel_loop3A_393, %parallel_loop3A_395 : vector<16xf32>
      %parallel_loop3A_397 = arith.mulf %parallel_loop3A_396, %parallel_loop3A_390 : vector<16xf32>
      %parallel_loop3A_398 = arith.constant 0.979753434 : f32
      %parallel_loop3A_399 = vector.broadcast %parallel_loop3A_398 : f32 to vector<16xf32>
      %parallel_loop3A_400 = arith.addf %parallel_loop3A_397, %parallel_loop3A_399 : vector<16xf32>
      %parallel_loop3A_401 = arith.mulf %parallel_loop3A_400, %parallel_loop3A_390 : vector<16xf32>
      %parallel_loop3A_402 = arith.constant 9.25032131E-4 : f32
      %parallel_loop3A_403 = vector.broadcast %parallel_loop3A_402 : f32 to vector<16xf32>
      %parallel_loop3A_404 = arith.addf %parallel_loop3A_401, %parallel_loop3A_403 : vector<16xf32>
      %parallel_loop3A_405 = arith.constant 1 : i32
      %parallel_loop3A_406 = vector.broadcast %parallel_loop3A_405 : i32 to vector<16xi32>
      %parallel_loop3A_407 = arith.cmpi eq, %parallel_loop3A_370, %parallel_loop3A_406 : vector<16xi32>
      %parallel_loop3A_408 = arith.select %parallel_loop3A_407, %parallel_loop3A_385, %parallel_loop3A_388 : vector<16xi1>, vector<16xf32>
      %parallel_loop3A_409 = arith.constant 0.000000e+00 : f32
      %parallel_loop3A_410 = vector.broadcast %parallel_loop3A_409 : f32 to vector<16xf32>
      %parallel_loop3A_411 = arith.maximumf %parallel_loop3A_408, %parallel_loop3A_410 : vector<16xf32>
      %parallel_loop3A_412 = arith.addf %parallel_loop3A_411, %parallel_loop3A_404 : vector<16xf32>
      %parallel_loop3A_413 = arith.constant 0 : i32
      %parallel_loop3A_414 = vector.broadcast %parallel_loop3A_413 : i32 to vector<16xi32>
      %parallel_loop3A_415 = arith.cmpi ne, %parallel_loop3A_370, %parallel_loop3A_414 : vector<16xi32>
      %parallel_loop3A_416 = arith.constant 0.000000e+00 : f32
      %parallel_loop3A_417 = vector.broadcast %parallel_loop3A_416 : f32 to vector<16xf32>
      %parallel_loop3A_418 = arith.select %parallel_loop3A_415, %parallel_loop3A_412, %parallel_loop3A_417 : vector<16xi1>, vector<16xf32>
      %parallel_loop3A_419 = arith.addf %parallel_loop3A_362, %parallel_loop3A_418 : vector<16xf32>
      %parallel_loop3A_420 = tpu.all_reduce %parallel_loop3A_415 {dim = 0 : i64, kind = #tpu.reduction_kind<sum>} : vector<16xi1> -> vector<16xi32>
      %parallel_loop3A_421 = arith.addi %parallel_loop3A_364, %parallel_loop3A_420 : vector<16xi32>
      %parallel_loop3A_422 = arith.constant 128 : i32
      %parallel_loop3A_423 = arith.muli %parallel_loop3A_134, %parallel_loop3A_422 : i32
      %parallel_loop3A_424 = arith.constant 80 : i32
      %parallel_loop3A_425 = arith.addi %parallel_loop3A_423, %parallel_loop3A_424 : i32
      %parallel_loop3A_426 = arith.index_cast %parallel_loop3A_425 : i32 to index
      %parallel_loop3A_427 = tpu.vector_load %arg5[%parallel_loop3A_426] {strides = array<i32>} : memref<8192xi32, #tpu.memory_space<vmem>>, vector<16xi32>,
      %parallel_loop3A_428 = arith.constant 256 : i32
      %parallel_loop3A_429 = arith.muli %parallel_loop3A_134, %parallel_loop3A_428 : i32
      %parallel_loop3A_430 = arith.constant 80 : i32
      %parallel_loop3A_431 = arith.addi %parallel_loop3A_429, %parallel_loop3A_430 : i32
      %parallel_loop3A_432 = arith.index_cast %parallel_loop3A_431 : i32 to index
      %parallel_loop3A_433 = tpu.vector_load %arg7[%parallel_loop3A_432] {strides = array<i32>} : memref<16384xf32, #tpu.memory_space<vmem>>, vector<16xf32>,
      %parallel_loop3A_434 = arith.constant 256 : i32
      %parallel_loop3A_435 = arith.muli %parallel_loop3A_134, %parallel_loop3A_434 : i32
      %parallel_loop3A_436 = arith.constant 128 : i32
      %parallel_loop3A_437 = arith.addi %parallel_loop3A_435, %parallel_loop3A_436 : i32
      %parallel_loop3A_438 = arith.constant 80 : i32
      %parallel_loop3A_439 = arith.addi %parallel_loop3A_437, %parallel_loop3A_438 : i32
      %parallel_loop3A_440 = arith.index_cast %parallel_loop3A_439 : i32 to index
      %parallel_loop3A_441 = tpu.vector_load %arg7[%parallel_loop3A_440] {strides = array<i32>} : memref<16384xf32, #tpu.memory_space<vmem>>, vector<16xf32>,
      %parallel_loop3A_442 = arith.subf %parallel_loop3A_433, %parallel_loop3A_441 : vector<16xf32>
      %parallel_loop3A_443 = arith.constant 0.000000e+00 : f32
      %parallel_loop3A_444 = vector.broadcast %parallel_loop3A_443 : f32 to vector<16xf32>
      %parallel_loop3A_445 = arith.subf %parallel_loop3A_444, %parallel_loop3A_442 : vector<16xf32>
      %parallel_loop3A_446 = arith.minimumf %parallel_loop3A_442, %parallel_loop3A_445 : vector<16xf32>
      %parallel_loop3A_447 = math.exp %parallel_loop3A_446 : vector<16xf32>
      %parallel_loop3A_448 = arith.constant 0.106684729 : f32
      %parallel_loop3A_449 = vector.broadcast %parallel_loop3A_448 : f32 to vector<16xf32>
      %parallel_loop3A_450 = arith.mulf %parallel_loop3A_449, %parallel_loop3A_447 : vector<16xf32>
      %parallel_loop3A_451 = arith.constant -0.393535793 : f32
      %parallel_loop3A_452 = vector.broadcast %parallel_loop3A_451 : f32 to vector<16xf32>
      %parallel_loop3A_453 = arith.addf %parallel_loop3A_450, %parallel_loop3A_452 : vector<16xf32>
      %parallel_loop3A_454 = arith.mulf %parallel_loop3A_453, %parallel_loop3A_447 : vector<16xf32>
      %parallel_loop3A_455 = arith.constant 0.979753434 : f32
      %parallel_loop3A_456 = vector.broadcast %parallel_loop3A_455 : f32 to vector<16xf32>
      %parallel_loop3A_457 = arith.addf %parallel_loop3A_454, %parallel_loop3A_456 : vector<16xf32>
      %parallel_loop3A_458 = arith.mulf %parallel_loop3A_457, %parallel_loop3A_447 : vector<16xf32>
      %parallel_loop3A_459 = arith.constant 9.25032131E-4 : f32
      %parallel_loop3A_460 = vector.broadcast %parallel_loop3A_459 : f32 to vector<16xf32>
      %parallel_loop3A_461 = arith.addf %parallel_loop3A_458, %parallel_loop3A_460 : vector<16xf32>
      %parallel_loop3A_462 = arith.constant 1 : i32
      %parallel_loop3A_463 = vector.broadcast %parallel_loop3A_462 : i32 to vector<16xi32>
      %parallel_loop3A_464 = arith.cmpi eq, %parallel_loop3A_427, %parallel_loop3A_463 : vector<16xi32>
      %parallel_loop3A_465 = arith.select %parallel_loop3A_464, %parallel_loop3A_442, %parallel_loop3A_445 : vector<16xi1>, vector<16xf32>
      %parallel_loop3A_466 = arith.constant 0.000000e+00 : f32
      %parallel_loop3A_467 = vector.broadcast %parallel_loop3A_466 : f32 to vector<16xf32>
      %parallel_loop3A_468 = arith.maximumf %parallel_loop3A_465, %parallel_loop3A_467 : vector<16xf32>
      %parallel_loop3A_469 = arith.addf %parallel_loop3A_468, %parallel_loop3A_461 : vector<16xf32>
      %parallel_loop3A_470 = arith.constant 0 : i32
      %parallel_loop3A_471 = vector.broadcast %parallel_loop3A_470 : i32 to vector<16xi32>
      %parallel_loop3A_472 = arith.cmpi ne, %parallel_loop3A_427, %parallel_loop3A_471 : vector<16xi32>
      %parallel_loop3A_473 = arith.constant 0.000000e+00 : f32
      %parallel_loop3A_474 = vector.broadcast %parallel_loop3A_473 : f32 to vector<16xf32>
      %parallel_loop3A_475 = arith.select %parallel_loop3A_472, %parallel_loop3A_469, %parallel_loop3A_474 : vector<16xi1>, vector<16xf32>
      %parallel_loop3A_476 = arith.addf %parallel_loop3A_419, %parallel_loop3A_475 : vector<16xf32>
      %parallel_loop3A_477 = tpu.all_reduce %parallel_loop3A_472 {dim = 0 : i64, kind = #tpu.reduction_kind<sum>} : vector<16xi1> -> vector<16xi32>
      %parallel_loop3A_478 = arith.addi %parallel_loop3A_421, %parallel_loop3A_477 : vector<16xi32>
      %parallel_loop3A_479 = arith.constant 128 : i32
      %parallel_loop3A_480 = arith.muli %parallel_loop3A_134, %parallel_loop3A_479 : i32
      %parallel_loop3A_481 = arith.constant 96 : i32
      %parallel_loop3A_482 = arith.addi %parallel_loop3A_480, %parallel_loop3A_481 : i32
      %parallel_loop3A_483 = arith.index_cast %parallel_loop3A_482 : i32 to index
      %parallel_loop3A_484 = tpu.vector_load %arg5[%parallel_loop3A_483] {strides = array<i32>} : memref<8192xi32, #tpu.memory_space<vmem>>, vector<16xi32>,
      %parallel_loop3A_485 = arith.constant 256 : i32
      %parallel_loop3A_486 = arith.muli %parallel_loop3A_134, %parallel_loop3A_485 : i32
      %parallel_loop3A_487 = arith.constant 96 : i32
      %parallel_loop3A_488 = arith.addi %parallel_loop3A_486, %parallel_loop3A_487 : i32
      %parallel_loop3A_489 = arith.index_cast %parallel_loop3A_488 : i32 to index
      %parallel_loop3A_490 = tpu.vector_load %arg7[%parallel_loop3A_489] {strides = array<i32>} : memref<16384xf32, #tpu.memory_space<vmem>>, vector<16xf32>,
      %parallel_loop3A_491 = arith.constant 256 : i32
      %parallel_loop3A_492 = arith.muli %parallel_loop3A_134, %parallel_loop3A_491 : i32
      %parallel_loop3A_493 = arith.constant 128 : i32
      %parallel_loop3A_494 = arith.addi %parallel_loop3A_492, %parallel_loop3A_493 : i32
      %parallel_loop3A_495 = arith.constant 96 : i32
      %parallel_loop3A_496 = arith.addi %parallel_loop3A_494, %parallel_loop3A_495 : i32
      %parallel_loop3A_497 = arith.index_cast %parallel_loop3A_496 : i32 to index
      %parallel_loop3A_498 = tpu.vector_load %arg7[%parallel_loop3A_497] {strides = array<i32>} : memref<16384xf32, #tpu.memory_space<vmem>>, vector<16xf32>,
      %parallel_loop3A_499 = arith.subf %parallel_loop3A_490, %parallel_loop3A_498 : vector<16xf32>
      %parallel_loop3A_500 = arith.constant 0.000000e+00 : f32
      %parallel_loop3A_501 = vector.broadcast %parallel_loop3A_500 : f32 to vector<16xf32>
      %parallel_loop3A_502 = arith.subf %parallel_loop3A_501, %parallel_loop3A_499 : vector<16xf32>
      %parallel_loop3A_503 = arith.minimumf %parallel_loop3A_499, %parallel_loop3A_502 : vector<16xf32>
      %parallel_loop3A_504 = math.exp %parallel_loop3A_503 : vector<16xf32>
      %parallel_loop3A_505 = arith.constant 0.106684729 : f32
      %parallel_loop3A_506 = vector.broadcast %parallel_loop3A_505 : f32 to vector<16xf32>
      %parallel_loop3A_507 = arith.mulf %parallel_loop3A_506, %parallel_loop3A_504 : vector<16xf32>
      %parallel_loop3A_508 = arith.constant -0.393535793 : f32
      %parallel_loop3A_509 = vector.broadcast %parallel_loop3A_508 : f32 to vector<16xf32>
      %parallel_loop3A_510 = arith.addf %parallel_loop3A_507, %parallel_loop3A_509 : vector<16xf32>
      %parallel_loop3A_511 = arith.mulf %parallel_loop3A_510, %parallel_loop3A_504 : vector<16xf32>
      %parallel_loop3A_512 = arith.constant 0.979753434 : f32
      %parallel_loop3A_513 = vector.broadcast %parallel_loop3A_512 : f32 to vector<16xf32>
      %parallel_loop3A_514 = arith.addf %parallel_loop3A_511, %parallel_loop3A_513 : vector<16xf32>
      %parallel_loop3A_515 = arith.mulf %parallel_loop3A_514, %parallel_loop3A_504 : vector<16xf32>
      %parallel_loop3A_516 = arith.constant 9.25032131E-4 : f32
      %parallel_loop3A_517 = vector.broadcast %parallel_loop3A_516 : f32 to vector<16xf32>
      %parallel_loop3A_518 = arith.addf %parallel_loop3A_515, %parallel_loop3A_517 : vector<16xf32>
      %parallel_loop3A_519 = arith.constant 1 : i32
      %parallel_loop3A_520 = vector.broadcast %parallel_loop3A_519 : i32 to vector<16xi32>
      %parallel_loop3A_521 = arith.cmpi eq, %parallel_loop3A_484, %parallel_loop3A_520 : vector<16xi32>
      %parallel_loop3A_522 = arith.select %parallel_loop3A_521, %parallel_loop3A_499, %parallel_loop3A_502 : vector<16xi1>, vector<16xf32>
      %parallel_loop3A_523 = arith.constant 0.000000e+00 : f32
      %parallel_loop3A_524 = vector.broadcast %parallel_loop3A_523 : f32 to vector<16xf32>
      %parallel_loop3A_525 = arith.maximumf %parallel_loop3A_522, %parallel_loop3A_524 : vector<16xf32>
      %parallel_loop3A_526 = arith.addf %parallel_loop3A_525, %parallel_loop3A_518 : vector<16xf32>
      %parallel_loop3A_527 = arith.constant 0 : i32
      %parallel_loop3A_528 = vector.broadcast %parallel_loop3A_527 : i32 to vector<16xi32>
      %parallel_loop3A_529 = arith.cmpi ne, %parallel_loop3A_484, %parallel_loop3A_528 : vector<16xi32>
      %parallel_loop3A_530 = arith.constant 0.000000e+00 : f32
      %parallel_loop3A_531 = vector.broadcast %parallel_loop3A_530 : f32 to vector<16xf32>
      %parallel_loop3A_532 = arith.select %parallel_loop3A_529, %parallel_loop3A_526, %parallel_loop3A_531 : vector<16xi1>, vector<16xf32>
      %parallel_loop3A_533 = arith.addf %parallel_loop3A_476, %parallel_loop3A_532 : vector<16xf32>
      %parallel_loop3A_534 = tpu.all_reduce %parallel_loop3A_529 {dim = 0 : i64, kind = #tpu.reduction_kind<sum>} : vector<16xi1> -> vector<16xi32>
      %parallel_loop3A_535 = arith.addi %parallel_loop3A_478, %parallel_loop3A_534 : vector<16xi32>
      %parallel_loop3A_536 = arith.constant 128 : i32
      %parallel_loop3A_537 = arith.muli %parallel_loop3A_134, %parallel_loop3A_536 : i32
      %parallel_loop3A_538 = arith.constant 112 : i32
      %parallel_loop3A_539 = arith.addi %parallel_loop3A_537, %parallel_loop3A_538 : i32
      %parallel_loop3A_540 = arith.index_cast %parallel_loop3A_539 : i32 to index
      %parallel_loop3A_541 = tpu.vector_load %arg5[%parallel_loop3A_540] {strides = array<i32>} : memref<8192xi32, #tpu.memory_space<vmem>>, vector<16xi32>,
      %parallel_loop3A_542 = arith.constant 256 : i32
      %parallel_loop3A_543 = arith.muli %parallel_loop3A_134, %parallel_loop3A_542 : i32
      %parallel_loop3A_544 = arith.constant 112 : i32
      %parallel_loop3A_545 = arith.addi %parallel_loop3A_543, %parallel_loop3A_544 : i32
      %parallel_loop3A_546 = arith.index_cast %parallel_loop3A_545 : i32 to index
      %parallel_loop3A_547 = tpu.vector_load %arg7[%parallel_loop3A_546] {strides = array<i32>} : memref<16384xf32, #tpu.memory_space<vmem>>, vector<16xf32>,
      %parallel_loop3A_548 = arith.constant 256 : i32
      %parallel_loop3A_549 = arith.muli %parallel_loop3A_134, %parallel_loop3A_548 : i32
      %parallel_loop3A_550 = arith.constant 128 : i32
      %parallel_loop3A_551 = arith.addi %parallel_loop3A_549, %parallel_loop3A_550 : i32
      %parallel_loop3A_552 = arith.constant 112 : i32
      %parallel_loop3A_553 = arith.addi %parallel_loop3A_551, %parallel_loop3A_552 : i32
      %parallel_loop3A_554 = arith.index_cast %parallel_loop3A_553 : i32 to index
      %parallel_loop3A_555 = tpu.vector_load %arg7[%parallel_loop3A_554] {strides = array<i32>} : memref<16384xf32, #tpu.memory_space<vmem>>, vector<16xf32>,
      %parallel_loop3A_556 = arith.subf %parallel_loop3A_547, %parallel_loop3A_555 : vector<16xf32>
      %parallel_loop3A_557 = arith.constant 0.000000e+00 : f32
      %parallel_loop3A_558 = vector.broadcast %parallel_loop3A_557 : f32 to vector<16xf32>
      %parallel_loop3A_559 = arith.subf %parallel_loop3A_558, %parallel_loop3A_556 : vector<16xf32>
      %parallel_loop3A_560 = arith.minimumf %parallel_loop3A_556, %parallel_loop3A_559 : vector<16xf32>
      %parallel_loop3A_561 = math.exp %parallel_loop3A_560 : vector<16xf32>
      %parallel_loop3A_562 = arith.constant 0.106684729 : f32
      %parallel_loop3A_563 = vector.broadcast %parallel_loop3A_562 : f32 to vector<16xf32>
      %parallel_loop3A_564 = arith.mulf %parallel_loop3A_563, %parallel_loop3A_561 : vector<16xf32>
      %parallel_loop3A_565 = arith.constant -0.393535793 : f32
      %parallel_loop3A_566 = vector.broadcast %parallel_loop3A_565 : f32 to vector<16xf32>
      %parallel_loop3A_567 = arith.addf %parallel_loop3A_564, %parallel_loop3A_566 : vector<16xf32>
      %parallel_loop3A_568 = arith.mulf %parallel_loop3A_567, %parallel_loop3A_561 : vector<16xf32>
      %parallel_loop3A_569 = arith.constant 0.979753434 : f32
      %parallel_loop3A_570 = vector.broadcast %parallel_loop3A_569 : f32 to vector<16xf32>
      %parallel_loop3A_571 = arith.addf %parallel_loop3A_568, %parallel_loop3A_570 : vector<16xf32>
      %parallel_loop3A_572 = arith.mulf %parallel_loop3A_571, %parallel_loop3A_561 : vector<16xf32>
      %parallel_loop3A_573 = arith.constant 9.25032131E-4 : f32
      %parallel_loop3A_574 = vector.broadcast %parallel_loop3A_573 : f32 to vector<16xf32>
      %parallel_loop3A_575 = arith.addf %parallel_loop3A_572, %parallel_loop3A_574 : vector<16xf32>
      %parallel_loop3A_576 = arith.constant 1 : i32
      %parallel_loop3A_577 = vector.broadcast %parallel_loop3A_576 : i32 to vector<16xi32>
      %parallel_loop3A_578 = arith.cmpi eq, %parallel_loop3A_541, %parallel_loop3A_577 : vector<16xi32>
      %parallel_loop3A_579 = arith.select %parallel_loop3A_578, %parallel_loop3A_556, %parallel_loop3A_559 : vector<16xi1>, vector<16xf32>
      %parallel_loop3A_580 = arith.constant 0.000000e+00 : f32
      %parallel_loop3A_581 = vector.broadcast %parallel_loop3A_580 : f32 to vector<16xf32>
      %parallel_loop3A_582 = arith.maximumf %parallel_loop3A_579, %parallel_loop3A_581 : vector<16xf32>
      %parallel_loop3A_583 = arith.addf %parallel_loop3A_582, %parallel_loop3A_575 : vector<16xf32>
      %parallel_loop3A_584 = arith.constant 0 : i32
      %parallel_loop3A_585 = vector.broadcast %parallel_loop3A_584 : i32 to vector<16xi32>
      %parallel_loop3A_586 = arith.cmpi ne, %parallel_loop3A_541, %parallel_loop3A_585 : vector<16xi32>
      %parallel_loop3A_587 = arith.constant 0.000000e+00 : f32
      %parallel_loop3A_588 = vector.broadcast %parallel_loop3A_587 : f32 to vector<16xf32>
      %parallel_loop3A_589 = arith.select %parallel_loop3A_586, %parallel_loop3A_583, %parallel_loop3A_588 : vector<16xi1>, vector<16xf32>
      %parallel_loop3A_590 = arith.addf %parallel_loop3A_533, %parallel_loop3A_589 : vector<16xf32>
      %parallel_loop3A_591 = tpu.all_reduce %parallel_loop3A_586 {dim = 0 : i64, kind = #tpu.reduction_kind<sum>} : vector<16xi1> -> vector<16xi32>
      %parallel_loop3A_592 = arith.addi %parallel_loop3A_535, %parallel_loop3A_591 : vector<16xi32>
      scf.yield %parallel_loop3A_590, %parallel_loop3A_592 : vector<16xf32>, vector<16xi32>
    } {sc.loop_unroll_factor = 1 : i64, sc.parallel_access}
    %add3A_59 = arith.constant 32768 : i32
    %add3A_60 = arith.addi %mul3A_2, %add3A_59 : i32
    %dma_start3A_61 = tpu.memref_slice %arg2[%add3A_60] : memref<2097152xi32, #tpu.memory_space<hbm>> -> memref<8192xi32, #tpu.memory_space<hbm>>
    %dma_start3A_62 = tpu.memref_slice %arg2[%add3A_60] : memref<2097152xi32, #tpu.memory_space<hbm>> -> memref<8192xi32, #tpu.memory_space<hbm>>
    tpu.enqueue_dma source(%dma_start3A_62 : memref<8192xi32, #tpu.memory_space<hbm>>) target(%arg5 : memref<8192xi32, #tpu.memory_space<vmem>>) target_semaphore(%arg10 : memref<!tpu.dma_semaphore, #tpu.memory_space<semaphore_mem>>)
    %mul3A_63 = arith.constant 2 : i32
    %mul3A_64 = arith.muli %mul3A_63, %add3A_60 : i32
    %dma_start3A_65 = tpu.memref_slice %arg3[%mul3A_64] : memref<4194304xf32, #tpu.memory_space<hbm>> -> memref<16384xf32, #tpu.memory_space<hbm>>
    %dma_start3A_66 = tpu.memref_slice %arg3[%mul3A_64] : memref<4194304xf32, #tpu.memory_space<hbm>> -> memref<16384xf32, #tpu.memory_space<hbm>>
    tpu.enqueue_dma source(%dma_start3A_66 : memref<16384xf32, #tpu.memory_space<hbm>>) target(%arg7 : memref<16384xf32, #tpu.memory_space<vmem>>) target_semaphore(%arg12 : memref<!tpu.dma_semaphore, #tpu.memory_space<semaphore_mem>>)
    %dma_wait3A_67 = tpu.memref_slice %arg2[%add3A_44] : memref<2097152xi32, #tpu.memory_space<hbm>> -> memref<8192xi32, #tpu.memory_space<hbm>>
    %dma_wait3A_68 = tpu.memref_slice %arg2[%add3A_44] : memref<2097152xi32, #tpu.memory_space<hbm>> -> memref<8192xi32, #tpu.memory_space<hbm>>
    tpu.wait_dma2 semaphore(%arg11 : memref<!tpu.dma_semaphore, #tpu.memory_space<semaphore_mem>>) src(%dma_wait3A_68 : memref<8192xi32, #tpu.memory_space<hbm>>) dst(%arg6 : memref<8192xi32, #tpu.memory_space<vmem>>)
    %dma_wait3A_69 = tpu.memref_slice %arg3[%mul3A_48] : memref<4194304xf32, #tpu.memory_space<hbm>> -> memref<16384xf32, #tpu.memory_space<hbm>>
    %dma_wait3A_70 = tpu.memref_slice %arg3[%mul3A_48] : memref<4194304xf32, #tpu.memory_space<hbm>> -> memref<16384xf32, #tpu.memory_space<hbm>>
    tpu.wait_dma2 semaphore(%arg13 : memref<!tpu.dma_semaphore, #tpu.memory_space<semaphore_mem>>) src(%dma_wait3A_70 : memref<16384xf32, #tpu.memory_space<hbm>>) dst(%arg8 : memref<16384xf32, #tpu.memory_space<vmem>>)
    %parallel_loop3A_71 = arith.constant 0 : i32
    %parallel_loop3A_72 = arith.constant 64 : i32
    %parallel_loop3A_73 = arith.constant 1 : i32
    %parallel_loop3A_74:2 = scf.for %parallel_loop3A_134 = %parallel_loop3A_71 to %parallel_loop3A_72 step %parallel_loop3A_73 iter_args(%parallel_loop3A_135 = %parallel_loop3A_58#0, %parallel_loop3A_136 = %parallel_loop3A_58#1) -> (vector<16xf32>, vector<16xi32>)  : i32 {
      %parallel_loop3A_137 = arith.constant 128 : i32
      %parallel_loop3A_138 = arith.muli %parallel_loop3A_134, %parallel_loop3A_137 : i32
      %parallel_loop3A_139 = arith.constant 0 : i32
      %parallel_loop3A_140 = arith.addi %parallel_loop3A_138, %parallel_loop3A_139 : i32
      %parallel_loop3A_141 = arith.index_cast %parallel_loop3A_140 : i32 to index
      %parallel_loop3A_142 = tpu.vector_load %arg6[%parallel_loop3A_141] {strides = array<i32>} : memref<8192xi32, #tpu.memory_space<vmem>>, vector<16xi32>,
      %parallel_loop3A_143 = arith.constant 256 : i32
      %parallel_loop3A_144 = arith.muli %parallel_loop3A_134, %parallel_loop3A_143 : i32
      %parallel_loop3A_145 = arith.constant 0 : i32
      %parallel_loop3A_146 = arith.addi %parallel_loop3A_144, %parallel_loop3A_145 : i32
      %parallel_loop3A_147 = arith.index_cast %parallel_loop3A_146 : i32 to index
      %parallel_loop3A_148 = tpu.vector_load %arg8[%parallel_loop3A_147] {strides = array<i32>} : memref<16384xf32, #tpu.memory_space<vmem>>, vector<16xf32>,
      %parallel_loop3A_149 = arith.constant 256 : i32
      %parallel_loop3A_150 = arith.muli %parallel_loop3A_134, %parallel_loop3A_149 : i32
      %parallel_loop3A_151 = arith.constant 128 : i32
      %parallel_loop3A_152 = arith.addi %parallel_loop3A_150, %parallel_loop3A_151 : i32
      %parallel_loop3A_153 = arith.constant 0 : i32
      %parallel_loop3A_154 = arith.addi %parallel_loop3A_152, %parallel_loop3A_153 : i32
      %parallel_loop3A_155 = arith.index_cast %parallel_loop3A_154 : i32 to index
      %parallel_loop3A_156 = tpu.vector_load %arg8[%parallel_loop3A_155] {strides = array<i32>} : memref<16384xf32, #tpu.memory_space<vmem>>, vector<16xf32>,
      %parallel_loop3A_157 = arith.subf %parallel_loop3A_148, %parallel_loop3A_156 : vector<16xf32>
      %parallel_loop3A_158 = arith.constant 0.000000e+00 : f32
      %parallel_loop3A_159 = vector.broadcast %parallel_loop3A_158 : f32 to vector<16xf32>
      %parallel_loop3A_160 = arith.subf %parallel_loop3A_159, %parallel_loop3A_157 : vector<16xf32>
      %parallel_loop3A_161 = arith.minimumf %parallel_loop3A_157, %parallel_loop3A_160 : vector<16xf32>
      %parallel_loop3A_162 = math.exp %parallel_loop3A_161 : vector<16xf32>
      %parallel_loop3A_163 = arith.constant 0.106684729 : f32
      %parallel_loop3A_164 = vector.broadcast %parallel_loop3A_163 : f32 to vector<16xf32>
      %parallel_loop3A_165 = arith.mulf %parallel_loop3A_164, %parallel_loop3A_162 : vector<16xf32>
      %parallel_loop3A_166 = arith.constant -0.393535793 : f32
      %parallel_loop3A_167 = vector.broadcast %parallel_loop3A_166 : f32 to vector<16xf32>
      %parallel_loop3A_168 = arith.addf %parallel_loop3A_165, %parallel_loop3A_167 : vector<16xf32>
      %parallel_loop3A_169 = arith.mulf %parallel_loop3A_168, %parallel_loop3A_162 : vector<16xf32>
      %parallel_loop3A_170 = arith.constant 0.979753434 : f32
      %parallel_loop3A_171 = vector.broadcast %parallel_loop3A_170 : f32 to vector<16xf32>
      %parallel_loop3A_172 = arith.addf %parallel_loop3A_169, %parallel_loop3A_171 : vector<16xf32>
      %parallel_loop3A_173 = arith.mulf %parallel_loop3A_172, %parallel_loop3A_162 : vector<16xf32>
      %parallel_loop3A_174 = arith.constant 9.25032131E-4 : f32
      %parallel_loop3A_175 = vector.broadcast %parallel_loop3A_174 : f32 to vector<16xf32>
      %parallel_loop3A_176 = arith.addf %parallel_loop3A_173, %parallel_loop3A_175 : vector<16xf32>
      %parallel_loop3A_177 = arith.constant 1 : i32
      %parallel_loop3A_178 = vector.broadcast %parallel_loop3A_177 : i32 to vector<16xi32>
      %parallel_loop3A_179 = arith.cmpi eq, %parallel_loop3A_142, %parallel_loop3A_178 : vector<16xi32>
      %parallel_loop3A_180 = arith.select %parallel_loop3A_179, %parallel_loop3A_157, %parallel_loop3A_160 : vector<16xi1>, vector<16xf32>
      %parallel_loop3A_181 = arith.constant 0.000000e+00 : f32
      %parallel_loop3A_182 = vector.broadcast %parallel_loop3A_181 : f32 to vector<16xf32>
      %parallel_loop3A_183 = arith.maximumf %parallel_loop3A_180, %parallel_loop3A_182 : vector<16xf32>
      %parallel_loop3A_184 = arith.addf %parallel_loop3A_183, %parallel_loop3A_176 : vector<16xf32>
      %parallel_loop3A_185 = arith.constant 0 : i32
      %parallel_loop3A_186 = vector.broadcast %parallel_loop3A_185 : i32 to vector<16xi32>
      %parallel_loop3A_187 = arith.cmpi ne, %parallel_loop3A_142, %parallel_loop3A_186 : vector<16xi32>
      %parallel_loop3A_188 = arith.constant 0.000000e+00 : f32
      %parallel_loop3A_189 = vector.broadcast %parallel_loop3A_188 : f32 to vector<16xf32>
      %parallel_loop3A_190 = arith.select %parallel_loop3A_187, %parallel_loop3A_184, %parallel_loop3A_189 : vector<16xi1>, vector<16xf32>
      %parallel_loop3A_191 = arith.addf %parallel_loop3A_135, %parallel_loop3A_190 : vector<16xf32>
      %parallel_loop3A_192 = tpu.all_reduce %parallel_loop3A_187 {dim = 0 : i64, kind = #tpu.reduction_kind<sum>} : vector<16xi1> -> vector<16xi32>
      %parallel_loop3A_193 = arith.addi %parallel_loop3A_136, %parallel_loop3A_192 : vector<16xi32>
      %parallel_loop3A_194 = arith.constant 128 : i32
      %parallel_loop3A_195 = arith.muli %parallel_loop3A_134, %parallel_loop3A_194 : i32
      %parallel_loop3A_196 = arith.constant 16 : i32
      %parallel_loop3A_197 = arith.addi %parallel_loop3A_195, %parallel_loop3A_196 : i32
      %parallel_loop3A_198 = arith.index_cast %parallel_loop3A_197 : i32 to index
      %parallel_loop3A_199 = tpu.vector_load %arg6[%parallel_loop3A_198] {strides = array<i32>} : memref<8192xi32, #tpu.memory_space<vmem>>, vector<16xi32>,
      %parallel_loop3A_200 = arith.constant 256 : i32
      %parallel_loop3A_201 = arith.muli %parallel_loop3A_134, %parallel_loop3A_200 : i32
      %parallel_loop3A_202 = arith.constant 16 : i32
      %parallel_loop3A_203 = arith.addi %parallel_loop3A_201, %parallel_loop3A_202 : i32
      %parallel_loop3A_204 = arith.index_cast %parallel_loop3A_203 : i32 to index
      %parallel_loop3A_205 = tpu.vector_load %arg8[%parallel_loop3A_204] {strides = array<i32>} : memref<16384xf32, #tpu.memory_space<vmem>>, vector<16xf32>,
      %parallel_loop3A_206 = arith.constant 256 : i32
      %parallel_loop3A_207 = arith.muli %parallel_loop3A_134, %parallel_loop3A_206 : i32
      %parallel_loop3A_208 = arith.constant 128 : i32
      %parallel_loop3A_209 = arith.addi %parallel_loop3A_207, %parallel_loop3A_208 : i32
      %parallel_loop3A_210 = arith.constant 16 : i32
      %parallel_loop3A_211 = arith.addi %parallel_loop3A_209, %parallel_loop3A_210 : i32
      %parallel_loop3A_212 = arith.index_cast %parallel_loop3A_211 : i32 to index
      %parallel_loop3A_213 = tpu.vector_load %arg8[%parallel_loop3A_212] {strides = array<i32>} : memref<16384xf32, #tpu.memory_space<vmem>>, vector<16xf32>,
      %parallel_loop3A_214 = arith.subf %parallel_loop3A_205, %parallel_loop3A_213 : vector<16xf32>
      %parallel_loop3A_215 = arith.constant 0.000000e+00 : f32
      %parallel_loop3A_216 = vector.broadcast %parallel_loop3A_215 : f32 to vector<16xf32>
      %parallel_loop3A_217 = arith.subf %parallel_loop3A_216, %parallel_loop3A_214 : vector<16xf32>
      %parallel_loop3A_218 = arith.minimumf %parallel_loop3A_214, %parallel_loop3A_217 : vector<16xf32>
      %parallel_loop3A_219 = math.exp %parallel_loop3A_218 : vector<16xf32>
      %parallel_loop3A_220 = arith.constant 0.106684729 : f32
      %parallel_loop3A_221 = vector.broadcast %parallel_loop3A_220 : f32 to vector<16xf32>
      %parallel_loop3A_222 = arith.mulf %parallel_loop3A_221, %parallel_loop3A_219 : vector<16xf32>
      %parallel_loop3A_223 = arith.constant -0.393535793 : f32
      %parallel_loop3A_224 = vector.broadcast %parallel_loop3A_223 : f32 to vector<16xf32>
      %parallel_loop3A_225 = arith.addf %parallel_loop3A_222, %parallel_loop3A_224 : vector<16xf32>
      %parallel_loop3A_226 = arith.mulf %parallel_loop3A_225, %parallel_loop3A_219 : vector<16xf32>
      %parallel_loop3A_227 = arith.constant 0.979753434 : f32
      %parallel_loop3A_228 = vector.broadcast %parallel_loop3A_227 : f32 to vector<16xf32>
      %parallel_loop3A_229 = arith.addf %parallel_loop3A_226, %parallel_loop3A_228 : vector<16xf32>
      %parallel_loop3A_230 = arith.mulf %parallel_loop3A_229, %parallel_loop3A_219 : vector<16xf32>
      %parallel_loop3A_231 = arith.constant 9.25032131E-4 : f32
      %parallel_loop3A_232 = vector.broadcast %parallel_loop3A_231 : f32 to vector<16xf32>
      %parallel_loop3A_233 = arith.addf %parallel_loop3A_230, %parallel_loop3A_232 : vector<16xf32>
      %parallel_loop3A_234 = arith.constant 1 : i32
      %parallel_loop3A_235 = vector.broadcast %parallel_loop3A_234 : i32 to vector<16xi32>
      %parallel_loop3A_236 = arith.cmpi eq, %parallel_loop3A_199, %parallel_loop3A_235 : vector<16xi32>
      %parallel_loop3A_237 = arith.select %parallel_loop3A_236, %parallel_loop3A_214, %parallel_loop3A_217 : vector<16xi1>, vector<16xf32>
      %parallel_loop3A_238 = arith.constant 0.000000e+00 : f32
      %parallel_loop3A_239 = vector.broadcast %parallel_loop3A_238 : f32 to vector<16xf32>
      %parallel_loop3A_240 = arith.maximumf %parallel_loop3A_237, %parallel_loop3A_239 : vector<16xf32>
      %parallel_loop3A_241 = arith.addf %parallel_loop3A_240, %parallel_loop3A_233 : vector<16xf32>
      %parallel_loop3A_242 = arith.constant 0 : i32
      %parallel_loop3A_243 = vector.broadcast %parallel_loop3A_242 : i32 to vector<16xi32>
      %parallel_loop3A_244 = arith.cmpi ne, %parallel_loop3A_199, %parallel_loop3A_243 : vector<16xi32>
      %parallel_loop3A_245 = arith.constant 0.000000e+00 : f32
      %parallel_loop3A_246 = vector.broadcast %parallel_loop3A_245 : f32 to vector<16xf32>
      %parallel_loop3A_247 = arith.select %parallel_loop3A_244, %parallel_loop3A_241, %parallel_loop3A_246 : vector<16xi1>, vector<16xf32>
      %parallel_loop3A_248 = arith.addf %parallel_loop3A_191, %parallel_loop3A_247 : vector<16xf32>
      %parallel_loop3A_249 = tpu.all_reduce %parallel_loop3A_244 {dim = 0 : i64, kind = #tpu.reduction_kind<sum>} : vector<16xi1> -> vector<16xi32>
      %parallel_loop3A_250 = arith.addi %parallel_loop3A_193, %parallel_loop3A_249 : vector<16xi32>
      %parallel_loop3A_251 = arith.constant 128 : i32
      %parallel_loop3A_252 = arith.muli %parallel_loop3A_134, %parallel_loop3A_251 : i32
      %parallel_loop3A_253 = arith.constant 32 : i32
      %parallel_loop3A_254 = arith.addi %parallel_loop3A_252, %parallel_loop3A_253 : i32
      %parallel_loop3A_255 = arith.index_cast %parallel_loop3A_254 : i32 to index
      %parallel_loop3A_256 = tpu.vector_load %arg6[%parallel_loop3A_255] {strides = array<i32>} : memref<8192xi32, #tpu.memory_space<vmem>>, vector<16xi32>,
      %parallel_loop3A_257 = arith.constant 256 : i32
      %parallel_loop3A_258 = arith.muli %parallel_loop3A_134, %parallel_loop3A_257 : i32
      %parallel_loop3A_259 = arith.constant 32 : i32
      %parallel_loop3A_260 = arith.addi %parallel_loop3A_258, %parallel_loop3A_259 : i32
      %parallel_loop3A_261 = arith.index_cast %parallel_loop3A_260 : i32 to index
      %parallel_loop3A_262 = tpu.vector_load %arg8[%parallel_loop3A_261] {strides = array<i32>} : memref<16384xf32, #tpu.memory_space<vmem>>, vector<16xf32>,
      %parallel_loop3A_263 = arith.constant 256 : i32
      %parallel_loop3A_264 = arith.muli %parallel_loop3A_134, %parallel_loop3A_263 : i32
      %parallel_loop3A_265 = arith.constant 128 : i32
      %parallel_loop3A_266 = arith.addi %parallel_loop3A_264, %parallel_loop3A_265 : i32
      %parallel_loop3A_267 = arith.constant 32 : i32
      %parallel_loop3A_268 = arith.addi %parallel_loop3A_266, %parallel_loop3A_267 : i32
      %parallel_loop3A_269 = arith.index_cast %parallel_loop3A_268 : i32 to index
      %parallel_loop3A_270 = tpu.vector_load %arg8[%parallel_loop3A_269] {strides = array<i32>} : memref<16384xf32, #tpu.memory_space<vmem>>, vector<16xf32>,
      %parallel_loop3A_271 = arith.subf %parallel_loop3A_262, %parallel_loop3A_270 : vector<16xf32>
      %parallel_loop3A_272 = arith.constant 0.000000e+00 : f32
      %parallel_loop3A_273 = vector.broadcast %parallel_loop3A_272 : f32 to vector<16xf32>
      %parallel_loop3A_274 = arith.subf %parallel_loop3A_273, %parallel_loop3A_271 : vector<16xf32>
      %parallel_loop3A_275 = arith.minimumf %parallel_loop3A_271, %parallel_loop3A_274 : vector<16xf32>
      %parallel_loop3A_276 = math.exp %parallel_loop3A_275 : vector<16xf32>
      %parallel_loop3A_277 = arith.constant 0.106684729 : f32
      %parallel_loop3A_278 = vector.broadcast %parallel_loop3A_277 : f32 to vector<16xf32>
      %parallel_loop3A_279 = arith.mulf %parallel_loop3A_278, %parallel_loop3A_276 : vector<16xf32>
      %parallel_loop3A_280 = arith.constant -0.393535793 : f32
      %parallel_loop3A_281 = vector.broadcast %parallel_loop3A_280 : f32 to vector<16xf32>
      %parallel_loop3A_282 = arith.addf %parallel_loop3A_279, %parallel_loop3A_281 : vector<16xf32>
      %parallel_loop3A_283 = arith.mulf %parallel_loop3A_282, %parallel_loop3A_276 : vector<16xf32>
      %parallel_loop3A_284 = arith.constant 0.979753434 : f32
      %parallel_loop3A_285 = vector.broadcast %parallel_loop3A_284 : f32 to vector<16xf32>
      %parallel_loop3A_286 = arith.addf %parallel_loop3A_283, %parallel_loop3A_285 : vector<16xf32>
      %parallel_loop3A_287 = arith.mulf %parallel_loop3A_286, %parallel_loop3A_276 : vector<16xf32>
      %parallel_loop3A_288 = arith.constant 9.25032131E-4 : f32
      %parallel_loop3A_289 = vector.broadcast %parallel_loop3A_288 : f32 to vector<16xf32>
      %parallel_loop3A_290 = arith.addf %parallel_loop3A_287, %parallel_loop3A_289 : vector<16xf32>
      %parallel_loop3A_291 = arith.constant 1 : i32
      %parallel_loop3A_292 = vector.broadcast %parallel_loop3A_291 : i32 to vector<16xi32>
      %parallel_loop3A_293 = arith.cmpi eq, %parallel_loop3A_256, %parallel_loop3A_292 : vector<16xi32>
      %parallel_loop3A_294 = arith.select %parallel_loop3A_293, %parallel_loop3A_271, %parallel_loop3A_274 : vector<16xi1>, vector<16xf32>
      %parallel_loop3A_295 = arith.constant 0.000000e+00 : f32
      %parallel_loop3A_296 = vector.broadcast %parallel_loop3A_295 : f32 to vector<16xf32>
      %parallel_loop3A_297 = arith.maximumf %parallel_loop3A_294, %parallel_loop3A_296 : vector<16xf32>
      %parallel_loop3A_298 = arith.addf %parallel_loop3A_297, %parallel_loop3A_290 : vector<16xf32>
      %parallel_loop3A_299 = arith.constant 0 : i32
      %parallel_loop3A_300 = vector.broadcast %parallel_loop3A_299 : i32 to vector<16xi32>
      %parallel_loop3A_301 = arith.cmpi ne, %parallel_loop3A_256, %parallel_loop3A_300 : vector<16xi32>
      %parallel_loop3A_302 = arith.constant 0.000000e+00 : f32
      %parallel_loop3A_303 = vector.broadcast %parallel_loop3A_302 : f32 to vector<16xf32>
      %parallel_loop3A_304 = arith.select %parallel_loop3A_301, %parallel_loop3A_298, %parallel_loop3A_303 : vector<16xi1>, vector<16xf32>
      %parallel_loop3A_305 = arith.addf %parallel_loop3A_248, %parallel_loop3A_304 : vector<16xf32>
      %parallel_loop3A_306 = tpu.all_reduce %parallel_loop3A_301 {dim = 0 : i64, kind = #tpu.reduction_kind<sum>} : vector<16xi1> -> vector<16xi32>
      %parallel_loop3A_307 = arith.addi %parallel_loop3A_250, %parallel_loop3A_306 : vector<16xi32>
      %parallel_loop3A_308 = arith.constant 128 : i32
      %parallel_loop3A_309 = arith.muli %parallel_loop3A_134, %parallel_loop3A_308 : i32
      %parallel_loop3A_310 = arith.constant 48 : i32
      %parallel_loop3A_311 = arith.addi %parallel_loop3A_309, %parallel_loop3A_310 : i32
      %parallel_loop3A_312 = arith.index_cast %parallel_loop3A_311 : i32 to index
      %parallel_loop3A_313 = tpu.vector_load %arg6[%parallel_loop3A_312] {strides = array<i32>} : memref<8192xi32, #tpu.memory_space<vmem>>, vector<16xi32>,
      %parallel_loop3A_314 = arith.constant 256 : i32
      %parallel_loop3A_315 = arith.muli %parallel_loop3A_134, %parallel_loop3A_314 : i32
      %parallel_loop3A_316 = arith.constant 48 : i32
      %parallel_loop3A_317 = arith.addi %parallel_loop3A_315, %parallel_loop3A_316 : i32
      %parallel_loop3A_318 = arith.index_cast %parallel_loop3A_317 : i32 to index
      %parallel_loop3A_319 = tpu.vector_load %arg8[%parallel_loop3A_318] {strides = array<i32>} : memref<16384xf32, #tpu.memory_space<vmem>>, vector<16xf32>,
      %parallel_loop3A_320 = arith.constant 256 : i32
      %parallel_loop3A_321 = arith.muli %parallel_loop3A_134, %parallel_loop3A_320 : i32
      %parallel_loop3A_322 = arith.constant 128 : i32
      %parallel_loop3A_323 = arith.addi %parallel_loop3A_321, %parallel_loop3A_322 : i32
      %parallel_loop3A_324 = arith.constant 48 : i32
      %parallel_loop3A_325 = arith.addi %parallel_loop3A_323, %parallel_loop3A_324 : i32
      %parallel_loop3A_326 = arith.index_cast %parallel_loop3A_325 : i32 to index
      %parallel_loop3A_327 = tpu.vector_load %arg8[%parallel_loop3A_326] {strides = array<i32>} : memref<16384xf32, #tpu.memory_space<vmem>>, vector<16xf32>,
      %parallel_loop3A_328 = arith.subf %parallel_loop3A_319, %parallel_loop3A_327 : vector<16xf32>
      %parallel_loop3A_329 = arith.constant 0.000000e+00 : f32
      %parallel_loop3A_330 = vector.broadcast %parallel_loop3A_329 : f32 to vector<16xf32>
      %parallel_loop3A_331 = arith.subf %parallel_loop3A_330, %parallel_loop3A_328 : vector<16xf32>
      %parallel_loop3A_332 = arith.minimumf %parallel_loop3A_328, %parallel_loop3A_331 : vector<16xf32>
      %parallel_loop3A_333 = math.exp %parallel_loop3A_332 : vector<16xf32>
      %parallel_loop3A_334 = arith.constant 0.106684729 : f32
      %parallel_loop3A_335 = vector.broadcast %parallel_loop3A_334 : f32 to vector<16xf32>
      %parallel_loop3A_336 = arith.mulf %parallel_loop3A_335, %parallel_loop3A_333 : vector<16xf32>
      %parallel_loop3A_337 = arith.constant -0.393535793 : f32
      %parallel_loop3A_338 = vector.broadcast %parallel_loop3A_337 : f32 to vector<16xf32>
      %parallel_loop3A_339 = arith.addf %parallel_loop3A_336, %parallel_loop3A_338 : vector<16xf32>
      %parallel_loop3A_340 = arith.mulf %parallel_loop3A_339, %parallel_loop3A_333 : vector<16xf32>
      %parallel_loop3A_341 = arith.constant 0.979753434 : f32
      %parallel_loop3A_342 = vector.broadcast %parallel_loop3A_341 : f32 to vector<16xf32>
      %parallel_loop3A_343 = arith.addf %parallel_loop3A_340, %parallel_loop3A_342 : vector<16xf32>
      %parallel_loop3A_344 = arith.mulf %parallel_loop3A_343, %parallel_loop3A_333 : vector<16xf32>
      %parallel_loop3A_345 = arith.constant 9.25032131E-4 : f32
      %parallel_loop3A_346 = vector.broadcast %parallel_loop3A_345 : f32 to vector<16xf32>
      %parallel_loop3A_347 = arith.addf %parallel_loop3A_344, %parallel_loop3A_346 : vector<16xf32>
      %parallel_loop3A_348 = arith.constant 1 : i32
      %parallel_loop3A_349 = vector.broadcast %parallel_loop3A_348 : i32 to vector<16xi32>
      %parallel_loop3A_350 = arith.cmpi eq, %parallel_loop3A_313, %parallel_loop3A_349 : vector<16xi32>
      %parallel_loop3A_351 = arith.select %parallel_loop3A_350, %parallel_loop3A_328, %parallel_loop3A_331 : vector<16xi1>, vector<16xf32>
      %parallel_loop3A_352 = arith.constant 0.000000e+00 : f32
      %parallel_loop3A_353 = vector.broadcast %parallel_loop3A_352 : f32 to vector<16xf32>
      %parallel_loop3A_354 = arith.maximumf %parallel_loop3A_351, %parallel_loop3A_353 : vector<16xf32>
      %parallel_loop3A_355 = arith.addf %parallel_loop3A_354, %parallel_loop3A_347 : vector<16xf32>
      %parallel_loop3A_356 = arith.constant 0 : i32
      %parallel_loop3A_357 = vector.broadcast %parallel_loop3A_356 : i32 to vector<16xi32>
      %parallel_loop3A_358 = arith.cmpi ne, %parallel_loop3A_313, %parallel_loop3A_357 : vector<16xi32>
      %parallel_loop3A_359 = arith.constant 0.000000e+00 : f32
      %parallel_loop3A_360 = vector.broadcast %parallel_loop3A_359 : f32 to vector<16xf32>
      %parallel_loop3A_361 = arith.select %parallel_loop3A_358, %parallel_loop3A_355, %parallel_loop3A_360 : vector<16xi1>, vector<16xf32>
      %parallel_loop3A_362 = arith.addf %parallel_loop3A_305, %parallel_loop3A_361 : vector<16xf32>
      %parallel_loop3A_363 = tpu.all_reduce %parallel_loop3A_358 {dim = 0 : i64, kind = #tpu.reduction_kind<sum>} : vector<16xi1> -> vector<16xi32>
      %parallel_loop3A_364 = arith.addi %parallel_loop3A_307, %parallel_loop3A_363 : vector<16xi32>
      %parallel_loop3A_365 = arith.constant 128 : i32
      %parallel_loop3A_366 = arith.muli %parallel_loop3A_134, %parallel_loop3A_365 : i32
      %parallel_loop3A_367 = arith.constant 64 : i32
      %parallel_loop3A_368 = arith.addi %parallel_loop3A_366, %parallel_loop3A_367 : i32
      %parallel_loop3A_369 = arith.index_cast %parallel_loop3A_368 : i32 to index
      %parallel_loop3A_370 = tpu.vector_load %arg6[%parallel_loop3A_369] {strides = array<i32>} : memref<8192xi32, #tpu.memory_space<vmem>>, vector<16xi32>,
      %parallel_loop3A_371 = arith.constant 256 : i32
      %parallel_loop3A_372 = arith.muli %parallel_loop3A_134, %parallel_loop3A_371 : i32
      %parallel_loop3A_373 = arith.constant 64 : i32
      %parallel_loop3A_374 = arith.addi %parallel_loop3A_372, %parallel_loop3A_373 : i32
      %parallel_loop3A_375 = arith.index_cast %parallel_loop3A_374 : i32 to index
      %parallel_loop3A_376 = tpu.vector_load %arg8[%parallel_loop3A_375] {strides = array<i32>} : memref<16384xf32, #tpu.memory_space<vmem>>, vector<16xf32>,
      %parallel_loop3A_377 = arith.constant 256 : i32
      %parallel_loop3A_378 = arith.muli %parallel_loop3A_134, %parallel_loop3A_377 : i32
      %parallel_loop3A_379 = arith.constant 128 : i32
      %parallel_loop3A_380 = arith.addi %parallel_loop3A_378, %parallel_loop3A_379 : i32
      %parallel_loop3A_381 = arith.constant 64 : i32
      %parallel_loop3A_382 = arith.addi %parallel_loop3A_380, %parallel_loop3A_381 : i32
      %parallel_loop3A_383 = arith.index_cast %parallel_loop3A_382 : i32 to index
      %parallel_loop3A_384 = tpu.vector_load %arg8[%parallel_loop3A_383] {strides = array<i32>} : memref<16384xf32, #tpu.memory_space<vmem>>, vector<16xf32>,
      %parallel_loop3A_385 = arith.subf %parallel_loop3A_376, %parallel_loop3A_384 : vector<16xf32>
      %parallel_loop3A_386 = arith.constant 0.000000e+00 : f32
      %parallel_loop3A_387 = vector.broadcast %parallel_loop3A_386 : f32 to vector<16xf32>
      %parallel_loop3A_388 = arith.subf %parallel_loop3A_387, %parallel_loop3A_385 : vector<16xf32>
      %parallel_loop3A_389 = arith.minimumf %parallel_loop3A_385, %parallel_loop3A_388 : vector<16xf32>
      %parallel_loop3A_390 = math.exp %parallel_loop3A_389 : vector<16xf32>
      %parallel_loop3A_391 = arith.constant 0.106684729 : f32
      %parallel_loop3A_392 = vector.broadcast %parallel_loop3A_391 : f32 to vector<16xf32>
      %parallel_loop3A_393 = arith.mulf %parallel_loop3A_392, %parallel_loop3A_390 : vector<16xf32>
      %parallel_loop3A_394 = arith.constant -0.393535793 : f32
      %parallel_loop3A_395 = vector.broadcast %parallel_loop3A_394 : f32 to vector<16xf32>
      %parallel_loop3A_396 = arith.addf %parallel_loop3A_393, %parallel_loop3A_395 : vector<16xf32>
      %parallel_loop3A_397 = arith.mulf %parallel_loop3A_396, %parallel_loop3A_390 : vector<16xf32>
      %parallel_loop3A_398 = arith.constant 0.979753434 : f32
      %parallel_loop3A_399 = vector.broadcast %parallel_loop3A_398 : f32 to vector<16xf32>
      %parallel_loop3A_400 = arith.addf %parallel_loop3A_397, %parallel_loop3A_399 : vector<16xf32>
      %parallel_loop3A_401 = arith.mulf %parallel_loop3A_400, %parallel_loop3A_390 : vector<16xf32>
      %parallel_loop3A_402 = arith.constant 9.25032131E-4 : f32
      %parallel_loop3A_403 = vector.broadcast %parallel_loop3A_402 : f32 to vector<16xf32>
      %parallel_loop3A_404 = arith.addf %parallel_loop3A_401, %parallel_loop3A_403 : vector<16xf32>
      %parallel_loop3A_405 = arith.constant 1 : i32
      %parallel_loop3A_406 = vector.broadcast %parallel_loop3A_405 : i32 to vector<16xi32>
      %parallel_loop3A_407 = arith.cmpi eq, %parallel_loop3A_370, %parallel_loop3A_406 : vector<16xi32>
      %parallel_loop3A_408 = arith.select %parallel_loop3A_407, %parallel_loop3A_385, %parallel_loop3A_388 : vector<16xi1>, vector<16xf32>
      %parallel_loop3A_409 = arith.constant 0.000000e+00 : f32
      %parallel_loop3A_410 = vector.broadcast %parallel_loop3A_409 : f32 to vector<16xf32>
      %parallel_loop3A_411 = arith.maximumf %parallel_loop3A_408, %parallel_loop3A_410 : vector<16xf32>
      %parallel_loop3A_412 = arith.addf %parallel_loop3A_411, %parallel_loop3A_404 : vector<16xf32>
      %parallel_loop3A_413 = arith.constant 0 : i32
      %parallel_loop3A_414 = vector.broadcast %parallel_loop3A_413 : i32 to vector<16xi32>
      %parallel_loop3A_415 = arith.cmpi ne, %parallel_loop3A_370, %parallel_loop3A_414 : vector<16xi32>
      %parallel_loop3A_416 = arith.constant 0.000000e+00 : f32
      %parallel_loop3A_417 = vector.broadcast %parallel_loop3A_416 : f32 to vector<16xf32>
      %parallel_loop3A_418 = arith.select %parallel_loop3A_415, %parallel_loop3A_412, %parallel_loop3A_417 : vector<16xi1>, vector<16xf32>
      %parallel_loop3A_419 = arith.addf %parallel_loop3A_362, %parallel_loop3A_418 : vector<16xf32>
      %parallel_loop3A_420 = tpu.all_reduce %parallel_loop3A_415 {dim = 0 : i64, kind = #tpu.reduction_kind<sum>} : vector<16xi1> -> vector<16xi32>
      %parallel_loop3A_421 = arith.addi %parallel_loop3A_364, %parallel_loop3A_420 : vector<16xi32>
      %parallel_loop3A_422 = arith.constant 128 : i32
      %parallel_loop3A_423 = arith.muli %parallel_loop3A_134, %parallel_loop3A_422 : i32
      %parallel_loop3A_424 = arith.constant 80 : i32
      %parallel_loop3A_425 = arith.addi %parallel_loop3A_423, %parallel_loop3A_424 : i32
      %parallel_loop3A_426 = arith.index_cast %parallel_loop3A_425 : i32 to index
      %parallel_loop3A_427 = tpu.vector_load %arg6[%parallel_loop3A_426] {strides = array<i32>} : memref<8192xi32, #tpu.memory_space<vmem>>, vector<16xi32>,
      %parallel_loop3A_428 = arith.constant 256 : i32
      %parallel_loop3A_429 = arith.muli %parallel_loop3A_134, %parallel_loop3A_428 : i32
      %parallel_loop3A_430 = arith.constant 80 : i32
      %parallel_loop3A_431 = arith.addi %parallel_loop3A_429, %parallel_loop3A_430 : i32
      %parallel_loop3A_432 = arith.index_cast %parallel_loop3A_431 : i32 to index
      %parallel_loop3A_433 = tpu.vector_load %arg8[%parallel_loop3A_432] {strides = array<i32>} : memref<16384xf32, #tpu.memory_space<vmem>>, vector<16xf32>,
      %parallel_loop3A_434 = arith.constant 256 : i32
      %parallel_loop3A_435 = arith.muli %parallel_loop3A_134, %parallel_loop3A_434 : i32
      %parallel_loop3A_436 = arith.constant 128 : i32
      %parallel_loop3A_437 = arith.addi %parallel_loop3A_435, %parallel_loop3A_436 : i32
      %parallel_loop3A_438 = arith.constant 80 : i32
      %parallel_loop3A_439 = arith.addi %parallel_loop3A_437, %parallel_loop3A_438 : i32
      %parallel_loop3A_440 = arith.index_cast %parallel_loop3A_439 : i32 to index
      %parallel_loop3A_441 = tpu.vector_load %arg8[%parallel_loop3A_440] {strides = array<i32>} : memref<16384xf32, #tpu.memory_space<vmem>>, vector<16xf32>,
      %parallel_loop3A_442 = arith.subf %parallel_loop3A_433, %parallel_loop3A_441 : vector<16xf32>
      %parallel_loop3A_443 = arith.constant 0.000000e+00 : f32
      %parallel_loop3A_444 = vector.broadcast %parallel_loop3A_443 : f32 to vector<16xf32>
      %parallel_loop3A_445 = arith.subf %parallel_loop3A_444, %parallel_loop3A_442 : vector<16xf32>
      %parallel_loop3A_446 = arith.minimumf %parallel_loop3A_442, %parallel_loop3A_445 : vector<16xf32>
      %parallel_loop3A_447 = math.exp %parallel_loop3A_446 : vector<16xf32>
      %parallel_loop3A_448 = arith.constant 0.106684729 : f32
      %parallel_loop3A_449 = vector.broadcast %parallel_loop3A_448 : f32 to vector<16xf32>
      %parallel_loop3A_450 = arith.mulf %parallel_loop3A_449, %parallel_loop3A_447 : vector<16xf32>
      %parallel_loop3A_451 = arith.constant -0.393535793 : f32
      %parallel_loop3A_452 = vector.broadcast %parallel_loop3A_451 : f32 to vector<16xf32>
      %parallel_loop3A_453 = arith.addf %parallel_loop3A_450, %parallel_loop3A_452 : vector<16xf32>
      %parallel_loop3A_454 = arith.mulf %parallel_loop3A_453, %parallel_loop3A_447 : vector<16xf32>
      %parallel_loop3A_455 = arith.constant 0.979753434 : f32
      %parallel_loop3A_456 = vector.broadcast %parallel_loop3A_455 : f32 to vector<16xf32>
      %parallel_loop3A_457 = arith.addf %parallel_loop3A_454, %parallel_loop3A_456 : vector<16xf32>
      %parallel_loop3A_458 = arith.mulf %parallel_loop3A_457, %parallel_loop3A_447 : vector<16xf32>
      %parallel_loop3A_459 = arith.constant 9.25032131E-4 : f32
      %parallel_loop3A_460 = vector.broadcast %parallel_loop3A_459 : f32 to vector<16xf32>
      %parallel_loop3A_461 = arith.addf %parallel_loop3A_458, %parallel_loop3A_460 : vector<16xf32>
      %parallel_loop3A_462 = arith.constant 1 : i32
      %parallel_loop3A_463 = vector.broadcast %parallel_loop3A_462 : i32 to vector<16xi32>
      %parallel_loop3A_464 = arith.cmpi eq, %parallel_loop3A_427, %parallel_loop3A_463 : vector<16xi32>
      %parallel_loop3A_465 = arith.select %parallel_loop3A_464, %parallel_loop3A_442, %parallel_loop3A_445 : vector<16xi1>, vector<16xf32>
      %parallel_loop3A_466 = arith.constant 0.000000e+00 : f32
      %parallel_loop3A_467 = vector.broadcast %parallel_loop3A_466 : f32 to vector<16xf32>
      %parallel_loop3A_468 = arith.maximumf %parallel_loop3A_465, %parallel_loop3A_467 : vector<16xf32>
      %parallel_loop3A_469 = arith.addf %parallel_loop3A_468, %parallel_loop3A_461 : vector<16xf32>
      %parallel_loop3A_470 = arith.constant 0 : i32
      %parallel_loop3A_471 = vector.broadcast %parallel_loop3A_470 : i32 to vector<16xi32>
      %parallel_loop3A_472 = arith.cmpi ne, %parallel_loop3A_427, %parallel_loop3A_471 : vector<16xi32>
      %parallel_loop3A_473 = arith.constant 0.000000e+00 : f32
      %parallel_loop3A_474 = vector.broadcast %parallel_loop3A_473 : f32 to vector<16xf32>
      %parallel_loop3A_475 = arith.select %parallel_loop3A_472, %parallel_loop3A_469, %parallel_loop3A_474 : vector<16xi1>, vector<16xf32>
      %parallel_loop3A_476 = arith.addf %parallel_loop3A_419, %parallel_loop3A_475 : vector<16xf32>
      %parallel_loop3A_477 = tpu.all_reduce %parallel_loop3A_472 {dim = 0 : i64, kind = #tpu.reduction_kind<sum>} : vector<16xi1> -> vector<16xi32>
      %parallel_loop3A_478 = arith.addi %parallel_loop3A_421, %parallel_loop3A_477 : vector<16xi32>
      %parallel_loop3A_479 = arith.constant 128 : i32
      %parallel_loop3A_480 = arith.muli %parallel_loop3A_134, %parallel_loop3A_479 : i32
      %parallel_loop3A_481 = arith.constant 96 : i32
      %parallel_loop3A_482 = arith.addi %parallel_loop3A_480, %parallel_loop3A_481 : i32
      %parallel_loop3A_483 = arith.index_cast %parallel_loop3A_482 : i32 to index
      %parallel_loop3A_484 = tpu.vector_load %arg6[%parallel_loop3A_483] {strides = array<i32>} : memref<8192xi32, #tpu.memory_space<vmem>>, vector<16xi32>,
      %parallel_loop3A_485 = arith.constant 256 : i32
      %parallel_loop3A_486 = arith.muli %parallel_loop3A_134, %parallel_loop3A_485 : i32
      %parallel_loop3A_487 = arith.constant 96 : i32
      %parallel_loop3A_488 = arith.addi %parallel_loop3A_486, %parallel_loop3A_487 : i32
      %parallel_loop3A_489 = arith.index_cast %parallel_loop3A_488 : i32 to index
      %parallel_loop3A_490 = tpu.vector_load %arg8[%parallel_loop3A_489] {strides = array<i32>} : memref<16384xf32, #tpu.memory_space<vmem>>, vector<16xf32>,
      %parallel_loop3A_491 = arith.constant 256 : i32
      %parallel_loop3A_492 = arith.muli %parallel_loop3A_134, %parallel_loop3A_491 : i32
      %parallel_loop3A_493 = arith.constant 128 : i32
      %parallel_loop3A_494 = arith.addi %parallel_loop3A_492, %parallel_loop3A_493 : i32
      %parallel_loop3A_495 = arith.constant 96 : i32
      %parallel_loop3A_496 = arith.addi %parallel_loop3A_494, %parallel_loop3A_495 : i32
      %parallel_loop3A_497 = arith.index_cast %parallel_loop3A_496 : i32 to index
      %parallel_loop3A_498 = tpu.vector_load %arg8[%parallel_loop3A_497] {strides = array<i32>} : memref<16384xf32, #tpu.memory_space<vmem>>, vector<16xf32>,
      %parallel_loop3A_499 = arith.subf %parallel_loop3A_490, %parallel_loop3A_498 : vector<16xf32>
      %parallel_loop3A_500 = arith.constant 0.000000e+00 : f32
      %parallel_loop3A_501 = vector.broadcast %parallel_loop3A_500 : f32 to vector<16xf32>
      %parallel_loop3A_502 = arith.subf %parallel_loop3A_501, %parallel_loop3A_499 : vector<16xf32>
      %parallel_loop3A_503 = arith.minimumf %parallel_loop3A_499, %parallel_loop3A_502 : vector<16xf32>
      %parallel_loop3A_504 = math.exp %parallel_loop3A_503 : vector<16xf32>
      %parallel_loop3A_505 = arith.constant 0.106684729 : f32
      %parallel_loop3A_506 = vector.broadcast %parallel_loop3A_505 : f32 to vector<16xf32>
      %parallel_loop3A_507 = arith.mulf %parallel_loop3A_506, %parallel_loop3A_504 : vector<16xf32>
      %parallel_loop3A_508 = arith.constant -0.393535793 : f32
      %parallel_loop3A_509 = vector.broadcast %parallel_loop3A_508 : f32 to vector<16xf32>
      %parallel_loop3A_510 = arith.addf %parallel_loop3A_507, %parallel_loop3A_509 : vector<16xf32>
      %parallel_loop3A_511 = arith.mulf %parallel_loop3A_510, %parallel_loop3A_504 : vector<16xf32>
      %parallel_loop3A_512 = arith.constant 0.979753434 : f32
      %parallel_loop3A_513 = vector.broadcast %parallel_loop3A_512 : f32 to vector<16xf32>
      %parallel_loop3A_514 = arith.addf %parallel_loop3A_511, %parallel_loop3A_513 : vector<16xf32>
      %parallel_loop3A_515 = arith.mulf %parallel_loop3A_514, %parallel_loop3A_504 : vector<16xf32>
      %parallel_loop3A_516 = arith.constant 9.25032131E-4 : f32
      %parallel_loop3A_517 = vector.broadcast %parallel_loop3A_516 : f32 to vector<16xf32>
      %parallel_loop3A_518 = arith.addf %parallel_loop3A_515, %parallel_loop3A_517 : vector<16xf32>
      %parallel_loop3A_519 = arith.constant 1 : i32
      %parallel_loop3A_520 = vector.broadcast %parallel_loop3A_519 : i32 to vector<16xi32>
      %parallel_loop3A_521 = arith.cmpi eq, %parallel_loop3A_484, %parallel_loop3A_520 : vector<16xi32>
      %parallel_loop3A_522 = arith.select %parallel_loop3A_521, %parallel_loop3A_499, %parallel_loop3A_502 : vector<16xi1>, vector<16xf32>
      %parallel_loop3A_523 = arith.constant 0.000000e+00 : f32
      %parallel_loop3A_524 = vector.broadcast %parallel_loop3A_523 : f32 to vector<16xf32>
      %parallel_loop3A_525 = arith.maximumf %parallel_loop3A_522, %parallel_loop3A_524 : vector<16xf32>
      %parallel_loop3A_526 = arith.addf %parallel_loop3A_525, %parallel_loop3A_518 : vector<16xf32>
      %parallel_loop3A_527 = arith.constant 0 : i32
      %parallel_loop3A_528 = vector.broadcast %parallel_loop3A_527 : i32 to vector<16xi32>
      %parallel_loop3A_529 = arith.cmpi ne, %parallel_loop3A_484, %parallel_loop3A_528 : vector<16xi32>
      %parallel_loop3A_530 = arith.constant 0.000000e+00 : f32
      %parallel_loop3A_531 = vector.broadcast %parallel_loop3A_530 : f32 to vector<16xf32>
      %parallel_loop3A_532 = arith.select %parallel_loop3A_529, %parallel_loop3A_526, %parallel_loop3A_531 : vector<16xi1>, vector<16xf32>
      %parallel_loop3A_533 = arith.addf %parallel_loop3A_476, %parallel_loop3A_532 : vector<16xf32>
      %parallel_loop3A_534 = tpu.all_reduce %parallel_loop3A_529 {dim = 0 : i64, kind = #tpu.reduction_kind<sum>} : vector<16xi1> -> vector<16xi32>
      %parallel_loop3A_535 = arith.addi %parallel_loop3A_478, %parallel_loop3A_534 : vector<16xi32>
      %parallel_loop3A_536 = arith.constant 128 : i32
      %parallel_loop3A_537 = arith.muli %parallel_loop3A_134, %parallel_loop3A_536 : i32
      %parallel_loop3A_538 = arith.constant 112 : i32
      %parallel_loop3A_539 = arith.addi %parallel_loop3A_537, %parallel_loop3A_538 : i32
      %parallel_loop3A_540 = arith.index_cast %parallel_loop3A_539 : i32 to index
      %parallel_loop3A_541 = tpu.vector_load %arg6[%parallel_loop3A_540] {strides = array<i32>} : memref<8192xi32, #tpu.memory_space<vmem>>, vector<16xi32>,
      %parallel_loop3A_542 = arith.constant 256 : i32
      %parallel_loop3A_543 = arith.muli %parallel_loop3A_134, %parallel_loop3A_542 : i32
      %parallel_loop3A_544 = arith.constant 112 : i32
      %parallel_loop3A_545 = arith.addi %parallel_loop3A_543, %parallel_loop3A_544 : i32
      %parallel_loop3A_546 = arith.index_cast %parallel_loop3A_545 : i32 to index
      %parallel_loop3A_547 = tpu.vector_load %arg8[%parallel_loop3A_546] {strides = array<i32>} : memref<16384xf32, #tpu.memory_space<vmem>>, vector<16xf32>,
      %parallel_loop3A_548 = arith.constant 256 : i32
      %parallel_loop3A_549 = arith.muli %parallel_loop3A_134, %parallel_loop3A_548 : i32
      %parallel_loop3A_550 = arith.constant 128 : i32
      %parallel_loop3A_551 = arith.addi %parallel_loop3A_549, %parallel_loop3A_550 : i32
      %parallel_loop3A_552 = arith.constant 112 : i32
      %parallel_loop3A_553 = arith.addi %parallel_loop3A_551, %parallel_loop3A_552 : i32
      %parallel_loop3A_554 = arith.index_cast %parallel_loop3A_553 : i32 to index
      %parallel_loop3A_555 = tpu.vector_load %arg8[%parallel_loop3A_554] {strides = array<i32>} : memref<16384xf32, #tpu.memory_space<vmem>>, vector<16xf32>,
      %parallel_loop3A_556 = arith.subf %parallel_loop3A_547, %parallel_loop3A_555 : vector<16xf32>
      %parallel_loop3A_557 = arith.constant 0.000000e+00 : f32
      %parallel_loop3A_558 = vector.broadcast %parallel_loop3A_557 : f32 to vector<16xf32>
      %parallel_loop3A_559 = arith.subf %parallel_loop3A_558, %parallel_loop3A_556 : vector<16xf32>
      %parallel_loop3A_560 = arith.minimumf %parallel_loop3A_556, %parallel_loop3A_559 : vector<16xf32>
      %parallel_loop3A_561 = math.exp %parallel_loop3A_560 : vector<16xf32>
      %parallel_loop3A_562 = arith.constant 0.106684729 : f32
      %parallel_loop3A_563 = vector.broadcast %parallel_loop3A_562 : f32 to vector<16xf32>
      %parallel_loop3A_564 = arith.mulf %parallel_loop3A_563, %parallel_loop3A_561 : vector<16xf32>
      %parallel_loop3A_565 = arith.constant -0.393535793 : f32
      %parallel_loop3A_566 = vector.broadcast %parallel_loop3A_565 : f32 to vector<16xf32>
      %parallel_loop3A_567 = arith.addf %parallel_loop3A_564, %parallel_loop3A_566 : vector<16xf32>
      %parallel_loop3A_568 = arith.mulf %parallel_loop3A_567, %parallel_loop3A_561 : vector<16xf32>
      %parallel_loop3A_569 = arith.constant 0.979753434 : f32
      %parallel_loop3A_570 = vector.broadcast %parallel_loop3A_569 : f32 to vector<16xf32>
      %parallel_loop3A_571 = arith.addf %parallel_loop3A_568, %parallel_loop3A_570 : vector<16xf32>
      %parallel_loop3A_572 = arith.mulf %parallel_loop3A_571, %parallel_loop3A_561 : vector<16xf32>
      %parallel_loop3A_573 = arith.constant 9.25032131E-4 : f32
      %parallel_loop3A_574 = vector.broadcast %parallel_loop3A_573 : f32 to vector<16xf32>
      %parallel_loop3A_575 = arith.addf %parallel_loop3A_572, %parallel_loop3A_574 : vector<16xf32>
      %parallel_loop3A_576 = arith.constant 1 : i32
      %parallel_loop3A_577 = vector.broadcast %parallel_loop3A_576 : i32 to vector<16xi32>
      %parallel_loop3A_578 = arith.cmpi eq, %parallel_loop3A_541, %parallel_loop3A_577 : vector<16xi32>
      %parallel_loop3A_579 = arith.select %parallel_loop3A_578, %parallel_loop3A_556, %parallel_loop3A_559 : vector<16xi1>, vector<16xf32>
      %parallel_loop3A_580 = arith.constant 0.000000e+00 : f32
      %parallel_loop3A_581 = vector.broadcast %parallel_loop3A_580 : f32 to vector<16xf32>
      %parallel_loop3A_582 = arith.maximumf %parallel_loop3A_579, %parallel_loop3A_581 : vector<16xf32>
      %parallel_loop3A_583 = arith.addf %parallel_loop3A_582, %parallel_loop3A_575 : vector<16xf32>
      %parallel_loop3A_584 = arith.constant 0 : i32
      %parallel_loop3A_585 = vector.broadcast %parallel_loop3A_584 : i32 to vector<16xi32>
      %parallel_loop3A_586 = arith.cmpi ne, %parallel_loop3A_541, %parallel_loop3A_585 : vector<16xi32>
      %parallel_loop3A_587 = arith.constant 0.000000e+00 : f32
      %parallel_loop3A_588 = vector.broadcast %parallel_loop3A_587 : f32 to vector<16xf32>
      %parallel_loop3A_589 = arith.select %parallel_loop3A_586, %parallel_loop3A_583, %parallel_loop3A_588 : vector<16xi1>, vector<16xf32>
      %parallel_loop3A_590 = arith.addf %parallel_loop3A_533, %parallel_loop3A_589 : vector<16xf32>
      %parallel_loop3A_591 = tpu.all_reduce %parallel_loop3A_586 {dim = 0 : i64, kind = #tpu.reduction_kind<sum>} : vector<16xi1> -> vector<16xi32>
      %parallel_loop3A_592 = arith.addi %parallel_loop3A_535, %parallel_loop3A_591 : vector<16xi32>
      scf.yield %parallel_loop3A_590, %parallel_loop3A_592 : vector<16xf32>, vector<16xi32>
    } {sc.loop_unroll_factor = 1 : i64, sc.parallel_access}
    %add3A_75 = arith.constant 40960 : i32
    %add3A_76 = arith.addi %mul3A_2, %add3A_75 : i32
    %dma_start3A_77 = tpu.memref_slice %arg2[%add3A_76] : memref<2097152xi32, #tpu.memory_space<hbm>> -> memref<8192xi32, #tpu.memory_space<hbm>>
    %dma_start3A_78 = tpu.memref_slice %arg2[%add3A_76] : memref<2097152xi32, #tpu.memory_space<hbm>> -> memref<8192xi32, #tpu.memory_space<hbm>>
    tpu.enqueue_dma source(%dma_start3A_78 : memref<8192xi32, #tpu.memory_space<hbm>>) target(%arg6 : memref<8192xi32, #tpu.memory_space<vmem>>) target_semaphore(%arg11 : memref<!tpu.dma_semaphore, #tpu.memory_space<semaphore_mem>>)
    %mul3A_79 = arith.constant 2 : i32
    %mul3A_80 = arith.muli %mul3A_79, %add3A_76 : i32
    %dma_start3A_81 = tpu.memref_slice %arg3[%mul3A_80] : memref<4194304xf32, #tpu.memory_space<hbm>> -> memref<16384xf32, #tpu.memory_space<hbm>>
    %dma_start3A_82 = tpu.memref_slice %arg3[%mul3A_80] : memref<4194304xf32, #tpu.memory_space<hbm>> -> memref<16384xf32, #tpu.memory_space<hbm>>
    tpu.enqueue_dma source(%dma_start3A_82 : memref<16384xf32, #tpu.memory_space<hbm>>) target(%arg8 : memref<16384xf32, #tpu.memory_space<vmem>>) target_semaphore(%arg13 : memref<!tpu.dma_semaphore, #tpu.memory_space<semaphore_mem>>)
    %dma_wait3A_83 = tpu.memref_slice %arg2[%add3A_60] : memref<2097152xi32, #tpu.memory_space<hbm>> -> memref<8192xi32, #tpu.memory_space<hbm>>
    %dma_wait3A_84 = tpu.memref_slice %arg2[%add3A_60] : memref<2097152xi32, #tpu.memory_space<hbm>> -> memref<8192xi32, #tpu.memory_space<hbm>>
    tpu.wait_dma2 semaphore(%arg10 : memref<!tpu.dma_semaphore, #tpu.memory_space<semaphore_mem>>) src(%dma_wait3A_84 : memref<8192xi32, #tpu.memory_space<hbm>>) dst(%arg5 : memref<8192xi32, #tpu.memory_space<vmem>>)
    %dma_wait3A_85 = tpu.memref_slice %arg3[%mul3A_64] : memref<4194304xf32, #tpu.memory_space<hbm>> -> memref<16384xf32, #tpu.memory_space<hbm>>
    %dma_wait3A_86 = tpu.memref_slice %arg3[%mul3A_64] : memref<4194304xf32, #tpu.memory_space<hbm>> -> memref<16384xf32, #tpu.memory_space<hbm>>
    tpu.wait_dma2 semaphore(%arg12 : memref<!tpu.dma_semaphore, #tpu.memory_space<semaphore_mem>>) src(%dma_wait3A_86 : memref<16384xf32, #tpu.memory_space<hbm>>) dst(%arg7 : memref<16384xf32, #tpu.memory_space<vmem>>)
    %parallel_loop3A_87 = arith.constant 0 : i32
    %parallel_loop3A_88 = arith.constant 64 : i32
    %parallel_loop3A_89 = arith.constant 1 : i32
    %parallel_loop3A_90:2 = scf.for %parallel_loop3A_134 = %parallel_loop3A_87 to %parallel_loop3A_88 step %parallel_loop3A_89 iter_args(%parallel_loop3A_135 = %parallel_loop3A_74#0, %parallel_loop3A_136 = %parallel_loop3A_74#1) -> (vector<16xf32>, vector<16xi32>)  : i32 {
      %parallel_loop3A_137 = arith.constant 128 : i32
      %parallel_loop3A_138 = arith.muli %parallel_loop3A_134, %parallel_loop3A_137 : i32
      %parallel_loop3A_139 = arith.constant 0 : i32
      %parallel_loop3A_140 = arith.addi %parallel_loop3A_138, %parallel_loop3A_139 : i32
      %parallel_loop3A_141 = arith.index_cast %parallel_loop3A_140 : i32 to index
      %parallel_loop3A_142 = tpu.vector_load %arg5[%parallel_loop3A_141] {strides = array<i32>} : memref<8192xi32, #tpu.memory_space<vmem>>, vector<16xi32>,
      %parallel_loop3A_143 = arith.constant 256 : i32
      %parallel_loop3A_144 = arith.muli %parallel_loop3A_134, %parallel_loop3A_143 : i32
      %parallel_loop3A_145 = arith.constant 0 : i32
      %parallel_loop3A_146 = arith.addi %parallel_loop3A_144, %parallel_loop3A_145 : i32
      %parallel_loop3A_147 = arith.index_cast %parallel_loop3A_146 : i32 to index
      %parallel_loop3A_148 = tpu.vector_load %arg7[%parallel_loop3A_147] {strides = array<i32>} : memref<16384xf32, #tpu.memory_space<vmem>>, vector<16xf32>,
      %parallel_loop3A_149 = arith.constant 256 : i32
      %parallel_loop3A_150 = arith.muli %parallel_loop3A_134, %parallel_loop3A_149 : i32
      %parallel_loop3A_151 = arith.constant 128 : i32
      %parallel_loop3A_152 = arith.addi %parallel_loop3A_150, %parallel_loop3A_151 : i32
      %parallel_loop3A_153 = arith.constant 0 : i32
      %parallel_loop3A_154 = arith.addi %parallel_loop3A_152, %parallel_loop3A_153 : i32
      %parallel_loop3A_155 = arith.index_cast %parallel_loop3A_154 : i32 to index
      %parallel_loop3A_156 = tpu.vector_load %arg7[%parallel_loop3A_155] {strides = array<i32>} : memref<16384xf32, #tpu.memory_space<vmem>>, vector<16xf32>,
      %parallel_loop3A_157 = arith.subf %parallel_loop3A_148, %parallel_loop3A_156 : vector<16xf32>
      %parallel_loop3A_158 = arith.constant 0.000000e+00 : f32
      %parallel_loop3A_159 = vector.broadcast %parallel_loop3A_158 : f32 to vector<16xf32>
      %parallel_loop3A_160 = arith.subf %parallel_loop3A_159, %parallel_loop3A_157 : vector<16xf32>
      %parallel_loop3A_161 = arith.minimumf %parallel_loop3A_157, %parallel_loop3A_160 : vector<16xf32>
      %parallel_loop3A_162 = math.exp %parallel_loop3A_161 : vector<16xf32>
      %parallel_loop3A_163 = arith.constant 0.106684729 : f32
      %parallel_loop3A_164 = vector.broadcast %parallel_loop3A_163 : f32 to vector<16xf32>
      %parallel_loop3A_165 = arith.mulf %parallel_loop3A_164, %parallel_loop3A_162 : vector<16xf32>
      %parallel_loop3A_166 = arith.constant -0.393535793 : f32
      %parallel_loop3A_167 = vector.broadcast %parallel_loop3A_166 : f32 to vector<16xf32>
      %parallel_loop3A_168 = arith.addf %parallel_loop3A_165, %parallel_loop3A_167 : vector<16xf32>
      %parallel_loop3A_169 = arith.mulf %parallel_loop3A_168, %parallel_loop3A_162 : vector<16xf32>
      %parallel_loop3A_170 = arith.constant 0.979753434 : f32
      %parallel_loop3A_171 = vector.broadcast %parallel_loop3A_170 : f32 to vector<16xf32>
      %parallel_loop3A_172 = arith.addf %parallel_loop3A_169, %parallel_loop3A_171 : vector<16xf32>
      %parallel_loop3A_173 = arith.mulf %parallel_loop3A_172, %parallel_loop3A_162 : vector<16xf32>
      %parallel_loop3A_174 = arith.constant 9.25032131E-4 : f32
      %parallel_loop3A_175 = vector.broadcast %parallel_loop3A_174 : f32 to vector<16xf32>
      %parallel_loop3A_176 = arith.addf %parallel_loop3A_173, %parallel_loop3A_175 : vector<16xf32>
      %parallel_loop3A_177 = arith.constant 1 : i32
      %parallel_loop3A_178 = vector.broadcast %parallel_loop3A_177 : i32 to vector<16xi32>
      %parallel_loop3A_179 = arith.cmpi eq, %parallel_loop3A_142, %parallel_loop3A_178 : vector<16xi32>
      %parallel_loop3A_180 = arith.select %parallel_loop3A_179, %parallel_loop3A_157, %parallel_loop3A_160 : vector<16xi1>, vector<16xf32>
      %parallel_loop3A_181 = arith.constant 0.000000e+00 : f32
      %parallel_loop3A_182 = vector.broadcast %parallel_loop3A_181 : f32 to vector<16xf32>
      %parallel_loop3A_183 = arith.maximumf %parallel_loop3A_180, %parallel_loop3A_182 : vector<16xf32>
      %parallel_loop3A_184 = arith.addf %parallel_loop3A_183, %parallel_loop3A_176 : vector<16xf32>
      %parallel_loop3A_185 = arith.constant 0 : i32
      %parallel_loop3A_186 = vector.broadcast %parallel_loop3A_185 : i32 to vector<16xi32>
      %parallel_loop3A_187 = arith.cmpi ne, %parallel_loop3A_142, %parallel_loop3A_186 : vector<16xi32>
      %parallel_loop3A_188 = arith.constant 0.000000e+00 : f32
      %parallel_loop3A_189 = vector.broadcast %parallel_loop3A_188 : f32 to vector<16xf32>
      %parallel_loop3A_190 = arith.select %parallel_loop3A_187, %parallel_loop3A_184, %parallel_loop3A_189 : vector<16xi1>, vector<16xf32>
      %parallel_loop3A_191 = arith.addf %parallel_loop3A_135, %parallel_loop3A_190 : vector<16xf32>
      %parallel_loop3A_192 = tpu.all_reduce %parallel_loop3A_187 {dim = 0 : i64, kind = #tpu.reduction_kind<sum>} : vector<16xi1> -> vector<16xi32>
      %parallel_loop3A_193 = arith.addi %parallel_loop3A_136, %parallel_loop3A_192 : vector<16xi32>
      %parallel_loop3A_194 = arith.constant 128 : i32
      %parallel_loop3A_195 = arith.muli %parallel_loop3A_134, %parallel_loop3A_194 : i32
      %parallel_loop3A_196 = arith.constant 16 : i32
      %parallel_loop3A_197 = arith.addi %parallel_loop3A_195, %parallel_loop3A_196 : i32
      %parallel_loop3A_198 = arith.index_cast %parallel_loop3A_197 : i32 to index
      %parallel_loop3A_199 = tpu.vector_load %arg5[%parallel_loop3A_198] {strides = array<i32>} : memref<8192xi32, #tpu.memory_space<vmem>>, vector<16xi32>,
      %parallel_loop3A_200 = arith.constant 256 : i32
      %parallel_loop3A_201 = arith.muli %parallel_loop3A_134, %parallel_loop3A_200 : i32
      %parallel_loop3A_202 = arith.constant 16 : i32
      %parallel_loop3A_203 = arith.addi %parallel_loop3A_201, %parallel_loop3A_202 : i32
      %parallel_loop3A_204 = arith.index_cast %parallel_loop3A_203 : i32 to index
      %parallel_loop3A_205 = tpu.vector_load %arg7[%parallel_loop3A_204] {strides = array<i32>} : memref<16384xf32, #tpu.memory_space<vmem>>, vector<16xf32>,
      %parallel_loop3A_206 = arith.constant 256 : i32
      %parallel_loop3A_207 = arith.muli %parallel_loop3A_134, %parallel_loop3A_206 : i32
      %parallel_loop3A_208 = arith.constant 128 : i32
      %parallel_loop3A_209 = arith.addi %parallel_loop3A_207, %parallel_loop3A_208 : i32
      %parallel_loop3A_210 = arith.constant 16 : i32
      %parallel_loop3A_211 = arith.addi %parallel_loop3A_209, %parallel_loop3A_210 : i32
      %parallel_loop3A_212 = arith.index_cast %parallel_loop3A_211 : i32 to index
      %parallel_loop3A_213 = tpu.vector_load %arg7[%parallel_loop3A_212] {strides = array<i32>} : memref<16384xf32, #tpu.memory_space<vmem>>, vector<16xf32>,
      %parallel_loop3A_214 = arith.subf %parallel_loop3A_205, %parallel_loop3A_213 : vector<16xf32>
      %parallel_loop3A_215 = arith.constant 0.000000e+00 : f32
      %parallel_loop3A_216 = vector.broadcast %parallel_loop3A_215 : f32 to vector<16xf32>
      %parallel_loop3A_217 = arith.subf %parallel_loop3A_216, %parallel_loop3A_214 : vector<16xf32>
      %parallel_loop3A_218 = arith.minimumf %parallel_loop3A_214, %parallel_loop3A_217 : vector<16xf32>
      %parallel_loop3A_219 = math.exp %parallel_loop3A_218 : vector<16xf32>
      %parallel_loop3A_220 = arith.constant 0.106684729 : f32
      %parallel_loop3A_221 = vector.broadcast %parallel_loop3A_220 : f32 to vector<16xf32>
      %parallel_loop3A_222 = arith.mulf %parallel_loop3A_221, %parallel_loop3A_219 : vector<16xf32>
      %parallel_loop3A_223 = arith.constant -0.393535793 : f32
      %parallel_loop3A_224 = vector.broadcast %parallel_loop3A_223 : f32 to vector<16xf32>
      %parallel_loop3A_225 = arith.addf %parallel_loop3A_222, %parallel_loop3A_224 : vector<16xf32>
      %parallel_loop3A_226 = arith.mulf %parallel_loop3A_225, %parallel_loop3A_219 : vector<16xf32>
      %parallel_loop3A_227 = arith.constant 0.979753434 : f32
      %parallel_loop3A_228 = vector.broadcast %parallel_loop3A_227 : f32 to vector<16xf32>
      %parallel_loop3A_229 = arith.addf %parallel_loop3A_226, %parallel_loop3A_228 : vector<16xf32>
      %parallel_loop3A_230 = arith.mulf %parallel_loop3A_229, %parallel_loop3A_219 : vector<16xf32>
      %parallel_loop3A_231 = arith.constant 9.25032131E-4 : f32
      %parallel_loop3A_232 = vector.broadcast %parallel_loop3A_231 : f32 to vector<16xf32>
      %parallel_loop3A_233 = arith.addf %parallel_loop3A_230, %parallel_loop3A_232 : vector<16xf32>
      %parallel_loop3A_234 = arith.constant 1 : i32
      %parallel_loop3A_235 = vector.broadcast %parallel_loop3A_234 : i32 to vector<16xi32>
      %parallel_loop3A_236 = arith.cmpi eq, %parallel_loop3A_199, %parallel_loop3A_235 : vector<16xi32>
      %parallel_loop3A_237 = arith.select %parallel_loop3A_236, %parallel_loop3A_214, %parallel_loop3A_217 : vector<16xi1>, vector<16xf32>
      %parallel_loop3A_238 = arith.constant 0.000000e+00 : f32
      %parallel_loop3A_239 = vector.broadcast %parallel_loop3A_238 : f32 to vector<16xf32>
      %parallel_loop3A_240 = arith.maximumf %parallel_loop3A_237, %parallel_loop3A_239 : vector<16xf32>
      %parallel_loop3A_241 = arith.addf %parallel_loop3A_240, %parallel_loop3A_233 : vector<16xf32>
      %parallel_loop3A_242 = arith.constant 0 : i32
      %parallel_loop3A_243 = vector.broadcast %parallel_loop3A_242 : i32 to vector<16xi32>
      %parallel_loop3A_244 = arith.cmpi ne, %parallel_loop3A_199, %parallel_loop3A_243 : vector<16xi32>
      %parallel_loop3A_245 = arith.constant 0.000000e+00 : f32
      %parallel_loop3A_246 = vector.broadcast %parallel_loop3A_245 : f32 to vector<16xf32>
      %parallel_loop3A_247 = arith.select %parallel_loop3A_244, %parallel_loop3A_241, %parallel_loop3A_246 : vector<16xi1>, vector<16xf32>
      %parallel_loop3A_248 = arith.addf %parallel_loop3A_191, %parallel_loop3A_247 : vector<16xf32>
      %parallel_loop3A_249 = tpu.all_reduce %parallel_loop3A_244 {dim = 0 : i64, kind = #tpu.reduction_kind<sum>} : vector<16xi1> -> vector<16xi32>
      %parallel_loop3A_250 = arith.addi %parallel_loop3A_193, %parallel_loop3A_249 : vector<16xi32>
      %parallel_loop3A_251 = arith.constant 128 : i32
      %parallel_loop3A_252 = arith.muli %parallel_loop3A_134, %parallel_loop3A_251 : i32
      %parallel_loop3A_253 = arith.constant 32 : i32
      %parallel_loop3A_254 = arith.addi %parallel_loop3A_252, %parallel_loop3A_253 : i32
      %parallel_loop3A_255 = arith.index_cast %parallel_loop3A_254 : i32 to index
      %parallel_loop3A_256 = tpu.vector_load %arg5[%parallel_loop3A_255] {strides = array<i32>} : memref<8192xi32, #tpu.memory_space<vmem>>, vector<16xi32>,
      %parallel_loop3A_257 = arith.constant 256 : i32
      %parallel_loop3A_258 = arith.muli %parallel_loop3A_134, %parallel_loop3A_257 : i32
      %parallel_loop3A_259 = arith.constant 32 : i32
      %parallel_loop3A_260 = arith.addi %parallel_loop3A_258, %parallel_loop3A_259 : i32
      %parallel_loop3A_261 = arith.index_cast %parallel_loop3A_260 : i32 to index
      %parallel_loop3A_262 = tpu.vector_load %arg7[%parallel_loop3A_261] {strides = array<i32>} : memref<16384xf32, #tpu.memory_space<vmem>>, vector<16xf32>,
      %parallel_loop3A_263 = arith.constant 256 : i32
      %parallel_loop3A_264 = arith.muli %parallel_loop3A_134, %parallel_loop3A_263 : i32
      %parallel_loop3A_265 = arith.constant 128 : i32
      %parallel_loop3A_266 = arith.addi %parallel_loop3A_264, %parallel_loop3A_265 : i32
      %parallel_loop3A_267 = arith.constant 32 : i32
      %parallel_loop3A_268 = arith.addi %parallel_loop3A_266, %parallel_loop3A_267 : i32
      %parallel_loop3A_269 = arith.index_cast %parallel_loop3A_268 : i32 to index
      %parallel_loop3A_270 = tpu.vector_load %arg7[%parallel_loop3A_269] {strides = array<i32>} : memref<16384xf32, #tpu.memory_space<vmem>>, vector<16xf32>,
      %parallel_loop3A_271 = arith.subf %parallel_loop3A_262, %parallel_loop3A_270 : vector<16xf32>
      %parallel_loop3A_272 = arith.constant 0.000000e+00 : f32
      %parallel_loop3A_273 = vector.broadcast %parallel_loop3A_272 : f32 to vector<16xf32>
      %parallel_loop3A_274 = arith.subf %parallel_loop3A_273, %parallel_loop3A_271 : vector<16xf32>
      %parallel_loop3A_275 = arith.minimumf %parallel_loop3A_271, %parallel_loop3A_274 : vector<16xf32>
      %parallel_loop3A_276 = math.exp %parallel_loop3A_275 : vector<16xf32>
      %parallel_loop3A_277 = arith.constant 0.106684729 : f32
      %parallel_loop3A_278 = vector.broadcast %parallel_loop3A_277 : f32 to vector<16xf32>
      %parallel_loop3A_279 = arith.mulf %parallel_loop3A_278, %parallel_loop3A_276 : vector<16xf32>
      %parallel_loop3A_280 = arith.constant -0.393535793 : f32
      %parallel_loop3A_281 = vector.broadcast %parallel_loop3A_280 : f32 to vector<16xf32>
      %parallel_loop3A_282 = arith.addf %parallel_loop3A_279, %parallel_loop3A_281 : vector<16xf32>
      %parallel_loop3A_283 = arith.mulf %parallel_loop3A_282, %parallel_loop3A_276 : vector<16xf32>
      %parallel_loop3A_284 = arith.constant 0.979753434 : f32
      %parallel_loop3A_285 = vector.broadcast %parallel_loop3A_284 : f32 to vector<16xf32>
      %parallel_loop3A_286 = arith.addf %parallel_loop3A_283, %parallel_loop3A_285 : vector<16xf32>
      %parallel_loop3A_287 = arith.mulf %parallel_loop3A_286, %parallel_loop3A_276 : vector<16xf32>
      %parallel_loop3A_288 = arith.constant 9.25032131E-4 : f32
      %parallel_loop3A_289 = vector.broadcast %parallel_loop3A_288 : f32 to vector<16xf32>
      %parallel_loop3A_290 = arith.addf %parallel_loop3A_287, %parallel_loop3A_289 : vector<16xf32>
      %parallel_loop3A_291 = arith.constant 1 : i32
      %parallel_loop3A_292 = vector.broadcast %parallel_loop3A_291 : i32 to vector<16xi32>
      %parallel_loop3A_293 = arith.cmpi eq, %parallel_loop3A_256, %parallel_loop3A_292 : vector<16xi32>
      %parallel_loop3A_294 = arith.select %parallel_loop3A_293, %parallel_loop3A_271, %parallel_loop3A_274 : vector<16xi1>, vector<16xf32>
      %parallel_loop3A_295 = arith.constant 0.000000e+00 : f32
      %parallel_loop3A_296 = vector.broadcast %parallel_loop3A_295 : f32 to vector<16xf32>
      %parallel_loop3A_297 = arith.maximumf %parallel_loop3A_294, %parallel_loop3A_296 : vector<16xf32>
      %parallel_loop3A_298 = arith.addf %parallel_loop3A_297, %parallel_loop3A_290 : vector<16xf32>
      %parallel_loop3A_299 = arith.constant 0 : i32
      %parallel_loop3A_300 = vector.broadcast %parallel_loop3A_299 : i32 to vector<16xi32>
      %parallel_loop3A_301 = arith.cmpi ne, %parallel_loop3A_256, %parallel_loop3A_300 : vector<16xi32>
      %parallel_loop3A_302 = arith.constant 0.000000e+00 : f32
      %parallel_loop3A_303 = vector.broadcast %parallel_loop3A_302 : f32 to vector<16xf32>
      %parallel_loop3A_304 = arith.select %parallel_loop3A_301, %parallel_loop3A_298, %parallel_loop3A_303 : vector<16xi1>, vector<16xf32>
      %parallel_loop3A_305 = arith.addf %parallel_loop3A_248, %parallel_loop3A_304 : vector<16xf32>
      %parallel_loop3A_306 = tpu.all_reduce %parallel_loop3A_301 {dim = 0 : i64, kind = #tpu.reduction_kind<sum>} : vector<16xi1> -> vector<16xi32>
      %parallel_loop3A_307 = arith.addi %parallel_loop3A_250, %parallel_loop3A_306 : vector<16xi32>
      %parallel_loop3A_308 = arith.constant 128 : i32
      %parallel_loop3A_309 = arith.muli %parallel_loop3A_134, %parallel_loop3A_308 : i32
      %parallel_loop3A_310 = arith.constant 48 : i32
      %parallel_loop3A_311 = arith.addi %parallel_loop3A_309, %parallel_loop3A_310 : i32
      %parallel_loop3A_312 = arith.index_cast %parallel_loop3A_311 : i32 to index
      %parallel_loop3A_313 = tpu.vector_load %arg5[%parallel_loop3A_312] {strides = array<i32>} : memref<8192xi32, #tpu.memory_space<vmem>>, vector<16xi32>,
      %parallel_loop3A_314 = arith.constant 256 : i32
      %parallel_loop3A_315 = arith.muli %parallel_loop3A_134, %parallel_loop3A_314 : i32
      %parallel_loop3A_316 = arith.constant 48 : i32
      %parallel_loop3A_317 = arith.addi %parallel_loop3A_315, %parallel_loop3A_316 : i32
      %parallel_loop3A_318 = arith.index_cast %parallel_loop3A_317 : i32 to index
      %parallel_loop3A_319 = tpu.vector_load %arg7[%parallel_loop3A_318] {strides = array<i32>} : memref<16384xf32, #tpu.memory_space<vmem>>, vector<16xf32>,
      %parallel_loop3A_320 = arith.constant 256 : i32
      %parallel_loop3A_321 = arith.muli %parallel_loop3A_134, %parallel_loop3A_320 : i32
      %parallel_loop3A_322 = arith.constant 128 : i32
      %parallel_loop3A_323 = arith.addi %parallel_loop3A_321, %parallel_loop3A_322 : i32
      %parallel_loop3A_324 = arith.constant 48 : i32
      %parallel_loop3A_325 = arith.addi %parallel_loop3A_323, %parallel_loop3A_324 : i32
      %parallel_loop3A_326 = arith.index_cast %parallel_loop3A_325 : i32 to index
      %parallel_loop3A_327 = tpu.vector_load %arg7[%parallel_loop3A_326] {strides = array<i32>} : memref<16384xf32, #tpu.memory_space<vmem>>, vector<16xf32>,
      %parallel_loop3A_328 = arith.subf %parallel_loop3A_319, %parallel_loop3A_327 : vector<16xf32>
      %parallel_loop3A_329 = arith.constant 0.000000e+00 : f32
      %parallel_loop3A_330 = vector.broadcast %parallel_loop3A_329 : f32 to vector<16xf32>
      %parallel_loop3A_331 = arith.subf %parallel_loop3A_330, %parallel_loop3A_328 : vector<16xf32>
      %parallel_loop3A_332 = arith.minimumf %parallel_loop3A_328, %parallel_loop3A_331 : vector<16xf32>
      %parallel_loop3A_333 = math.exp %parallel_loop3A_332 : vector<16xf32>
      %parallel_loop3A_334 = arith.constant 0.106684729 : f32
      %parallel_loop3A_335 = vector.broadcast %parallel_loop3A_334 : f32 to vector<16xf32>
      %parallel_loop3A_336 = arith.mulf %parallel_loop3A_335, %parallel_loop3A_333 : vector<16xf32>
      %parallel_loop3A_337 = arith.constant -0.393535793 : f32
      %parallel_loop3A_338 = vector.broadcast %parallel_loop3A_337 : f32 to vector<16xf32>
      %parallel_loop3A_339 = arith.addf %parallel_loop3A_336, %parallel_loop3A_338 : vector<16xf32>
      %parallel_loop3A_340 = arith.mulf %parallel_loop3A_339, %parallel_loop3A_333 : vector<16xf32>
      %parallel_loop3A_341 = arith.constant 0.979753434 : f32
      %parallel_loop3A_342 = vector.broadcast %parallel_loop3A_341 : f32 to vector<16xf32>
      %parallel_loop3A_343 = arith.addf %parallel_loop3A_340, %parallel_loop3A_342 : vector<16xf32>
      %parallel_loop3A_344 = arith.mulf %parallel_loop3A_343, %parallel_loop3A_333 : vector<16xf32>
      %parallel_loop3A_345 = arith.constant 9.25032131E-4 : f32
      %parallel_loop3A_346 = vector.broadcast %parallel_loop3A_345 : f32 to vector<16xf32>
      %parallel_loop3A_347 = arith.addf %parallel_loop3A_344, %parallel_loop3A_346 : vector<16xf32>
      %parallel_loop3A_348 = arith.constant 1 : i32
      %parallel_loop3A_349 = vector.broadcast %parallel_loop3A_348 : i32 to vector<16xi32>
      %parallel_loop3A_350 = arith.cmpi eq, %parallel_loop3A_313, %parallel_loop3A_349 : vector<16xi32>
      %parallel_loop3A_351 = arith.select %parallel_loop3A_350, %parallel_loop3A_328, %parallel_loop3A_331 : vector<16xi1>, vector<16xf32>
      %parallel_loop3A_352 = arith.constant 0.000000e+00 : f32
      %parallel_loop3A_353 = vector.broadcast %parallel_loop3A_352 : f32 to vector<16xf32>
      %parallel_loop3A_354 = arith.maximumf %parallel_loop3A_351, %parallel_loop3A_353 : vector<16xf32>
      %parallel_loop3A_355 = arith.addf %parallel_loop3A_354, %parallel_loop3A_347 : vector<16xf32>
      %parallel_loop3A_356 = arith.constant 0 : i32
      %parallel_loop3A_357 = vector.broadcast %parallel_loop3A_356 : i32 to vector<16xi32>
      %parallel_loop3A_358 = arith.cmpi ne, %parallel_loop3A_313, %parallel_loop3A_357 : vector<16xi32>
      %parallel_loop3A_359 = arith.constant 0.000000e+00 : f32
      %parallel_loop3A_360 = vector.broadcast %parallel_loop3A_359 : f32 to vector<16xf32>
      %parallel_loop3A_361 = arith.select %parallel_loop3A_358, %parallel_loop3A_355, %parallel_loop3A_360 : vector<16xi1>, vector<16xf32>
      %parallel_loop3A_362 = arith.addf %parallel_loop3A_305, %parallel_loop3A_361 : vector<16xf32>
      %parallel_loop3A_363 = tpu.all_reduce %parallel_loop3A_358 {dim = 0 : i64, kind = #tpu.reduction_kind<sum>} : vector<16xi1> -> vector<16xi32>
      %parallel_loop3A_364 = arith.addi %parallel_loop3A_307, %parallel_loop3A_363 : vector<16xi32>
      %parallel_loop3A_365 = arith.constant 128 : i32
      %parallel_loop3A_366 = arith.muli %parallel_loop3A_134, %parallel_loop3A_365 : i32
      %parallel_loop3A_367 = arith.constant 64 : i32
      %parallel_loop3A_368 = arith.addi %parallel_loop3A_366, %parallel_loop3A_367 : i32
      %parallel_loop3A_369 = arith.index_cast %parallel_loop3A_368 : i32 to index
      %parallel_loop3A_370 = tpu.vector_load %arg5[%parallel_loop3A_369] {strides = array<i32>} : memref<8192xi32, #tpu.memory_space<vmem>>, vector<16xi32>,
      %parallel_loop3A_371 = arith.constant 256 : i32
      %parallel_loop3A_372 = arith.muli %parallel_loop3A_134, %parallel_loop3A_371 : i32
      %parallel_loop3A_373 = arith.constant 64 : i32
      %parallel_loop3A_374 = arith.addi %parallel_loop3A_372, %parallel_loop3A_373 : i32
      %parallel_loop3A_375 = arith.index_cast %parallel_loop3A_374 : i32 to index
      %parallel_loop3A_376 = tpu.vector_load %arg7[%parallel_loop3A_375] {strides = array<i32>} : memref<16384xf32, #tpu.memory_space<vmem>>, vector<16xf32>,
      %parallel_loop3A_377 = arith.constant 256 : i32
      %parallel_loop3A_378 = arith.muli %parallel_loop3A_134, %parallel_loop3A_377 : i32
      %parallel_loop3A_379 = arith.constant 128 : i32
      %parallel_loop3A_380 = arith.addi %parallel_loop3A_378, %parallel_loop3A_379 : i32
      %parallel_loop3A_381 = arith.constant 64 : i32
      %parallel_loop3A_382 = arith.addi %parallel_loop3A_380, %parallel_loop3A_381 : i32
      %parallel_loop3A_383 = arith.index_cast %parallel_loop3A_382 : i32 to index
      %parallel_loop3A_384 = tpu.vector_load %arg7[%parallel_loop3A_383] {strides = array<i32>} : memref<16384xf32, #tpu.memory_space<vmem>>, vector<16xf32>,
      %parallel_loop3A_385 = arith.subf %parallel_loop3A_376, %parallel_loop3A_384 : vector<16xf32>
      %parallel_loop3A_386 = arith.constant 0.000000e+00 : f32
      %parallel_loop3A_387 = vector.broadcast %parallel_loop3A_386 : f32 to vector<16xf32>
      %parallel_loop3A_388 = arith.subf %parallel_loop3A_387, %parallel_loop3A_385 : vector<16xf32>
      %parallel_loop3A_389 = arith.minimumf %parallel_loop3A_385, %parallel_loop3A_388 : vector<16xf32>
      %parallel_loop3A_390 = math.exp %parallel_loop3A_389 : vector<16xf32>
      %parallel_loop3A_391 = arith.constant 0.106684729 : f32
      %parallel_loop3A_392 = vector.broadcast %parallel_loop3A_391 : f32 to vector<16xf32>
      %parallel_loop3A_393 = arith.mulf %parallel_loop3A_392, %parallel_loop3A_390 : vector<16xf32>
      %parallel_loop3A_394 = arith.constant -0.393535793 : f32
      %parallel_loop3A_395 = vector.broadcast %parallel_loop3A_394 : f32 to vector<16xf32>
      %parallel_loop3A_396 = arith.addf %parallel_loop3A_393, %parallel_loop3A_395 : vector<16xf32>
      %parallel_loop3A_397 = arith.mulf %parallel_loop3A_396, %parallel_loop3A_390 : vector<16xf32>
      %parallel_loop3A_398 = arith.constant 0.979753434 : f32
      %parallel_loop3A_399 = vector.broadcast %parallel_loop3A_398 : f32 to vector<16xf32>
      %parallel_loop3A_400 = arith.addf %parallel_loop3A_397, %parallel_loop3A_399 : vector<16xf32>
      %parallel_loop3A_401 = arith.mulf %parallel_loop3A_400, %parallel_loop3A_390 : vector<16xf32>
      %parallel_loop3A_402 = arith.constant 9.25032131E-4 : f32
      %parallel_loop3A_403 = vector.broadcast %parallel_loop3A_402 : f32 to vector<16xf32>
      %parallel_loop3A_404 = arith.addf %parallel_loop3A_401, %parallel_loop3A_403 : vector<16xf32>
      %parallel_loop3A_405 = arith.constant 1 : i32
      %parallel_loop3A_406 = vector.broadcast %parallel_loop3A_405 : i32 to vector<16xi32>
      %parallel_loop3A_407 = arith.cmpi eq, %parallel_loop3A_370, %parallel_loop3A_406 : vector<16xi32>
      %parallel_loop3A_408 = arith.select %parallel_loop3A_407, %parallel_loop3A_385, %parallel_loop3A_388 : vector<16xi1>, vector<16xf32>
      %parallel_loop3A_409 = arith.constant 0.000000e+00 : f32
      %parallel_loop3A_410 = vector.broadcast %parallel_loop3A_409 : f32 to vector<16xf32>
      %parallel_loop3A_411 = arith.maximumf %parallel_loop3A_408, %parallel_loop3A_410 : vector<16xf32>
      %parallel_loop3A_412 = arith.addf %parallel_loop3A_411, %parallel_loop3A_404 : vector<16xf32>
      %parallel_loop3A_413 = arith.constant 0 : i32
      %parallel_loop3A_414 = vector.broadcast %parallel_loop3A_413 : i32 to vector<16xi32>
      %parallel_loop3A_415 = arith.cmpi ne, %parallel_loop3A_370, %parallel_loop3A_414 : vector<16xi32>
      %parallel_loop3A_416 = arith.constant 0.000000e+00 : f32
      %parallel_loop3A_417 = vector.broadcast %parallel_loop3A_416 : f32 to vector<16xf32>
      %parallel_loop3A_418 = arith.select %parallel_loop3A_415, %parallel_loop3A_412, %parallel_loop3A_417 : vector<16xi1>, vector<16xf32>
      %parallel_loop3A_419 = arith.addf %parallel_loop3A_362, %parallel_loop3A_418 : vector<16xf32>
      %parallel_loop3A_420 = tpu.all_reduce %parallel_loop3A_415 {dim = 0 : i64, kind = #tpu.reduction_kind<sum>} : vector<16xi1> -> vector<16xi32>
      %parallel_loop3A_421 = arith.addi %parallel_loop3A_364, %parallel_loop3A_420 : vector<16xi32>
      %parallel_loop3A_422 = arith.constant 128 : i32
      %parallel_loop3A_423 = arith.muli %parallel_loop3A_134, %parallel_loop3A_422 : i32
      %parallel_loop3A_424 = arith.constant 80 : i32
      %parallel_loop3A_425 = arith.addi %parallel_loop3A_423, %parallel_loop3A_424 : i32
      %parallel_loop3A_426 = arith.index_cast %parallel_loop3A_425 : i32 to index
      %parallel_loop3A_427 = tpu.vector_load %arg5[%parallel_loop3A_426] {strides = array<i32>} : memref<8192xi32, #tpu.memory_space<vmem>>, vector<16xi32>,
      %parallel_loop3A_428 = arith.constant 256 : i32
      %parallel_loop3A_429 = arith.muli %parallel_loop3A_134, %parallel_loop3A_428 : i32
      %parallel_loop3A_430 = arith.constant 80 : i32
      %parallel_loop3A_431 = arith.addi %parallel_loop3A_429, %parallel_loop3A_430 : i32
      %parallel_loop3A_432 = arith.index_cast %parallel_loop3A_431 : i32 to index
      %parallel_loop3A_433 = tpu.vector_load %arg7[%parallel_loop3A_432] {strides = array<i32>} : memref<16384xf32, #tpu.memory_space<vmem>>, vector<16xf32>,
      %parallel_loop3A_434 = arith.constant 256 : i32
      %parallel_loop3A_435 = arith.muli %parallel_loop3A_134, %parallel_loop3A_434 : i32
      %parallel_loop3A_436 = arith.constant 128 : i32
      %parallel_loop3A_437 = arith.addi %parallel_loop3A_435, %parallel_loop3A_436 : i32
      %parallel_loop3A_438 = arith.constant 80 : i32
      %parallel_loop3A_439 = arith.addi %parallel_loop3A_437, %parallel_loop3A_438 : i32
      %parallel_loop3A_440 = arith.index_cast %parallel_loop3A_439 : i32 to index
      %parallel_loop3A_441 = tpu.vector_load %arg7[%parallel_loop3A_440] {strides = array<i32>} : memref<16384xf32, #tpu.memory_space<vmem>>, vector<16xf32>,
      %parallel_loop3A_442 = arith.subf %parallel_loop3A_433, %parallel_loop3A_441 : vector<16xf32>
      %parallel_loop3A_443 = arith.constant 0.000000e+00 : f32
      %parallel_loop3A_444 = vector.broadcast %parallel_loop3A_443 : f32 to vector<16xf32>
      %parallel_loop3A_445 = arith.subf %parallel_loop3A_444, %parallel_loop3A_442 : vector<16xf32>
      %parallel_loop3A_446 = arith.minimumf %parallel_loop3A_442, %parallel_loop3A_445 : vector<16xf32>
      %parallel_loop3A_447 = math.exp %parallel_loop3A_446 : vector<16xf32>
      %parallel_loop3A_448 = arith.constant 0.106684729 : f32
      %parallel_loop3A_449 = vector.broadcast %parallel_loop3A_448 : f32 to vector<16xf32>
      %parallel_loop3A_450 = arith.mulf %parallel_loop3A_449, %parallel_loop3A_447 : vector<16xf32>
      %parallel_loop3A_451 = arith.constant -0.393535793 : f32
      %parallel_loop3A_452 = vector.broadcast %parallel_loop3A_451 : f32 to vector<16xf32>
      %parallel_loop3A_453 = arith.addf %parallel_loop3A_450, %parallel_loop3A_452 : vector<16xf32>
      %parallel_loop3A_454 = arith.mulf %parallel_loop3A_453, %parallel_loop3A_447 : vector<16xf32>
      %parallel_loop3A_455 = arith.constant 0.979753434 : f32
      %parallel_loop3A_456 = vector.broadcast %parallel_loop3A_455 : f32 to vector<16xf32>
      %parallel_loop3A_457 = arith.addf %parallel_loop3A_454, %parallel_loop3A_456 : vector<16xf32>
      %parallel_loop3A_458 = arith.mulf %parallel_loop3A_457, %parallel_loop3A_447 : vector<16xf32>
      %parallel_loop3A_459 = arith.constant 9.25032131E-4 : f32
      %parallel_loop3A_460 = vector.broadcast %parallel_loop3A_459 : f32 to vector<16xf32>
      %parallel_loop3A_461 = arith.addf %parallel_loop3A_458, %parallel_loop3A_460 : vector<16xf32>
      %parallel_loop3A_462 = arith.constant 1 : i32
      %parallel_loop3A_463 = vector.broadcast %parallel_loop3A_462 : i32 to vector<16xi32>
      %parallel_loop3A_464 = arith.cmpi eq, %parallel_loop3A_427, %parallel_loop3A_463 : vector<16xi32>
      %parallel_loop3A_465 = arith.select %parallel_loop3A_464, %parallel_loop3A_442, %parallel_loop3A_445 : vector<16xi1>, vector<16xf32>
      %parallel_loop3A_466 = arith.constant 0.000000e+00 : f32
      %parallel_loop3A_467 = vector.broadcast %parallel_loop3A_466 : f32 to vector<16xf32>
      %parallel_loop3A_468 = arith.maximumf %parallel_loop3A_465, %parallel_loop3A_467 : vector<16xf32>
      %parallel_loop3A_469 = arith.addf %parallel_loop3A_468, %parallel_loop3A_461 : vector<16xf32>
      %parallel_loop3A_470 = arith.constant 0 : i32
      %parallel_loop3A_471 = vector.broadcast %parallel_loop3A_470 : i32 to vector<16xi32>
      %parallel_loop3A_472 = arith.cmpi ne, %parallel_loop3A_427, %parallel_loop3A_471 : vector<16xi32>
      %parallel_loop3A_473 = arith.constant 0.000000e+00 : f32
      %parallel_loop3A_474 = vector.broadcast %parallel_loop3A_473 : f32 to vector<16xf32>
      %parallel_loop3A_475 = arith.select %parallel_loop3A_472, %parallel_loop3A_469, %parallel_loop3A_474 : vector<16xi1>, vector<16xf32>
      %parallel_loop3A_476 = arith.addf %parallel_loop3A_419, %parallel_loop3A_475 : vector<16xf32>
      %parallel_loop3A_477 = tpu.all_reduce %parallel_loop3A_472 {dim = 0 : i64, kind = #tpu.reduction_kind<sum>} : vector<16xi1> -> vector<16xi32>
      %parallel_loop3A_478 = arith.addi %parallel_loop3A_421, %parallel_loop3A_477 : vector<16xi32>
      %parallel_loop3A_479 = arith.constant 128 : i32
      %parallel_loop3A_480 = arith.muli %parallel_loop3A_134, %parallel_loop3A_479 : i32
      %parallel_loop3A_481 = arith.constant 96 : i32
      %parallel_loop3A_482 = arith.addi %parallel_loop3A_480, %parallel_loop3A_481 : i32
      %parallel_loop3A_483 = arith.index_cast %parallel_loop3A_482 : i32 to index
      %parallel_loop3A_484 = tpu.vector_load %arg5[%parallel_loop3A_483] {strides = array<i32>} : memref<8192xi32, #tpu.memory_space<vmem>>, vector<16xi32>,
      %parallel_loop3A_485 = arith.constant 256 : i32
      %parallel_loop3A_486 = arith.muli %parallel_loop3A_134, %parallel_loop3A_485 : i32
      %parallel_loop3A_487 = arith.constant 96 : i32
      %parallel_loop3A_488 = arith.addi %parallel_loop3A_486, %parallel_loop3A_487 : i32
      %parallel_loop3A_489 = arith.index_cast %parallel_loop3A_488 : i32 to index
      %parallel_loop3A_490 = tpu.vector_load %arg7[%parallel_loop3A_489] {strides = array<i32>} : memref<16384xf32, #tpu.memory_space<vmem>>, vector<16xf32>,
      %parallel_loop3A_491 = arith.constant 256 : i32
      %parallel_loop3A_492 = arith.muli %parallel_loop3A_134, %parallel_loop3A_491 : i32
      %parallel_loop3A_493 = arith.constant 128 : i32
      %parallel_loop3A_494 = arith.addi %parallel_loop3A_492, %parallel_loop3A_493 : i32
      %parallel_loop3A_495 = arith.constant 96 : i32
      %parallel_loop3A_496 = arith.addi %parallel_loop3A_494, %parallel_loop3A_495 : i32
      %parallel_loop3A_497 = arith.index_cast %parallel_loop3A_496 : i32 to index
      %parallel_loop3A_498 = tpu.vector_load %arg7[%parallel_loop3A_497] {strides = array<i32>} : memref<16384xf32, #tpu.memory_space<vmem>>, vector<16xf32>,
      %parallel_loop3A_499 = arith.subf %parallel_loop3A_490, %parallel_loop3A_498 : vector<16xf32>
      %parallel_loop3A_500 = arith.constant 0.000000e+00 : f32
      %parallel_loop3A_501 = vector.broadcast %parallel_loop3A_500 : f32 to vector<16xf32>
      %parallel_loop3A_502 = arith.subf %parallel_loop3A_501, %parallel_loop3A_499 : vector<16xf32>
      %parallel_loop3A_503 = arith.minimumf %parallel_loop3A_499, %parallel_loop3A_502 : vector<16xf32>
      %parallel_loop3A_504 = math.exp %parallel_loop3A_503 : vector<16xf32>
      %parallel_loop3A_505 = arith.constant 0.106684729 : f32
      %parallel_loop3A_506 = vector.broadcast %parallel_loop3A_505 : f32 to vector<16xf32>
      %parallel_loop3A_507 = arith.mulf %parallel_loop3A_506, %parallel_loop3A_504 : vector<16xf32>
      %parallel_loop3A_508 = arith.constant -0.393535793 : f32
      %parallel_loop3A_509 = vector.broadcast %parallel_loop3A_508 : f32 to vector<16xf32>
      %parallel_loop3A_510 = arith.addf %parallel_loop3A_507, %parallel_loop3A_509 : vector<16xf32>
      %parallel_loop3A_511 = arith.mulf %parallel_loop3A_510, %parallel_loop3A_504 : vector<16xf32>
      %parallel_loop3A_512 = arith.constant 0.979753434 : f32
      %parallel_loop3A_513 = vector.broadcast %parallel_loop3A_512 : f32 to vector<16xf32>
      %parallel_loop3A_514 = arith.addf %parallel_loop3A_511, %parallel_loop3A_513 : vector<16xf32>
      %parallel_loop3A_515 = arith.mulf %parallel_loop3A_514, %parallel_loop3A_504 : vector<16xf32>
      %parallel_loop3A_516 = arith.constant 9.25032131E-4 : f32
      %parallel_loop3A_517 = vector.broadcast %parallel_loop3A_516 : f32 to vector<16xf32>
      %parallel_loop3A_518 = arith.addf %parallel_loop3A_515, %parallel_loop3A_517 : vector<16xf32>
      %parallel_loop3A_519 = arith.constant 1 : i32
      %parallel_loop3A_520 = vector.broadcast %parallel_loop3A_519 : i32 to vector<16xi32>
      %parallel_loop3A_521 = arith.cmpi eq, %parallel_loop3A_484, %parallel_loop3A_520 : vector<16xi32>
      %parallel_loop3A_522 = arith.select %parallel_loop3A_521, %parallel_loop3A_499, %parallel_loop3A_502 : vector<16xi1>, vector<16xf32>
      %parallel_loop3A_523 = arith.constant 0.000000e+00 : f32
      %parallel_loop3A_524 = vector.broadcast %parallel_loop3A_523 : f32 to vector<16xf32>
      %parallel_loop3A_525 = arith.maximumf %parallel_loop3A_522, %parallel_loop3A_524 : vector<16xf32>
      %parallel_loop3A_526 = arith.addf %parallel_loop3A_525, %parallel_loop3A_518 : vector<16xf32>
      %parallel_loop3A_527 = arith.constant 0 : i32
      %parallel_loop3A_528 = vector.broadcast %parallel_loop3A_527 : i32 to vector<16xi32>
      %parallel_loop3A_529 = arith.cmpi ne, %parallel_loop3A_484, %parallel_loop3A_528 : vector<16xi32>
      %parallel_loop3A_530 = arith.constant 0.000000e+00 : f32
      %parallel_loop3A_531 = vector.broadcast %parallel_loop3A_530 : f32 to vector<16xf32>
      %parallel_loop3A_532 = arith.select %parallel_loop3A_529, %parallel_loop3A_526, %parallel_loop3A_531 : vector<16xi1>, vector<16xf32>
      %parallel_loop3A_533 = arith.addf %parallel_loop3A_476, %parallel_loop3A_532 : vector<16xf32>
      %parallel_loop3A_534 = tpu.all_reduce %parallel_loop3A_529 {dim = 0 : i64, kind = #tpu.reduction_kind<sum>} : vector<16xi1> -> vector<16xi32>
      %parallel_loop3A_535 = arith.addi %parallel_loop3A_478, %parallel_loop3A_534 : vector<16xi32>
      %parallel_loop3A_536 = arith.constant 128 : i32
      %parallel_loop3A_537 = arith.muli %parallel_loop3A_134, %parallel_loop3A_536 : i32
      %parallel_loop3A_538 = arith.constant 112 : i32
      %parallel_loop3A_539 = arith.addi %parallel_loop3A_537, %parallel_loop3A_538 : i32
      %parallel_loop3A_540 = arith.index_cast %parallel_loop3A_539 : i32 to index
      %parallel_loop3A_541 = tpu.vector_load %arg5[%parallel_loop3A_540] {strides = array<i32>} : memref<8192xi32, #tpu.memory_space<vmem>>, vector<16xi32>,
      %parallel_loop3A_542 = arith.constant 256 : i32
      %parallel_loop3A_543 = arith.muli %parallel_loop3A_134, %parallel_loop3A_542 : i32
      %parallel_loop3A_544 = arith.constant 112 : i32
      %parallel_loop3A_545 = arith.addi %parallel_loop3A_543, %parallel_loop3A_544 : i32
      %parallel_loop3A_546 = arith.index_cast %parallel_loop3A_545 : i32 to index
      %parallel_loop3A_547 = tpu.vector_load %arg7[%parallel_loop3A_546] {strides = array<i32>} : memref<16384xf32, #tpu.memory_space<vmem>>, vector<16xf32>,
      %parallel_loop3A_548 = arith.constant 256 : i32
      %parallel_loop3A_549 = arith.muli %parallel_loop3A_134, %parallel_loop3A_548 : i32
      %parallel_loop3A_550 = arith.constant 128 : i32
      %parallel_loop3A_551 = arith.addi %parallel_loop3A_549, %parallel_loop3A_550 : i32
      %parallel_loop3A_552 = arith.constant 112 : i32
      %parallel_loop3A_553 = arith.addi %parallel_loop3A_551, %parallel_loop3A_552 : i32
      %parallel_loop3A_554 = arith.index_cast %parallel_loop3A_553 : i32 to index
      %parallel_loop3A_555 = tpu.vector_load %arg7[%parallel_loop3A_554] {strides = array<i32>} : memref<16384xf32, #tpu.memory_space<vmem>>, vector<16xf32>,
      %parallel_loop3A_556 = arith.subf %parallel_loop3A_547, %parallel_loop3A_555 : vector<16xf32>
      %parallel_loop3A_557 = arith.constant 0.000000e+00 : f32
      %parallel_loop3A_558 = vector.broadcast %parallel_loop3A_557 : f32 to vector<16xf32>
      %parallel_loop3A_559 = arith.subf %parallel_loop3A_558, %parallel_loop3A_556 : vector<16xf32>
      %parallel_loop3A_560 = arith.minimumf %parallel_loop3A_556, %parallel_loop3A_559 : vector<16xf32>
      %parallel_loop3A_561 = math.exp %parallel_loop3A_560 : vector<16xf32>
      %parallel_loop3A_562 = arith.constant 0.106684729 : f32
      %parallel_loop3A_563 = vector.broadcast %parallel_loop3A_562 : f32 to vector<16xf32>
      %parallel_loop3A_564 = arith.mulf %parallel_loop3A_563, %parallel_loop3A_561 : vector<16xf32>
      %parallel_loop3A_565 = arith.constant -0.393535793 : f32
      %parallel_loop3A_566 = vector.broadcast %parallel_loop3A_565 : f32 to vector<16xf32>
      %parallel_loop3A_567 = arith.addf %parallel_loop3A_564, %parallel_loop3A_566 : vector<16xf32>
      %parallel_loop3A_568 = arith.mulf %parallel_loop3A_567, %parallel_loop3A_561 : vector<16xf32>
      %parallel_loop3A_569 = arith.constant 0.979753434 : f32
      %parallel_loop3A_570 = vector.broadcast %parallel_loop3A_569 : f32 to vector<16xf32>
      %parallel_loop3A_571 = arith.addf %parallel_loop3A_568, %parallel_loop3A_570 : vector<16xf32>
      %parallel_loop3A_572 = arith.mulf %parallel_loop3A_571, %parallel_loop3A_561 : vector<16xf32>
      %parallel_loop3A_573 = arith.constant 9.25032131E-4 : f32
      %parallel_loop3A_574 = vector.broadcast %parallel_loop3A_573 : f32 to vector<16xf32>
      %parallel_loop3A_575 = arith.addf %parallel_loop3A_572, %parallel_loop3A_574 : vector<16xf32>
      %parallel_loop3A_576 = arith.constant 1 : i32
      %parallel_loop3A_577 = vector.broadcast %parallel_loop3A_576 : i32 to vector<16xi32>
      %parallel_loop3A_578 = arith.cmpi eq, %parallel_loop3A_541, %parallel_loop3A_577 : vector<16xi32>
      %parallel_loop3A_579 = arith.select %parallel_loop3A_578, %parallel_loop3A_556, %parallel_loop3A_559 : vector<16xi1>, vector<16xf32>
      %parallel_loop3A_580 = arith.constant 0.000000e+00 : f32
      %parallel_loop3A_581 = vector.broadcast %parallel_loop3A_580 : f32 to vector<16xf32>
      %parallel_loop3A_582 = arith.maximumf %parallel_loop3A_579, %parallel_loop3A_581 : vector<16xf32>
      %parallel_loop3A_583 = arith.addf %parallel_loop3A_582, %parallel_loop3A_575 : vector<16xf32>
      %parallel_loop3A_584 = arith.constant 0 : i32
      %parallel_loop3A_585 = vector.broadcast %parallel_loop3A_584 : i32 to vector<16xi32>
      %parallel_loop3A_586 = arith.cmpi ne, %parallel_loop3A_541, %parallel_loop3A_585 : vector<16xi32>
      %parallel_loop3A_587 = arith.constant 0.000000e+00 : f32
      %parallel_loop3A_588 = vector.broadcast %parallel_loop3A_587 : f32 to vector<16xf32>
      %parallel_loop3A_589 = arith.select %parallel_loop3A_586, %parallel_loop3A_583, %parallel_loop3A_588 : vector<16xi1>, vector<16xf32>
      %parallel_loop3A_590 = arith.addf %parallel_loop3A_533, %parallel_loop3A_589 : vector<16xf32>
      %parallel_loop3A_591 = tpu.all_reduce %parallel_loop3A_586 {dim = 0 : i64, kind = #tpu.reduction_kind<sum>} : vector<16xi1> -> vector<16xi32>
      %parallel_loop3A_592 = arith.addi %parallel_loop3A_535, %parallel_loop3A_591 : vector<16xi32>
      scf.yield %parallel_loop3A_590, %parallel_loop3A_592 : vector<16xf32>, vector<16xi32>
    } {sc.loop_unroll_factor = 1 : i64, sc.parallel_access}
    %add3A_91 = arith.constant 49152 : i32
    %add3A_92 = arith.addi %mul3A_2, %add3A_91 : i32
    %dma_start3A_93 = tpu.memref_slice %arg2[%add3A_92] : memref<2097152xi32, #tpu.memory_space<hbm>> -> memref<8192xi32, #tpu.memory_space<hbm>>
    %dma_start3A_94 = tpu.memref_slice %arg2[%add3A_92] : memref<2097152xi32, #tpu.memory_space<hbm>> -> memref<8192xi32, #tpu.memory_space<hbm>>
    tpu.enqueue_dma source(%dma_start3A_94 : memref<8192xi32, #tpu.memory_space<hbm>>) target(%arg5 : memref<8192xi32, #tpu.memory_space<vmem>>) target_semaphore(%arg10 : memref<!tpu.dma_semaphore, #tpu.memory_space<semaphore_mem>>)
    %mul3A_95 = arith.constant 2 : i32
    %mul3A_96 = arith.muli %mul3A_95, %add3A_92 : i32
    %dma_start3A_97 = tpu.memref_slice %arg3[%mul3A_96] : memref<4194304xf32, #tpu.memory_space<hbm>> -> memref<16384xf32, #tpu.memory_space<hbm>>
    %dma_start3A_98 = tpu.memref_slice %arg3[%mul3A_96] : memref<4194304xf32, #tpu.memory_space<hbm>> -> memref<16384xf32, #tpu.memory_space<hbm>>
    tpu.enqueue_dma source(%dma_start3A_98 : memref<16384xf32, #tpu.memory_space<hbm>>) target(%arg7 : memref<16384xf32, #tpu.memory_space<vmem>>) target_semaphore(%arg12 : memref<!tpu.dma_semaphore, #tpu.memory_space<semaphore_mem>>)
    %dma_wait3A_99 = tpu.memref_slice %arg2[%add3A_76] : memref<2097152xi32, #tpu.memory_space<hbm>> -> memref<8192xi32, #tpu.memory_space<hbm>>
    %dma_wait3A_100 = tpu.memref_slice %arg2[%add3A_76] : memref<2097152xi32, #tpu.memory_space<hbm>> -> memref<8192xi32, #tpu.memory_space<hbm>>
    tpu.wait_dma2 semaphore(%arg11 : memref<!tpu.dma_semaphore, #tpu.memory_space<semaphore_mem>>) src(%dma_wait3A_100 : memref<8192xi32, #tpu.memory_space<hbm>>) dst(%arg6 : memref<8192xi32, #tpu.memory_space<vmem>>)
    %dma_wait3A_101 = tpu.memref_slice %arg3[%mul3A_80] : memref<4194304xf32, #tpu.memory_space<hbm>> -> memref<16384xf32, #tpu.memory_space<hbm>>
    %dma_wait3A_102 = tpu.memref_slice %arg3[%mul3A_80] : memref<4194304xf32, #tpu.memory_space<hbm>> -> memref<16384xf32, #tpu.memory_space<hbm>>
    tpu.wait_dma2 semaphore(%arg13 : memref<!tpu.dma_semaphore, #tpu.memory_space<semaphore_mem>>) src(%dma_wait3A_102 : memref<16384xf32, #tpu.memory_space<hbm>>) dst(%arg8 : memref<16384xf32, #tpu.memory_space<vmem>>)
    %parallel_loop3A_103 = arith.constant 0 : i32
    %parallel_loop3A_104 = arith.constant 64 : i32
    %parallel_loop3A_105 = arith.constant 1 : i32
    %parallel_loop3A_106:2 = scf.for %parallel_loop3A_134 = %parallel_loop3A_103 to %parallel_loop3A_104 step %parallel_loop3A_105 iter_args(%parallel_loop3A_135 = %parallel_loop3A_90#0, %parallel_loop3A_136 = %parallel_loop3A_90#1) -> (vector<16xf32>, vector<16xi32>)  : i32 {
      %parallel_loop3A_137 = arith.constant 128 : i32
      %parallel_loop3A_138 = arith.muli %parallel_loop3A_134, %parallel_loop3A_137 : i32
      %parallel_loop3A_139 = arith.constant 0 : i32
      %parallel_loop3A_140 = arith.addi %parallel_loop3A_138, %parallel_loop3A_139 : i32
      %parallel_loop3A_141 = arith.index_cast %parallel_loop3A_140 : i32 to index
      %parallel_loop3A_142 = tpu.vector_load %arg6[%parallel_loop3A_141] {strides = array<i32>} : memref<8192xi32, #tpu.memory_space<vmem>>, vector<16xi32>,
      %parallel_loop3A_143 = arith.constant 256 : i32
      %parallel_loop3A_144 = arith.muli %parallel_loop3A_134, %parallel_loop3A_143 : i32
      %parallel_loop3A_145 = arith.constant 0 : i32
      %parallel_loop3A_146 = arith.addi %parallel_loop3A_144, %parallel_loop3A_145 : i32
      %parallel_loop3A_147 = arith.index_cast %parallel_loop3A_146 : i32 to index
      %parallel_loop3A_148 = tpu.vector_load %arg8[%parallel_loop3A_147] {strides = array<i32>} : memref<16384xf32, #tpu.memory_space<vmem>>, vector<16xf32>,
      %parallel_loop3A_149 = arith.constant 256 : i32
      %parallel_loop3A_150 = arith.muli %parallel_loop3A_134, %parallel_loop3A_149 : i32
      %parallel_loop3A_151 = arith.constant 128 : i32
      %parallel_loop3A_152 = arith.addi %parallel_loop3A_150, %parallel_loop3A_151 : i32
      %parallel_loop3A_153 = arith.constant 0 : i32
      %parallel_loop3A_154 = arith.addi %parallel_loop3A_152, %parallel_loop3A_153 : i32
      %parallel_loop3A_155 = arith.index_cast %parallel_loop3A_154 : i32 to index
      %parallel_loop3A_156 = tpu.vector_load %arg8[%parallel_loop3A_155] {strides = array<i32>} : memref<16384xf32, #tpu.memory_space<vmem>>, vector<16xf32>,
      %parallel_loop3A_157 = arith.subf %parallel_loop3A_148, %parallel_loop3A_156 : vector<16xf32>
      %parallel_loop3A_158 = arith.constant 0.000000e+00 : f32
      %parallel_loop3A_159 = vector.broadcast %parallel_loop3A_158 : f32 to vector<16xf32>
      %parallel_loop3A_160 = arith.subf %parallel_loop3A_159, %parallel_loop3A_157 : vector<16xf32>
      %parallel_loop3A_161 = arith.minimumf %parallel_loop3A_157, %parallel_loop3A_160 : vector<16xf32>
      %parallel_loop3A_162 = math.exp %parallel_loop3A_161 : vector<16xf32>
      %parallel_loop3A_163 = arith.constant 0.106684729 : f32
      %parallel_loop3A_164 = vector.broadcast %parallel_loop3A_163 : f32 to vector<16xf32>
      %parallel_loop3A_165 = arith.mulf %parallel_loop3A_164, %parallel_loop3A_162 : vector<16xf32>
      %parallel_loop3A_166 = arith.constant -0.393535793 : f32
      %parallel_loop3A_167 = vector.broadcast %parallel_loop3A_166 : f32 to vector<16xf32>
      %parallel_loop3A_168 = arith.addf %parallel_loop3A_165, %parallel_loop3A_167 : vector<16xf32>
      %parallel_loop3A_169 = arith.mulf %parallel_loop3A_168, %parallel_loop3A_162 : vector<16xf32>
      %parallel_loop3A_170 = arith.constant 0.979753434 : f32
      %parallel_loop3A_171 = vector.broadcast %parallel_loop3A_170 : f32 to vector<16xf32>
      %parallel_loop3A_172 = arith.addf %parallel_loop3A_169, %parallel_loop3A_171 : vector<16xf32>
      %parallel_loop3A_173 = arith.mulf %parallel_loop3A_172, %parallel_loop3A_162 : vector<16xf32>
      %parallel_loop3A_174 = arith.constant 9.25032131E-4 : f32
      %parallel_loop3A_175 = vector.broadcast %parallel_loop3A_174 : f32 to vector<16xf32>
      %parallel_loop3A_176 = arith.addf %parallel_loop3A_173, %parallel_loop3A_175 : vector<16xf32>
      %parallel_loop3A_177 = arith.constant 1 : i32
      %parallel_loop3A_178 = vector.broadcast %parallel_loop3A_177 : i32 to vector<16xi32>
      %parallel_loop3A_179 = arith.cmpi eq, %parallel_loop3A_142, %parallel_loop3A_178 : vector<16xi32>
      %parallel_loop3A_180 = arith.select %parallel_loop3A_179, %parallel_loop3A_157, %parallel_loop3A_160 : vector<16xi1>, vector<16xf32>
      %parallel_loop3A_181 = arith.constant 0.000000e+00 : f32
      %parallel_loop3A_182 = vector.broadcast %parallel_loop3A_181 : f32 to vector<16xf32>
      %parallel_loop3A_183 = arith.maximumf %parallel_loop3A_180, %parallel_loop3A_182 : vector<16xf32>
      %parallel_loop3A_184 = arith.addf %parallel_loop3A_183, %parallel_loop3A_176 : vector<16xf32>
      %parallel_loop3A_185 = arith.constant 0 : i32
      %parallel_loop3A_186 = vector.broadcast %parallel_loop3A_185 : i32 to vector<16xi32>
      %parallel_loop3A_187 = arith.cmpi ne, %parallel_loop3A_142, %parallel_loop3A_186 : vector<16xi32>
      %parallel_loop3A_188 = arith.constant 0.000000e+00 : f32
      %parallel_loop3A_189 = vector.broadcast %parallel_loop3A_188 : f32 to vector<16xf32>
      %parallel_loop3A_190 = arith.select %parallel_loop3A_187, %parallel_loop3A_184, %parallel_loop3A_189 : vector<16xi1>, vector<16xf32>
      %parallel_loop3A_191 = arith.addf %parallel_loop3A_135, %parallel_loop3A_190 : vector<16xf32>
      %parallel_loop3A_192 = tpu.all_reduce %parallel_loop3A_187 {dim = 0 : i64, kind = #tpu.reduction_kind<sum>} : vector<16xi1> -> vector<16xi32>
      %parallel_loop3A_193 = arith.addi %parallel_loop3A_136, %parallel_loop3A_192 : vector<16xi32>
      %parallel_loop3A_194 = arith.constant 128 : i32
      %parallel_loop3A_195 = arith.muli %parallel_loop3A_134, %parallel_loop3A_194 : i32
      %parallel_loop3A_196 = arith.constant 16 : i32
      %parallel_loop3A_197 = arith.addi %parallel_loop3A_195, %parallel_loop3A_196 : i32
      %parallel_loop3A_198 = arith.index_cast %parallel_loop3A_197 : i32 to index
      %parallel_loop3A_199 = tpu.vector_load %arg6[%parallel_loop3A_198] {strides = array<i32>} : memref<8192xi32, #tpu.memory_space<vmem>>, vector<16xi32>,
      %parallel_loop3A_200 = arith.constant 256 : i32
      %parallel_loop3A_201 = arith.muli %parallel_loop3A_134, %parallel_loop3A_200 : i32
      %parallel_loop3A_202 = arith.constant 16 : i32
      %parallel_loop3A_203 = arith.addi %parallel_loop3A_201, %parallel_loop3A_202 : i32
      %parallel_loop3A_204 = arith.index_cast %parallel_loop3A_203 : i32 to index
      %parallel_loop3A_205 = tpu.vector_load %arg8[%parallel_loop3A_204] {strides = array<i32>} : memref<16384xf32, #tpu.memory_space<vmem>>, vector<16xf32>,
      %parallel_loop3A_206 = arith.constant 256 : i32
      %parallel_loop3A_207 = arith.muli %parallel_loop3A_134, %parallel_loop3A_206 : i32
      %parallel_loop3A_208 = arith.constant 128 : i32
      %parallel_loop3A_209 = arith.addi %parallel_loop3A_207, %parallel_loop3A_208 : i32
      %parallel_loop3A_210 = arith.constant 16 : i32
      %parallel_loop3A_211 = arith.addi %parallel_loop3A_209, %parallel_loop3A_210 : i32
      %parallel_loop3A_212 = arith.index_cast %parallel_loop3A_211 : i32 to index
      %parallel_loop3A_213 = tpu.vector_load %arg8[%parallel_loop3A_212] {strides = array<i32>} : memref<16384xf32, #tpu.memory_space<vmem>>, vector<16xf32>,
      %parallel_loop3A_214 = arith.subf %parallel_loop3A_205, %parallel_loop3A_213 : vector<16xf32>
      %parallel_loop3A_215 = arith.constant 0.000000e+00 : f32
      %parallel_loop3A_216 = vector.broadcast %parallel_loop3A_215 : f32 to vector<16xf32>
      %parallel_loop3A_217 = arith.subf %parallel_loop3A_216, %parallel_loop3A_214 : vector<16xf32>
      %parallel_loop3A_218 = arith.minimumf %parallel_loop3A_214, %parallel_loop3A_217 : vector<16xf32>
      %parallel_loop3A_219 = math.exp %parallel_loop3A_218 : vector<16xf32>
      %parallel_loop3A_220 = arith.constant 0.106684729 : f32
      %parallel_loop3A_221 = vector.broadcast %parallel_loop3A_220 : f32 to vector<16xf32>
      %parallel_loop3A_222 = arith.mulf %parallel_loop3A_221, %parallel_loop3A_219 : vector<16xf32>
      %parallel_loop3A_223 = arith.constant -0.393535793 : f32
      %parallel_loop3A_224 = vector.broadcast %parallel_loop3A_223 : f32 to vector<16xf32>
      %parallel_loop3A_225 = arith.addf %parallel_loop3A_222, %parallel_loop3A_224 : vector<16xf32>
      %parallel_loop3A_226 = arith.mulf %parallel_loop3A_225, %parallel_loop3A_219 : vector<16xf32>
      %parallel_loop3A_227 = arith.constant 0.979753434 : f32
      %parallel_loop3A_228 = vector.broadcast %parallel_loop3A_227 : f32 to vector<16xf32>
      %parallel_loop3A_229 = arith.addf %parallel_loop3A_226, %parallel_loop3A_228 : vector<16xf32>
      %parallel_loop3A_230 = arith.mulf %parallel_loop3A_229, %parallel_loop3A_219 : vector<16xf32>
      %parallel_loop3A_231 = arith.constant 9.25032131E-4 : f32
      %parallel_loop3A_232 = vector.broadcast %parallel_loop3A_231 : f32 to vector<16xf32>
      %parallel_loop3A_233 = arith.addf %parallel_loop3A_230, %parallel_loop3A_232 : vector<16xf32>
      %parallel_loop3A_234 = arith.constant 1 : i32
      %parallel_loop3A_235 = vector.broadcast %parallel_loop3A_234 : i32 to vector<16xi32>
      %parallel_loop3A_236 = arith.cmpi eq, %parallel_loop3A_199, %parallel_loop3A_235 : vector<16xi32>
      %parallel_loop3A_237 = arith.select %parallel_loop3A_236, %parallel_loop3A_214, %parallel_loop3A_217 : vector<16xi1>, vector<16xf32>
      %parallel_loop3A_238 = arith.constant 0.000000e+00 : f32
      %parallel_loop3A_239 = vector.broadcast %parallel_loop3A_238 : f32 to vector<16xf32>
      %parallel_loop3A_240 = arith.maximumf %parallel_loop3A_237, %parallel_loop3A_239 : vector<16xf32>
      %parallel_loop3A_241 = arith.addf %parallel_loop3A_240, %parallel_loop3A_233 : vector<16xf32>
      %parallel_loop3A_242 = arith.constant 0 : i32
      %parallel_loop3A_243 = vector.broadcast %parallel_loop3A_242 : i32 to vector<16xi32>
      %parallel_loop3A_244 = arith.cmpi ne, %parallel_loop3A_199, %parallel_loop3A_243 : vector<16xi32>
      %parallel_loop3A_245 = arith.constant 0.000000e+00 : f32
      %parallel_loop3A_246 = vector.broadcast %parallel_loop3A_245 : f32 to vector<16xf32>
      %parallel_loop3A_247 = arith.select %parallel_loop3A_244, %parallel_loop3A_241, %parallel_loop3A_246 : vector<16xi1>, vector<16xf32>
      %parallel_loop3A_248 = arith.addf %parallel_loop3A_191, %parallel_loop3A_247 : vector<16xf32>
      %parallel_loop3A_249 = tpu.all_reduce %parallel_loop3A_244 {dim = 0 : i64, kind = #tpu.reduction_kind<sum>} : vector<16xi1> -> vector<16xi32>
      %parallel_loop3A_250 = arith.addi %parallel_loop3A_193, %parallel_loop3A_249 : vector<16xi32>
      %parallel_loop3A_251 = arith.constant 128 : i32
      %parallel_loop3A_252 = arith.muli %parallel_loop3A_134, %parallel_loop3A_251 : i32
      %parallel_loop3A_253 = arith.constant 32 : i32
      %parallel_loop3A_254 = arith.addi %parallel_loop3A_252, %parallel_loop3A_253 : i32
      %parallel_loop3A_255 = arith.index_cast %parallel_loop3A_254 : i32 to index
      %parallel_loop3A_256 = tpu.vector_load %arg6[%parallel_loop3A_255] {strides = array<i32>} : memref<8192xi32, #tpu.memory_space<vmem>>, vector<16xi32>,
      %parallel_loop3A_257 = arith.constant 256 : i32
      %parallel_loop3A_258 = arith.muli %parallel_loop3A_134, %parallel_loop3A_257 : i32
      %parallel_loop3A_259 = arith.constant 32 : i32
      %parallel_loop3A_260 = arith.addi %parallel_loop3A_258, %parallel_loop3A_259 : i32
      %parallel_loop3A_261 = arith.index_cast %parallel_loop3A_260 : i32 to index
      %parallel_loop3A_262 = tpu.vector_load %arg8[%parallel_loop3A_261] {strides = array<i32>} : memref<16384xf32, #tpu.memory_space<vmem>>, vector<16xf32>,
      %parallel_loop3A_263 = arith.constant 256 : i32
      %parallel_loop3A_264 = arith.muli %parallel_loop3A_134, %parallel_loop3A_263 : i32
      %parallel_loop3A_265 = arith.constant 128 : i32
      %parallel_loop3A_266 = arith.addi %parallel_loop3A_264, %parallel_loop3A_265 : i32
      %parallel_loop3A_267 = arith.constant 32 : i32
      %parallel_loop3A_268 = arith.addi %parallel_loop3A_266, %parallel_loop3A_267 : i32
      %parallel_loop3A_269 = arith.index_cast %parallel_loop3A_268 : i32 to index
      %parallel_loop3A_270 = tpu.vector_load %arg8[%parallel_loop3A_269] {strides = array<i32>} : memref<16384xf32, #tpu.memory_space<vmem>>, vector<16xf32>,
      %parallel_loop3A_271 = arith.subf %parallel_loop3A_262, %parallel_loop3A_270 : vector<16xf32>
      %parallel_loop3A_272 = arith.constant 0.000000e+00 : f32
      %parallel_loop3A_273 = vector.broadcast %parallel_loop3A_272 : f32 to vector<16xf32>
      %parallel_loop3A_274 = arith.subf %parallel_loop3A_273, %parallel_loop3A_271 : vector<16xf32>
      %parallel_loop3A_275 = arith.minimumf %parallel_loop3A_271, %parallel_loop3A_274 : vector<16xf32>
      %parallel_loop3A_276 = math.exp %parallel_loop3A_275 : vector<16xf32>
      %parallel_loop3A_277 = arith.constant 0.106684729 : f32
      %parallel_loop3A_278 = vector.broadcast %parallel_loop3A_277 : f32 to vector<16xf32>
      %parallel_loop3A_279 = arith.mulf %parallel_loop3A_278, %parallel_loop3A_276 : vector<16xf32>
      %parallel_loop3A_280 = arith.constant -0.393535793 : f32
      %parallel_loop3A_281 = vector.broadcast %parallel_loop3A_280 : f32 to vector<16xf32>
      %parallel_loop3A_282 = arith.addf %parallel_loop3A_279, %parallel_loop3A_281 : vector<16xf32>
      %parallel_loop3A_283 = arith.mulf %parallel_loop3A_282, %parallel_loop3A_276 : vector<16xf32>
      %parallel_loop3A_284 = arith.constant 0.979753434 : f32
      %parallel_loop3A_285 = vector.broadcast %parallel_loop3A_284 : f32 to vector<16xf32>
      %parallel_loop3A_286 = arith.addf %parallel_loop3A_283, %parallel_loop3A_285 : vector<16xf32>
      %parallel_loop3A_287 = arith.mulf %parallel_loop3A_286, %parallel_loop3A_276 : vector<16xf32>
      %parallel_loop3A_288 = arith.constant 9.25032131E-4 : f32
      %parallel_loop3A_289 = vector.broadcast %parallel_loop3A_288 : f32 to vector<16xf32>
      %parallel_loop3A_290 = arith.addf %parallel_loop3A_287, %parallel_loop3A_289 : vector<16xf32>
      %parallel_loop3A_291 = arith.constant 1 : i32
      %parallel_loop3A_292 = vector.broadcast %parallel_loop3A_291 : i32 to vector<16xi32>
      %parallel_loop3A_293 = arith.cmpi eq, %parallel_loop3A_256, %parallel_loop3A_292 : vector<16xi32>
      %parallel_loop3A_294 = arith.select %parallel_loop3A_293, %parallel_loop3A_271, %parallel_loop3A_274 : vector<16xi1>, vector<16xf32>
      %parallel_loop3A_295 = arith.constant 0.000000e+00 : f32
      %parallel_loop3A_296 = vector.broadcast %parallel_loop3A_295 : f32 to vector<16xf32>
      %parallel_loop3A_297 = arith.maximumf %parallel_loop3A_294, %parallel_loop3A_296 : vector<16xf32>
      %parallel_loop3A_298 = arith.addf %parallel_loop3A_297, %parallel_loop3A_290 : vector<16xf32>
      %parallel_loop3A_299 = arith.constant 0 : i32
      %parallel_loop3A_300 = vector.broadcast %parallel_loop3A_299 : i32 to vector<16xi32>
      %parallel_loop3A_301 = arith.cmpi ne, %parallel_loop3A_256, %parallel_loop3A_300 : vector<16xi32>
      %parallel_loop3A_302 = arith.constant 0.000000e+00 : f32
      %parallel_loop3A_303 = vector.broadcast %parallel_loop3A_302 : f32 to vector<16xf32>
      %parallel_loop3A_304 = arith.select %parallel_loop3A_301, %parallel_loop3A_298, %parallel_loop3A_303 : vector<16xi1>, vector<16xf32>
      %parallel_loop3A_305 = arith.addf %parallel_loop3A_248, %parallel_loop3A_304 : vector<16xf32>
      %parallel_loop3A_306 = tpu.all_reduce %parallel_loop3A_301 {dim = 0 : i64, kind = #tpu.reduction_kind<sum>} : vector<16xi1> -> vector<16xi32>
      %parallel_loop3A_307 = arith.addi %parallel_loop3A_250, %parallel_loop3A_306 : vector<16xi32>
      %parallel_loop3A_308 = arith.constant 128 : i32
      %parallel_loop3A_309 = arith.muli %parallel_loop3A_134, %parallel_loop3A_308 : i32
      %parallel_loop3A_310 = arith.constant 48 : i32
      %parallel_loop3A_311 = arith.addi %parallel_loop3A_309, %parallel_loop3A_310 : i32
      %parallel_loop3A_312 = arith.index_cast %parallel_loop3A_311 : i32 to index
      %parallel_loop3A_313 = tpu.vector_load %arg6[%parallel_loop3A_312] {strides = array<i32>} : memref<8192xi32, #tpu.memory_space<vmem>>, vector<16xi32>,
      %parallel_loop3A_314 = arith.constant 256 : i32
      %parallel_loop3A_315 = arith.muli %parallel_loop3A_134, %parallel_loop3A_314 : i32
      %parallel_loop3A_316 = arith.constant 48 : i32
      %parallel_loop3A_317 = arith.addi %parallel_loop3A_315, %parallel_loop3A_316 : i32
      %parallel_loop3A_318 = arith.index_cast %parallel_loop3A_317 : i32 to index
      %parallel_loop3A_319 = tpu.vector_load %arg8[%parallel_loop3A_318] {strides = array<i32>} : memref<16384xf32, #tpu.memory_space<vmem>>, vector<16xf32>,
      %parallel_loop3A_320 = arith.constant 256 : i32
      %parallel_loop3A_321 = arith.muli %parallel_loop3A_134, %parallel_loop3A_320 : i32
      %parallel_loop3A_322 = arith.constant 128 : i32
      %parallel_loop3A_323 = arith.addi %parallel_loop3A_321, %parallel_loop3A_322 : i32
      %parallel_loop3A_324 = arith.constant 48 : i32
      %parallel_loop3A_325 = arith.addi %parallel_loop3A_323, %parallel_loop3A_324 : i32
      %parallel_loop3A_326 = arith.index_cast %parallel_loop3A_325 : i32 to index
      %parallel_loop3A_327 = tpu.vector_load %arg8[%parallel_loop3A_326] {strides = array<i32>} : memref<16384xf32, #tpu.memory_space<vmem>>, vector<16xf32>,
      %parallel_loop3A_328 = arith.subf %parallel_loop3A_319, %parallel_loop3A_327 : vector<16xf32>
      %parallel_loop3A_329 = arith.constant 0.000000e+00 : f32
      %parallel_loop3A_330 = vector.broadcast %parallel_loop3A_329 : f32 to vector<16xf32>
      %parallel_loop3A_331 = arith.subf %parallel_loop3A_330, %parallel_loop3A_328 : vector<16xf32>
      %parallel_loop3A_332 = arith.minimumf %parallel_loop3A_328, %parallel_loop3A_331 : vector<16xf32>
      %parallel_loop3A_333 = math.exp %parallel_loop3A_332 : vector<16xf32>
      %parallel_loop3A_334 = arith.constant 0.106684729 : f32
      %parallel_loop3A_335 = vector.broadcast %parallel_loop3A_334 : f32 to vector<16xf32>
      %parallel_loop3A_336 = arith.mulf %parallel_loop3A_335, %parallel_loop3A_333 : vector<16xf32>
      %parallel_loop3A_337 = arith.constant -0.393535793 : f32
      %parallel_loop3A_338 = vector.broadcast %parallel_loop3A_337 : f32 to vector<16xf32>
      %parallel_loop3A_339 = arith.addf %parallel_loop3A_336, %parallel_loop3A_338 : vector<16xf32>
      %parallel_loop3A_340 = arith.mulf %parallel_loop3A_339, %parallel_loop3A_333 : vector<16xf32>
      %parallel_loop3A_341 = arith.constant 0.979753434 : f32
      %parallel_loop3A_342 = vector.broadcast %parallel_loop3A_341 : f32 to vector<16xf32>
      %parallel_loop3A_343 = arith.addf %parallel_loop3A_340, %parallel_loop3A_342 : vector<16xf32>
      %parallel_loop3A_344 = arith.mulf %parallel_loop3A_343, %parallel_loop3A_333 : vector<16xf32>
      %parallel_loop3A_345 = arith.constant 9.25032131E-4 : f32
      %parallel_loop3A_346 = vector.broadcast %parallel_loop3A_345 : f32 to vector<16xf32>
      %parallel_loop3A_347 = arith.addf %parallel_loop3A_344, %parallel_loop3A_346 : vector<16xf32>
      %parallel_loop3A_348 = arith.constant 1 : i32
      %parallel_loop3A_349 = vector.broadcast %parallel_loop3A_348 : i32 to vector<16xi32>
      %parallel_loop3A_350 = arith.cmpi eq, %parallel_loop3A_313, %parallel_loop3A_349 : vector<16xi32>
      %parallel_loop3A_351 = arith.select %parallel_loop3A_350, %parallel_loop3A_328, %parallel_loop3A_331 : vector<16xi1>, vector<16xf32>
      %parallel_loop3A_352 = arith.constant 0.000000e+00 : f32
      %parallel_loop3A_353 = vector.broadcast %parallel_loop3A_352 : f32 to vector<16xf32>
      %parallel_loop3A_354 = arith.maximumf %parallel_loop3A_351, %parallel_loop3A_353 : vector<16xf32>
      %parallel_loop3A_355 = arith.addf %parallel_loop3A_354, %parallel_loop3A_347 : vector<16xf32>
      %parallel_loop3A_356 = arith.constant 0 : i32
      %parallel_loop3A_357 = vector.broadcast %parallel_loop3A_356 : i32 to vector<16xi32>
      %parallel_loop3A_358 = arith.cmpi ne, %parallel_loop3A_313, %parallel_loop3A_357 : vector<16xi32>
      %parallel_loop3A_359 = arith.constant 0.000000e+00 : f32
      %parallel_loop3A_360 = vector.broadcast %parallel_loop3A_359 : f32 to vector<16xf32>
      %parallel_loop3A_361 = arith.select %parallel_loop3A_358, %parallel_loop3A_355, %parallel_loop3A_360 : vector<16xi1>, vector<16xf32>
      %parallel_loop3A_362 = arith.addf %parallel_loop3A_305, %parallel_loop3A_361 : vector<16xf32>
      %parallel_loop3A_363 = tpu.all_reduce %parallel_loop3A_358 {dim = 0 : i64, kind = #tpu.reduction_kind<sum>} : vector<16xi1> -> vector<16xi32>
      %parallel_loop3A_364 = arith.addi %parallel_loop3A_307, %parallel_loop3A_363 : vector<16xi32>
      %parallel_loop3A_365 = arith.constant 128 : i32
      %parallel_loop3A_366 = arith.muli %parallel_loop3A_134, %parallel_loop3A_365 : i32
      %parallel_loop3A_367 = arith.constant 64 : i32
      %parallel_loop3A_368 = arith.addi %parallel_loop3A_366, %parallel_loop3A_367 : i32
      %parallel_loop3A_369 = arith.index_cast %parallel_loop3A_368 : i32 to index
      %parallel_loop3A_370 = tpu.vector_load %arg6[%parallel_loop3A_369] {strides = array<i32>} : memref<8192xi32, #tpu.memory_space<vmem>>, vector<16xi32>,
      %parallel_loop3A_371 = arith.constant 256 : i32
      %parallel_loop3A_372 = arith.muli %parallel_loop3A_134, %parallel_loop3A_371 : i32
      %parallel_loop3A_373 = arith.constant 64 : i32
      %parallel_loop3A_374 = arith.addi %parallel_loop3A_372, %parallel_loop3A_373 : i32
      %parallel_loop3A_375 = arith.index_cast %parallel_loop3A_374 : i32 to index
      %parallel_loop3A_376 = tpu.vector_load %arg8[%parallel_loop3A_375] {strides = array<i32>} : memref<16384xf32, #tpu.memory_space<vmem>>, vector<16xf32>,
      %parallel_loop3A_377 = arith.constant 256 : i32
      %parallel_loop3A_378 = arith.muli %parallel_loop3A_134, %parallel_loop3A_377 : i32
      %parallel_loop3A_379 = arith.constant 128 : i32
      %parallel_loop3A_380 = arith.addi %parallel_loop3A_378, %parallel_loop3A_379 : i32
      %parallel_loop3A_381 = arith.constant 64 : i32
      %parallel_loop3A_382 = arith.addi %parallel_loop3A_380, %parallel_loop3A_381 : i32
      %parallel_loop3A_383 = arith.index_cast %parallel_loop3A_382 : i32 to index
      %parallel_loop3A_384 = tpu.vector_load %arg8[%parallel_loop3A_383] {strides = array<i32>} : memref<16384xf32, #tpu.memory_space<vmem>>, vector<16xf32>,
      %parallel_loop3A_385 = arith.subf %parallel_loop3A_376, %parallel_loop3A_384 : vector<16xf32>
      %parallel_loop3A_386 = arith.constant 0.000000e+00 : f32
      %parallel_loop3A_387 = vector.broadcast %parallel_loop3A_386 : f32 to vector<16xf32>
      %parallel_loop3A_388 = arith.subf %parallel_loop3A_387, %parallel_loop3A_385 : vector<16xf32>
      %parallel_loop3A_389 = arith.minimumf %parallel_loop3A_385, %parallel_loop3A_388 : vector<16xf32>
      %parallel_loop3A_390 = math.exp %parallel_loop3A_389 : vector<16xf32>
      %parallel_loop3A_391 = arith.constant 0.106684729 : f32
      %parallel_loop3A_392 = vector.broadcast %parallel_loop3A_391 : f32 to vector<16xf32>
      %parallel_loop3A_393 = arith.mulf %parallel_loop3A_392, %parallel_loop3A_390 : vector<16xf32>
      %parallel_loop3A_394 = arith.constant -0.393535793 : f32
      %parallel_loop3A_395 = vector.broadcast %parallel_loop3A_394 : f32 to vector<16xf32>
      %parallel_loop3A_396 = arith.addf %parallel_loop3A_393, %parallel_loop3A_395 : vector<16xf32>
      %parallel_loop3A_397 = arith.mulf %parallel_loop3A_396, %parallel_loop3A_390 : vector<16xf32>
      %parallel_loop3A_398 = arith.constant 0.979753434 : f32
      %parallel_loop3A_399 = vector.broadcast %parallel_loop3A_398 : f32 to vector<16xf32>
      %parallel_loop3A_400 = arith.addf %parallel_loop3A_397, %parallel_loop3A_399 : vector<16xf32>
      %parallel_loop3A_401 = arith.mulf %parallel_loop3A_400, %parallel_loop3A_390 : vector<16xf32>
      %parallel_loop3A_402 = arith.constant 9.25032131E-4 : f32
      %parallel_loop3A_403 = vector.broadcast %parallel_loop3A_402 : f32 to vector<16xf32>
      %parallel_loop3A_404 = arith.addf %parallel_loop3A_401, %parallel_loop3A_403 : vector<16xf32>
      %parallel_loop3A_405 = arith.constant 1 : i32
      %parallel_loop3A_406 = vector.broadcast %parallel_loop3A_405 : i32 to vector<16xi32>
      %parallel_loop3A_407 = arith.cmpi eq, %parallel_loop3A_370, %parallel_loop3A_406 : vector<16xi32>
      %parallel_loop3A_408 = arith.select %parallel_loop3A_407, %parallel_loop3A_385, %parallel_loop3A_388 : vector<16xi1>, vector<16xf32>
      %parallel_loop3A_409 = arith.constant 0.000000e+00 : f32
      %parallel_loop3A_410 = vector.broadcast %parallel_loop3A_409 : f32 to vector<16xf32>
      %parallel_loop3A_411 = arith.maximumf %parallel_loop3A_408, %parallel_loop3A_410 : vector<16xf32>
      %parallel_loop3A_412 = arith.addf %parallel_loop3A_411, %parallel_loop3A_404 : vector<16xf32>
      %parallel_loop3A_413 = arith.constant 0 : i32
      %parallel_loop3A_414 = vector.broadcast %parallel_loop3A_413 : i32 to vector<16xi32>
      %parallel_loop3A_415 = arith.cmpi ne, %parallel_loop3A_370, %parallel_loop3A_414 : vector<16xi32>
      %parallel_loop3A_416 = arith.constant 0.000000e+00 : f32
      %parallel_loop3A_417 = vector.broadcast %parallel_loop3A_416 : f32 to vector<16xf32>
      %parallel_loop3A_418 = arith.select %parallel_loop3A_415, %parallel_loop3A_412, %parallel_loop3A_417 : vector<16xi1>, vector<16xf32>
      %parallel_loop3A_419 = arith.addf %parallel_loop3A_362, %parallel_loop3A_418 : vector<16xf32>
      %parallel_loop3A_420 = tpu.all_reduce %parallel_loop3A_415 {dim = 0 : i64, kind = #tpu.reduction_kind<sum>} : vector<16xi1> -> vector<16xi32>
      %parallel_loop3A_421 = arith.addi %parallel_loop3A_364, %parallel_loop3A_420 : vector<16xi32>
      %parallel_loop3A_422 = arith.constant 128 : i32
      %parallel_loop3A_423 = arith.muli %parallel_loop3A_134, %parallel_loop3A_422 : i32
      %parallel_loop3A_424 = arith.constant 80 : i32
      %parallel_loop3A_425 = arith.addi %parallel_loop3A_423, %parallel_loop3A_424 : i32
      %parallel_loop3A_426 = arith.index_cast %parallel_loop3A_425 : i32 to index
      %parallel_loop3A_427 = tpu.vector_load %arg6[%parallel_loop3A_426] {strides = array<i32>} : memref<8192xi32, #tpu.memory_space<vmem>>, vector<16xi32>,
      %parallel_loop3A_428 = arith.constant 256 : i32
      %parallel_loop3A_429 = arith.muli %parallel_loop3A_134, %parallel_loop3A_428 : i32
      %parallel_loop3A_430 = arith.constant 80 : i32
      %parallel_loop3A_431 = arith.addi %parallel_loop3A_429, %parallel_loop3A_430 : i32
      %parallel_loop3A_432 = arith.index_cast %parallel_loop3A_431 : i32 to index
      %parallel_loop3A_433 = tpu.vector_load %arg8[%parallel_loop3A_432] {strides = array<i32>} : memref<16384xf32, #tpu.memory_space<vmem>>, vector<16xf32>,
      %parallel_loop3A_434 = arith.constant 256 : i32
      %parallel_loop3A_435 = arith.muli %parallel_loop3A_134, %parallel_loop3A_434 : i32
      %parallel_loop3A_436 = arith.constant 128 : i32
      %parallel_loop3A_437 = arith.addi %parallel_loop3A_435, %parallel_loop3A_436 : i32
      %parallel_loop3A_438 = arith.constant 80 : i32
      %parallel_loop3A_439 = arith.addi %parallel_loop3A_437, %parallel_loop3A_438 : i32
      %parallel_loop3A_440 = arith.index_cast %parallel_loop3A_439 : i32 to index
      %parallel_loop3A_441 = tpu.vector_load %arg8[%parallel_loop3A_440] {strides = array<i32>} : memref<16384xf32, #tpu.memory_space<vmem>>, vector<16xf32>,
      %parallel_loop3A_442 = arith.subf %parallel_loop3A_433, %parallel_loop3A_441 : vector<16xf32>
      %parallel_loop3A_443 = arith.constant 0.000000e+00 : f32
      %parallel_loop3A_444 = vector.broadcast %parallel_loop3A_443 : f32 to vector<16xf32>
      %parallel_loop3A_445 = arith.subf %parallel_loop3A_444, %parallel_loop3A_442 : vector<16xf32>
      %parallel_loop3A_446 = arith.minimumf %parallel_loop3A_442, %parallel_loop3A_445 : vector<16xf32>
      %parallel_loop3A_447 = math.exp %parallel_loop3A_446 : vector<16xf32>
      %parallel_loop3A_448 = arith.constant 0.106684729 : f32
      %parallel_loop3A_449 = vector.broadcast %parallel_loop3A_448 : f32 to vector<16xf32>
      %parallel_loop3A_450 = arith.mulf %parallel_loop3A_449, %parallel_loop3A_447 : vector<16xf32>
      %parallel_loop3A_451 = arith.constant -0.393535793 : f32
      %parallel_loop3A_452 = vector.broadcast %parallel_loop3A_451 : f32 to vector<16xf32>
      %parallel_loop3A_453 = arith.addf %parallel_loop3A_450, %parallel_loop3A_452 : vector<16xf32>
      %parallel_loop3A_454 = arith.mulf %parallel_loop3A_453, %parallel_loop3A_447 : vector<16xf32>
      %parallel_loop3A_455 = arith.constant 0.979753434 : f32
      %parallel_loop3A_456 = vector.broadcast %parallel_loop3A_455 : f32 to vector<16xf32>
      %parallel_loop3A_457 = arith.addf %parallel_loop3A_454, %parallel_loop3A_456 : vector<16xf32>
      %parallel_loop3A_458 = arith.mulf %parallel_loop3A_457, %parallel_loop3A_447 : vector<16xf32>
      %parallel_loop3A_459 = arith.constant 9.25032131E-4 : f32
      %parallel_loop3A_460 = vector.broadcast %parallel_loop3A_459 : f32 to vector<16xf32>
      %parallel_loop3A_461 = arith.addf %parallel_loop3A_458, %parallel_loop3A_460 : vector<16xf32>
      %parallel_loop3A_462 = arith.constant 1 : i32
      %parallel_loop3A_463 = vector.broadcast %parallel_loop3A_462 : i32 to vector<16xi32>
      %parallel_loop3A_464 = arith.cmpi eq, %parallel_loop3A_427, %parallel_loop3A_463 : vector<16xi32>
      %parallel_loop3A_465 = arith.select %parallel_loop3A_464, %parallel_loop3A_442, %parallel_loop3A_445 : vector<16xi1>, vector<16xf32>
      %parallel_loop3A_466 = arith.constant 0.000000e+00 : f32
      %parallel_loop3A_467 = vector.broadcast %parallel_loop3A_466 : f32 to vector<16xf32>
      %parallel_loop3A_468 = arith.maximumf %parallel_loop3A_465, %parallel_loop3A_467 : vector<16xf32>
      %parallel_loop3A_469 = arith.addf %parallel_loop3A_468, %parallel_loop3A_461 : vector<16xf32>
      %parallel_loop3A_470 = arith.constant 0 : i32
      %parallel_loop3A_471 = vector.broadcast %parallel_loop3A_470 : i32 to vector<16xi32>
      %parallel_loop3A_472 = arith.cmpi ne, %parallel_loop3A_427, %parallel_loop3A_471 : vector<16xi32>
      %parallel_loop3A_473 = arith.constant 0.000000e+00 : f32
      %parallel_loop3A_474 = vector.broadcast %parallel_loop3A_473 : f32 to vector<16xf32>
      %parallel_loop3A_475 = arith.select %parallel_loop3A_472, %parallel_loop3A_469, %parallel_loop3A_474 : vector<16xi1>, vector<16xf32>
      %parallel_loop3A_476 = arith.addf %parallel_loop3A_419, %parallel_loop3A_475 : vector<16xf32>
      %parallel_loop3A_477 = tpu.all_reduce %parallel_loop3A_472 {dim = 0 : i64, kind = #tpu.reduction_kind<sum>} : vector<16xi1> -> vector<16xi32>
      %parallel_loop3A_478 = arith.addi %parallel_loop3A_421, %parallel_loop3A_477 : vector<16xi32>
      %parallel_loop3A_479 = arith.constant 128 : i32
      %parallel_loop3A_480 = arith.muli %parallel_loop3A_134, %parallel_loop3A_479 : i32
      %parallel_loop3A_481 = arith.constant 96 : i32
      %parallel_loop3A_482 = arith.addi %parallel_loop3A_480, %parallel_loop3A_481 : i32
      %parallel_loop3A_483 = arith.index_cast %parallel_loop3A_482 : i32 to index
      %parallel_loop3A_484 = tpu.vector_load %arg6[%parallel_loop3A_483] {strides = array<i32>} : memref<8192xi32, #tpu.memory_space<vmem>>, vector<16xi32>,
      %parallel_loop3A_485 = arith.constant 256 : i32
      %parallel_loop3A_486 = arith.muli %parallel_loop3A_134, %parallel_loop3A_485 : i32
      %parallel_loop3A_487 = arith.constant 96 : i32
      %parallel_loop3A_488 = arith.addi %parallel_loop3A_486, %parallel_loop3A_487 : i32
      %parallel_loop3A_489 = arith.index_cast %parallel_loop3A_488 : i32 to index
      %parallel_loop3A_490 = tpu.vector_load %arg8[%parallel_loop3A_489] {strides = array<i32>} : memref<16384xf32, #tpu.memory_space<vmem>>, vector<16xf32>,
      %parallel_loop3A_491 = arith.constant 256 : i32
      %parallel_loop3A_492 = arith.muli %parallel_loop3A_134, %parallel_loop3A_491 : i32
      %parallel_loop3A_493 = arith.constant 128 : i32
      %parallel_loop3A_494 = arith.addi %parallel_loop3A_492, %parallel_loop3A_493 : i32
      %parallel_loop3A_495 = arith.constant 96 : i32
      %parallel_loop3A_496 = arith.addi %parallel_loop3A_494, %parallel_loop3A_495 : i32
      %parallel_loop3A_497 = arith.index_cast %parallel_loop3A_496 : i32 to index
      %parallel_loop3A_498 = tpu.vector_load %arg8[%parallel_loop3A_497] {strides = array<i32>} : memref<16384xf32, #tpu.memory_space<vmem>>, vector<16xf32>,
      %parallel_loop3A_499 = arith.subf %parallel_loop3A_490, %parallel_loop3A_498 : vector<16xf32>
      %parallel_loop3A_500 = arith.constant 0.000000e+00 : f32
      %parallel_loop3A_501 = vector.broadcast %parallel_loop3A_500 : f32 to vector<16xf32>
      %parallel_loop3A_502 = arith.subf %parallel_loop3A_501, %parallel_loop3A_499 : vector<16xf32>
      %parallel_loop3A_503 = arith.minimumf %parallel_loop3A_499, %parallel_loop3A_502 : vector<16xf32>
      %parallel_loop3A_504 = math.exp %parallel_loop3A_503 : vector<16xf32>
      %parallel_loop3A_505 = arith.constant 0.106684729 : f32
      %parallel_loop3A_506 = vector.broadcast %parallel_loop3A_505 : f32 to vector<16xf32>
      %parallel_loop3A_507 = arith.mulf %parallel_loop3A_506, %parallel_loop3A_504 : vector<16xf32>
      %parallel_loop3A_508 = arith.constant -0.393535793 : f32
      %parallel_loop3A_509 = vector.broadcast %parallel_loop3A_508 : f32 to vector<16xf32>
      %parallel_loop3A_510 = arith.addf %parallel_loop3A_507, %parallel_loop3A_509 : vector<16xf32>
      %parallel_loop3A_511 = arith.mulf %parallel_loop3A_510, %parallel_loop3A_504 : vector<16xf32>
      %parallel_loop3A_512 = arith.constant 0.979753434 : f32
      %parallel_loop3A_513 = vector.broadcast %parallel_loop3A_512 : f32 to vector<16xf32>
      %parallel_loop3A_514 = arith.addf %parallel_loop3A_511, %parallel_loop3A_513 : vector<16xf32>
      %parallel_loop3A_515 = arith.mulf %parallel_loop3A_514, %parallel_loop3A_504 : vector<16xf32>
      %parallel_loop3A_516 = arith.constant 9.25032131E-4 : f32
      %parallel_loop3A_517 = vector.broadcast %parallel_loop3A_516 : f32 to vector<16xf32>
      %parallel_loop3A_518 = arith.addf %parallel_loop3A_515, %parallel_loop3A_517 : vector<16xf32>
      %parallel_loop3A_519 = arith.constant 1 : i32
      %parallel_loop3A_520 = vector.broadcast %parallel_loop3A_519 : i32 to vector<16xi32>
      %parallel_loop3A_521 = arith.cmpi eq, %parallel_loop3A_484, %parallel_loop3A_520 : vector<16xi32>
      %parallel_loop3A_522 = arith.select %parallel_loop3A_521, %parallel_loop3A_499, %parallel_loop3A_502 : vector<16xi1>, vector<16xf32>
      %parallel_loop3A_523 = arith.constant 0.000000e+00 : f32
      %parallel_loop3A_524 = vector.broadcast %parallel_loop3A_523 : f32 to vector<16xf32>
      %parallel_loop3A_525 = arith.maximumf %parallel_loop3A_522, %parallel_loop3A_524 : vector<16xf32>
      %parallel_loop3A_526 = arith.addf %parallel_loop3A_525, %parallel_loop3A_518 : vector<16xf32>
      %parallel_loop3A_527 = arith.constant 0 : i32
      %parallel_loop3A_528 = vector.broadcast %parallel_loop3A_527 : i32 to vector<16xi32>
      %parallel_loop3A_529 = arith.cmpi ne, %parallel_loop3A_484, %parallel_loop3A_528 : vector<16xi32>
      %parallel_loop3A_530 = arith.constant 0.000000e+00 : f32
      %parallel_loop3A_531 = vector.broadcast %parallel_loop3A_530 : f32 to vector<16xf32>
      %parallel_loop3A_532 = arith.select %parallel_loop3A_529, %parallel_loop3A_526, %parallel_loop3A_531 : vector<16xi1>, vector<16xf32>
      %parallel_loop3A_533 = arith.addf %parallel_loop3A_476, %parallel_loop3A_532 : vector<16xf32>
      %parallel_loop3A_534 = tpu.all_reduce %parallel_loop3A_529 {dim = 0 : i64, kind = #tpu.reduction_kind<sum>} : vector<16xi1> -> vector<16xi32>
      %parallel_loop3A_535 = arith.addi %parallel_loop3A_478, %parallel_loop3A_534 : vector<16xi32>
      %parallel_loop3A_536 = arith.constant 128 : i32
      %parallel_loop3A_537 = arith.muli %parallel_loop3A_134, %parallel_loop3A_536 : i32
      %parallel_loop3A_538 = arith.constant 112 : i32
      %parallel_loop3A_539 = arith.addi %parallel_loop3A_537, %parallel_loop3A_538 : i32
      %parallel_loop3A_540 = arith.index_cast %parallel_loop3A_539 : i32 to index
      %parallel_loop3A_541 = tpu.vector_load %arg6[%parallel_loop3A_540] {strides = array<i32>} : memref<8192xi32, #tpu.memory_space<vmem>>, vector<16xi32>,
      %parallel_loop3A_542 = arith.constant 256 : i32
      %parallel_loop3A_543 = arith.muli %parallel_loop3A_134, %parallel_loop3A_542 : i32
      %parallel_loop3A_544 = arith.constant 112 : i32
      %parallel_loop3A_545 = arith.addi %parallel_loop3A_543, %parallel_loop3A_544 : i32
      %parallel_loop3A_546 = arith.index_cast %parallel_loop3A_545 : i32 to index
      %parallel_loop3A_547 = tpu.vector_load %arg8[%parallel_loop3A_546] {strides = array<i32>} : memref<16384xf32, #tpu.memory_space<vmem>>, vector<16xf32>,
      %parallel_loop3A_548 = arith.constant 256 : i32
      %parallel_loop3A_549 = arith.muli %parallel_loop3A_134, %parallel_loop3A_548 : i32
      %parallel_loop3A_550 = arith.constant 128 : i32
      %parallel_loop3A_551 = arith.addi %parallel_loop3A_549, %parallel_loop3A_550 : i32
      %parallel_loop3A_552 = arith.constant 112 : i32
      %parallel_loop3A_553 = arith.addi %parallel_loop3A_551, %parallel_loop3A_552 : i32
      %parallel_loop3A_554 = arith.index_cast %parallel_loop3A_553 : i32 to index
      %parallel_loop3A_555 = tpu.vector_load %arg8[%parallel_loop3A_554] {strides = array<i32>} : memref<16384xf32, #tpu.memory_space<vmem>>, vector<16xf32>,
      %parallel_loop3A_556 = arith.subf %parallel_loop3A_547, %parallel_loop3A_555 : vector<16xf32>
      %parallel_loop3A_557 = arith.constant 0.000000e+00 : f32
      %parallel_loop3A_558 = vector.broadcast %parallel_loop3A_557 : f32 to vector<16xf32>
      %parallel_loop3A_559 = arith.subf %parallel_loop3A_558, %parallel_loop3A_556 : vector<16xf32>
      %parallel_loop3A_560 = arith.minimumf %parallel_loop3A_556, %parallel_loop3A_559 : vector<16xf32>
      %parallel_loop3A_561 = math.exp %parallel_loop3A_560 : vector<16xf32>
      %parallel_loop3A_562 = arith.constant 0.106684729 : f32
      %parallel_loop3A_563 = vector.broadcast %parallel_loop3A_562 : f32 to vector<16xf32>
      %parallel_loop3A_564 = arith.mulf %parallel_loop3A_563, %parallel_loop3A_561 : vector<16xf32>
      %parallel_loop3A_565 = arith.constant -0.393535793 : f32
      %parallel_loop3A_566 = vector.broadcast %parallel_loop3A_565 : f32 to vector<16xf32>
      %parallel_loop3A_567 = arith.addf %parallel_loop3A_564, %parallel_loop3A_566 : vector<16xf32>
      %parallel_loop3A_568 = arith.mulf %parallel_loop3A_567, %parallel_loop3A_561 : vector<16xf32>
      %parallel_loop3A_569 = arith.constant 0.979753434 : f32
      %parallel_loop3A_570 = vector.broadcast %parallel_loop3A_569 : f32 to vector<16xf32>
      %parallel_loop3A_571 = arith.addf %parallel_loop3A_568, %parallel_loop3A_570 : vector<16xf32>
      %parallel_loop3A_572 = arith.mulf %parallel_loop3A_571, %parallel_loop3A_561 : vector<16xf32>
      %parallel_loop3A_573 = arith.constant 9.25032131E-4 : f32
      %parallel_loop3A_574 = vector.broadcast %parallel_loop3A_573 : f32 to vector<16xf32>
      %parallel_loop3A_575 = arith.addf %parallel_loop3A_572, %parallel_loop3A_574 : vector<16xf32>
      %parallel_loop3A_576 = arith.constant 1 : i32
      %parallel_loop3A_577 = vector.broadcast %parallel_loop3A_576 : i32 to vector<16xi32>
      %parallel_loop3A_578 = arith.cmpi eq, %parallel_loop3A_541, %parallel_loop3A_577 : vector<16xi32>
      %parallel_loop3A_579 = arith.select %parallel_loop3A_578, %parallel_loop3A_556, %parallel_loop3A_559 : vector<16xi1>, vector<16xf32>
      %parallel_loop3A_580 = arith.constant 0.000000e+00 : f32
      %parallel_loop3A_581 = vector.broadcast %parallel_loop3A_580 : f32 to vector<16xf32>
      %parallel_loop3A_582 = arith.maximumf %parallel_loop3A_579, %parallel_loop3A_581 : vector<16xf32>
      %parallel_loop3A_583 = arith.addf %parallel_loop3A_582, %parallel_loop3A_575 : vector<16xf32>
      %parallel_loop3A_584 = arith.constant 0 : i32
      %parallel_loop3A_585 = vector.broadcast %parallel_loop3A_584 : i32 to vector<16xi32>
      %parallel_loop3A_586 = arith.cmpi ne, %parallel_loop3A_541, %parallel_loop3A_585 : vector<16xi32>
      %parallel_loop3A_587 = arith.constant 0.000000e+00 : f32
      %parallel_loop3A_588 = vector.broadcast %parallel_loop3A_587 : f32 to vector<16xf32>
      %parallel_loop3A_589 = arith.select %parallel_loop3A_586, %parallel_loop3A_583, %parallel_loop3A_588 : vector<16xi1>, vector<16xf32>
      %parallel_loop3A_590 = arith.addf %parallel_loop3A_533, %parallel_loop3A_589 : vector<16xf32>
      %parallel_loop3A_591 = tpu.all_reduce %parallel_loop3A_586 {dim = 0 : i64, kind = #tpu.reduction_kind<sum>} : vector<16xi1> -> vector<16xi32>
      %parallel_loop3A_592 = arith.addi %parallel_loop3A_535, %parallel_loop3A_591 : vector<16xi32>
      scf.yield %parallel_loop3A_590, %parallel_loop3A_592 : vector<16xf32>, vector<16xi32>
    } {sc.loop_unroll_factor = 1 : i64, sc.parallel_access}
    %add3A_107 = arith.constant 57344 : i32
    %add3A_108 = arith.addi %mul3A_2, %add3A_107 : i32
    %dma_start3A_109 = tpu.memref_slice %arg2[%add3A_108] : memref<2097152xi32, #tpu.memory_space<hbm>> -> memref<8192xi32, #tpu.memory_space<hbm>>
    %dma_start3A_110 = tpu.memref_slice %arg2[%add3A_108] : memref<2097152xi32, #tpu.memory_space<hbm>> -> memref<8192xi32, #tpu.memory_space<hbm>>
    tpu.enqueue_dma source(%dma_start3A_110 : memref<8192xi32, #tpu.memory_space<hbm>>) target(%arg6 : memref<8192xi32, #tpu.memory_space<vmem>>) target_semaphore(%arg11 : memref<!tpu.dma_semaphore, #tpu.memory_space<semaphore_mem>>)
    %mul3A_111 = arith.constant 2 : i32
    %mul3A_112 = arith.muli %mul3A_111, %add3A_108 : i32
    %dma_start3A_113 = tpu.memref_slice %arg3[%mul3A_112] : memref<4194304xf32, #tpu.memory_space<hbm>> -> memref<16384xf32, #tpu.memory_space<hbm>>
    %dma_start3A_114 = tpu.memref_slice %arg3[%mul3A_112] : memref<4194304xf32, #tpu.memory_space<hbm>> -> memref<16384xf32, #tpu.memory_space<hbm>>
    tpu.enqueue_dma source(%dma_start3A_114 : memref<16384xf32, #tpu.memory_space<hbm>>) target(%arg8 : memref<16384xf32, #tpu.memory_space<vmem>>) target_semaphore(%arg13 : memref<!tpu.dma_semaphore, #tpu.memory_space<semaphore_mem>>)
    %dma_wait3A_115 = tpu.memref_slice %arg2[%add3A_92] : memref<2097152xi32, #tpu.memory_space<hbm>> -> memref<8192xi32, #tpu.memory_space<hbm>>
    %dma_wait3A_116 = tpu.memref_slice %arg2[%add3A_92] : memref<2097152xi32, #tpu.memory_space<hbm>> -> memref<8192xi32, #tpu.memory_space<hbm>>
    tpu.wait_dma2 semaphore(%arg10 : memref<!tpu.dma_semaphore, #tpu.memory_space<semaphore_mem>>) src(%dma_wait3A_116 : memref<8192xi32, #tpu.memory_space<hbm>>) dst(%arg5 : memref<8192xi32, #tpu.memory_space<vmem>>)
    %dma_wait3A_117 = tpu.memref_slice %arg3[%mul3A_96] : memref<4194304xf32, #tpu.memory_space<hbm>> -> memref<16384xf32, #tpu.memory_space<hbm>>
    %dma_wait3A_118 = tpu.memref_slice %arg3[%mul3A_96] : memref<4194304xf32, #tpu.memory_space<hbm>> -> memref<16384xf32, #tpu.memory_space<hbm>>
    tpu.wait_dma2 semaphore(%arg12 : memref<!tpu.dma_semaphore, #tpu.memory_space<semaphore_mem>>) src(%dma_wait3A_118 : memref<16384xf32, #tpu.memory_space<hbm>>) dst(%arg7 : memref<16384xf32, #tpu.memory_space<vmem>>)
    %parallel_loop3A_119 = arith.constant 0 : i32
    %parallel_loop3A_120 = arith.constant 64 : i32
    %parallel_loop3A_121 = arith.constant 1 : i32
    %parallel_loop3A_122:2 = scf.for %parallel_loop3A_134 = %parallel_loop3A_119 to %parallel_loop3A_120 step %parallel_loop3A_121 iter_args(%parallel_loop3A_135 = %parallel_loop3A_106#0, %parallel_loop3A_136 = %parallel_loop3A_106#1) -> (vector<16xf32>, vector<16xi32>)  : i32 {
      %parallel_loop3A_137 = arith.constant 128 : i32
      %parallel_loop3A_138 = arith.muli %parallel_loop3A_134, %parallel_loop3A_137 : i32
      %parallel_loop3A_139 = arith.constant 0 : i32
      %parallel_loop3A_140 = arith.addi %parallel_loop3A_138, %parallel_loop3A_139 : i32
      %parallel_loop3A_141 = arith.index_cast %parallel_loop3A_140 : i32 to index
      %parallel_loop3A_142 = tpu.vector_load %arg5[%parallel_loop3A_141] {strides = array<i32>} : memref<8192xi32, #tpu.memory_space<vmem>>, vector<16xi32>,
      %parallel_loop3A_143 = arith.constant 256 : i32
      %parallel_loop3A_144 = arith.muli %parallel_loop3A_134, %parallel_loop3A_143 : i32
      %parallel_loop3A_145 = arith.constant 0 : i32
      %parallel_loop3A_146 = arith.addi %parallel_loop3A_144, %parallel_loop3A_145 : i32
      %parallel_loop3A_147 = arith.index_cast %parallel_loop3A_146 : i32 to index
      %parallel_loop3A_148 = tpu.vector_load %arg7[%parallel_loop3A_147] {strides = array<i32>} : memref<16384xf32, #tpu.memory_space<vmem>>, vector<16xf32>,
      %parallel_loop3A_149 = arith.constant 256 : i32
      %parallel_loop3A_150 = arith.muli %parallel_loop3A_134, %parallel_loop3A_149 : i32
      %parallel_loop3A_151 = arith.constant 128 : i32
      %parallel_loop3A_152 = arith.addi %parallel_loop3A_150, %parallel_loop3A_151 : i32
      %parallel_loop3A_153 = arith.constant 0 : i32
      %parallel_loop3A_154 = arith.addi %parallel_loop3A_152, %parallel_loop3A_153 : i32
      %parallel_loop3A_155 = arith.index_cast %parallel_loop3A_154 : i32 to index
      %parallel_loop3A_156 = tpu.vector_load %arg7[%parallel_loop3A_155] {strides = array<i32>} : memref<16384xf32, #tpu.memory_space<vmem>>, vector<16xf32>,
      %parallel_loop3A_157 = arith.subf %parallel_loop3A_148, %parallel_loop3A_156 : vector<16xf32>
      %parallel_loop3A_158 = arith.constant 0.000000e+00 : f32
      %parallel_loop3A_159 = vector.broadcast %parallel_loop3A_158 : f32 to vector<16xf32>
      %parallel_loop3A_160 = arith.subf %parallel_loop3A_159, %parallel_loop3A_157 : vector<16xf32>
      %parallel_loop3A_161 = arith.minimumf %parallel_loop3A_157, %parallel_loop3A_160 : vector<16xf32>
      %parallel_loop3A_162 = math.exp %parallel_loop3A_161 : vector<16xf32>
      %parallel_loop3A_163 = arith.constant 0.106684729 : f32
      %parallel_loop3A_164 = vector.broadcast %parallel_loop3A_163 : f32 to vector<16xf32>
      %parallel_loop3A_165 = arith.mulf %parallel_loop3A_164, %parallel_loop3A_162 : vector<16xf32>
      %parallel_loop3A_166 = arith.constant -0.393535793 : f32
      %parallel_loop3A_167 = vector.broadcast %parallel_loop3A_166 : f32 to vector<16xf32>
      %parallel_loop3A_168 = arith.addf %parallel_loop3A_165, %parallel_loop3A_167 : vector<16xf32>
      %parallel_loop3A_169 = arith.mulf %parallel_loop3A_168, %parallel_loop3A_162 : vector<16xf32>
      %parallel_loop3A_170 = arith.constant 0.979753434 : f32
      %parallel_loop3A_171 = vector.broadcast %parallel_loop3A_170 : f32 to vector<16xf32>
      %parallel_loop3A_172 = arith.addf %parallel_loop3A_169, %parallel_loop3A_171 : vector<16xf32>
      %parallel_loop3A_173 = arith.mulf %parallel_loop3A_172, %parallel_loop3A_162 : vector<16xf32>
      %parallel_loop3A_174 = arith.constant 9.25032131E-4 : f32
      %parallel_loop3A_175 = vector.broadcast %parallel_loop3A_174 : f32 to vector<16xf32>
      %parallel_loop3A_176 = arith.addf %parallel_loop3A_173, %parallel_loop3A_175 : vector<16xf32>
      %parallel_loop3A_177 = arith.constant 1 : i32
      %parallel_loop3A_178 = vector.broadcast %parallel_loop3A_177 : i32 to vector<16xi32>
      %parallel_loop3A_179 = arith.cmpi eq, %parallel_loop3A_142, %parallel_loop3A_178 : vector<16xi32>
      %parallel_loop3A_180 = arith.select %parallel_loop3A_179, %parallel_loop3A_157, %parallel_loop3A_160 : vector<16xi1>, vector<16xf32>
      %parallel_loop3A_181 = arith.constant 0.000000e+00 : f32
      %parallel_loop3A_182 = vector.broadcast %parallel_loop3A_181 : f32 to vector<16xf32>
      %parallel_loop3A_183 = arith.maximumf %parallel_loop3A_180, %parallel_loop3A_182 : vector<16xf32>
      %parallel_loop3A_184 = arith.addf %parallel_loop3A_183, %parallel_loop3A_176 : vector<16xf32>
      %parallel_loop3A_185 = arith.constant 0 : i32
      %parallel_loop3A_186 = vector.broadcast %parallel_loop3A_185 : i32 to vector<16xi32>
      %parallel_loop3A_187 = arith.cmpi ne, %parallel_loop3A_142, %parallel_loop3A_186 : vector<16xi32>
      %parallel_loop3A_188 = arith.constant 0.000000e+00 : f32
      %parallel_loop3A_189 = vector.broadcast %parallel_loop3A_188 : f32 to vector<16xf32>
      %parallel_loop3A_190 = arith.select %parallel_loop3A_187, %parallel_loop3A_184, %parallel_loop3A_189 : vector<16xi1>, vector<16xf32>
      %parallel_loop3A_191 = arith.addf %parallel_loop3A_135, %parallel_loop3A_190 : vector<16xf32>
      %parallel_loop3A_192 = tpu.all_reduce %parallel_loop3A_187 {dim = 0 : i64, kind = #tpu.reduction_kind<sum>} : vector<16xi1> -> vector<16xi32>
      %parallel_loop3A_193 = arith.addi %parallel_loop3A_136, %parallel_loop3A_192 : vector<16xi32>
      %parallel_loop3A_194 = arith.constant 128 : i32
      %parallel_loop3A_195 = arith.muli %parallel_loop3A_134, %parallel_loop3A_194 : i32
      %parallel_loop3A_196 = arith.constant 16 : i32
      %parallel_loop3A_197 = arith.addi %parallel_loop3A_195, %parallel_loop3A_196 : i32
      %parallel_loop3A_198 = arith.index_cast %parallel_loop3A_197 : i32 to index
      %parallel_loop3A_199 = tpu.vector_load %arg5[%parallel_loop3A_198] {strides = array<i32>} : memref<8192xi32, #tpu.memory_space<vmem>>, vector<16xi32>,
      %parallel_loop3A_200 = arith.constant 256 : i32
      %parallel_loop3A_201 = arith.muli %parallel_loop3A_134, %parallel_loop3A_200 : i32
      %parallel_loop3A_202 = arith.constant 16 : i32
      %parallel_loop3A_203 = arith.addi %parallel_loop3A_201, %parallel_loop3A_202 : i32
      %parallel_loop3A_204 = arith.index_cast %parallel_loop3A_203 : i32 to index
      %parallel_loop3A_205 = tpu.vector_load %arg7[%parallel_loop3A_204] {strides = array<i32>} : memref<16384xf32, #tpu.memory_space<vmem>>, vector<16xf32>,
      %parallel_loop3A_206 = arith.constant 256 : i32
      %parallel_loop3A_207 = arith.muli %parallel_loop3A_134, %parallel_loop3A_206 : i32
      %parallel_loop3A_208 = arith.constant 128 : i32
      %parallel_loop3A_209 = arith.addi %parallel_loop3A_207, %parallel_loop3A_208 : i32
      %parallel_loop3A_210 = arith.constant 16 : i32
      %parallel_loop3A_211 = arith.addi %parallel_loop3A_209, %parallel_loop3A_210 : i32
      %parallel_loop3A_212 = arith.index_cast %parallel_loop3A_211 : i32 to index
      %parallel_loop3A_213 = tpu.vector_load %arg7[%parallel_loop3A_212] {strides = array<i32>} : memref<16384xf32, #tpu.memory_space<vmem>>, vector<16xf32>,
      %parallel_loop3A_214 = arith.subf %parallel_loop3A_205, %parallel_loop3A_213 : vector<16xf32>
      %parallel_loop3A_215 = arith.constant 0.000000e+00 : f32
      %parallel_loop3A_216 = vector.broadcast %parallel_loop3A_215 : f32 to vector<16xf32>
      %parallel_loop3A_217 = arith.subf %parallel_loop3A_216, %parallel_loop3A_214 : vector<16xf32>
      %parallel_loop3A_218 = arith.minimumf %parallel_loop3A_214, %parallel_loop3A_217 : vector<16xf32>
      %parallel_loop3A_219 = math.exp %parallel_loop3A_218 : vector<16xf32>
      %parallel_loop3A_220 = arith.constant 0.106684729 : f32
      %parallel_loop3A_221 = vector.broadcast %parallel_loop3A_220 : f32 to vector<16xf32>
      %parallel_loop3A_222 = arith.mulf %parallel_loop3A_221, %parallel_loop3A_219 : vector<16xf32>
      %parallel_loop3A_223 = arith.constant -0.393535793 : f32
      %parallel_loop3A_224 = vector.broadcast %parallel_loop3A_223 : f32 to vector<16xf32>
      %parallel_loop3A_225 = arith.addf %parallel_loop3A_222, %parallel_loop3A_224 : vector<16xf32>
      %parallel_loop3A_226 = arith.mulf %parallel_loop3A_225, %parallel_loop3A_219 : vector<16xf32>
      %parallel_loop3A_227 = arith.constant 0.979753434 : f32
      %parallel_loop3A_228 = vector.broadcast %parallel_loop3A_227 : f32 to vector<16xf32>
      %parallel_loop3A_229 = arith.addf %parallel_loop3A_226, %parallel_loop3A_228 : vector<16xf32>
      %parallel_loop3A_230 = arith.mulf %parallel_loop3A_229, %parallel_loop3A_219 : vector<16xf32>
      %parallel_loop3A_231 = arith.constant 9.25032131E-4 : f32
      %parallel_loop3A_232 = vector.broadcast %parallel_loop3A_231 : f32 to vector<16xf32>
      %parallel_loop3A_233 = arith.addf %parallel_loop3A_230, %parallel_loop3A_232 : vector<16xf32>
      %parallel_loop3A_234 = arith.constant 1 : i32
      %parallel_loop3A_235 = vector.broadcast %parallel_loop3A_234 : i32 to vector<16xi32>
      %parallel_loop3A_236 = arith.cmpi eq, %parallel_loop3A_199, %parallel_loop3A_235 : vector<16xi32>
      %parallel_loop3A_237 = arith.select %parallel_loop3A_236, %parallel_loop3A_214, %parallel_loop3A_217 : vector<16xi1>, vector<16xf32>
      %parallel_loop3A_238 = arith.constant 0.000000e+00 : f32
      %parallel_loop3A_239 = vector.broadcast %parallel_loop3A_238 : f32 to vector<16xf32>
      %parallel_loop3A_240 = arith.maximumf %parallel_loop3A_237, %parallel_loop3A_239 : vector<16xf32>
      %parallel_loop3A_241 = arith.addf %parallel_loop3A_240, %parallel_loop3A_233 : vector<16xf32>
      %parallel_loop3A_242 = arith.constant 0 : i32
      %parallel_loop3A_243 = vector.broadcast %parallel_loop3A_242 : i32 to vector<16xi32>
      %parallel_loop3A_244 = arith.cmpi ne, %parallel_loop3A_199, %parallel_loop3A_243 : vector<16xi32>
      %parallel_loop3A_245 = arith.constant 0.000000e+00 : f32
      %parallel_loop3A_246 = vector.broadcast %parallel_loop3A_245 : f32 to vector<16xf32>
      %parallel_loop3A_247 = arith.select %parallel_loop3A_244, %parallel_loop3A_241, %parallel_loop3A_246 : vector<16xi1>, vector<16xf32>
      %parallel_loop3A_248 = arith.addf %parallel_loop3A_191, %parallel_loop3A_247 : vector<16xf32>
      %parallel_loop3A_249 = tpu.all_reduce %parallel_loop3A_244 {dim = 0 : i64, kind = #tpu.reduction_kind<sum>} : vector<16xi1> -> vector<16xi32>
      %parallel_loop3A_250 = arith.addi %parallel_loop3A_193, %parallel_loop3A_249 : vector<16xi32>
      %parallel_loop3A_251 = arith.constant 128 : i32
      %parallel_loop3A_252 = arith.muli %parallel_loop3A_134, %parallel_loop3A_251 : i32
      %parallel_loop3A_253 = arith.constant 32 : i32
      %parallel_loop3A_254 = arith.addi %parallel_loop3A_252, %parallel_loop3A_253 : i32
      %parallel_loop3A_255 = arith.index_cast %parallel_loop3A_254 : i32 to index
      %parallel_loop3A_256 = tpu.vector_load %arg5[%parallel_loop3A_255] {strides = array<i32>} : memref<8192xi32, #tpu.memory_space<vmem>>, vector<16xi32>,
      %parallel_loop3A_257 = arith.constant 256 : i32
      %parallel_loop3A_258 = arith.muli %parallel_loop3A_134, %parallel_loop3A_257 : i32
      %parallel_loop3A_259 = arith.constant 32 : i32
      %parallel_loop3A_260 = arith.addi %parallel_loop3A_258, %parallel_loop3A_259 : i32
      %parallel_loop3A_261 = arith.index_cast %parallel_loop3A_260 : i32 to index
      %parallel_loop3A_262 = tpu.vector_load %arg7[%parallel_loop3A_261] {strides = array<i32>} : memref<16384xf32, #tpu.memory_space<vmem>>, vector<16xf32>,
      %parallel_loop3A_263 = arith.constant 256 : i32
      %parallel_loop3A_264 = arith.muli %parallel_loop3A_134, %parallel_loop3A_263 : i32
      %parallel_loop3A_265 = arith.constant 128 : i32
      %parallel_loop3A_266 = arith.addi %parallel_loop3A_264, %parallel_loop3A_265 : i32
      %parallel_loop3A_267 = arith.constant 32 : i32
      %parallel_loop3A_268 = arith.addi %parallel_loop3A_266, %parallel_loop3A_267 : i32
      %parallel_loop3A_269 = arith.index_cast %parallel_loop3A_268 : i32 to index
      %parallel_loop3A_270 = tpu.vector_load %arg7[%parallel_loop3A_269] {strides = array<i32>} : memref<16384xf32, #tpu.memory_space<vmem>>, vector<16xf32>,
      %parallel_loop3A_271 = arith.subf %parallel_loop3A_262, %parallel_loop3A_270 : vector<16xf32>
      %parallel_loop3A_272 = arith.constant 0.000000e+00 : f32
      %parallel_loop3A_273 = vector.broadcast %parallel_loop3A_272 : f32 to vector<16xf32>
      %parallel_loop3A_274 = arith.subf %parallel_loop3A_273, %parallel_loop3A_271 : vector<16xf32>
      %parallel_loop3A_275 = arith.minimumf %parallel_loop3A_271, %parallel_loop3A_274 : vector<16xf32>
      %parallel_loop3A_276 = math.exp %parallel_loop3A_275 : vector<16xf32>
      %parallel_loop3A_277 = arith.constant 0.106684729 : f32
      %parallel_loop3A_278 = vector.broadcast %parallel_loop3A_277 : f32 to vector<16xf32>
      %parallel_loop3A_279 = arith.mulf %parallel_loop3A_278, %parallel_loop3A_276 : vector<16xf32>
      %parallel_loop3A_280 = arith.constant -0.393535793 : f32
      %parallel_loop3A_281 = vector.broadcast %parallel_loop3A_280 : f32 to vector<16xf32>
      %parallel_loop3A_282 = arith.addf %parallel_loop3A_279, %parallel_loop3A_281 : vector<16xf32>
      %parallel_loop3A_283 = arith.mulf %parallel_loop3A_282, %parallel_loop3A_276 : vector<16xf32>
      %parallel_loop3A_284 = arith.constant 0.979753434 : f32
      %parallel_loop3A_285 = vector.broadcast %parallel_loop3A_284 : f32 to vector<16xf32>
      %parallel_loop3A_286 = arith.addf %parallel_loop3A_283, %parallel_loop3A_285 : vector<16xf32>
      %parallel_loop3A_287 = arith.mulf %parallel_loop3A_286, %parallel_loop3A_276 : vector<16xf32>
      %parallel_loop3A_288 = arith.constant 9.25032131E-4 : f32
      %parallel_loop3A_289 = vector.broadcast %parallel_loop3A_288 : f32 to vector<16xf32>
      %parallel_loop3A_290 = arith.addf %parallel_loop3A_287, %parallel_loop3A_289 : vector<16xf32>
      %parallel_loop3A_291 = arith.constant 1 : i32
      %parallel_loop3A_292 = vector.broadcast %parallel_loop3A_291 : i32 to vector<16xi32>
      %parallel_loop3A_293 = arith.cmpi eq, %parallel_loop3A_256, %parallel_loop3A_292 : vector<16xi32>
      %parallel_loop3A_294 = arith.select %parallel_loop3A_293, %parallel_loop3A_271, %parallel_loop3A_274 : vector<16xi1>, vector<16xf32>
      %parallel_loop3A_295 = arith.constant 0.000000e+00 : f32
      %parallel_loop3A_296 = vector.broadcast %parallel_loop3A_295 : f32 to vector<16xf32>
      %parallel_loop3A_297 = arith.maximumf %parallel_loop3A_294, %parallel_loop3A_296 : vector<16xf32>
      %parallel_loop3A_298 = arith.addf %parallel_loop3A_297, %parallel_loop3A_290 : vector<16xf32>
      %parallel_loop3A_299 = arith.constant 0 : i32
      %parallel_loop3A_300 = vector.broadcast %parallel_loop3A_299 : i32 to vector<16xi32>
      %parallel_loop3A_301 = arith.cmpi ne, %parallel_loop3A_256, %parallel_loop3A_300 : vector<16xi32>
      %parallel_loop3A_302 = arith.constant 0.000000e+00 : f32
      %parallel_loop3A_303 = vector.broadcast %parallel_loop3A_302 : f32 to vector<16xf32>
      %parallel_loop3A_304 = arith.select %parallel_loop3A_301, %parallel_loop3A_298, %parallel_loop3A_303 : vector<16xi1>, vector<16xf32>
      %parallel_loop3A_305 = arith.addf %parallel_loop3A_248, %parallel_loop3A_304 : vector<16xf32>
      %parallel_loop3A_306 = tpu.all_reduce %parallel_loop3A_301 {dim = 0 : i64, kind = #tpu.reduction_kind<sum>} : vector<16xi1> -> vector<16xi32>
      %parallel_loop3A_307 = arith.addi %parallel_loop3A_250, %parallel_loop3A_306 : vector<16xi32>
      %parallel_loop3A_308 = arith.constant 128 : i32
      %parallel_loop3A_309 = arith.muli %parallel_loop3A_134, %parallel_loop3A_308 : i32
      %parallel_loop3A_310 = arith.constant 48 : i32
      %parallel_loop3A_311 = arith.addi %parallel_loop3A_309, %parallel_loop3A_310 : i32
      %parallel_loop3A_312 = arith.index_cast %parallel_loop3A_311 : i32 to index
      %parallel_loop3A_313 = tpu.vector_load %arg5[%parallel_loop3A_312] {strides = array<i32>} : memref<8192xi32, #tpu.memory_space<vmem>>, vector<16xi32>,
      %parallel_loop3A_314 = arith.constant 256 : i32
      %parallel_loop3A_315 = arith.muli %parallel_loop3A_134, %parallel_loop3A_314 : i32
      %parallel_loop3A_316 = arith.constant 48 : i32
      %parallel_loop3A_317 = arith.addi %parallel_loop3A_315, %parallel_loop3A_316 : i32
      %parallel_loop3A_318 = arith.index_cast %parallel_loop3A_317 : i32 to index
      %parallel_loop3A_319 = tpu.vector_load %arg7[%parallel_loop3A_318] {strides = array<i32>} : memref<16384xf32, #tpu.memory_space<vmem>>, vector<16xf32>,
      %parallel_loop3A_320 = arith.constant 256 : i32
      %parallel_loop3A_321 = arith.muli %parallel_loop3A_134, %parallel_loop3A_320 : i32
      %parallel_loop3A_322 = arith.constant 128 : i32
      %parallel_loop3A_323 = arith.addi %parallel_loop3A_321, %parallel_loop3A_322 : i32
      %parallel_loop3A_324 = arith.constant 48 : i32
      %parallel_loop3A_325 = arith.addi %parallel_loop3A_323, %parallel_loop3A_324 : i32
      %parallel_loop3A_326 = arith.index_cast %parallel_loop3A_325 : i32 to index
      %parallel_loop3A_327 = tpu.vector_load %arg7[%parallel_loop3A_326] {strides = array<i32>} : memref<16384xf32, #tpu.memory_space<vmem>>, vector<16xf32>,
      %parallel_loop3A_328 = arith.subf %parallel_loop3A_319, %parallel_loop3A_327 : vector<16xf32>
      %parallel_loop3A_329 = arith.constant 0.000000e+00 : f32
      %parallel_loop3A_330 = vector.broadcast %parallel_loop3A_329 : f32 to vector<16xf32>
      %parallel_loop3A_331 = arith.subf %parallel_loop3A_330, %parallel_loop3A_328 : vector<16xf32>
      %parallel_loop3A_332 = arith.minimumf %parallel_loop3A_328, %parallel_loop3A_331 : vector<16xf32>
      %parallel_loop3A_333 = math.exp %parallel_loop3A_332 : vector<16xf32>
      %parallel_loop3A_334 = arith.constant 0.106684729 : f32
      %parallel_loop3A_335 = vector.broadcast %parallel_loop3A_334 : f32 to vector<16xf32>
      %parallel_loop3A_336 = arith.mulf %parallel_loop3A_335, %parallel_loop3A_333 : vector<16xf32>
      %parallel_loop3A_337 = arith.constant -0.393535793 : f32
      %parallel_loop3A_338 = vector.broadcast %parallel_loop3A_337 : f32 to vector<16xf32>
      %parallel_loop3A_339 = arith.addf %parallel_loop3A_336, %parallel_loop3A_338 : vector<16xf32>
      %parallel_loop3A_340 = arith.mulf %parallel_loop3A_339, %parallel_loop3A_333 : vector<16xf32>
      %parallel_loop3A_341 = arith.constant 0.979753434 : f32
      %parallel_loop3A_342 = vector.broadcast %parallel_loop3A_341 : f32 to vector<16xf32>
      %parallel_loop3A_343 = arith.addf %parallel_loop3A_340, %parallel_loop3A_342 : vector<16xf32>
      %parallel_loop3A_344 = arith.mulf %parallel_loop3A_343, %parallel_loop3A_333 : vector<16xf32>
      %parallel_loop3A_345 = arith.constant 9.25032131E-4 : f32
      %parallel_loop3A_346 = vector.broadcast %parallel_loop3A_345 : f32 to vector<16xf32>
      %parallel_loop3A_347 = arith.addf %parallel_loop3A_344, %parallel_loop3A_346 : vector<16xf32>
      %parallel_loop3A_348 = arith.constant 1 : i32
      %parallel_loop3A_349 = vector.broadcast %parallel_loop3A_348 : i32 to vector<16xi32>
      %parallel_loop3A_350 = arith.cmpi eq, %parallel_loop3A_313, %parallel_loop3A_349 : vector<16xi32>
      %parallel_loop3A_351 = arith.select %parallel_loop3A_350, %parallel_loop3A_328, %parallel_loop3A_331 : vector<16xi1>, vector<16xf32>
      %parallel_loop3A_352 = arith.constant 0.000000e+00 : f32
      %parallel_loop3A_353 = vector.broadcast %parallel_loop3A_352 : f32 to vector<16xf32>
      %parallel_loop3A_354 = arith.maximumf %parallel_loop3A_351, %parallel_loop3A_353 : vector<16xf32>
      %parallel_loop3A_355 = arith.addf %parallel_loop3A_354, %parallel_loop3A_347 : vector<16xf32>
      %parallel_loop3A_356 = arith.constant 0 : i32
      %parallel_loop3A_357 = vector.broadcast %parallel_loop3A_356 : i32 to vector<16xi32>
      %parallel_loop3A_358 = arith.cmpi ne, %parallel_loop3A_313, %parallel_loop3A_357 : vector<16xi32>
      %parallel_loop3A_359 = arith.constant 0.000000e+00 : f32
      %parallel_loop3A_360 = vector.broadcast %parallel_loop3A_359 : f32 to vector<16xf32>
      %parallel_loop3A_361 = arith.select %parallel_loop3A_358, %parallel_loop3A_355, %parallel_loop3A_360 : vector<16xi1>, vector<16xf32>
      %parallel_loop3A_362 = arith.addf %parallel_loop3A_305, %parallel_loop3A_361 : vector<16xf32>
      %parallel_loop3A_363 = tpu.all_reduce %parallel_loop3A_358 {dim = 0 : i64, kind = #tpu.reduction_kind<sum>} : vector<16xi1> -> vector<16xi32>
      %parallel_loop3A_364 = arith.addi %parallel_loop3A_307, %parallel_loop3A_363 : vector<16xi32>
      %parallel_loop3A_365 = arith.constant 128 : i32
      %parallel_loop3A_366 = arith.muli %parallel_loop3A_134, %parallel_loop3A_365 : i32
      %parallel_loop3A_367 = arith.constant 64 : i32
      %parallel_loop3A_368 = arith.addi %parallel_loop3A_366, %parallel_loop3A_367 : i32
      %parallel_loop3A_369 = arith.index_cast %parallel_loop3A_368 : i32 to index
      %parallel_loop3A_370 = tpu.vector_load %arg5[%parallel_loop3A_369] {strides = array<i32>} : memref<8192xi32, #tpu.memory_space<vmem>>, vector<16xi32>,
      %parallel_loop3A_371 = arith.constant 256 : i32
      %parallel_loop3A_372 = arith.muli %parallel_loop3A_134, %parallel_loop3A_371 : i32
      %parallel_loop3A_373 = arith.constant 64 : i32
      %parallel_loop3A_374 = arith.addi %parallel_loop3A_372, %parallel_loop3A_373 : i32
      %parallel_loop3A_375 = arith.index_cast %parallel_loop3A_374 : i32 to index
      %parallel_loop3A_376 = tpu.vector_load %arg7[%parallel_loop3A_375] {strides = array<i32>} : memref<16384xf32, #tpu.memory_space<vmem>>, vector<16xf32>,
      %parallel_loop3A_377 = arith.constant 256 : i32
      %parallel_loop3A_378 = arith.muli %parallel_loop3A_134, %parallel_loop3A_377 : i32
      %parallel_loop3A_379 = arith.constant 128 : i32
      %parallel_loop3A_380 = arith.addi %parallel_loop3A_378, %parallel_loop3A_379 : i32
      %parallel_loop3A_381 = arith.constant 64 : i32
      %parallel_loop3A_382 = arith.addi %parallel_loop3A_380, %parallel_loop3A_381 : i32
      %parallel_loop3A_383 = arith.index_cast %parallel_loop3A_382 : i32 to index
      %parallel_loop3A_384 = tpu.vector_load %arg7[%parallel_loop3A_383] {strides = array<i32>} : memref<16384xf32, #tpu.memory_space<vmem>>, vector<16xf32>,
      %parallel_loop3A_385 = arith.subf %parallel_loop3A_376, %parallel_loop3A_384 : vector<16xf32>
      %parallel_loop3A_386 = arith.constant 0.000000e+00 : f32
      %parallel_loop3A_387 = vector.broadcast %parallel_loop3A_386 : f32 to vector<16xf32>
      %parallel_loop3A_388 = arith.subf %parallel_loop3A_387, %parallel_loop3A_385 : vector<16xf32>
      %parallel_loop3A_389 = arith.minimumf %parallel_loop3A_385, %parallel_loop3A_388 : vector<16xf32>
      %parallel_loop3A_390 = math.exp %parallel_loop3A_389 : vector<16xf32>
      %parallel_loop3A_391 = arith.constant 0.106684729 : f32
      %parallel_loop3A_392 = vector.broadcast %parallel_loop3A_391 : f32 to vector<16xf32>
      %parallel_loop3A_393 = arith.mulf %parallel_loop3A_392, %parallel_loop3A_390 : vector<16xf32>
      %parallel_loop3A_394 = arith.constant -0.393535793 : f32
      %parallel_loop3A_395 = vector.broadcast %parallel_loop3A_394 : f32 to vector<16xf32>
      %parallel_loop3A_396 = arith.addf %parallel_loop3A_393, %parallel_loop3A_395 : vector<16xf32>
      %parallel_loop3A_397 = arith.mulf %parallel_loop3A_396, %parallel_loop3A_390 : vector<16xf32>
      %parallel_loop3A_398 = arith.constant 0.979753434 : f32
      %parallel_loop3A_399 = vector.broadcast %parallel_loop3A_398 : f32 to vector<16xf32>
      %parallel_loop3A_400 = arith.addf %parallel_loop3A_397, %parallel_loop3A_399 : vector<16xf32>
      %parallel_loop3A_401 = arith.mulf %parallel_loop3A_400, %parallel_loop3A_390 : vector<16xf32>
      %parallel_loop3A_402 = arith.constant 9.25032131E-4 : f32
      %parallel_loop3A_403 = vector.broadcast %parallel_loop3A_402 : f32 to vector<16xf32>
      %parallel_loop3A_404 = arith.addf %parallel_loop3A_401, %parallel_loop3A_403 : vector<16xf32>
      %parallel_loop3A_405 = arith.constant 1 : i32
      %parallel_loop3A_406 = vector.broadcast %parallel_loop3A_405 : i32 to vector<16xi32>
      %parallel_loop3A_407 = arith.cmpi eq, %parallel_loop3A_370, %parallel_loop3A_406 : vector<16xi32>
      %parallel_loop3A_408 = arith.select %parallel_loop3A_407, %parallel_loop3A_385, %parallel_loop3A_388 : vector<16xi1>, vector<16xf32>
      %parallel_loop3A_409 = arith.constant 0.000000e+00 : f32
      %parallel_loop3A_410 = vector.broadcast %parallel_loop3A_409 : f32 to vector<16xf32>
      %parallel_loop3A_411 = arith.maximumf %parallel_loop3A_408, %parallel_loop3A_410 : vector<16xf32>
      %parallel_loop3A_412 = arith.addf %parallel_loop3A_411, %parallel_loop3A_404 : vector<16xf32>
      %parallel_loop3A_413 = arith.constant 0 : i32
      %parallel_loop3A_414 = vector.broadcast %parallel_loop3A_413 : i32 to vector<16xi32>
      %parallel_loop3A_415 = arith.cmpi ne, %parallel_loop3A_370, %parallel_loop3A_414 : vector<16xi32>
      %parallel_loop3A_416 = arith.constant 0.000000e+00 : f32
      %parallel_loop3A_417 = vector.broadcast %parallel_loop3A_416 : f32 to vector<16xf32>
      %parallel_loop3A_418 = arith.select %parallel_loop3A_415, %parallel_loop3A_412, %parallel_loop3A_417 : vector<16xi1>, vector<16xf32>
      %parallel_loop3A_419 = arith.addf %parallel_loop3A_362, %parallel_loop3A_418 : vector<16xf32>
      %parallel_loop3A_420 = tpu.all_reduce %parallel_loop3A_415 {dim = 0 : i64, kind = #tpu.reduction_kind<sum>} : vector<16xi1> -> vector<16xi32>
      %parallel_loop3A_421 = arith.addi %parallel_loop3A_364, %parallel_loop3A_420 : vector<16xi32>
      %parallel_loop3A_422 = arith.constant 128 : i32
      %parallel_loop3A_423 = arith.muli %parallel_loop3A_134, %parallel_loop3A_422 : i32
      %parallel_loop3A_424 = arith.constant 80 : i32
      %parallel_loop3A_425 = arith.addi %parallel_loop3A_423, %parallel_loop3A_424 : i32
      %parallel_loop3A_426 = arith.index_cast %parallel_loop3A_425 : i32 to index
      %parallel_loop3A_427 = tpu.vector_load %arg5[%parallel_loop3A_426] {strides = array<i32>} : memref<8192xi32, #tpu.memory_space<vmem>>, vector<16xi32>,
      %parallel_loop3A_428 = arith.constant 256 : i32
      %parallel_loop3A_429 = arith.muli %parallel_loop3A_134, %parallel_loop3A_428 : i32
      %parallel_loop3A_430 = arith.constant 80 : i32
      %parallel_loop3A_431 = arith.addi %parallel_loop3A_429, %parallel_loop3A_430 : i32
      %parallel_loop3A_432 = arith.index_cast %parallel_loop3A_431 : i32 to index
      %parallel_loop3A_433 = tpu.vector_load %arg7[%parallel_loop3A_432] {strides = array<i32>} : memref<16384xf32, #tpu.memory_space<vmem>>, vector<16xf32>,
      %parallel_loop3A_434 = arith.constant 256 : i32
      %parallel_loop3A_435 = arith.muli %parallel_loop3A_134, %parallel_loop3A_434 : i32
      %parallel_loop3A_436 = arith.constant 128 : i32
      %parallel_loop3A_437 = arith.addi %parallel_loop3A_435, %parallel_loop3A_436 : i32
      %parallel_loop3A_438 = arith.constant 80 : i32
      %parallel_loop3A_439 = arith.addi %parallel_loop3A_437, %parallel_loop3A_438 : i32
      %parallel_loop3A_440 = arith.index_cast %parallel_loop3A_439 : i32 to index
      %parallel_loop3A_441 = tpu.vector_load %arg7[%parallel_loop3A_440] {strides = array<i32>} : memref<16384xf32, #tpu.memory_space<vmem>>, vector<16xf32>,
      %parallel_loop3A_442 = arith.subf %parallel_loop3A_433, %parallel_loop3A_441 : vector<16xf32>
      %parallel_loop3A_443 = arith.constant 0.000000e+00 : f32
      %parallel_loop3A_444 = vector.broadcast %parallel_loop3A_443 : f32 to vector<16xf32>
      %parallel_loop3A_445 = arith.subf %parallel_loop3A_444, %parallel_loop3A_442 : vector<16xf32>
      %parallel_loop3A_446 = arith.minimumf %parallel_loop3A_442, %parallel_loop3A_445 : vector<16xf32>
      %parallel_loop3A_447 = math.exp %parallel_loop3A_446 : vector<16xf32>
      %parallel_loop3A_448 = arith.constant 0.106684729 : f32
      %parallel_loop3A_449 = vector.broadcast %parallel_loop3A_448 : f32 to vector<16xf32>
      %parallel_loop3A_450 = arith.mulf %parallel_loop3A_449, %parallel_loop3A_447 : vector<16xf32>
      %parallel_loop3A_451 = arith.constant -0.393535793 : f32
      %parallel_loop3A_452 = vector.broadcast %parallel_loop3A_451 : f32 to vector<16xf32>
      %parallel_loop3A_453 = arith.addf %parallel_loop3A_450, %parallel_loop3A_452 : vector<16xf32>
      %parallel_loop3A_454 = arith.mulf %parallel_loop3A_453, %parallel_loop3A_447 : vector<16xf32>
      %parallel_loop3A_455 = arith.constant 0.979753434 : f32
      %parallel_loop3A_456 = vector.broadcast %parallel_loop3A_455 : f32 to vector<16xf32>
      %parallel_loop3A_457 = arith.addf %parallel_loop3A_454, %parallel_loop3A_456 : vector<16xf32>
      %parallel_loop3A_458 = arith.mulf %parallel_loop3A_457, %parallel_loop3A_447 : vector<16xf32>
      %parallel_loop3A_459 = arith.constant 9.25032131E-4 : f32
      %parallel_loop3A_460 = vector.broadcast %parallel_loop3A_459 : f32 to vector<16xf32>
      %parallel_loop3A_461 = arith.addf %parallel_loop3A_458, %parallel_loop3A_460 : vector<16xf32>
      %parallel_loop3A_462 = arith.constant 1 : i32
      %parallel_loop3A_463 = vector.broadcast %parallel_loop3A_462 : i32 to vector<16xi32>
      %parallel_loop3A_464 = arith.cmpi eq, %parallel_loop3A_427, %parallel_loop3A_463 : vector<16xi32>
      %parallel_loop3A_465 = arith.select %parallel_loop3A_464, %parallel_loop3A_442, %parallel_loop3A_445 : vector<16xi1>, vector<16xf32>
      %parallel_loop3A_466 = arith.constant 0.000000e+00 : f32
      %parallel_loop3A_467 = vector.broadcast %parallel_loop3A_466 : f32 to vector<16xf32>
      %parallel_loop3A_468 = arith.maximumf %parallel_loop3A_465, %parallel_loop3A_467 : vector<16xf32>
      %parallel_loop3A_469 = arith.addf %parallel_loop3A_468, %parallel_loop3A_461 : vector<16xf32>
      %parallel_loop3A_470 = arith.constant 0 : i32
      %parallel_loop3A_471 = vector.broadcast %parallel_loop3A_470 : i32 to vector<16xi32>
      %parallel_loop3A_472 = arith.cmpi ne, %parallel_loop3A_427, %parallel_loop3A_471 : vector<16xi32>
      %parallel_loop3A_473 = arith.constant 0.000000e+00 : f32
      %parallel_loop3A_474 = vector.broadcast %parallel_loop3A_473 : f32 to vector<16xf32>
      %parallel_loop3A_475 = arith.select %parallel_loop3A_472, %parallel_loop3A_469, %parallel_loop3A_474 : vector<16xi1>, vector<16xf32>
      %parallel_loop3A_476 = arith.addf %parallel_loop3A_419, %parallel_loop3A_475 : vector<16xf32>
      %parallel_loop3A_477 = tpu.all_reduce %parallel_loop3A_472 {dim = 0 : i64, kind = #tpu.reduction_kind<sum>} : vector<16xi1> -> vector<16xi32>
      %parallel_loop3A_478 = arith.addi %parallel_loop3A_421, %parallel_loop3A_477 : vector<16xi32>
      %parallel_loop3A_479 = arith.constant 128 : i32
      %parallel_loop3A_480 = arith.muli %parallel_loop3A_134, %parallel_loop3A_479 : i32
      %parallel_loop3A_481 = arith.constant 96 : i32
      %parallel_loop3A_482 = arith.addi %parallel_loop3A_480, %parallel_loop3A_481 : i32
      %parallel_loop3A_483 = arith.index_cast %parallel_loop3A_482 : i32 to index
      %parallel_loop3A_484 = tpu.vector_load %arg5[%parallel_loop3A_483] {strides = array<i32>} : memref<8192xi32, #tpu.memory_space<vmem>>, vector<16xi32>,
      %parallel_loop3A_485 = arith.constant 256 : i32
      %parallel_loop3A_486 = arith.muli %parallel_loop3A_134, %parallel_loop3A_485 : i32
      %parallel_loop3A_487 = arith.constant 96 : i32
      %parallel_loop3A_488 = arith.addi %parallel_loop3A_486, %parallel_loop3A_487 : i32
      %parallel_loop3A_489 = arith.index_cast %parallel_loop3A_488 : i32 to index
      %parallel_loop3A_490 = tpu.vector_load %arg7[%parallel_loop3A_489] {strides = array<i32>} : memref<16384xf32, #tpu.memory_space<vmem>>, vector<16xf32>,
      %parallel_loop3A_491 = arith.constant 256 : i32
      %parallel_loop3A_492 = arith.muli %parallel_loop3A_134, %parallel_loop3A_491 : i32
      %parallel_loop3A_493 = arith.constant 128 : i32
      %parallel_loop3A_494 = arith.addi %parallel_loop3A_492, %parallel_loop3A_493 : i32
      %parallel_loop3A_495 = arith.constant 96 : i32
      %parallel_loop3A_496 = arith.addi %parallel_loop3A_494, %parallel_loop3A_495 : i32
      %parallel_loop3A_497 = arith.index_cast %parallel_loop3A_496 : i32 to index
      %parallel_loop3A_498 = tpu.vector_load %arg7[%parallel_loop3A_497] {strides = array<i32>} : memref<16384xf32, #tpu.memory_space<vmem>>, vector<16xf32>,
      %parallel_loop3A_499 = arith.subf %parallel_loop3A_490, %parallel_loop3A_498 : vector<16xf32>
      %parallel_loop3A_500 = arith.constant 0.000000e+00 : f32
      %parallel_loop3A_501 = vector.broadcast %parallel_loop3A_500 : f32 to vector<16xf32>
      %parallel_loop3A_502 = arith.subf %parallel_loop3A_501, %parallel_loop3A_499 : vector<16xf32>
      %parallel_loop3A_503 = arith.minimumf %parallel_loop3A_499, %parallel_loop3A_502 : vector<16xf32>
      %parallel_loop3A_504 = math.exp %parallel_loop3A_503 : vector<16xf32>
      %parallel_loop3A_505 = arith.constant 0.106684729 : f32
      %parallel_loop3A_506 = vector.broadcast %parallel_loop3A_505 : f32 to vector<16xf32>
      %parallel_loop3A_507 = arith.mulf %parallel_loop3A_506, %parallel_loop3A_504 : vector<16xf32>
      %parallel_loop3A_508 = arith.constant -0.393535793 : f32
      %parallel_loop3A_509 = vector.broadcast %parallel_loop3A_508 : f32 to vector<16xf32>
      %parallel_loop3A_510 = arith.addf %parallel_loop3A_507, %parallel_loop3A_509 : vector<16xf32>
      %parallel_loop3A_511 = arith.mulf %parallel_loop3A_510, %parallel_loop3A_504 : vector<16xf32>
      %parallel_loop3A_512 = arith.constant 0.979753434 : f32
      %parallel_loop3A_513 = vector.broadcast %parallel_loop3A_512 : f32 to vector<16xf32>
      %parallel_loop3A_514 = arith.addf %parallel_loop3A_511, %parallel_loop3A_513 : vector<16xf32>
      %parallel_loop3A_515 = arith.mulf %parallel_loop3A_514, %parallel_loop3A_504 : vector<16xf32>
      %parallel_loop3A_516 = arith.constant 9.25032131E-4 : f32
      %parallel_loop3A_517 = vector.broadcast %parallel_loop3A_516 : f32 to vector<16xf32>
      %parallel_loop3A_518 = arith.addf %parallel_loop3A_515, %parallel_loop3A_517 : vector<16xf32>
      %parallel_loop3A_519 = arith.constant 1 : i32
      %parallel_loop3A_520 = vector.broadcast %parallel_loop3A_519 : i32 to vector<16xi32>
      %parallel_loop3A_521 = arith.cmpi eq, %parallel_loop3A_484, %parallel_loop3A_520 : vector<16xi32>
      %parallel_loop3A_522 = arith.select %parallel_loop3A_521, %parallel_loop3A_499, %parallel_loop3A_502 : vector<16xi1>, vector<16xf32>
      %parallel_loop3A_523 = arith.constant 0.000000e+00 : f32
      %parallel_loop3A_524 = vector.broadcast %parallel_loop3A_523 : f32 to vector<16xf32>
      %parallel_loop3A_525 = arith.maximumf %parallel_loop3A_522, %parallel_loop3A_524 : vector<16xf32>
      %parallel_loop3A_526 = arith.addf %parallel_loop3A_525, %parallel_loop3A_518 : vector<16xf32>
      %parallel_loop3A_527 = arith.constant 0 : i32
      %parallel_loop3A_528 = vector.broadcast %parallel_loop3A_527 : i32 to vector<16xi32>
      %parallel_loop3A_529 = arith.cmpi ne, %parallel_loop3A_484, %parallel_loop3A_528 : vector<16xi32>
      %parallel_loop3A_530 = arith.constant 0.000000e+00 : f32
      %parallel_loop3A_531 = vector.broadcast %parallel_loop3A_530 : f32 to vector<16xf32>
      %parallel_loop3A_532 = arith.select %parallel_loop3A_529, %parallel_loop3A_526, %parallel_loop3A_531 : vector<16xi1>, vector<16xf32>
      %parallel_loop3A_533 = arith.addf %parallel_loop3A_476, %parallel_loop3A_532 : vector<16xf32>
      %parallel_loop3A_534 = tpu.all_reduce %parallel_loop3A_529 {dim = 0 : i64, kind = #tpu.reduction_kind<sum>} : vector<16xi1> -> vector<16xi32>
      %parallel_loop3A_535 = arith.addi %parallel_loop3A_478, %parallel_loop3A_534 : vector<16xi32>
      %parallel_loop3A_536 = arith.constant 128 : i32
      %parallel_loop3A_537 = arith.muli %parallel_loop3A_134, %parallel_loop3A_536 : i32
      %parallel_loop3A_538 = arith.constant 112 : i32
      %parallel_loop3A_539 = arith.addi %parallel_loop3A_537, %parallel_loop3A_538 : i32
      %parallel_loop3A_540 = arith.index_cast %parallel_loop3A_539 : i32 to index
      %parallel_loop3A_541 = tpu.vector_load %arg5[%parallel_loop3A_540] {strides = array<i32>} : memref<8192xi32, #tpu.memory_space<vmem>>, vector<16xi32>,
      %parallel_loop3A_542 = arith.constant 256 : i32
      %parallel_loop3A_543 = arith.muli %parallel_loop3A_134, %parallel_loop3A_542 : i32
      %parallel_loop3A_544 = arith.constant 112 : i32
      %parallel_loop3A_545 = arith.addi %parallel_loop3A_543, %parallel_loop3A_544 : i32
      %parallel_loop3A_546 = arith.index_cast %parallel_loop3A_545 : i32 to index
      %parallel_loop3A_547 = tpu.vector_load %arg7[%parallel_loop3A_546] {strides = array<i32>} : memref<16384xf32, #tpu.memory_space<vmem>>, vector<16xf32>,
      %parallel_loop3A_548 = arith.constant 256 : i32
      %parallel_loop3A_549 = arith.muli %parallel_loop3A_134, %parallel_loop3A_548 : i32
      %parallel_loop3A_550 = arith.constant 128 : i32
      %parallel_loop3A_551 = arith.addi %parallel_loop3A_549, %parallel_loop3A_550 : i32
      %parallel_loop3A_552 = arith.constant 112 : i32
      %parallel_loop3A_553 = arith.addi %parallel_loop3A_551, %parallel_loop3A_552 : i32
      %parallel_loop3A_554 = arith.index_cast %parallel_loop3A_553 : i32 to index
      %parallel_loop3A_555 = tpu.vector_load %arg7[%parallel_loop3A_554] {strides = array<i32>} : memref<16384xf32, #tpu.memory_space<vmem>>, vector<16xf32>,
      %parallel_loop3A_556 = arith.subf %parallel_loop3A_547, %parallel_loop3A_555 : vector<16xf32>
      %parallel_loop3A_557 = arith.constant 0.000000e+00 : f32
      %parallel_loop3A_558 = vector.broadcast %parallel_loop3A_557 : f32 to vector<16xf32>
      %parallel_loop3A_559 = arith.subf %parallel_loop3A_558, %parallel_loop3A_556 : vector<16xf32>
      %parallel_loop3A_560 = arith.minimumf %parallel_loop3A_556, %parallel_loop3A_559 : vector<16xf32>
      %parallel_loop3A_561 = math.exp %parallel_loop3A_560 : vector<16xf32>
      %parallel_loop3A_562 = arith.constant 0.106684729 : f32
      %parallel_loop3A_563 = vector.broadcast %parallel_loop3A_562 : f32 to vector<16xf32>
      %parallel_loop3A_564 = arith.mulf %parallel_loop3A_563, %parallel_loop3A_561 : vector<16xf32>
      %parallel_loop3A_565 = arith.constant -0.393535793 : f32
      %parallel_loop3A_566 = vector.broadcast %parallel_loop3A_565 : f32 to vector<16xf32>
      %parallel_loop3A_567 = arith.addf %parallel_loop3A_564, %parallel_loop3A_566 : vector<16xf32>
      %parallel_loop3A_568 = arith.mulf %parallel_loop3A_567, %parallel_loop3A_561 : vector<16xf32>
      %parallel_loop3A_569 = arith.constant 0.979753434 : f32
      %parallel_loop3A_570 = vector.broadcast %parallel_loop3A_569 : f32 to vector<16xf32>
      %parallel_loop3A_571 = arith.addf %parallel_loop3A_568, %parallel_loop3A_570 : vector<16xf32>
      %parallel_loop3A_572 = arith.mulf %parallel_loop3A_571, %parallel_loop3A_561 : vector<16xf32>
      %parallel_loop3A_573 = arith.constant 9.25032131E-4 : f32
      %parallel_loop3A_574 = vector.broadcast %parallel_loop3A_573 : f32 to vector<16xf32>
      %parallel_loop3A_575 = arith.addf %parallel_loop3A_572, %parallel_loop3A_574 : vector<16xf32>
      %parallel_loop3A_576 = arith.constant 1 : i32
      %parallel_loop3A_577 = vector.broadcast %parallel_loop3A_576 : i32 to vector<16xi32>
      %parallel_loop3A_578 = arith.cmpi eq, %parallel_loop3A_541, %parallel_loop3A_577 : vector<16xi32>
      %parallel_loop3A_579 = arith.select %parallel_loop3A_578, %parallel_loop3A_556, %parallel_loop3A_559 : vector<16xi1>, vector<16xf32>
      %parallel_loop3A_580 = arith.constant 0.000000e+00 : f32
      %parallel_loop3A_581 = vector.broadcast %parallel_loop3A_580 : f32 to vector<16xf32>
      %parallel_loop3A_582 = arith.maximumf %parallel_loop3A_579, %parallel_loop3A_581 : vector<16xf32>
      %parallel_loop3A_583 = arith.addf %parallel_loop3A_582, %parallel_loop3A_575 : vector<16xf32>
      %parallel_loop3A_584 = arith.constant 0 : i32
      %parallel_loop3A_585 = vector.broadcast %parallel_loop3A_584 : i32 to vector<16xi32>
      %parallel_loop3A_586 = arith.cmpi ne, %parallel_loop3A_541, %parallel_loop3A_585 : vector<16xi32>
      %parallel_loop3A_587 = arith.constant 0.000000e+00 : f32
      %parallel_loop3A_588 = vector.broadcast %parallel_loop3A_587 : f32 to vector<16xf32>
      %parallel_loop3A_589 = arith.select %parallel_loop3A_586, %parallel_loop3A_583, %parallel_loop3A_588 : vector<16xi1>, vector<16xf32>
      %parallel_loop3A_590 = arith.addf %parallel_loop3A_533, %parallel_loop3A_589 : vector<16xf32>
      %parallel_loop3A_591 = tpu.all_reduce %parallel_loop3A_586 {dim = 0 : i64, kind = #tpu.reduction_kind<sum>} : vector<16xi1> -> vector<16xi32>
      %parallel_loop3A_592 = arith.addi %parallel_loop3A_535, %parallel_loop3A_591 : vector<16xi32>
      scf.yield %parallel_loop3A_590, %parallel_loop3A_592 : vector<16xf32>, vector<16xi32>
    } {sc.loop_unroll_factor = 1 : i64, sc.parallel_access}
    %dma_wait3A_123 = tpu.memref_slice %arg2[%add3A_108] : memref<2097152xi32, #tpu.memory_space<hbm>> -> memref<8192xi32, #tpu.memory_space<hbm>>
    %dma_wait3A_124 = tpu.memref_slice %arg2[%add3A_108] : memref<2097152xi32, #tpu.memory_space<hbm>> -> memref<8192xi32, #tpu.memory_space<hbm>>
    tpu.wait_dma2 semaphore(%arg11 : memref<!tpu.dma_semaphore, #tpu.memory_space<semaphore_mem>>) src(%dma_wait3A_124 : memref<8192xi32, #tpu.memory_space<hbm>>) dst(%arg6 : memref<8192xi32, #tpu.memory_space<vmem>>)
    %dma_wait3A_125 = tpu.memref_slice %arg3[%mul3A_112] : memref<4194304xf32, #tpu.memory_space<hbm>> -> memref<16384xf32, #tpu.memory_space<hbm>>
    %dma_wait3A_126 = tpu.memref_slice %arg3[%mul3A_112] : memref<4194304xf32, #tpu.memory_space<hbm>> -> memref<16384xf32, #tpu.memory_space<hbm>>
    tpu.wait_dma2 semaphore(%arg13 : memref<!tpu.dma_semaphore, #tpu.memory_space<semaphore_mem>>) src(%dma_wait3A_126 : memref<16384xf32, #tpu.memory_space<hbm>>) dst(%arg8 : memref<16384xf32, #tpu.memory_space<vmem>>)
    %parallel_loop3A_127 = arith.constant 0 : i32
    %parallel_loop3A_128 = arith.constant 64 : i32
    %parallel_loop3A_129 = arith.constant 1 : i32
    %parallel_loop3A_130:2 = scf.for %parallel_loop3A_134 = %parallel_loop3A_127 to %parallel_loop3A_128 step %parallel_loop3A_129 iter_args(%parallel_loop3A_135 = %parallel_loop3A_122#0, %parallel_loop3A_136 = %parallel_loop3A_122#1) -> (vector<16xf32>, vector<16xi32>)  : i32 {
      %parallel_loop3A_137 = arith.constant 128 : i32
      %parallel_loop3A_138 = arith.muli %parallel_loop3A_134, %parallel_loop3A_137 : i32
      %parallel_loop3A_139 = arith.constant 0 : i32
      %parallel_loop3A_140 = arith.addi %parallel_loop3A_138, %parallel_loop3A_139 : i32
      %parallel_loop3A_141 = arith.index_cast %parallel_loop3A_140 : i32 to index
      %parallel_loop3A_142 = tpu.vector_load %arg6[%parallel_loop3A_141] {strides = array<i32>} : memref<8192xi32, #tpu.memory_space<vmem>>, vector<16xi32>,
      %parallel_loop3A_143 = arith.constant 256 : i32
      %parallel_loop3A_144 = arith.muli %parallel_loop3A_134, %parallel_loop3A_143 : i32
      %parallel_loop3A_145 = arith.constant 0 : i32
      %parallel_loop3A_146 = arith.addi %parallel_loop3A_144, %parallel_loop3A_145 : i32
      %parallel_loop3A_147 = arith.index_cast %parallel_loop3A_146 : i32 to index
      %parallel_loop3A_148 = tpu.vector_load %arg8[%parallel_loop3A_147] {strides = array<i32>} : memref<16384xf32, #tpu.memory_space<vmem>>, vector<16xf32>,
      %parallel_loop3A_149 = arith.constant 256 : i32
      %parallel_loop3A_150 = arith.muli %parallel_loop3A_134, %parallel_loop3A_149 : i32
      %parallel_loop3A_151 = arith.constant 128 : i32
      %parallel_loop3A_152 = arith.addi %parallel_loop3A_150, %parallel_loop3A_151 : i32
      %parallel_loop3A_153 = arith.constant 0 : i32
      %parallel_loop3A_154 = arith.addi %parallel_loop3A_152, %parallel_loop3A_153 : i32
      %parallel_loop3A_155 = arith.index_cast %parallel_loop3A_154 : i32 to index
      %parallel_loop3A_156 = tpu.vector_load %arg8[%parallel_loop3A_155] {strides = array<i32>} : memref<16384xf32, #tpu.memory_space<vmem>>, vector<16xf32>,
      %parallel_loop3A_157 = arith.subf %parallel_loop3A_148, %parallel_loop3A_156 : vector<16xf32>
      %parallel_loop3A_158 = arith.constant 0.000000e+00 : f32
      %parallel_loop3A_159 = vector.broadcast %parallel_loop3A_158 : f32 to vector<16xf32>
      %parallel_loop3A_160 = arith.subf %parallel_loop3A_159, %parallel_loop3A_157 : vector<16xf32>
      %parallel_loop3A_161 = arith.minimumf %parallel_loop3A_157, %parallel_loop3A_160 : vector<16xf32>
      %parallel_loop3A_162 = math.exp %parallel_loop3A_161 : vector<16xf32>
      %parallel_loop3A_163 = arith.constant 0.106684729 : f32
      %parallel_loop3A_164 = vector.broadcast %parallel_loop3A_163 : f32 to vector<16xf32>
      %parallel_loop3A_165 = arith.mulf %parallel_loop3A_164, %parallel_loop3A_162 : vector<16xf32>
      %parallel_loop3A_166 = arith.constant -0.393535793 : f32
      %parallel_loop3A_167 = vector.broadcast %parallel_loop3A_166 : f32 to vector<16xf32>
      %parallel_loop3A_168 = arith.addf %parallel_loop3A_165, %parallel_loop3A_167 : vector<16xf32>
      %parallel_loop3A_169 = arith.mulf %parallel_loop3A_168, %parallel_loop3A_162 : vector<16xf32>
      %parallel_loop3A_170 = arith.constant 0.979753434 : f32
      %parallel_loop3A_171 = vector.broadcast %parallel_loop3A_170 : f32 to vector<16xf32>
      %parallel_loop3A_172 = arith.addf %parallel_loop3A_169, %parallel_loop3A_171 : vector<16xf32>
      %parallel_loop3A_173 = arith.mulf %parallel_loop3A_172, %parallel_loop3A_162 : vector<16xf32>
      %parallel_loop3A_174 = arith.constant 9.25032131E-4 : f32
      %parallel_loop3A_175 = vector.broadcast %parallel_loop3A_174 : f32 to vector<16xf32>
      %parallel_loop3A_176 = arith.addf %parallel_loop3A_173, %parallel_loop3A_175 : vector<16xf32>
      %parallel_loop3A_177 = arith.constant 1 : i32
      %parallel_loop3A_178 = vector.broadcast %parallel_loop3A_177 : i32 to vector<16xi32>
      %parallel_loop3A_179 = arith.cmpi eq, %parallel_loop3A_142, %parallel_loop3A_178 : vector<16xi32>
      %parallel_loop3A_180 = arith.select %parallel_loop3A_179, %parallel_loop3A_157, %parallel_loop3A_160 : vector<16xi1>, vector<16xf32>
      %parallel_loop3A_181 = arith.constant 0.000000e+00 : f32
      %parallel_loop3A_182 = vector.broadcast %parallel_loop3A_181 : f32 to vector<16xf32>
      %parallel_loop3A_183 = arith.maximumf %parallel_loop3A_180, %parallel_loop3A_182 : vector<16xf32>
      %parallel_loop3A_184 = arith.addf %parallel_loop3A_183, %parallel_loop3A_176 : vector<16xf32>
      %parallel_loop3A_185 = arith.constant 0 : i32
      %parallel_loop3A_186 = vector.broadcast %parallel_loop3A_185 : i32 to vector<16xi32>
      %parallel_loop3A_187 = arith.cmpi ne, %parallel_loop3A_142, %parallel_loop3A_186 : vector<16xi32>
      %parallel_loop3A_188 = arith.constant 0.000000e+00 : f32
      %parallel_loop3A_189 = vector.broadcast %parallel_loop3A_188 : f32 to vector<16xf32>
      %parallel_loop3A_190 = arith.select %parallel_loop3A_187, %parallel_loop3A_184, %parallel_loop3A_189 : vector<16xi1>, vector<16xf32>
      %parallel_loop3A_191 = arith.addf %parallel_loop3A_135, %parallel_loop3A_190 : vector<16xf32>
      %parallel_loop3A_192 = tpu.all_reduce %parallel_loop3A_187 {dim = 0 : i64, kind = #tpu.reduction_kind<sum>} : vector<16xi1> -> vector<16xi32>
      %parallel_loop3A_193 = arith.addi %parallel_loop3A_136, %parallel_loop3A_192 : vector<16xi32>
      %parallel_loop3A_194 = arith.constant 128 : i32
      %parallel_loop3A_195 = arith.muli %parallel_loop3A_134, %parallel_loop3A_194 : i32
      %parallel_loop3A_196 = arith.constant 16 : i32
      %parallel_loop3A_197 = arith.addi %parallel_loop3A_195, %parallel_loop3A_196 : i32
      %parallel_loop3A_198 = arith.index_cast %parallel_loop3A_197 : i32 to index
      %parallel_loop3A_199 = tpu.vector_load %arg6[%parallel_loop3A_198] {strides = array<i32>} : memref<8192xi32, #tpu.memory_space<vmem>>, vector<16xi32>,
      %parallel_loop3A_200 = arith.constant 256 : i32
      %parallel_loop3A_201 = arith.muli %parallel_loop3A_134, %parallel_loop3A_200 : i32
      %parallel_loop3A_202 = arith.constant 16 : i32
      %parallel_loop3A_203 = arith.addi %parallel_loop3A_201, %parallel_loop3A_202 : i32
      %parallel_loop3A_204 = arith.index_cast %parallel_loop3A_203 : i32 to index
      %parallel_loop3A_205 = tpu.vector_load %arg8[%parallel_loop3A_204] {strides = array<i32>} : memref<16384xf32, #tpu.memory_space<vmem>>, vector<16xf32>,
      %parallel_loop3A_206 = arith.constant 256 : i32
      %parallel_loop3A_207 = arith.muli %parallel_loop3A_134, %parallel_loop3A_206 : i32
      %parallel_loop3A_208 = arith.constant 128 : i32
      %parallel_loop3A_209 = arith.addi %parallel_loop3A_207, %parallel_loop3A_208 : i32
      %parallel_loop3A_210 = arith.constant 16 : i32
      %parallel_loop3A_211 = arith.addi %parallel_loop3A_209, %parallel_loop3A_210 : i32
      %parallel_loop3A_212 = arith.index_cast %parallel_loop3A_211 : i32 to index
      %parallel_loop3A_213 = tpu.vector_load %arg8[%parallel_loop3A_212] {strides = array<i32>} : memref<16384xf32, #tpu.memory_space<vmem>>, vector<16xf32>,
      %parallel_loop3A_214 = arith.subf %parallel_loop3A_205, %parallel_loop3A_213 : vector<16xf32>
      %parallel_loop3A_215 = arith.constant 0.000000e+00 : f32
      %parallel_loop3A_216 = vector.broadcast %parallel_loop3A_215 : f32 to vector<16xf32>
      %parallel_loop3A_217 = arith.subf %parallel_loop3A_216, %parallel_loop3A_214 : vector<16xf32>
      %parallel_loop3A_218 = arith.minimumf %parallel_loop3A_214, %parallel_loop3A_217 : vector<16xf32>
      %parallel_loop3A_219 = math.exp %parallel_loop3A_218 : vector<16xf32>
      %parallel_loop3A_220 = arith.constant 0.106684729 : f32
      %parallel_loop3A_221 = vector.broadcast %parallel_loop3A_220 : f32 to vector<16xf32>
      %parallel_loop3A_222 = arith.mulf %parallel_loop3A_221, %parallel_loop3A_219 : vector<16xf32>
      %parallel_loop3A_223 = arith.constant -0.393535793 : f32
      %parallel_loop3A_224 = vector.broadcast %parallel_loop3A_223 : f32 to vector<16xf32>
      %parallel_loop3A_225 = arith.addf %parallel_loop3A_222, %parallel_loop3A_224 : vector<16xf32>
      %parallel_loop3A_226 = arith.mulf %parallel_loop3A_225, %parallel_loop3A_219 : vector<16xf32>
      %parallel_loop3A_227 = arith.constant 0.979753434 : f32
      %parallel_loop3A_228 = vector.broadcast %parallel_loop3A_227 : f32 to vector<16xf32>
      %parallel_loop3A_229 = arith.addf %parallel_loop3A_226, %parallel_loop3A_228 : vector<16xf32>
      %parallel_loop3A_230 = arith.mulf %parallel_loop3A_229, %parallel_loop3A_219 : vector<16xf32>
      %parallel_loop3A_231 = arith.constant 9.25032131E-4 : f32
      %parallel_loop3A_232 = vector.broadcast %parallel_loop3A_231 : f32 to vector<16xf32>
      %parallel_loop3A_233 = arith.addf %parallel_loop3A_230, %parallel_loop3A_232 : vector<16xf32>
      %parallel_loop3A_234 = arith.constant 1 : i32
      %parallel_loop3A_235 = vector.broadcast %parallel_loop3A_234 : i32 to vector<16xi32>
      %parallel_loop3A_236 = arith.cmpi eq, %parallel_loop3A_199, %parallel_loop3A_235 : vector<16xi32>
      %parallel_loop3A_237 = arith.select %parallel_loop3A_236, %parallel_loop3A_214, %parallel_loop3A_217 : vector<16xi1>, vector<16xf32>
      %parallel_loop3A_238 = arith.constant 0.000000e+00 : f32
      %parallel_loop3A_239 = vector.broadcast %parallel_loop3A_238 : f32 to vector<16xf32>
      %parallel_loop3A_240 = arith.maximumf %parallel_loop3A_237, %parallel_loop3A_239 : vector<16xf32>
      %parallel_loop3A_241 = arith.addf %parallel_loop3A_240, %parallel_loop3A_233 : vector<16xf32>
      %parallel_loop3A_242 = arith.constant 0 : i32
      %parallel_loop3A_243 = vector.broadcast %parallel_loop3A_242 : i32 to vector<16xi32>
      %parallel_loop3A_244 = arith.cmpi ne, %parallel_loop3A_199, %parallel_loop3A_243 : vector<16xi32>
      %parallel_loop3A_245 = arith.constant 0.000000e+00 : f32
      %parallel_loop3A_246 = vector.broadcast %parallel_loop3A_245 : f32 to vector<16xf32>
      %parallel_loop3A_247 = arith.select %parallel_loop3A_244, %parallel_loop3A_241, %parallel_loop3A_246 : vector<16xi1>, vector<16xf32>
      %parallel_loop3A_248 = arith.addf %parallel_loop3A_191, %parallel_loop3A_247 : vector<16xf32>
      %parallel_loop3A_249 = tpu.all_reduce %parallel_loop3A_244 {dim = 0 : i64, kind = #tpu.reduction_kind<sum>} : vector<16xi1> -> vector<16xi32>
      %parallel_loop3A_250 = arith.addi %parallel_loop3A_193, %parallel_loop3A_249 : vector<16xi32>
      %parallel_loop3A_251 = arith.constant 128 : i32
      %parallel_loop3A_252 = arith.muli %parallel_loop3A_134, %parallel_loop3A_251 : i32
      %parallel_loop3A_253 = arith.constant 32 : i32
      %parallel_loop3A_254 = arith.addi %parallel_loop3A_252, %parallel_loop3A_253 : i32
      %parallel_loop3A_255 = arith.index_cast %parallel_loop3A_254 : i32 to index
      %parallel_loop3A_256 = tpu.vector_load %arg6[%parallel_loop3A_255] {strides = array<i32>} : memref<8192xi32, #tpu.memory_space<vmem>>, vector<16xi32>,
      %parallel_loop3A_257 = arith.constant 256 : i32
      %parallel_loop3A_258 = arith.muli %parallel_loop3A_134, %parallel_loop3A_257 : i32
      %parallel_loop3A_259 = arith.constant 32 : i32
      %parallel_loop3A_260 = arith.addi %parallel_loop3A_258, %parallel_loop3A_259 : i32
      %parallel_loop3A_261 = arith.index_cast %parallel_loop3A_260 : i32 to index
      %parallel_loop3A_262 = tpu.vector_load %arg8[%parallel_loop3A_261] {strides = array<i32>} : memref<16384xf32, #tpu.memory_space<vmem>>, vector<16xf32>,
      %parallel_loop3A_263 = arith.constant 256 : i32
      %parallel_loop3A_264 = arith.muli %parallel_loop3A_134, %parallel_loop3A_263 : i32
      %parallel_loop3A_265 = arith.constant 128 : i32
      %parallel_loop3A_266 = arith.addi %parallel_loop3A_264, %parallel_loop3A_265 : i32
      %parallel_loop3A_267 = arith.constant 32 : i32
      %parallel_loop3A_268 = arith.addi %parallel_loop3A_266, %parallel_loop3A_267 : i32
      %parallel_loop3A_269 = arith.index_cast %parallel_loop3A_268 : i32 to index
      %parallel_loop3A_270 = tpu.vector_load %arg8[%parallel_loop3A_269] {strides = array<i32>} : memref<16384xf32, #tpu.memory_space<vmem>>, vector<16xf32>,
      %parallel_loop3A_271 = arith.subf %parallel_loop3A_262, %parallel_loop3A_270 : vector<16xf32>
      %parallel_loop3A_272 = arith.constant 0.000000e+00 : f32
      %parallel_loop3A_273 = vector.broadcast %parallel_loop3A_272 : f32 to vector<16xf32>
      %parallel_loop3A_274 = arith.subf %parallel_loop3A_273, %parallel_loop3A_271 : vector<16xf32>
      %parallel_loop3A_275 = arith.minimumf %parallel_loop3A_271, %parallel_loop3A_274 : vector<16xf32>
      %parallel_loop3A_276 = math.exp %parallel_loop3A_275 : vector<16xf32>
      %parallel_loop3A_277 = arith.constant 0.106684729 : f32
      %parallel_loop3A_278 = vector.broadcast %parallel_loop3A_277 : f32 to vector<16xf32>
      %parallel_loop3A_279 = arith.mulf %parallel_loop3A_278, %parallel_loop3A_276 : vector<16xf32>
      %parallel_loop3A_280 = arith.constant -0.393535793 : f32
      %parallel_loop3A_281 = vector.broadcast %parallel_loop3A_280 : f32 to vector<16xf32>
      %parallel_loop3A_282 = arith.addf %parallel_loop3A_279, %parallel_loop3A_281 : vector<16xf32>
      %parallel_loop3A_283 = arith.mulf %parallel_loop3A_282, %parallel_loop3A_276 : vector<16xf32>
      %parallel_loop3A_284 = arith.constant 0.979753434 : f32
      %parallel_loop3A_285 = vector.broadcast %parallel_loop3A_284 : f32 to vector<16xf32>
      %parallel_loop3A_286 = arith.addf %parallel_loop3A_283, %parallel_loop3A_285 : vector<16xf32>
      %parallel_loop3A_287 = arith.mulf %parallel_loop3A_286, %parallel_loop3A_276 : vector<16xf32>
      %parallel_loop3A_288 = arith.constant 9.25032131E-4 : f32
      %parallel_loop3A_289 = vector.broadcast %parallel_loop3A_288 : f32 to vector<16xf32>
      %parallel_loop3A_290 = arith.addf %parallel_loop3A_287, %parallel_loop3A_289 : vector<16xf32>
      %parallel_loop3A_291 = arith.constant 1 : i32
      %parallel_loop3A_292 = vector.broadcast %parallel_loop3A_291 : i32 to vector<16xi32>
      %parallel_loop3A_293 = arith.cmpi eq, %parallel_loop3A_256, %parallel_loop3A_292 : vector<16xi32>
      %parallel_loop3A_294 = arith.select %parallel_loop3A_293, %parallel_loop3A_271, %parallel_loop3A_274 : vector<16xi1>, vector<16xf32>
      %parallel_loop3A_295 = arith.constant 0.000000e+00 : f32
      %parallel_loop3A_296 = vector.broadcast %parallel_loop3A_295 : f32 to vector<16xf32>
      %parallel_loop3A_297 = arith.maximumf %parallel_loop3A_294, %parallel_loop3A_296 : vector<16xf32>
      %parallel_loop3A_298 = arith.addf %parallel_loop3A_297, %parallel_loop3A_290 : vector<16xf32>
      %parallel_loop3A_299 = arith.constant 0 : i32
      %parallel_loop3A_300 = vector.broadcast %parallel_loop3A_299 : i32 to vector<16xi32>
      %parallel_loop3A_301 = arith.cmpi ne, %parallel_loop3A_256, %parallel_loop3A_300 : vector<16xi32>
      %parallel_loop3A_302 = arith.constant 0.000000e+00 : f32
      %parallel_loop3A_303 = vector.broadcast %parallel_loop3A_302 : f32 to vector<16xf32>
      %parallel_loop3A_304 = arith.select %parallel_loop3A_301, %parallel_loop3A_298, %parallel_loop3A_303 : vector<16xi1>, vector<16xf32>
      %parallel_loop3A_305 = arith.addf %parallel_loop3A_248, %parallel_loop3A_304 : vector<16xf32>
      %parallel_loop3A_306 = tpu.all_reduce %parallel_loop3A_301 {dim = 0 : i64, kind = #tpu.reduction_kind<sum>} : vector<16xi1> -> vector<16xi32>
      %parallel_loop3A_307 = arith.addi %parallel_loop3A_250, %parallel_loop3A_306 : vector<16xi32>
      %parallel_loop3A_308 = arith.constant 128 : i32
      %parallel_loop3A_309 = arith.muli %parallel_loop3A_134, %parallel_loop3A_308 : i32
      %parallel_loop3A_310 = arith.constant 48 : i32
      %parallel_loop3A_311 = arith.addi %parallel_loop3A_309, %parallel_loop3A_310 : i32
      %parallel_loop3A_312 = arith.index_cast %parallel_loop3A_311 : i32 to index
      %parallel_loop3A_313 = tpu.vector_load %arg6[%parallel_loop3A_312] {strides = array<i32>} : memref<8192xi32, #tpu.memory_space<vmem>>, vector<16xi32>,
      %parallel_loop3A_314 = arith.constant 256 : i32
      %parallel_loop3A_315 = arith.muli %parallel_loop3A_134, %parallel_loop3A_314 : i32
      %parallel_loop3A_316 = arith.constant 48 : i32
      %parallel_loop3A_317 = arith.addi %parallel_loop3A_315, %parallel_loop3A_316 : i32
      %parallel_loop3A_318 = arith.index_cast %parallel_loop3A_317 : i32 to index
      %parallel_loop3A_319 = tpu.vector_load %arg8[%parallel_loop3A_318] {strides = array<i32>} : memref<16384xf32, #tpu.memory_space<vmem>>, vector<16xf32>,
      %parallel_loop3A_320 = arith.constant 256 : i32
      %parallel_loop3A_321 = arith.muli %parallel_loop3A_134, %parallel_loop3A_320 : i32
      %parallel_loop3A_322 = arith.constant 128 : i32
      %parallel_loop3A_323 = arith.addi %parallel_loop3A_321, %parallel_loop3A_322 : i32
      %parallel_loop3A_324 = arith.constant 48 : i32
      %parallel_loop3A_325 = arith.addi %parallel_loop3A_323, %parallel_loop3A_324 : i32
      %parallel_loop3A_326 = arith.index_cast %parallel_loop3A_325 : i32 to index
      %parallel_loop3A_327 = tpu.vector_load %arg8[%parallel_loop3A_326] {strides = array<i32>} : memref<16384xf32, #tpu.memory_space<vmem>>, vector<16xf32>,
      %parallel_loop3A_328 = arith.subf %parallel_loop3A_319, %parallel_loop3A_327 : vector<16xf32>
      %parallel_loop3A_329 = arith.constant 0.000000e+00 : f32
      %parallel_loop3A_330 = vector.broadcast %parallel_loop3A_329 : f32 to vector<16xf32>
      %parallel_loop3A_331 = arith.subf %parallel_loop3A_330, %parallel_loop3A_328 : vector<16xf32>
      %parallel_loop3A_332 = arith.minimumf %parallel_loop3A_328, %parallel_loop3A_331 : vector<16xf32>
      %parallel_loop3A_333 = math.exp %parallel_loop3A_332 : vector<16xf32>
      %parallel_loop3A_334 = arith.constant 0.106684729 : f32
      %parallel_loop3A_335 = vector.broadcast %parallel_loop3A_334 : f32 to vector<16xf32>
      %parallel_loop3A_336 = arith.mulf %parallel_loop3A_335, %parallel_loop3A_333 : vector<16xf32>
      %parallel_loop3A_337 = arith.constant -0.393535793 : f32
      %parallel_loop3A_338 = vector.broadcast %parallel_loop3A_337 : f32 to vector<16xf32>
      %parallel_loop3A_339 = arith.addf %parallel_loop3A_336, %parallel_loop3A_338 : vector<16xf32>
      %parallel_loop3A_340 = arith.mulf %parallel_loop3A_339, %parallel_loop3A_333 : vector<16xf32>
      %parallel_loop3A_341 = arith.constant 0.979753434 : f32
      %parallel_loop3A_342 = vector.broadcast %parallel_loop3A_341 : f32 to vector<16xf32>
      %parallel_loop3A_343 = arith.addf %parallel_loop3A_340, %parallel_loop3A_342 : vector<16xf32>
      %parallel_loop3A_344 = arith.mulf %parallel_loop3A_343, %parallel_loop3A_333 : vector<16xf32>
      %parallel_loop3A_345 = arith.constant 9.25032131E-4 : f32
      %parallel_loop3A_346 = vector.broadcast %parallel_loop3A_345 : f32 to vector<16xf32>
      %parallel_loop3A_347 = arith.addf %parallel_loop3A_344, %parallel_loop3A_346 : vector<16xf32>
      %parallel_loop3A_348 = arith.constant 1 : i32
      %parallel_loop3A_349 = vector.broadcast %parallel_loop3A_348 : i32 to vector<16xi32>
      %parallel_loop3A_350 = arith.cmpi eq, %parallel_loop3A_313, %parallel_loop3A_349 : vector<16xi32>
      %parallel_loop3A_351 = arith.select %parallel_loop3A_350, %parallel_loop3A_328, %parallel_loop3A_331 : vector<16xi1>, vector<16xf32>
      %parallel_loop3A_352 = arith.constant 0.000000e+00 : f32
      %parallel_loop3A_353 = vector.broadcast %parallel_loop3A_352 : f32 to vector<16xf32>
      %parallel_loop3A_354 = arith.maximumf %parallel_loop3A_351, %parallel_loop3A_353 : vector<16xf32>
      %parallel_loop3A_355 = arith.addf %parallel_loop3A_354, %parallel_loop3A_347 : vector<16xf32>
      %parallel_loop3A_356 = arith.constant 0 : i32
      %parallel_loop3A_357 = vector.broadcast %parallel_loop3A_356 : i32 to vector<16xi32>
      %parallel_loop3A_358 = arith.cmpi ne, %parallel_loop3A_313, %parallel_loop3A_357 : vector<16xi32>
      %parallel_loop3A_359 = arith.constant 0.000000e+00 : f32
      %parallel_loop3A_360 = vector.broadcast %parallel_loop3A_359 : f32 to vector<16xf32>
      %parallel_loop3A_361 = arith.select %parallel_loop3A_358, %parallel_loop3A_355, %parallel_loop3A_360 : vector<16xi1>, vector<16xf32>
      %parallel_loop3A_362 = arith.addf %parallel_loop3A_305, %parallel_loop3A_361 : vector<16xf32>
      %parallel_loop3A_363 = tpu.all_reduce %parallel_loop3A_358 {dim = 0 : i64, kind = #tpu.reduction_kind<sum>} : vector<16xi1> -> vector<16xi32>
      %parallel_loop3A_364 = arith.addi %parallel_loop3A_307, %parallel_loop3A_363 : vector<16xi32>
      %parallel_loop3A_365 = arith.constant 128 : i32
      %parallel_loop3A_366 = arith.muli %parallel_loop3A_134, %parallel_loop3A_365 : i32
      %parallel_loop3A_367 = arith.constant 64 : i32
      %parallel_loop3A_368 = arith.addi %parallel_loop3A_366, %parallel_loop3A_367 : i32
      %parallel_loop3A_369 = arith.index_cast %parallel_loop3A_368 : i32 to index
      %parallel_loop3A_370 = tpu.vector_load %arg6[%parallel_loop3A_369] {strides = array<i32>} : memref<8192xi32, #tpu.memory_space<vmem>>, vector<16xi32>,
      %parallel_loop3A_371 = arith.constant 256 : i32
      %parallel_loop3A_372 = arith.muli %parallel_loop3A_134, %parallel_loop3A_371 : i32
      %parallel_loop3A_373 = arith.constant 64 : i32
      %parallel_loop3A_374 = arith.addi %parallel_loop3A_372, %parallel_loop3A_373 : i32
      %parallel_loop3A_375 = arith.index_cast %parallel_loop3A_374 : i32 to index
      %parallel_loop3A_376 = tpu.vector_load %arg8[%parallel_loop3A_375] {strides = array<i32>} : memref<16384xf32, #tpu.memory_space<vmem>>, vector<16xf32>,
      %parallel_loop3A_377 = arith.constant 256 : i32
      %parallel_loop3A_378 = arith.muli %parallel_loop3A_134, %parallel_loop3A_377 : i32
      %parallel_loop3A_379 = arith.constant 128 : i32
      %parallel_loop3A_380 = arith.addi %parallel_loop3A_378, %parallel_loop3A_379 : i32
      %parallel_loop3A_381 = arith.constant 64 : i32
      %parallel_loop3A_382 = arith.addi %parallel_loop3A_380, %parallel_loop3A_381 : i32
      %parallel_loop3A_383 = arith.index_cast %parallel_loop3A_382 : i32 to index
      %parallel_loop3A_384 = tpu.vector_load %arg8[%parallel_loop3A_383] {strides = array<i32>} : memref<16384xf32, #tpu.memory_space<vmem>>, vector<16xf32>,
      %parallel_loop3A_385 = arith.subf %parallel_loop3A_376, %parallel_loop3A_384 : vector<16xf32>
      %parallel_loop3A_386 = arith.constant 0.000000e+00 : f32
      %parallel_loop3A_387 = vector.broadcast %parallel_loop3A_386 : f32 to vector<16xf32>
      %parallel_loop3A_388 = arith.subf %parallel_loop3A_387, %parallel_loop3A_385 : vector<16xf32>
      %parallel_loop3A_389 = arith.minimumf %parallel_loop3A_385, %parallel_loop3A_388 : vector<16xf32>
      %parallel_loop3A_390 = math.exp %parallel_loop3A_389 : vector<16xf32>
      %parallel_loop3A_391 = arith.constant 0.106684729 : f32
      %parallel_loop3A_392 = vector.broadcast %parallel_loop3A_391 : f32 to vector<16xf32>
      %parallel_loop3A_393 = arith.mulf %parallel_loop3A_392, %parallel_loop3A_390 : vector<16xf32>
      %parallel_loop3A_394 = arith.constant -0.393535793 : f32
      %parallel_loop3A_395 = vector.broadcast %parallel_loop3A_394 : f32 to vector<16xf32>
      %parallel_loop3A_396 = arith.addf %parallel_loop3A_393, %parallel_loop3A_395 : vector<16xf32>
      %parallel_loop3A_397 = arith.mulf %parallel_loop3A_396, %parallel_loop3A_390 : vector<16xf32>
      %parallel_loop3A_398 = arith.constant 0.979753434 : f32
      %parallel_loop3A_399 = vector.broadcast %parallel_loop3A_398 : f32 to vector<16xf32>
      %parallel_loop3A_400 = arith.addf %parallel_loop3A_397, %parallel_loop3A_399 : vector<16xf32>
      %parallel_loop3A_401 = arith.mulf %parallel_loop3A_400, %parallel_loop3A_390 : vector<16xf32>
      %parallel_loop3A_402 = arith.constant 9.25032131E-4 : f32
      %parallel_loop3A_403 = vector.broadcast %parallel_loop3A_402 : f32 to vector<16xf32>
      %parallel_loop3A_404 = arith.addf %parallel_loop3A_401, %parallel_loop3A_403 : vector<16xf32>
      %parallel_loop3A_405 = arith.constant 1 : i32
      %parallel_loop3A_406 = vector.broadcast %parallel_loop3A_405 : i32 to vector<16xi32>
      %parallel_loop3A_407 = arith.cmpi eq, %parallel_loop3A_370, %parallel_loop3A_406 : vector<16xi32>
      %parallel_loop3A_408 = arith.select %parallel_loop3A_407, %parallel_loop3A_385, %parallel_loop3A_388 : vector<16xi1>, vector<16xf32>
      %parallel_loop3A_409 = arith.constant 0.000000e+00 : f32
      %parallel_loop3A_410 = vector.broadcast %parallel_loop3A_409 : f32 to vector<16xf32>
      %parallel_loop3A_411 = arith.maximumf %parallel_loop3A_408, %parallel_loop3A_410 : vector<16xf32>
      %parallel_loop3A_412 = arith.addf %parallel_loop3A_411, %parallel_loop3A_404 : vector<16xf32>
      %parallel_loop3A_413 = arith.constant 0 : i32
      %parallel_loop3A_414 = vector.broadcast %parallel_loop3A_413 : i32 to vector<16xi32>
      %parallel_loop3A_415 = arith.cmpi ne, %parallel_loop3A_370, %parallel_loop3A_414 : vector<16xi32>
      %parallel_loop3A_416 = arith.constant 0.000000e+00 : f32
      %parallel_loop3A_417 = vector.broadcast %parallel_loop3A_416 : f32 to vector<16xf32>
      %parallel_loop3A_418 = arith.select %parallel_loop3A_415, %parallel_loop3A_412, %parallel_loop3A_417 : vector<16xi1>, vector<16xf32>
      %parallel_loop3A_419 = arith.addf %parallel_loop3A_362, %parallel_loop3A_418 : vector<16xf32>
      %parallel_loop3A_420 = tpu.all_reduce %parallel_loop3A_415 {dim = 0 : i64, kind = #tpu.reduction_kind<sum>} : vector<16xi1> -> vector<16xi32>
      %parallel_loop3A_421 = arith.addi %parallel_loop3A_364, %parallel_loop3A_420 : vector<16xi32>
      %parallel_loop3A_422 = arith.constant 128 : i32
      %parallel_loop3A_423 = arith.muli %parallel_loop3A_134, %parallel_loop3A_422 : i32
      %parallel_loop3A_424 = arith.constant 80 : i32
      %parallel_loop3A_425 = arith.addi %parallel_loop3A_423, %parallel_loop3A_424 : i32
      %parallel_loop3A_426 = arith.index_cast %parallel_loop3A_425 : i32 to index
      %parallel_loop3A_427 = tpu.vector_load %arg6[%parallel_loop3A_426] {strides = array<i32>} : memref<8192xi32, #tpu.memory_space<vmem>>, vector<16xi32>,
      %parallel_loop3A_428 = arith.constant 256 : i32
      %parallel_loop3A_429 = arith.muli %parallel_loop3A_134, %parallel_loop3A_428 : i32
      %parallel_loop3A_430 = arith.constant 80 : i32
      %parallel_loop3A_431 = arith.addi %parallel_loop3A_429, %parallel_loop3A_430 : i32
      %parallel_loop3A_432 = arith.index_cast %parallel_loop3A_431 : i32 to index
      %parallel_loop3A_433 = tpu.vector_load %arg8[%parallel_loop3A_432] {strides = array<i32>} : memref<16384xf32, #tpu.memory_space<vmem>>, vector<16xf32>,
      %parallel_loop3A_434 = arith.constant 256 : i32
      %parallel_loop3A_435 = arith.muli %parallel_loop3A_134, %parallel_loop3A_434 : i32
      %parallel_loop3A_436 = arith.constant 128 : i32
      %parallel_loop3A_437 = arith.addi %parallel_loop3A_435, %parallel_loop3A_436 : i32
      %parallel_loop3A_438 = arith.constant 80 : i32
      %parallel_loop3A_439 = arith.addi %parallel_loop3A_437, %parallel_loop3A_438 : i32
      %parallel_loop3A_440 = arith.index_cast %parallel_loop3A_439 : i32 to index
      %parallel_loop3A_441 = tpu.vector_load %arg8[%parallel_loop3A_440] {strides = array<i32>} : memref<16384xf32, #tpu.memory_space<vmem>>, vector<16xf32>,
      %parallel_loop3A_442 = arith.subf %parallel_loop3A_433, %parallel_loop3A_441 : vector<16xf32>
      %parallel_loop3A_443 = arith.constant 0.000000e+00 : f32
      %parallel_loop3A_444 = vector.broadcast %parallel_loop3A_443 : f32 to vector<16xf32>
      %parallel_loop3A_445 = arith.subf %parallel_loop3A_444, %parallel_loop3A_442 : vector<16xf32>
      %parallel_loop3A_446 = arith.minimumf %parallel_loop3A_442, %parallel_loop3A_445 : vector<16xf32>
      %parallel_loop3A_447 = math.exp %parallel_loop3A_446 : vector<16xf32>
      %parallel_loop3A_448 = arith.constant 0.106684729 : f32
      %parallel_loop3A_449 = vector.broadcast %parallel_loop3A_448 : f32 to vector<16xf32>
      %parallel_loop3A_450 = arith.mulf %parallel_loop3A_449, %parallel_loop3A_447 : vector<16xf32>
      %parallel_loop3A_451 = arith.constant -0.393535793 : f32
      %parallel_loop3A_452 = vector.broadcast %parallel_loop3A_451 : f32 to vector<16xf32>
      %parallel_loop3A_453 = arith.addf %parallel_loop3A_450, %parallel_loop3A_452 : vector<16xf32>
      %parallel_loop3A_454 = arith.mulf %parallel_loop3A_453, %parallel_loop3A_447 : vector<16xf32>
      %parallel_loop3A_455 = arith.constant 0.979753434 : f32
      %parallel_loop3A_456 = vector.broadcast %parallel_loop3A_455 : f32 to vector<16xf32>
      %parallel_loop3A_457 = arith.addf %parallel_loop3A_454, %parallel_loop3A_456 : vector<16xf32>
      %parallel_loop3A_458 = arith.mulf %parallel_loop3A_457, %parallel_loop3A_447 : vector<16xf32>
      %parallel_loop3A_459 = arith.constant 9.25032131E-4 : f32
      %parallel_loop3A_460 = vector.broadcast %parallel_loop3A_459 : f32 to vector<16xf32>
      %parallel_loop3A_461 = arith.addf %parallel_loop3A_458, %parallel_loop3A_460 : vector<16xf32>
      %parallel_loop3A_462 = arith.constant 1 : i32
      %parallel_loop3A_463 = vector.broadcast %parallel_loop3A_462 : i32 to vector<16xi32>
      %parallel_loop3A_464 = arith.cmpi eq, %parallel_loop3A_427, %parallel_loop3A_463 : vector<16xi32>
      %parallel_loop3A_465 = arith.select %parallel_loop3A_464, %parallel_loop3A_442, %parallel_loop3A_445 : vector<16xi1>, vector<16xf32>
      %parallel_loop3A_466 = arith.constant 0.000000e+00 : f32
      %parallel_loop3A_467 = vector.broadcast %parallel_loop3A_466 : f32 to vector<16xf32>
      %parallel_loop3A_468 = arith.maximumf %parallel_loop3A_465, %parallel_loop3A_467 : vector<16xf32>
      %parallel_loop3A_469 = arith.addf %parallel_loop3A_468, %parallel_loop3A_461 : vector<16xf32>
      %parallel_loop3A_470 = arith.constant 0 : i32
      %parallel_loop3A_471 = vector.broadcast %parallel_loop3A_470 : i32 to vector<16xi32>
      %parallel_loop3A_472 = arith.cmpi ne, %parallel_loop3A_427, %parallel_loop3A_471 : vector<16xi32>
      %parallel_loop3A_473 = arith.constant 0.000000e+00 : f32
      %parallel_loop3A_474 = vector.broadcast %parallel_loop3A_473 : f32 to vector<16xf32>
      %parallel_loop3A_475 = arith.select %parallel_loop3A_472, %parallel_loop3A_469, %parallel_loop3A_474 : vector<16xi1>, vector<16xf32>
      %parallel_loop3A_476 = arith.addf %parallel_loop3A_419, %parallel_loop3A_475 : vector<16xf32>
      %parallel_loop3A_477 = tpu.all_reduce %parallel_loop3A_472 {dim = 0 : i64, kind = #tpu.reduction_kind<sum>} : vector<16xi1> -> vector<16xi32>
      %parallel_loop3A_478 = arith.addi %parallel_loop3A_421, %parallel_loop3A_477 : vector<16xi32>
      %parallel_loop3A_479 = arith.constant 128 : i32
      %parallel_loop3A_480 = arith.muli %parallel_loop3A_134, %parallel_loop3A_479 : i32
      %parallel_loop3A_481 = arith.constant 96 : i32
      %parallel_loop3A_482 = arith.addi %parallel_loop3A_480, %parallel_loop3A_481 : i32
      %parallel_loop3A_483 = arith.index_cast %parallel_loop3A_482 : i32 to index
      %parallel_loop3A_484 = tpu.vector_load %arg6[%parallel_loop3A_483] {strides = array<i32>} : memref<8192xi32, #tpu.memory_space<vmem>>, vector<16xi32>,
      %parallel_loop3A_485 = arith.constant 256 : i32
      %parallel_loop3A_486 = arith.muli %parallel_loop3A_134, %parallel_loop3A_485 : i32
      %parallel_loop3A_487 = arith.constant 96 : i32
      %parallel_loop3A_488 = arith.addi %parallel_loop3A_486, %parallel_loop3A_487 : i32
      %parallel_loop3A_489 = arith.index_cast %parallel_loop3A_488 : i32 to index
      %parallel_loop3A_490 = tpu.vector_load %arg8[%parallel_loop3A_489] {strides = array<i32>} : memref<16384xf32, #tpu.memory_space<vmem>>, vector<16xf32>,
      %parallel_loop3A_491 = arith.constant 256 : i32
      %parallel_loop3A_492 = arith.muli %parallel_loop3A_134, %parallel_loop3A_491 : i32
      %parallel_loop3A_493 = arith.constant 128 : i32
      %parallel_loop3A_494 = arith.addi %parallel_loop3A_492, %parallel_loop3A_493 : i32
      %parallel_loop3A_495 = arith.constant 96 : i32
      %parallel_loop3A_496 = arith.addi %parallel_loop3A_494, %parallel_loop3A_495 : i32
      %parallel_loop3A_497 = arith.index_cast %parallel_loop3A_496 : i32 to index
      %parallel_loop3A_498 = tpu.vector_load %arg8[%parallel_loop3A_497] {strides = array<i32>} : memref<16384xf32, #tpu.memory_space<vmem>>, vector<16xf32>,
      %parallel_loop3A_499 = arith.subf %parallel_loop3A_490, %parallel_loop3A_498 : vector<16xf32>
      %parallel_loop3A_500 = arith.constant 0.000000e+00 : f32
      %parallel_loop3A_501 = vector.broadcast %parallel_loop3A_500 : f32 to vector<16xf32>
      %parallel_loop3A_502 = arith.subf %parallel_loop3A_501, %parallel_loop3A_499 : vector<16xf32>
      %parallel_loop3A_503 = arith.minimumf %parallel_loop3A_499, %parallel_loop3A_502 : vector<16xf32>
      %parallel_loop3A_504 = math.exp %parallel_loop3A_503 : vector<16xf32>
      %parallel_loop3A_505 = arith.constant 0.106684729 : f32
      %parallel_loop3A_506 = vector.broadcast %parallel_loop3A_505 : f32 to vector<16xf32>
      %parallel_loop3A_507 = arith.mulf %parallel_loop3A_506, %parallel_loop3A_504 : vector<16xf32>
      %parallel_loop3A_508 = arith.constant -0.393535793 : f32
      %parallel_loop3A_509 = vector.broadcast %parallel_loop3A_508 : f32 to vector<16xf32>
      %parallel_loop3A_510 = arith.addf %parallel_loop3A_507, %parallel_loop3A_509 : vector<16xf32>
      %parallel_loop3A_511 = arith.mulf %parallel_loop3A_510, %parallel_loop3A_504 : vector<16xf32>
      %parallel_loop3A_512 = arith.constant 0.979753434 : f32
      %parallel_loop3A_513 = vector.broadcast %parallel_loop3A_512 : f32 to vector<16xf32>
      %parallel_loop3A_514 = arith.addf %parallel_loop3A_511, %parallel_loop3A_513 : vector<16xf32>
      %parallel_loop3A_515 = arith.mulf %parallel_loop3A_514, %parallel_loop3A_504 : vector<16xf32>
      %parallel_loop3A_516 = arith.constant 9.25032131E-4 : f32
      %parallel_loop3A_517 = vector.broadcast %parallel_loop3A_516 : f32 to vector<16xf32>
      %parallel_loop3A_518 = arith.addf %parallel_loop3A_515, %parallel_loop3A_517 : vector<16xf32>
      %parallel_loop3A_519 = arith.constant 1 : i32
      %parallel_loop3A_520 = vector.broadcast %parallel_loop3A_519 : i32 to vector<16xi32>
      %parallel_loop3A_521 = arith.cmpi eq, %parallel_loop3A_484, %parallel_loop3A_520 : vector<16xi32>
      %parallel_loop3A_522 = arith.select %parallel_loop3A_521, %parallel_loop3A_499, %parallel_loop3A_502 : vector<16xi1>, vector<16xf32>
      %parallel_loop3A_523 = arith.constant 0.000000e+00 : f32
      %parallel_loop3A_524 = vector.broadcast %parallel_loop3A_523 : f32 to vector<16xf32>
      %parallel_loop3A_525 = arith.maximumf %parallel_loop3A_522, %parallel_loop3A_524 : vector<16xf32>
      %parallel_loop3A_526 = arith.addf %parallel_loop3A_525, %parallel_loop3A_518 : vector<16xf32>
      %parallel_loop3A_527 = arith.constant 0 : i32
      %parallel_loop3A_528 = vector.broadcast %parallel_loop3A_527 : i32 to vector<16xi32>
      %parallel_loop3A_529 = arith.cmpi ne, %parallel_loop3A_484, %parallel_loop3A_528 : vector<16xi32>
      %parallel_loop3A_530 = arith.constant 0.000000e+00 : f32
      %parallel_loop3A_531 = vector.broadcast %parallel_loop3A_530 : f32 to vector<16xf32>
      %parallel_loop3A_532 = arith.select %parallel_loop3A_529, %parallel_loop3A_526, %parallel_loop3A_531 : vector<16xi1>, vector<16xf32>
      %parallel_loop3A_533 = arith.addf %parallel_loop3A_476, %parallel_loop3A_532 : vector<16xf32>
      %parallel_loop3A_534 = tpu.all_reduce %parallel_loop3A_529 {dim = 0 : i64, kind = #tpu.reduction_kind<sum>} : vector<16xi1> -> vector<16xi32>
      %parallel_loop3A_535 = arith.addi %parallel_loop3A_478, %parallel_loop3A_534 : vector<16xi32>
      %parallel_loop3A_536 = arith.constant 128 : i32
      %parallel_loop3A_537 = arith.muli %parallel_loop3A_134, %parallel_loop3A_536 : i32
      %parallel_loop3A_538 = arith.constant 112 : i32
      %parallel_loop3A_539 = arith.addi %parallel_loop3A_537, %parallel_loop3A_538 : i32
      %parallel_loop3A_540 = arith.index_cast %parallel_loop3A_539 : i32 to index
      %parallel_loop3A_541 = tpu.vector_load %arg6[%parallel_loop3A_540] {strides = array<i32>} : memref<8192xi32, #tpu.memory_space<vmem>>, vector<16xi32>,
      %parallel_loop3A_542 = arith.constant 256 : i32
      %parallel_loop3A_543 = arith.muli %parallel_loop3A_134, %parallel_loop3A_542 : i32
      %parallel_loop3A_544 = arith.constant 112 : i32
      %parallel_loop3A_545 = arith.addi %parallel_loop3A_543, %parallel_loop3A_544 : i32
      %parallel_loop3A_546 = arith.index_cast %parallel_loop3A_545 : i32 to index
      %parallel_loop3A_547 = tpu.vector_load %arg8[%parallel_loop3A_546] {strides = array<i32>} : memref<16384xf32, #tpu.memory_space<vmem>>, vector<16xf32>,
      %parallel_loop3A_548 = arith.constant 256 : i32
      %parallel_loop3A_549 = arith.muli %parallel_loop3A_134, %parallel_loop3A_548 : i32
      %parallel_loop3A_550 = arith.constant 128 : i32
      %parallel_loop3A_551 = arith.addi %parallel_loop3A_549, %parallel_loop3A_550 : i32
      %parallel_loop3A_552 = arith.constant 112 : i32
      %parallel_loop3A_553 = arith.addi %parallel_loop3A_551, %parallel_loop3A_552 : i32
      %parallel_loop3A_554 = arith.index_cast %parallel_loop3A_553 : i32 to index
      %parallel_loop3A_555 = tpu.vector_load %arg8[%parallel_loop3A_554] {strides = array<i32>} : memref<16384xf32, #tpu.memory_space<vmem>>, vector<16xf32>,
      %parallel_loop3A_556 = arith.subf %parallel_loop3A_547, %parallel_loop3A_555 : vector<16xf32>
      %parallel_loop3A_557 = arith.constant 0.000000e+00 : f32
      %parallel_loop3A_558 = vector.broadcast %parallel_loop3A_557 : f32 to vector<16xf32>
      %parallel_loop3A_559 = arith.subf %parallel_loop3A_558, %parallel_loop3A_556 : vector<16xf32>
      %parallel_loop3A_560 = arith.minimumf %parallel_loop3A_556, %parallel_loop3A_559 : vector<16xf32>
      %parallel_loop3A_561 = math.exp %parallel_loop3A_560 : vector<16xf32>
      %parallel_loop3A_562 = arith.constant 0.106684729 : f32
      %parallel_loop3A_563 = vector.broadcast %parallel_loop3A_562 : f32 to vector<16xf32>
      %parallel_loop3A_564 = arith.mulf %parallel_loop3A_563, %parallel_loop3A_561 : vector<16xf32>
      %parallel_loop3A_565 = arith.constant -0.393535793 : f32
      %parallel_loop3A_566 = vector.broadcast %parallel_loop3A_565 : f32 to vector<16xf32>
      %parallel_loop3A_567 = arith.addf %parallel_loop3A_564, %parallel_loop3A_566 : vector<16xf32>
      %parallel_loop3A_568 = arith.mulf %parallel_loop3A_567, %parallel_loop3A_561 : vector<16xf32>
      %parallel_loop3A_569 = arith.constant 0.979753434 : f32
      %parallel_loop3A_570 = vector.broadcast %parallel_loop3A_569 : f32 to vector<16xf32>
      %parallel_loop3A_571 = arith.addf %parallel_loop3A_568, %parallel_loop3A_570 : vector<16xf32>
      %parallel_loop3A_572 = arith.mulf %parallel_loop3A_571, %parallel_loop3A_561 : vector<16xf32>
      %parallel_loop3A_573 = arith.constant 9.25032131E-4 : f32
      %parallel_loop3A_574 = vector.broadcast %parallel_loop3A_573 : f32 to vector<16xf32>
      %parallel_loop3A_575 = arith.addf %parallel_loop3A_572, %parallel_loop3A_574 : vector<16xf32>
      %parallel_loop3A_576 = arith.constant 1 : i32
      %parallel_loop3A_577 = vector.broadcast %parallel_loop3A_576 : i32 to vector<16xi32>
      %parallel_loop3A_578 = arith.cmpi eq, %parallel_loop3A_541, %parallel_loop3A_577 : vector<16xi32>
      %parallel_loop3A_579 = arith.select %parallel_loop3A_578, %parallel_loop3A_556, %parallel_loop3A_559 : vector<16xi1>, vector<16xf32>
      %parallel_loop3A_580 = arith.constant 0.000000e+00 : f32
      %parallel_loop3A_581 = vector.broadcast %parallel_loop3A_580 : f32 to vector<16xf32>
      %parallel_loop3A_582 = arith.maximumf %parallel_loop3A_579, %parallel_loop3A_581 : vector<16xf32>
      %parallel_loop3A_583 = arith.addf %parallel_loop3A_582, %parallel_loop3A_575 : vector<16xf32>
      %parallel_loop3A_584 = arith.constant 0 : i32
      %parallel_loop3A_585 = vector.broadcast %parallel_loop3A_584 : i32 to vector<16xi32>
      %parallel_loop3A_586 = arith.cmpi ne, %parallel_loop3A_541, %parallel_loop3A_585 : vector<16xi32>
      %parallel_loop3A_587 = arith.constant 0.000000e+00 : f32
      %parallel_loop3A_588 = vector.broadcast %parallel_loop3A_587 : f32 to vector<16xf32>
      %parallel_loop3A_589 = arith.select %parallel_loop3A_586, %parallel_loop3A_583, %parallel_loop3A_588 : vector<16xi1>, vector<16xf32>
      %parallel_loop3A_590 = arith.addf %parallel_loop3A_533, %parallel_loop3A_589 : vector<16xf32>
      %parallel_loop3A_591 = tpu.all_reduce %parallel_loop3A_586 {dim = 0 : i64, kind = #tpu.reduction_kind<sum>} : vector<16xi1> -> vector<16xi32>
      %parallel_loop3A_592 = arith.addi %parallel_loop3A_535, %parallel_loop3A_591 : vector<16xi32>
      scf.yield %parallel_loop3A_590, %parallel_loop3A_592 : vector<16xf32>, vector<16xi32>
    } {sc.loop_unroll_factor = 1 : i64, sc.parallel_access}
    %swap3A = arith.constant 0 : index
    %swap3A_131 = tpu.vector_load %arg9[%swap3A] {strides = array<i32>} : memref<32xf32, #tpu.memory_space<vmem>>, vector<16xf32>,
    tpu.vector_store %arg9[%swap3A], %parallel_loop3A_130#0 {strides = array<i32>} : memref<32xf32, #tpu.memory_space<vmem>>, vector<16xf32>,
    %convert_element_type3A = arith.sitofp %parallel_loop3A_130#1 : vector<16xi32> to vector<16xf32>
    %swap3A_132 = arith.constant 16 : index
    %swap3A_133 = tpu.vector_load %arg9[%swap3A_132] {strides = array<i32>} : memref<32xf32, #tpu.memory_space<vmem>>, vector<16xf32>,
    tpu.vector_store %arg9[%swap3A_132], %convert_element_type3A {strides = array<i32>} : memref<32xf32, #tpu.memory_space<vmem>>, vector<16xf32>,
    "tpu.region"() ({
      %run_scoped3A = tpu.sem_alloc : memref<!tpu.dma_semaphore, #tpu.memory_space<semaphore_mem>>
      %dma_start3A_134 = arith.constant 0 : i32
      %dma_start3A_135 = tpu.memref_slice %arg4[%add3A, %dma_start3A_134] : memref<32x32xf32, #tpu.memory_space<hbm>> -> memref<1x32xf32, #tpu.memory_space<hbm>>
      %dma_start3A_136 = tpu.memref_squeeze %dma_start3A_135 : memref<1x32xf32, #tpu.memory_space<hbm>> -> memref<32xf32, #tpu.memory_space<hbm>>
      %dma_start3A_137 = arith.constant 0 : i32
      %dma_start3A_138 = tpu.memref_slice %arg4[%add3A, %dma_start3A_137] : memref<32x32xf32, #tpu.memory_space<hbm>> -> memref<1x32xf32, #tpu.memory_space<hbm>>
      %dma_start3A_139 = tpu.memref_squeeze %dma_start3A_138 : memref<1x32xf32, #tpu.memory_space<hbm>> -> memref<32xf32, #tpu.memory_space<hbm>>
      tpu.enqueue_dma source(%arg9 : memref<32xf32, #tpu.memory_space<vmem>>) target(%dma_start3A_139 : memref<32xf32, #tpu.memory_space<hbm>>) target_semaphore(%run_scoped3A : memref<!tpu.dma_semaphore, #tpu.memory_space<semaphore_mem>>)
      %dma_wait3A_140 = arith.constant 0 : i32
      %dma_wait3A_141 = tpu.memref_slice %arg4[%add3A, %dma_wait3A_140] : memref<32x32xf32, #tpu.memory_space<hbm>> -> memref<1x32xf32, #tpu.memory_space<hbm>>
      %dma_wait3A_142 = tpu.memref_squeeze %dma_wait3A_141 : memref<1x32xf32, #tpu.memory_space<hbm>> -> memref<32xf32, #tpu.memory_space<hbm>>
      %dma_wait3A_143 = arith.constant 0 : i32
      %dma_wait3A_144 = tpu.memref_slice %arg4[%add3A, %dma_wait3A_143] : memref<32x32xf32, #tpu.memory_space<hbm>> -> memref<1x32xf32, #tpu.memory_space<hbm>>
      %dma_wait3A_145 = tpu.memref_squeeze %dma_wait3A_144 : memref<1x32xf32, #tpu.memory_space<hbm>> -> memref<32xf32, #tpu.memory_space<hbm>>
      tpu.wait_dma2 semaphore(%run_scoped3A : memref<!tpu.dma_semaphore, #tpu.memory_space<semaphore_mem>>) src(%arg9 : memref<32xf32, #tpu.memory_space<vmem>>) dst(%dma_wait3A_145 : memref<32xf32, #tpu.memory_space<hbm>>)
      tpu.yield
    }) : () -> ()
    return
  }
}

</mosaic_0001>

<sc_bundles>
// kernel: kernel.3.cloned.1.call-start
scs
__scs_entry_jumppad:
0x0: {  	(pc) =	sbr.rel $0x88, $3  }
0x1: {  	(tag) =	ssettag $0x0;
	lr =	simm.s32 $0x1  }
0x2: {  	[smem:$0x3F9F] =	sst lr;
	_ =	strace $0xD0000000  }
0x3: {  	_ = 	snop  }
0x4: {  	_ = 	snop  }
0x5: {  	_ = 	snop  }
0x6: {  	_ = 	snop  }
0x7: {  	_ = 	snop  }
__scs_overlays_trampoline_lowered:
0x8: {  	[smem:$0x3FAE] =	sst s0  }
0x9: {  	[smem:$0x3FAF] =	sst s1  }
0xa: {  	[smem:$0x3FB0] =	sst s2  }
0xb: {  	[smem:$0x3FB1] =	sst s3  }
0xc: {  	[smem:$0x3FB2] =	sst s4  }
0xd: {  	[smem:$0x3FB3] =	sst s5  }
0xe: {  	[smem:$0x3FB4] =	sst s6  }
0xf: {  	[smem:$0x3FB5] =	sst s7  }
0x10: {  	[smem:$0x3FB6] =	sst s8  }
0x11: {  	[smem:$0x3FB7] =	sst s9;
	s0 =	simm.s32 @!p0 $0x0  }
0x12: {  	s1 =	sld [smem:$0x3F9D];
	s0 =	simm.s32 @p0 $0x1  }
0x13: {  	[smem:$0x3FB8] =	sst s0;
	s0 =	simm.s32 @!p1 $0x0  }
0x14: {  	s2 =	sld [smem:$0x3F9C];
	s0 =	simm.s32 @p1 $0x1  }
0x15: {  	[smem:$0x3FB9] =	sst s0;
	s0 =	simm.s32 @!p2 $0x0  }
0x16: {  	s3 =	sld [smem:$0x3FDB];
	s0 =	simm.s32 @p2 $0x1  }
0x17: {  	s4 =	simm.s32 $0x1BF5;
	[smem:$0x3FBB] =	sst s0  }
0x18: {  	s0 =	sld [smem:$0x3F9E];
	_ =	swait.ge [sflag:s4], $0x0  }
0x19: {  	s7 =	sld [smem:$0x3F9F]  }
0x1a: {  	s8 =	sadd.s32 $0xFFFFE003, lr  }
0x1b: {  	s9 =	sadd.s32 $0xFFFFFEF7, lr;
	s5 =	simm.s32 $0xFFFFFFFF;
	p2 =	slt.u32 s8, $0xFFFFF086  }
0x1c: {  	p1 =	slt.u32 s9, $0xF7A;
	s5 =	simm.s32 @!p2 $0x0  }
0x1d: {  	s5 =	simm.s32 @p1 $0x1;
	p0 =	seq.s32 s7, s2  }
0x1e: {  	s7 =	smul.u32 @!p0 $0xF7A, s2;
	p2 =	seq.s32 @!p0 s5, $0x0  }
0x1f: {  	s9 =	smul.u32 $0xF7A, s1;
	s8 =	simm.s32 @!p0 $0x1BF5;
	p2 =	por !p2, p0  }
0x20: {  	[sflag:s8] =	ssyncset.s32 @!p0 $0xFFFFF086;
	s6 =	sadd.s32 @!p0 s3, s7;
	s7 =	simm.s32 @!p0 $0x108  }
0x21: {  	s3 =	sadd.s32 s3, s9;
	s6 =	sadd.s32 @!p0 $0x88, s6;
	s7 =	simm.s32 @p2 $0x1082  }
0x22: {  	[simem:s7], [sflag:s8] =	dma.local @!p0 [hbm:s6], $0xF7A  }
0x23: {  	s9 =	sor.u32 $0xD0000000, s2;
	s6 =	simm.s32 $0x108;
	_ =	swait.ge @!p0 [sflag:s8], $0x0  }
0x24: {  	s3 =	sadd.s32 $0x88, s3;
	s6 =	simm.s32 @!p1 $0x1082;
	[sflag:s4] =	ssyncset.s32 $0xFFFFF086  }
0x25: {  	[simem:s6], [sflag:s4] =	dma.local [hbm:s3], $0xF7A  }
0x26: {  	[smem:$0x3F9F] =	sst s1;
	(tag) =	ssettag s2;
	_ =	strace s9  }
0x27: {  	s1 =	sld [smem:$0x3FAF]  }
0x28: {  	s2 =	sld [smem:$0x3FB0]  }
0x29: {  	s4 =	sld [smem:$0x3FB2]  }
0x2a: {  	p0 =	seq.s32 s5, $0x0;
	s5 =	sld [smem:$0x3FB3]  }
0x2b: {  	s6 =	sld [smem:$0x3FB4]  }
0x2c: {  	s7 =	sld [smem:$0x3FB5]  }
0x2d: {  	s3 =	simm.s32 $0x108;
	s8 =	sld [smem:$0x3FB6]  }
0x2e: {  	s3 =	simm.s32 @!p0 $0x1082;
	s9 =	sld [smem:$0x3FB7]  }
0x2f: {  	lr =	sadd.s32 s0, s3;
	s0 =	sld [smem:$0x3FAE]  }
0x30: {  	s3 =	sld [smem:$0x3FB1]  }
0x31: {  	[smem:$0x3FBA] =	sst s10  }
0x32: {  	s10 =	sld [smem:$0x3FB8];
	_ =	sdelay $0x3  }
0x33: {  	p0 =	seq.s32 s10, $0x1;
	s10 =	sld [smem:$0x3FBA];
	_ =	sdelay $0x3  }
0x34: {  	[smem:$0x3FBA] =	sst s10  }
0x35: {  	s10 =	sld [smem:$0x3FB9];
	_ =	sdelay $0x3  }
0x36: {  	p1 =	seq.s32 s10, $0x1;
	s10 =	sld [smem:$0x3FBA];
	_ =	sdelay $0x3  }
0x37: {  	[smem:$0x3FBA] =	sst s10  }
0x38: {  	s10 =	sld [smem:$0x3FBB]  }
0x39: {  	_ = 	snop;
	(pc) =	sbr.ind lr, $3  }
0x3a: {  	_ = 	snop  }
0x3b: {  	_ = 	snop  }
0x3c: {  	p2 =	seq.s32 s10, $0x1;
	s10 =	sld [smem:$0x3FBA]  }
0x3d: {  	_ =	shalt  }
0x3e: {  	_ =	shalt  }
0x3f: {  	_ =	shalt  }
0x40: {  	_ =	shalt  }
0x41: {  	_ =	shalt  }
0x42: {  	_ =	shalt  }
0x43: {  	_ =	shalt  }
0x44: {  	_ =	shalt  }
0x45: {  	_ =	shalt  }
0x46: {  	_ =	shalt  }
0x47: {  	_ =	shalt  }
0x48: {  	_ =	shalt  }
0x49: {  	_ =	shalt  }
0x4a: {  	_ =	shalt  }
0x4b: {  	_ =	shalt  }
0x4c: {  	_ =	shalt  }
0x4d: {  	_ =	shalt  }
0x4e: {  	_ =	shalt  }
0x4f: {  	_ =	shalt  }
0x50: {  	_ =	shalt  }
0x51: {  	_ =	shalt  }
0x52: {  	_ =	shalt  }
0x53: {  	_ =	shalt  }
0x54: {  	_ =	shalt  }
0x55: {  	_ =	shalt  }
0x56: {  	_ =	shalt  }
0x57: {  	_ =	shalt  }
0x58: {  	_ =	shalt  }
0x59: {  	_ =	shalt  }
0x5a: {  	_ =	shalt  }
0x5b: {  	_ =	shalt  }
0x5c: {  	_ =	shalt  }
0x5d: {  	_ =	shalt  }
0x5e: {  	_ =	shalt  }
0x5f: {  	_ =	shalt  }
0x60: {  	_ =	shalt  }
0x61: {  	_ =	shalt  }
0x62: {  	_ =	shalt  }
0x63: {  	_ =	shalt  }
0x64: {  	_ =	shalt  }
0x65: {  	_ =	shalt  }
0x66: {  	_ =	shalt  }
0x67: {  	_ =	shalt  }
0x68: {  	_ =	shalt  }
0x69: {  	_ =	shalt  }
0x6a: {  	_ =	shalt  }
0x6b: {  	_ =	shalt  }
0x6c: {  	_ =	shalt  }
0x6d: {  	_ =	shalt  }
0x6e: {  	_ =	shalt  }
0x6f: {  	_ =	shalt  }
0x70: {  	_ =	shalt  }
0x71: {  	_ =	shalt  }
0x72: {  	_ =	shalt  }
0x73: {  	_ =	shalt  }
0x74: {  	_ =	shalt  }
0x75: {  	_ =	shalt  }
0x76: {  	_ =	shalt  }
0x77: {  	_ =	shalt  }
0x78: {  	_ =	shalt  }
0x79: {  	_ =	shalt  }
0x7a: {  	_ =	shalt  }
0x7b: {  	_ =	shalt  }
0x7c: {  	_ =	shalt  }
0x7d: {  	_ =	shalt  }
0x7e: {  	_ =	shalt  }
0x7f: {  	_ =	shalt  }
0x80: {  	_ =	shalt  }
0x81: {  	_ =	shalt  }
0x82: {  	_ =	shalt  }
0x83: {  	_ =	shalt  }
0x84: {  	_ =	shalt  }
0x85: {  	_ =	shalt  }
0x86: {  	_ =	shalt  }
0x87: {  	_ =	shalt  }
.Lfunc_end0:
.L_simem_size_0:
called_computation_lowered:
.L_overlay_start_0:
0x88: {  	s2 =	sld [smem:$0x3FD9]  }
0x89: {  	s3 =	sld [smem:$0x3FFE];
	_ =	sdelay $0x1  }
0x8a: {  	s1 =	srdreg.scid  }
0x8b: {  	s0 =	sand.u32 $0x1, s1  }
0x8c: {  	s17 =	sshll.u32 s0, $0xA;
	s2 =	sadd.s32 s3, s2  }
0x8d: {  	s2 =	sadd.s32 s2, s17  }
0x8e: {  	[smem:$0x3FC6] =	sst s2  }
0x8f: {  	_ = 	snop  }
0x90: {  	s2 =	sld [smem:$0x3FC9]  }
0x91: {  	s18 =	sld [smem:$0x3FC8];
	(tm) =	ssettm $0x1  }
0x92: {  	s4 =	sld [smem:$0x3FFB];
	_ =	sdelay $0x3  }
0x93: {  	_ =	strace s4  }
0x94: {  	s4 =	sld [smem:$0x3FFC];
	_ =	sdelay $0x3  }
0x95: {  	_ =	strace s4  }
0x96: {  	s4 =	sld [smem:$0x3FFD];
	_ =	sdelay $0x3  }
0x97: {  	_ =	strace s4  }
0x98: {  	_ =	strace $0x8FFFFFFF  }
0x99: {  	s19 =	sld [smem:$0x3FDB];
	_ =	sdelay $0x1  }
0x9a: {  	s5 =	simm.s32 $_scs_section_size  }
0x9b: {  	s6 =	simm.s32 $_size__tile_overlayer_lowered;
	s7 =	simm.s32 $_tile_overlayer_lowered  }
0x9c: {  	s22 =	simm.s32 $0x1BFF;
	s21 =	sshll.u32 s7, $0x1;
	s4 =	sadd.s32 s5, s19  }
0x9d: {  	s8 =	simm.s32 $0x0;
	s20 =	sshll.u32 s6, $0x1;
	s6 =	sadd.s32 s21, s4  }
0x9e: {  	[timem:s8], [sflag:s22] =	dma.local [hbm:s6], s20  }
0x9f: {  	_ =	swait.ge [sflag:s22], s20  }
0xa0: {  	s5 =	ssub.s32 $0x0, s20;
	[sflag:s22] =	ssyncset.done $0x0  }
0xa1: {  	[sflag:s22] =	ssyncadd.s32 s5;
	_ =	sdelay $0x1  }
0xa2: {  	s23 =	simm.s32 $0x1B8B  }
0xa3: {  	_ =	swait.ge [sflag:s23], $0x1  }
0xa4: {  	[sflag:s23] =	ssyncset.done $0x0  }
0xa5: {  	s25 =	simm.s32 $0x1B8E;
	s24 =	sld [smem:$0x3FFE];
	[sflag:s23] =	ssyncadd.s32 $0xFFFFFFFF  }
0xa6: {  	s26 =	simm.s32 $execute0_lowered;
	[smem:$0x3FD2] =	sst s25  }
0xa7: {  	s6 =	sshll.u32 s26, $0x1;
	_ =	strace $0x80000046;
	[dreg:$0x1] =	wrdreg $0xFFFFFFFF  }
0xa8: {  	s28 =	simm.s32 $_size_execute0_lowered;
	s4 =	sadd.s32 s4, s6;
	[dreg:$0x0] =	wrdreg $0x0  }
0xa9: {  	s6 =	sshll.u32 s28, $0x1;
	[dreg:$0x2] =	wrdreg s4  }
0xaa: {  	[dreg:$0x3] =	wrdreg s6  }
0xab: {  	[dreg:$0x4] =	wrdreg $0xC0  }
0xac: {  	_ =	task [dreg:s8], $0x5FFFF  }
0xad: {  	[dreg:$0x1] =	wrdreg $0xFFFFFFFF  }
0xae: {  	[dreg:$0x0] =	wrdreg $0x60  }
0xaf: {  	[dreg:$0x2] =	wrdreg s2  }
0xb0: {  	[dreg:$0x3] =	wrdreg s18  }
0xb1: {  	[dreg:$0x4] =	wrdreg s24  }
0xb2: {  	[dreg:$0x5] =	wrdreg $0x9  }
0xb3: {  	_ =	task.clear_ibuf [dreg:s8], $0x6FFFF;
	_ =	strace $0x90000046  }
0xb4: {  	s29 =	simm.s32 $0x9;
	_ =	strace $0x80000048  }
0xb5: {  	_ =	swait.ge [sflag:s29], $0x1  }
0xb6: {  	[sflag:s29] =	ssyncadd.s32 $0xFFFFFFFF  }
0xb7: {  	_ =	strace $0x90000048  }
0xb8: {  	_ =	sfence  }
0xb9: {  	s30 =	sld [smem:$0x0];
	_ =	sdelay $0x2  }
0xba: {  	s31 =	sshll.u32 s1, $0xD;
	s1 =	sshrl.u32 s1, $0x2  }
0xbb: {  	s3 =	sand.u32 $0x4000, s31;
	s1 =	sadd.s32 s1, s30  }
0xbc: {  	s0 =	sor.u32 s3, s0;
	s1 =	sshll.u32 s1, $0x11  }
0xbd: {  	s0 =	sor.u32 s1, s0  }
0xbe: {  	s0 =	sadd.s32 $0x8F2B, s0  }
0xbf: {  	[sflag:s0] =	ssyncadd.remote.s32 $0x1  }
0xc0: {  	_ =	sfence.sel $0xFFFF  }
0xc1: {  	[dreg:$0x0] =	wrdreg $0xFFFFFFFF;
	(pc) =	sbr.abs _section_cstart, $3  }
0xc2: {  	[dreg:$0x1] =	wrdreg $0xFFFFFFFF  }
0xc3: {  	_ =	task.clear_ibuf [dreg:s8], $0x2FFFF;
	_ =	strace $0x9FFFFFFF  }
0xc4: {  	(tm) =	ssettm $0x7FFFFFFF  }
0xc5: {  	_ =	shalt  }
tec
execute0_lowered:
.L_overlay_start_1:
0x0: {  	(tag) =	ssettag $0x1  }
0x1: {  	s0 =	rddreg [dreg:$0x0]  }
0x2: {  	s1 =	rddreg [dreg:$0x1]  }
0x3: {  	s19 =	rddreg [dreg:$0x2]  }
0x4: {  	s3 =	srdreg.scid;
	s2 =	simm.s32 $0x0;
	s5 =	stileid.u32  }
0x5: {  	s28 =	simm.s32 $0x4;
	s30 =	simm.s32 $0x5;
	s31 =	simm.s32 $0x0  }
0x6: {  	s3 =	sand.u32 $0x1, s3;
	[smem:$0x7FF] =	sst s2;
	s5 =	sshll.u32 s5, $0x1  }
0x7: {  	s4 =	ssub.s32 $0x2, s3;
	_ =	strace $0x80000047;
	s20 =	sor.u32 s3, s5  }
0x8: {  	s6 =	sshrl.u32 s4, $0x1;
	s16 =	sshll.u32 s20, $0x10;
	s3 =	sshll.u32 s20, $0xD  }
0x9: {  	s15 =	sshll.u32 s20, $0xE;
	s29 =	sshll.u32 s20, $0x4;
	s21 =	ssub.s32 s4, s6  }
0xa: {  	s3 =	sadd.s32 s0, s3;
	s17 =	sor.u32 $0x2000, s16;
	s4 =	sadd.s32 s1, s15  }
0xb: {  	s22 =	sor.u32 $0x4000, s16;
	s10 =	sor.u32 $0x6000, s16;
	s11 =	sor.u32 $0x8000, s16  }
0xc: {  	s24 =	sor.u32 $0xA000, s16;
	s19 =	sadd.s32 s19, s29;
	s18 =	sshrl.u32 s17, $0x3  }
0xd: {  	s7 =	sshrl.u32 s17, $0x2;
	s8 =	sshrl.u32 s22, $0x3;
	s9 =	sshrl.u32 s22, $0x2  }
0xe: {  	s23 =	sshrl.u32 s10, $0x3;
	s10 =	sshrl.u32 s10, $0x2;
	s12 =	sshrl.u32 s11, $0x3  }
0xf: {  	s13 =	sshrl.u32 s11, $0x2;
	s14 =	sshrl.u32 s24, $0x3;
	s15 =	sshrl.u32 s24, $0x2  }
0x10: {  	s17 =	sor.u32 $0xC000, s16;
	s20 =	smax.u32 s21, $0x1;
	s21 =	simm.s32 $0x4000  }
0x11: {  	s22 =	simm.s32 $0x2000;
	s24 =	simm.s32 $0x1;
	s5 =	sadd.s32 s0, s18  }
0x12: {  	s6 =	sadd.s32 s1, s7;
	s7 =	sadd.s32 s0, s8;
	s8 =	sadd.s32 s1, s9  }
0x13: {  	s9 =	sadd.s32 s0, s23;
	s10 =	sadd.s32 s1, s10;
	s11 =	sadd.s32 s0, s12  }
0x14: {  	s12 =	sadd.s32 s1, s13;
	s13 =	sadd.s32 s0, s14;
	s14 =	sadd.s32 s1, s15  }
0x15: {  	s25 =	sshrl.u32 s17, $0x3;
	s17 =	sshrl.u32 s17, $0x2;
	s18 =	sor.u32 $0xE000, s16  }
0x16: {  	s23 =	simm.s32 $0x8000;
	s15 =	sadd.s32 s0, s25;
	s16 =	sadd.s32 s1, s17  }
0x17: {  	s26 =	sshrl.u32 s18, $0x3;
	s18 =	sshrl.u32 s18, $0x2;
	s25 =	simm.s32 $0x3  }
0x18: {  	s17 =	sadd.s32 s0, s26;
	s18 =	sadd.s32 s1, s18;
	s26 =	simm.s32 $0x2  }
.LBB2_1:
0x19: {  	[tilespmem:s2], [sflag:$0x1] =	stream.linear.gather [hbm4b:s3+s2], $0x2000, $0x38;
	[tilespmem:$0xC080] =	vst v63  }
0x1a: {  	_ = 	snop  }
0x1b: {  	[tilespmem:s21], [sflag:$0x3] =	stream.linear.gather [hbm4b:s4+s2], $0x4000, $0x38;
	[tilespmem:$0xC080] =	vst v63  }
0x1c: {  	_ = 	snop  }
0x1d: {  	[tilespmem:s22], [sflag:$0x2] =	stream.linear.gather [hbm4b:s5+s2], $0x2000, $0x38;
	[tilespmem:$0xC080] =	vst v63  }
0x1e: {  	_ = 	snop  }
0x1f: {  	[tilespmem:s23], [sflag:$0x4] =	stream.linear.gather [hbm4b:s6+s2], $0x4000, $0x38;
	[tilespmem:$0xC080] =	vst v63  }
0x20: {  	_ =	swait.ge [sflag:s24], $0x2000  }
0x21: {  	[sflag:s24] =	ssyncset.done $0x0  }
0x22: {  	[sflag:s24] =	ssyncadd.s32 $0xFFFFE000  }
0x23: {  	_ =	swait.ge [sflag:s25], $0x4000  }
0x24: {  	[sflag:s25] =	ssyncset.done $0x0  }
0x25: {  	s1 =	simm.s32 $0x0;
	[sflag:s25] =	ssyncadd.s32 $0xFFFFC000  }
0x26: {  	v22 =	vld [tilespmem:s1+$0x70]  }
0x27: {  	v23 =	vld [tilespmem:s1+$0x60]  }
0x28: {  	v24 =	vld [tilespmem:s1+$0x50]  }
0x29: {  	v9 =	vld [tilespmem:s1+$0x40]  }
0x2a: {  	v10 =	vld [tilespmem:s1+$0x30]  }
0x2b: {  	v7 =	vld [tilespmem:s1+$0x20]  }
0x2c: {  	v3 =	vld [tilespmem:s1+$0x10]  }
0x2d: {  	s0 =	simm.s32 $0x4080;
	v2 =	vld [tilespmem:s1+$0x0]  }
0x2e: {  	v14 =	vld [tilespmem:s0+$0xFFFFFFF0]  }
0x2f: {  	v15 =	vld [tilespmem:s0+$0x70]  }
0x30: {  	v16 =	vld [tilespmem:s0+$0xFFFFFFE0]  }
0x31: {  	v17 =	vld [tilespmem:s0+$0x60]  }
0x32: {  	v18 =	vld [tilespmem:s0+$0xFFFFFFD0]  }
0x33: {  	v20 =	vld [tilespmem:s0+$0x50]  }
0x34: {  	v19 =	vld [tilespmem:s0+$0xFFFFFFC0]  }
0x35: {  	v13 =	vld [tilespmem:s0+$0x40]  }
0x36: {  	v11 =	vld [tilespmem:s0+$0xFFFFFFB0]  }
0x37: {  	v8 =	vld [tilespmem:s0+$0x30]  }
0x38: {  	v6 =	vld [tilespmem:s0+$0xFFFFFFA0]  }
0x39: {  	v5 =	vld [tilespmem:s0+$0x20]  }
0x3a: {  	v1 =	vimm.f32 $0.0e+00;
	v0 =	vimm.s32 $0x0;
	v4 =	vld [tilespmem:s0+$0xFFFFFF90]  }
0x3b: {  	v12 =	vld [tilespmem:s0+$0x10];
	vm2 =	vne.s32 v24, $0x0;
	vm1 =	vne.s32 v23, $0x0;
	vm0 =	vne.s32 v22, $0x0  }
0x3c: {  	v21 =	vld [tilespmem:s0+$0xFFFFFF80];
	vm3 =	vne.s32 v9, $0x0;
	vm7 =	veq.s32 v23, $0x1;
	vm9 =	veq.s32 v22, $0x1  }
0x3d: {  	s1 =	simm.s32 $0x200;
	v22 =	vld [tilespmem:s0+$0x0];
	vm5 =	vne.s32 v7, $0x0;
	vm4 =	vne.s32 v10, $0x0;
	vm10 =	veq.s32 v24, $0x1  }
.LBB2_2:
0x3e: {  	p0 =	sne.s32 s1, $0x7E00;
	vm6 =	vne.s32 v3, $0x0;
	vm11 =	veq.s32 v9, $0x1;
	v9 =	vsub.f32 v14, v15  }
0x3f: {  	vm12 =	veq.s32 v10, $0x1;
	v10 =	vsub.f32 v18, v20;
	v14 =	vsub.f32 v16, v17  }
0x40: {  	vm8 =	vne.s32 v2, $0x0;
	v15 =	vsub.f32 v11, v8;
	v16 =	vsub.f32 v19, v13  }
0x41: {  	v18 =	vsub.f32 v6, v5;
	vm13 =	veq.s32 v7, $0x1;
	v17 =	vsub.f32 v4, v12  }
0x42: {  	v5 =	vmpcnt.ones.xlane vm2;
	v4 =	vmpcnt.ones.xlane vm1;
	v7 =	vsub.f32 v21, v22  }
0x43: {  	v6 =	vmpcnt.ones.xlane vm3;
	v19 =	vsub.f32 $0.0e+00, v14;
	v12 =	vsub.f32 $0.0e+00, v9  }
0x44: {  	v8 =	vmpcnt.ones.xlane vm4;
	v21 =	vsub.f32 $0.0e+00, v10;
	v20 =	vsub.f32 $0.0e+00, v7  }
0x45: {  	v23 =	vsub.f32 $0.0e+00, v16;
	v22 =	vsub.f32 $0.0e+00, v15;
	v11 =	vmin.f32 v9, v12  }
0x46: {  	v24 =	vsub.f32 $0.0e+00, v17;
	v11 =	vmul.f32 $1.442695020e+00, v11;
	v13 =	vmin.f32 v7, v20  }
0x47: {  	v25 =	vsub.f32 $0.0e+00, v18;
	v26 =	vmin.f32 v14, v19;
	v13 =	vmul.f32 $1.442695020e+00, v13  }
0x48: {  	v26 =	vmul.f32 $1.442695020e+00, v26;
	v27 =	vmin.f32 v17, v24;
	(erf) = vpow2.f32 v11  }
0x49: {  	v11 =	vmul.f32 $1.442695020e+00, v27;
	v27 =	vmin.f32 v10, v21;
	(erf) = vpow2.f32 v13  }
0x4a: {  	v13 =	vmin.f32 v18, v25;
	v27 =	vmul.f32 $1.442695020e+00, v27;
	(erf) = vpow2.f32 v26  }
0x4b: {  	v13 =	vmul.f32 $1.442695020e+00, v13;
	v26 =	vmin.f32 v15, v22;
	(erf) = vpow2.f32 v11  }
0x4c: {  	vm14 =	veq.s32 v3, $0x1;
	v3 =	vmul.f32 $1.442695020e+00, v26;
	(erf) = vpow2.f32 v27  }
0x4d: {  	v11 =	vmpcnt.ones.xlane vm5;
	v26 =	vmin.f32 v16, v23;
	(erf) = vpow2.f32 v13  }
0x4e: {  	vm15 =	veq.s32 v2, $0x1;
	v2 =	vmul.f32 $1.442695020e+00, v26;
	(erf) = vpow2.f32 v3  }
0x4f: {  	v12 =	vsel vm9, v9, v12;
	v26 =	vmpcnt.ones.xlane vm8;
	v13 =	vmpcnt.ones.xlane vm6  }
0x50: {  	v27 =	vsel vm7, v14, v19;
	v3 =	vsel vm10, v10, v21;
	(erf) = vpow2.f32 v2  }
0x51: {  	v14 =	vsel vm11, v16, v23;
	v10 =	vsel vm12, v15, v22;
	v2 =	vsel vm13, v18, v25;
	v19 =	vpop (erf)  }
0x52: {  	v7 =	vsel vm15, v7, v20;
	v15 =	vsel vm14, v17, v24;
	v21 =	vmax.f32 v27, $0.0e+00;
	v9 =	vpop (erf)  }
0x53: {  	v22 =	vmax.f32 v3, $0.0e+00;
	v18 =	vmax.f32 v14, $0.0e+00;
	v16 =	vmul.f32 $1.066847290e-01, v9;
	v17 =	vpop (erf)  }
0x54: {  	v3 =	vmax.f32 v15, $0.0e+00;
	v20 =	vmax.f32 v10, $0.0e+00;
	v14 =	vmax.f32 v2, $0.0e+00;
	v2 =	vpop (erf)  }
0x55: {  	v10 =	vadd.f32 $-3.935357930e-01, v16;
	v15 =	vmul.f32 $1.066847290e-01, v2;
	v16 =	vmul.f32 $1.066847290e-01, v19;
	v23 =	vpop (erf)  }
0x56: {  	v7 =	vmax.f32 v7, $0.0e+00;
	v25 =	vmul.f32 $1.066847290e-01, v17;
	v24 =	vmul.f32 $1.066847290e-01, v23;
	v27 =	vpop (erf)  }
0x57: {  	v10 =	vmul.f32 v10, v9;
	v15 =	vadd.f32 $-3.935357930e-01, v15;
	v28 =	vmul.f32 $1.066847290e-01, v27;
	v29 =	vpop (erf)  }
0x58: {  	v25 =	vadd.f32 $-3.935357930e-01, v25;
	v16 =	vadd.f32 $-3.935357930e-01, v16;
	v30 =	vmul.f32 $1.066847290e-01, v29  }
0x59: {  	v10 =	vadd.f32 $9.797534340e-01, v10;
	v15 =	vmul.f32 v15, v2;
	v28 =	vadd.f32 $-3.935357930e-01, v28;
	v31 =	vpop (erf)  }
0x5a: {  	v24 =	vadd.f32 $-3.935357930e-01, v24;
	v30 =	vadd.f32 $-3.935357930e-01, v30;
	v32 =	vmul.f32 $1.066847290e-01, v31  }
0x5b: {  	s29 =	sshra.s32 s1, $0x2;
	v9 =	vmul.f32 v10, v9;
	v10 =	vadd.f32 $9.797534340e-01, v15;
	v15 =	vmul.f32 v28, v27  }
0x5c: {  	v33 =	vmul.f32 v16, v19;
	v28 =	vld [tilespmem:s29+$0x70];
	v30 =	vmul.f32 v30, v29;
	v32 =	vadd.f32 $-3.935357930e-01, v32  }
0x5d: {  	v34 =	vld [tilespmem:s29+$0x60];
	v16 =	vadd.f32 $9.250321310e-04, v9;
	v2 =	vmul.f32 v10, v2;
	v10 =	vadd.f32 $9.797534340e-01, v15  }
0x5e: {  	v25 =	vmul.f32 v25, v17;
	v35 =	vld [tilespmem:s29+$0x50];
	v15 =	vadd.f32 $9.797534340e-01, v30;
	v30 =	vmul.f32 v32, v31  }
0x5f: {  	v9 =	vld [tilespmem:s29+$0x40];
	v16 =	vadd.f32 v16, v7;
	v2 =	vadd.f32 $9.250321310e-04, v2;
	v27 =	vmul.f32 v10, v27  }
0x60: {  	v24 =	vmul.f32 v24, v23;
	v10 =	vld [tilespmem:s29+$0x30];
	v15 =	vmul.f32 v15, v29;
	v29 =	vadd.f32 $9.797534340e-01, v30  }
0x61: {  	v7 =	vld [tilespmem:s29+$0x20];
	v16 =	vnsel vm8, $0x0, v16;
	v30 =	vadd.f32 v2, v3;
	v27 =	vadd.f32 $9.250321310e-04, v27  }
0x62: {  	v24 =	vadd.f32 $9.797534340e-01, v24;
	v3 =	vld [tilespmem:s29+$0x10];
	v1 =	vadd.f32 v16, v1;
	v16 =	vmul.f32 v29, v31  }
0x63: {  	s0 =	sadd.s32 $0x100, s0;
	v2 =	vld [tilespmem:s29+$0x0];
	v29 =	vnsel vm6, $0x0, v30;
	v27 =	vadd.f32 v27, v14;
	v30 =	vadd.f32 $9.250321310e-04, v15  }
0x64: {  	v23 =	vmul.f32 v24, v23;
	v24 =	vadd.f32 $9.797534340e-01, v25;
	v14 =	vld [tilespmem:s0+$0xFFFFFFF0];
	v1 =	vadd.f32 v29, v1  }
0x65: {  	v15 =	vld [tilespmem:s0+$0x70];
	v25 =	vnsel vm5, $0x0, v27;
	v20 =	vadd.f32 v30, v20;
	v27 =	vadd.f32 $9.250321310e-04, v16  }
0x66: {  	v24 =	vmul.f32 v24, v17;
	v16 =	vld [tilespmem:s0+$0xFFFFFFE0];
	v1 =	vadd.f32 v25, v1;
	v25 =	vadd.f32 $9.797534340e-01, v33  }
0x67: {  	v23 =	vadd.f32 $9.250321310e-04, v23;
	v17 =	vld [tilespmem:s0+$0x60];
	v20 =	vnsel vm4, $0x0, v20;
	v27 =	vadd.f32 v27, v18  }
0x68: {  	v24 =	vadd.f32 $9.250321310e-04, v24;
	v18 =	vld [tilespmem:s0+$0xFFFFFFD0];
	v1 =	vadd.f32 v20, v1;
	v25 =	vmul.f32 v25, v19  }
0x69: {  	v0 =	vadd.s32 v0, v26;
	v22 =	vadd.f32 v23, v22;
	v20 =	vld [tilespmem:s0+$0x50];
	v26 =	vnsel vm3, $0x0, v27  }
0x6a: {  	v0 =	vadd.s32 v13, v0;
	v19 =	vld [tilespmem:s0+$0xFFFFFFC0];
	v1 =	vadd.f32 v26, v1;
	v23 =	vadd.f32 $9.250321310e-04, v25  }
0x6b: {  	v0 =	vadd.s32 v11, v0;
	v22 =	vnsel vm2, $0x0, v22;
	v21 =	vadd.f32 v24, v21;
	v13 =	vld [tilespmem:s0+$0x40]  }
0x6c: {  	v12 =	vmax.f32 v12, $0.0e+00;
	v0 =	vadd.s32 v8, v0;
	v11 =	vld [tilespmem:s0+$0xFFFFFFB0];
	v1 =	vadd.f32 v22, v1  }
0x6d: {  	v0 =	vadd.s32 v6, v0;
	v21 =	vnsel vm1, $0x0, v21;
	v12 =	vadd.f32 v23, v12;
	v8 =	vld [tilespmem:s0+$0x30]  }
0x6e: {  	v0 =	vadd.s32 v5, v0;
	v6 =	vld [tilespmem:s0+$0xFFFFFFA0];
	v1 =	vadd.f32 v21, v1;
	v21 =	vmpcnt.ones.xlane vm0  }
.Ltmp0:
0x6f: {  	v0 =	vadd.s32 v4, v0;
	v12 =	vnsel vm0, $0x0, v12;
	v5 =	vld [tilespmem:s0+$0x20];
	(pc) =	sbr.rel @p0 .LBB2_2-.Ltmp0, $4  }
0x70: {  	v4 =	vld [tilespmem:s0+$0xFFFFFF90];
	v1 =	vadd.f32 v12, v1;
	v0 =	vadd.s32 v21, v0  }
0x71: {  	vm2 =	vne.s32 v35, $0x0;
	vm1 =	vne.s32 v34, $0x0;
	vm0 =	vne.s32 v28, $0x0;
	v12 =	vld [tilespmem:s0+$0x10]  }
0x72: {  	vm9 =	veq.s32 v28, $0x1;
	vm7 =	veq.s32 v34, $0x1;
	vm3 =	vne.s32 v9, $0x0;
	v21 =	vld [tilespmem:s0+$0xFFFFFF80]  }
0x73: {  	s1 =	sadd.s32 $0x200, s1;
	vm10 =	veq.s32 v35, $0x1;
	vm5 =	vne.s32 v7, $0x0;
	vm4 =	vne.s32 v10, $0x0;
	v22 =	vld [tilespmem:s0+$0x0]  }
0x74: {  	_ = 	snop  }
0x75: {  	v14 =	vsub.f32 v14, v15;
	v15 =	vsub.f32 v18, v20  }
0x76: {  	v16 =	vsub.f32 v16, v17;
	v11 =	vsub.f32 v11, v8  }
0x77: {  	v13 =	vsub.f32 v19, v13;
	v5 =	vsub.f32 v6, v5  }
0x78: {  	v4 =	vsub.f32 v4, v12;
	v6 =	vsub.f32 v21, v22  }
0x79: {  	vm6 =	vne.s32 v3, $0x0;
	v12 =	vsub.f32 $0.0e+00, v16;
	v17 =	vsub.f32 $0.0e+00, v14  }
0x7a: {  	vm11 =	veq.s32 v9, $0x1;
	v19 =	vsub.f32 $0.0e+00, v15;
	v18 =	vsub.f32 $0.0e+00, v6  }
0x7b: {  	v20 =	vsub.f32 $0.0e+00, v11;
	v24 =	vsub.f32 $0.0e+00, v5;
	v8 =	vmin.f32 v14, v17  }
0x7c: {  	v23 =	vsub.f32 $0.0e+00, v4;
	v8 =	vmul.f32 $1.442695020e+00, v8;
	v22 =	vmin.f32 v6, v18  }
0x7d: {  	v21 =	vsub.f32 $0.0e+00, v13;
	v25 =	vmin.f32 v16, v12;
	v22 =	vmul.f32 $1.442695020e+00, v22  }
0x7e: {  	v25 =	vmul.f32 $1.442695020e+00, v25;
	v26 =	vmin.f32 v4, v23;
	(erf) = vpow2.f32 v8  }
0x7f: {  	v52 =	vmin.f32 v15, v19;
	v8 =	vmul.f32 $1.442695020e+00, v26;
	(erf) = vpow2.f32 v22  }
0x80: {  	v26 =	vmul.f32 $1.442695020e+00, v52;
	v22 =	vmin.f32 v5, v24;
	(erf) = vpow2.f32 v25  }
0x81: {  	v53 =	vmin.f32 v11, v20;
	v22 =	vmul.f32 $1.442695020e+00, v22;
	(erf) = vpow2.f32 v8  }
0x82: {  	v54 =	vmin.f32 v13, v21;
	v8 =	vmul.f32 $1.442695020e+00, v53;
	(erf) = vpow2.f32 v26  }
0x83: {  	vm12 =	veq.s32 v10, $0x1;
	(erf) = vpow2.f32 v22;
	v22 =	vmul.f32 $1.442695020e+00, v54  }
0x84: {  	vm8 =	vne.s32 v2, $0x0;
	v9 =	vmpcnt.ones.xlane vm3;
	(erf) = vpow2.f32 v8  }
0x85: {  	vm13 =	veq.s32 v7, $0x1;
	v56 =	vmpcnt.ones.xlane vm8;
	(erf) = vpow2.f32 v22  }
0x86: {  	v10 =	vmpcnt.ones.xlane vm4;
	vm14 =	veq.s32 v3, $0x1;
	vm15 =	veq.s32 v2, $0x1  }
0x87: {  	v28 =	vmpcnt.ones.xlane vm6;
	v0 =	vadd.s32 v0, v56;
	v27 =	vsel vm9, v14, v17;
	v55 =	vpop (erf)  }
0x88: {  	v3 =	vsel vm10, v15, v19;
	v12 =	vsel vm7, v16, v12;
	v11 =	vsel vm12, v11, v20;
	v2 =	vpop (erf)  }
0x89: {  	v0 =	vadd.s32 v28, v0;
	v19 =	vmax.f32 v3, $0.0e+00;
	v11 =	vmax.f32 v11, $0.0e+00;
	v15 =	vpop (erf)  }
0x8a: {  	s0 =	simm.s32 $0x0;
	v13 =	vsel vm11, v13, v21;
	v4 =	vsel vm14, v4, v23;
	v21 =	vmax.f32 v12, $0.0e+00;
	v14 =	vpop (erf)  }
0x8b: {  	[tilespmem:s0], [sflag:$0x1] =	stream.linear.gather [hbm4b:s7+s0], $0x2000, $0x38;
	v6 =	vsel vm15, v6, v18;
	v5 =	vsel vm13, v5, v24;
	v16 =	vmul.f32 $1.066847290e-01, v2;
	v17 =	vpop (erf);
	[tilespmem:$0xC080] =	vst v63  }
0x8c: {  	v20 =	vmax.f32 v5, $0.0e+00;
	v22 =	vmpcnt.ones.xlane vm5;
	v5 =	vmul.f32 $1.066847290e-01, v55;
	v3 =	vpop (erf)  }
0x8d: {  	[tilespmem:s21], [sflag:$0x3] =	stream.linear.gather [hbm4b:s8+s0], $0x4000, $0x38;
	v4 =	vmax.f32 v4, $0.0e+00;
	v6 =	vmax.f32 v6, $0.0e+00;
	v12 =	vadd.f32 $-3.935357930e-01, v16;
	v18 =	vpop (erf);
	[tilespmem:$0xC080] =	vst v63  }
0x8e: {  	v5 =	vadd.f32 $-3.935357930e-01, v5;
	v0 =	vadd.s32 v22, v0;
	v16 =	vmul.f32 $1.066847290e-01, v14;
	v57 =	vpop (erf)  }
0x8f: {  	v8 =	vmpcnt.ones.xlane vm2;
	v0 =	vadd.s32 v10, v0;
	v12 =	vmul.f32 v12, v2;
	_ =	swait.ge [sflag:s26], $0x2000  }
0x90: {  	v33 =	vmul.f32 v5, v55;
	v16 =	vadd.f32 $-3.935357930e-01, v16;
	v30 =	vmul.f32 $1.066847290e-01, v3;
	[sflag:s26] =	ssyncset.done $0x0  }
0x91: {  	v0 =	vadd.s32 v9, v0;
	v31 =	vmul.f32 $1.066847290e-01, v18;
	v12 =	vadd.f32 $9.797534340e-01, v12;
	[sflag:s26] =	ssyncadd.s32 $0xFFFFE000  }
0x92: {  	v23 =	vmul.f32 $1.066847290e-01, v17;
	v16 =	vmul.f32 v16, v14;
	v30 =	vadd.f32 $-3.935357930e-01, v30;
	_ =	swait.ge [sflag:s28], $0x4000  }
0x93: {  	v32 =	vmul.f32 $1.066847290e-01, v57;
	v31 =	vadd.f32 $-3.935357930e-01, v31;
	v2 =	vmul.f32 v12, v2;
	[sflag:s28] =	ssyncset.done $0x0  }
0x94: {  	s1 =	simm.s32 $0x0;
	v12 =	vadd.f32 $-3.935357930e-01, v23;
	v16 =	vadd.f32 $9.797534340e-01, v16;
	v23 =	vmul.f32 v30, v3;
	[sflag:s28] =	ssyncadd.s32 $0xFFFFC000  }
0x95: {  	v29 =	vmul.f32 $1.066847290e-01, v15;
	v0 =	vadd.s32 v8, v0;
	v59 =	vadd.f32 $-3.935357930e-01, v32;
	v60 =	vld [tilespmem:s1+$0x2070]  }
0x96: {  	v58 =	vmul.f32 v31, v18;
	v5 =	vmul.f32 v16, v14;
	v14 =	vadd.f32 $9.797534340e-01, v23;
	v23 =	vld [tilespmem:s1+$0x2060]  }
0x97: {  	v29 =	vadd.f32 $-3.935357930e-01, v29;
	v2 =	vadd.f32 $9.250321310e-04, v2;
	v61 =	vmul.f32 v59, v57;
	v62 =	vld [tilespmem:s1+$0x2050]  }
0x98: {  	v12 =	vmul.f32 v12, v17;
	v16 =	vadd.f32 $9.797534340e-01, v58;
	v34 =	vadd.f32 $9.250321310e-04, v5;
	v5 =	vld [tilespmem:s1+$0x2040]  }
0x99: {  	s0 =	simm.s32 $0x8080;
	v29 =	vmul.f32 v29, v15;
	v2 =	vadd.f32 v2, v6;
	v3 =	vmul.f32 v14, v3;
	v6 =	vld [tilespmem:s1+$0x2030]  }
0x9a: {  	v12 =	vadd.f32 $9.797534340e-01, v12;
	v8 =	vld [tilespmem:s0+$0x20];
	v14 =	vmul.f32 v16, v18;
	v16 =	vadd.f32 $9.797534340e-01, v61  }
0x9b: {  	v2 =	vnsel vm8, $0x0, v2;
	v18 =	vadd.f32 v34, v4;
	v63 =	vadd.f32 $9.250321310e-04, v3;
	v4 =	vld [tilespmem:s1+$0x2020]  }
0x9c: {  	v3 =	vld [tilespmem:s1+$0x2010];
	v17 =	vmul.f32 v12, v17;
	v1 =	vadd.f32 v2, v1;
	v16 =	vmul.f32 v16, v57  }
0x9d: {  	v12 =	vld [tilespmem:s0+$0xFFFFFFF0];
	v14 =	vadd.f32 $9.250321310e-04, v14;
	v18 =	vnsel vm6, $0x0, v18;
	v20 =	vadd.f32 v63, v20  }
0x9e: {  	v13 =	vmax.f32 v13, $0.0e+00;
	v2 =	vld [tilespmem:s1+$0x2000];
	v1 =	vadd.f32 v18, v1;
	v18 =	vadd.f32 $9.797534340e-01, v29  }
0x9f: {  	v11 =	vadd.f32 v14, v11;
	v16 =	vadd.f32 $9.250321310e-04, v16;
	v14 =	vld [tilespmem:s0+$0x70];
	v20 =	vnsel vm5, $0x0, v20  }
0xa0: {  	v1 =	vadd.f32 v20, v1;
	v18 =	vmul.f32 v18, v15;
	v20 =	vadd.f32 $9.797534340e-01, v33;
	v15 =	vld [tilespmem:s0+$0xFFFFFFE0]  }
0xa1: {  	v11 =	vnsel vm4, $0x0, v11;
	v13 =	vadd.f32 v16, v13;
	v16 =	vadd.f32 $9.250321310e-04, v17;
	v17 =	vld [tilespmem:s0+$0x60]  }
0xa2: {  	v1 =	vadd.f32 v11, v1;
	v11 =	vadd.f32 $9.250321310e-04, v18;
	v20 =	vmul.f32 v20, v55;
	v18 =	vld [tilespmem:s0+$0xFFFFFFD0]  }
0xa3: {  	v13 =	vnsel vm3, $0x0, v13;
	v16 =	vadd.f32 v16, v19;
	v19 =	vld [tilespmem:s0+$0x50]  }
0xa4: {  	v1 =	vadd.f32 v13, v1;
	v13 =	vadd.f32 $9.250321310e-04, v20;
	v20 =	vld [tilespmem:s0+$0xFFFFFFC0]  }
0xa5: {  	v7 =	vmpcnt.ones.xlane vm1;
	v22 =	vnsel vm2, $0x0, v16;
	v16 =	vld [tilespmem:s0+$0x40]  }
0xa6: {  	v10 =	vmax.f32 v27, $0.0e+00;
	v21 =	vadd.f32 v11, v21;
	v11 =	vld [tilespmem:s0+$0xFFFFFFB0]  }
0xa7: {  	v0 =	vadd.s32 v7, v0;
	v1 =	vadd.f32 v22, v1;
	v13 =	vadd.f32 v13, v10;
	v10 =	vld [tilespmem:s0+$0x30]  }
0xa8: {  	vm7 =	veq.s32 v23, $0x1;
	vm9 =	veq.s32 v60, $0x1;
	v9 =	vnsel vm1, $0x0, v21;
	v22 =	vld [tilespmem:s0+$0x0]  }
0xa9: {  	vm10 =	veq.s32 v62, $0x1;
	vm5 =	vne.s32 v4, $0x0;
	v1 =	vadd.f32 v9, v1;
	v9 =	vld [tilespmem:s0+$0xFFFFFFA0]  }
0xaa: {  	vm4 =	vne.s32 v6, $0x0;
	v21 =	vmpcnt.ones.xlane vm0;
	v7 =	vnsel vm0, $0x0, v13;
	v13 =	vld [tilespmem:s0+$0x10]  }
0xab: {  	vm3 =	vne.s32 v5, $0x0;
	vm2 =	vne.s32 v62, $0x0;
	v1 =	vadd.f32 v7, v1;
	v7 =	vld [tilespmem:s0+$0xFFFFFF90]  }
0xac: {  	s1 =	simm.s32 $0x200;
	vm1 =	vne.s32 v23, $0x0;
	v0 =	vadd.s32 v21, v0;
	vm0 =	vne.s32 v60, $0x0;
	v21 =	vld [tilespmem:s0+$0xFFFFFF80]  }
.LBB2_4:
0xad: {  	p0 =	sne.s32 s1, $0x7E00;
	vm6 =	vne.s32 v3, $0x0;
	vm11 =	veq.s32 v5, $0x1;
	v5 =	vsub.f32 v12, v14  }
0xae: {  	vm12 =	veq.s32 v6, $0x1;
	v6 =	vsub.f32 v18, v19;
	v12 =	vsub.f32 v15, v17  }
0xaf: {  	vm8 =	vne.s32 v2, $0x0;
	v14 =	vsub.f32 v11, v10;
	v15 =	vsub.f32 v20, v16  }
0xb0: {  	v18 =	vsub.f32 v9, v8;
	vm13 =	veq.s32 v4, $0x1;
	v17 =	vsub.f32 v7, v13  }
0xb1: {  	v8 =	vmpcnt.ones.xlane vm2;
	v7 =	vmpcnt.ones.xlane vm1;
	v4 =	vsub.f32 v21, v22  }
0xb2: {  	v9 =	vmpcnt.ones.xlane vm3;
	v19 =	vsub.f32 $0.0e+00, v12;
	v13 =	vsub.f32 $0.0e+00, v5  }
0xb3: {  	v10 =	vmpcnt.ones.xlane vm4;
	v21 =	vsub.f32 $0.0e+00, v6;
	v20 =	vsub.f32 $0.0e+00, v4  }
0xb4: {  	v23 =	vsub.f32 $0.0e+00, v15;
	v22 =	vsub.f32 $0.0e+00, v14;
	v11 =	vmin.f32 v5, v13  }
0xb5: {  	v24 =	vsub.f32 $0.0e+00, v17;
	v11 =	vmul.f32 $1.442695020e+00, v11;
	v16 =	vmin.f32 v4, v20  }
0xb6: {  	v25 =	vsub.f32 $0.0e+00, v18;
	v26 =	vmin.f32 v12, v19;
	v16 =	vmul.f32 $1.442695020e+00, v16  }
0xb7: {  	v26 =	vmul.f32 $1.442695020e+00, v26;
	v27 =	vmin.f32 v17, v24;
	(erf) = vpow2.f32 v11  }
0xb8: {  	v11 =	vmul.f32 $1.442695020e+00, v27;
	v27 =	vmin.f32 v6, v21;
	(erf) = vpow2.f32 v16  }
0xb9: {  	v16 =	vmin.f32 v18, v25;
	v27 =	vmul.f32 $1.442695020e+00, v27;
	(erf) = vpow2.f32 v26  }
0xba: {  	v16 =	vmul.f32 $1.442695020e+00, v16;
	v26 =	vmin.f32 v14, v22;
	(erf) = vpow2.f32 v11  }
0xbb: {  	vm14 =	veq.s32 v3, $0x1;
	v3 =	vmul.f32 $1.442695020e+00, v26;
	(erf) = vpow2.f32 v27  }
0xbc: {  	v11 =	vmpcnt.ones.xlane vm5;
	v26 =	vmin.f32 v15, v23;
	(erf) = vpow2.f32 v16  }
0xbd: {  	vm15 =	veq.s32 v2, $0x1;
	v2 =	vmul.f32 $1.442695020e+00, v26;
	(erf) = vpow2.f32 v3  }
0xbe: {  	v13 =	vsel vm9, v5, v13;
	v26 =	vmpcnt.ones.xlane vm8;
	v16 =	vmpcnt.ones.xlane vm6  }
0xbf: {  	v27 =	vsel vm7, v12, v19;
	v3 =	vsel vm10, v6, v21;
	(erf) = vpow2.f32 v2  }
0xc0: {  	v12 =	vsel vm11, v15, v23;
	v6 =	vsel vm12, v14, v22;
	v2 =	vsel vm13, v18, v25;
	v19 =	vpop (erf)  }
0xc1: {  	v4 =	vsel vm15, v4, v20;
	v14 =	vsel vm14, v17, v24;
	v21 =	vmax.f32 v27, $0.0e+00;
	v5 =	vpop (erf)  }
0xc2: {  	v20 =	vmax.f32 v3, $0.0e+00;
	v18 =	vmax.f32 v12, $0.0e+00;
	v15 =	vmul.f32 $1.066847290e-01, v5;
	v17 =	vpop (erf)  }
0xc3: {  	v3 =	vmax.f32 v14, $0.0e+00;
	v22 =	vmax.f32 v6, $0.0e+00;
	v12 =	vmax.f32 v2, $0.0e+00;
	v2 =	vpop (erf)  }
0xc4: {  	v6 =	vadd.f32 $-3.935357930e-01, v15;
	v14 =	vmul.f32 $1.066847290e-01, v2;
	v15 =	vmul.f32 $1.066847290e-01, v19;
	v23 =	vpop (erf)  }
0xc5: {  	v4 =	vmax.f32 v4, $0.0e+00;
	v25 =	vmul.f32 $1.066847290e-01, v17;
	v24 =	vmul.f32 $1.066847290e-01, v23;
	v27 =	vpop (erf)  }
0xc6: {  	v6 =	vmul.f32 v6, v5;
	v14 =	vadd.f32 $-3.935357930e-01, v14;
	v28 =	vmul.f32 $1.066847290e-01, v27;
	v29 =	vpop (erf)  }
0xc7: {  	v25 =	vadd.f32 $-3.935357930e-01, v25;
	v15 =	vadd.f32 $-3.935357930e-01, v15;
	v30 =	vmul.f32 $1.066847290e-01, v29  }
0xc8: {  	v6 =	vadd.f32 $9.797534340e-01, v6;
	v14 =	vmul.f32 v14, v2;
	v28 =	vadd.f32 $-3.935357930e-01, v28;
	v31 =	vpop (erf)  }
0xc9: {  	v24 =	vadd.f32 $-3.935357930e-01, v24;
	v30 =	vadd.f32 $-3.935357930e-01, v30;
	v32 =	vmul.f32 $1.066847290e-01, v31  }
0xca: {  	s29 =	sshra.s32 s1, $0x2;
	v5 =	vmul.f32 v6, v5;
	v6 =	vadd.f32 $9.797534340e-01, v14;
	v14 =	vmul.f32 v28, v27  }
0xcb: {  	v33 =	vmul.f32 v15, v19;
	v28 =	vld [tilespmem:s29+$0x2070];
	v30 =	vmul.f32 v30, v29;
	v32 =	vadd.f32 $-3.935357930e-01, v32  }
0xcc: {  	v34 =	vld [tilespmem:s29+$0x2060];
	v15 =	vadd.f32 $9.250321310e-04, v5;
	v2 =	vmul.f32 v6, v2;
	v6 =	vadd.f32 $9.797534340e-01, v14  }
0xcd: {  	v25 =	vmul.f32 v25, v17;
	v35 =	vld [tilespmem:s29+$0x2050];
	v14 =	vadd.f32 $9.797534340e-01, v30;
	v30 =	vmul.f32 v32, v31  }
0xce: {  	v5 =	vld [tilespmem:s29+$0x2040];
	v15 =	vadd.f32 v15, v4;
	v2 =	vadd.f32 $9.250321310e-04, v2;
	v27 =	vmul.f32 v6, v27  }
0xcf: {  	v24 =	vmul.f32 v24, v23;
	v6 =	vld [tilespmem:s29+$0x2030];
	v14 =	vmul.f32 v14, v29;
	v29 =	vadd.f32 $9.797534340e-01, v30  }
0xd0: {  	v4 =	vld [tilespmem:s29+$0x2020];
	v15 =	vnsel vm8, $0x0, v15;
	v30 =	vadd.f32 v2, v3;
	v27 =	vadd.f32 $9.250321310e-04, v27  }
0xd1: {  	v24 =	vadd.f32 $9.797534340e-01, v24;
	v3 =	vld [tilespmem:s29+$0x2010];
	v1 =	vadd.f32 v15, v1;
	v15 =	vmul.f32 v29, v31  }
0xd2: {  	s0 =	sadd.s32 $0x100, s0;
	v2 =	vld [tilespmem:s29+$0x2000];
	v29 =	vnsel vm6, $0x0, v30;
	v27 =	vadd.f32 v27, v12;
	v30 =	vadd.f32 $9.250321310e-04, v14  }
0xd3: {  	v23 =	vmul.f32 v24, v23;
	v24 =	vadd.f32 $9.797534340e-01, v25;
	v12 =	vld [tilespmem:s0+$0xFFFFFFF0];
	v1 =	vadd.f32 v29, v1  }
0xd4: {  	v14 =	vld [tilespmem:s0+$0x70];
	v25 =	vnsel vm5, $0x0, v27;
	v22 =	vadd.f32 v30, v22;
	v27 =	vadd.f32 $9.250321310e-04, v15  }
0xd5: {  	v24 =	vmul.f32 v24, v17;
	v15 =	vld [tilespmem:s0+$0xFFFFFFE0];
	v1 =	vadd.f32 v25, v1;
	v25 =	vadd.f32 $9.797534340e-01, v33  }
0xd6: {  	v23 =	vadd.f32 $9.250321310e-04, v23;
	v17 =	vld [tilespmem:s0+$0x60];
	v22 =	vnsel vm4, $0x0, v22;
	v27 =	vadd.f32 v27, v18  }
0xd7: {  	v18 =	vld [tilespmem:s0+$0xFFFFFFD0];
	v1 =	vadd.f32 v22, v1;
	v22 =	vadd.f32 $9.250321310e-04, v24;
	v24 =	vmul.f32 v25, v19  }
0xd8: {  	v0 =	vadd.s32 v0, v26;
	v23 =	vadd.f32 v23, v20;
	v19 =	vld [tilespmem:s0+$0x50];
	v25 =	vnsel vm3, $0x0, v27  }
0xd9: {  	v0 =	vadd.s32 v16, v0;
	v20 =	vld [tilespmem:s0+$0xFFFFFFC0];
	v1 =	vadd.f32 v25, v1;
	v24 =	vadd.f32 $9.250321310e-04, v24  }
0xda: {  	v0 =	vadd.s32 v11, v0;
	v23 =	vnsel vm2, $0x0, v23;
	v21 =	vadd.f32 v22, v21;
	v16 =	vld [tilespmem:s0+$0x40]  }
0xdb: {  	v13 =	vmax.f32 v13, $0.0e+00;
	v0 =	vadd.s32 v10, v0;
	v11 =	vld [tilespmem:s0+$0xFFFFFFB0];
	v1 =	vadd.f32 v23, v1  }
0xdc: {  	v0 =	vadd.s32 v9, v0;
	v21 =	vnsel vm1, $0x0, v21;
	v13 =	vadd.f32 v24, v13;
	v10 =	vld [tilespmem:s0+$0x30]  }
0xdd: {  	v0 =	vadd.s32 v8, v0;
	v9 =	vld [tilespmem:s0+$0xFFFFFFA0];
	v1 =	vadd.f32 v21, v1;
	v21 =	vmpcnt.ones.xlane vm0  }
.Ltmp1:
0xde: {  	v0 =	vadd.s32 v7, v0;
	v13 =	vnsel vm0, $0x0, v13;
	v8 =	vld [tilespmem:s0+$0x20];
	(pc) =	sbr.rel @p0 .LBB2_4-.Ltmp1, $4  }
0xdf: {  	v7 =	vld [tilespmem:s0+$0xFFFFFF90];
	v1 =	vadd.f32 v13, v1;
	v0 =	vadd.s32 v21, v0  }
0xe0: {  	vm2 =	vne.s32 v35, $0x0;
	vm1 =	vne.s32 v34, $0x0;
	vm0 =	vne.s32 v28, $0x0;
	v13 =	vld [tilespmem:s0+$0x10]  }
0xe1: {  	vm9 =	veq.s32 v28, $0x1;
	vm7 =	veq.s32 v34, $0x1;
	vm3 =	vne.s32 v5, $0x0;
	v21 =	vld [tilespmem:s0+$0xFFFFFF80]  }
0xe2: {  	s1 =	sadd.s32 $0x200, s1;
	vm10 =	veq.s32 v35, $0x1;
	vm5 =	vne.s32 v4, $0x0;
	vm4 =	vne.s32 v6, $0x0;
	v22 =	vld [tilespmem:s0+$0x0]  }
0xe3: {  	_ = 	snop  }
0xe4: {  	v12 =	vsub.f32 v12, v14;
	v14 =	vsub.f32 v18, v19  }
0xe5: {  	v15 =	vsub.f32 v15, v17;
	v10 =	vsub.f32 v11, v10  }
0xe6: {  	v11 =	vsub.f32 v20, v16;
	v16 =	vsub.f32 v9, v8  }
0xe7: {  	v13 =	vsub.f32 v7, v13;
	v17 =	vsub.f32 v21, v22  }
0xe8: {  	v18 =	vsub.f32 $0.0e+00, v15;
	v19 =	vsub.f32 $0.0e+00, v12  }
0xe9: {  	v23 =	vsub.f32 $0.0e+00, v11;
	v20 =	vsub.f32 $0.0e+00, v17  }
0xea: {  	v25 =	vsub.f32 $0.0e+00, v16;
	v21 =	vsub.f32 $0.0e+00, v14;
	v7 =	vmin.f32 v12, v19  }
0xeb: {  	v24 =	vsub.f32 $0.0e+00, v13;
	v7 =	vmul.f32 $1.442695020e+00, v7;
	v8 =	vmin.f32 v17, v20  }
0xec: {  	v22 =	vsub.f32 $0.0e+00, v10;
	v9 =	vmin.f32 v15, v18;
	v8 =	vmul.f32 $1.442695020e+00, v8  }
0xed: {  	v9 =	vmul.f32 $1.442695020e+00, v9;
	v26 =	vmin.f32 v13, v24;
	(erf) = vpow2.f32 v7  }
0xee: {  	v55 =	vmin.f32 v14, v21;
	v7 =	vmul.f32 $1.442695020e+00, v26;
	(erf) = vpow2.f32 v8  }
0xef: {  	v26 =	vmul.f32 $1.442695020e+00, v55;
	v8 =	vmin.f32 v16, v25;
	(erf) = vpow2.f32 v9  }
0xf0: {  	v8 =	vmul.f32 $1.442695020e+00, v8;
	v9 =	vmin.f32 v10, v22;
	(erf) = vpow2.f32 v7  }
0xf1: {  	v7 =	vmul.f32 $1.442695020e+00, v9;
	v9 =	vmin.f32 v11, v23;
	(erf) = vpow2.f32 v26  }
0xf2: {  	vm6 =	vne.s32 v3, $0x0;
	v9 =	vmul.f32 $1.442695020e+00, v9;
	(erf) = vpow2.f32 v8  }
0xf3: {  	vm11 =	veq.s32 v5, $0x1;
	vm12 =	veq.s32 v6, $0x1;
	(erf) = vpow2.f32 v7  }
0xf4: {  	vm8 =	vne.s32 v2, $0x0;
	vm13 =	veq.s32 v4, $0x1;
	(erf) = vpow2.f32 v9  }
0xf5: {  	v56 =	vmpcnt.ones.xlane vm4;
	vm14 =	veq.s32 v3, $0x1;
	v29 =	vmpcnt.ones.xlane vm8  }
0xf6: {  	v27 =	vmpcnt.ones.xlane vm5;
	vm15 =	veq.s32 v2, $0x1;
	v31 =	vmpcnt.ones.xlane vm6;
	v28 =	vpop (erf)  }
0xf7: {  	v0 =	vadd.s32 v0, v29;
	v30 =	vsel vm9, v12, v19;
	v4 =	vsel vm7, v15, v18;
	v2 =	vpop (erf)  }
0xf8: {  	v5 =	vsel vm13, v16, v25;
	v0 =	vadd.s32 v31, v0;
	v3 =	vsel vm10, v14, v21;
	v15 =	vpop (erf)  }
0xf9: {  	s0 =	simm.s32 $0x0;
	v18 =	vmax.f32 v5, $0.0e+00;
	v6 =	vsel vm12, v10, v22;
	v10 =	vsel vm11, v11, v23;
	v11 =	vpop (erf)  }
0xfa: {  	[tilespmem:s22], [sflag:$0x2] =	stream.linear.gather [hbm4b:s9+s0], $0x2000, $0x38;
	v0 =	vadd.s32 v27, v0;
	v13 =	vsel vm14, v13, v24;
	v21 =	vmax.f32 v4, $0.0e+00;
	v16 =	vpop (erf);
	[tilespmem:$0xC080] =	vst v63  }
0xfb: {  	v19 =	vmax.f32 v3, $0.0e+00;
	v12 =	vsel vm15, v17, v20;
	v14 =	vmul.f32 $1.066847290e-01, v2;
	v3 =	vpop (erf)  }
0xfc: {  	[tilespmem:s23], [sflag:$0x4] =	stream.linear.gather [hbm4b:s10+s0], $0x4000, $0x38;
	v0 =	vadd.s32 v56, v0;
	v4 =	vmax.f32 v13, $0.0e+00;
	v12 =	vmax.f32 v12, $0.0e+00;
	v17 =	vpop (erf);
	[tilespmem:$0xC080] =	vst v63  }
0xfd: {  	v8 =	vmpcnt.ones.xlane vm2;
	v13 =	vadd.f32 $-3.935357930e-01, v14;
	v14 =	vmul.f32 $1.066847290e-01, v11;
	v22 =	vpop (erf)  }
0xfe: {  	v23 =	vmax.f32 v6, $0.0e+00;
	v9 =	vmpcnt.ones.xlane vm3;
	v5 =	vmul.f32 $1.066847290e-01, v28;
	_ =	swait.ge [sflag:s24], $0x2000  }
0xff: {  	v6 =	vmul.f32 $1.066847290e-01, v15;
	v20 =	vmul.f32 $1.066847290e-01, v16;
	v14 =	vadd.f32 $-3.935357930e-01, v14;
	[sflag:s24] =	ssyncset.done $0x0  }
0x100: {  	v5 =	vadd.f32 $-3.935357930e-01, v5;
	v13 =	vmul.f32 v13, v2;
	v57 =	vmul.f32 $1.066847290e-01, v3;
	[sflag:s24] =	ssyncadd.s32 $0xFFFFE000  }
0x101: {  	v0 =	vadd.s32 v9, v0;
	v58 =	vmul.f32 $1.066847290e-01, v17;
	v14 =	vmul.f32 v14, v11;
	_ =	swait.ge [sflag:s25], $0x4000  }
0x102: {  	v13 =	vadd.f32 $9.797534340e-01, v13;
	v24 =	vadd.f32 $-3.935357930e-01, v57;
	v32 =	vmul.f32 $1.066847290e-01, v22;
	[sflag:s25] =	ssyncset.done $0x0  }
0x103: {  	s1 =	simm.s32 $0x0;
	v33 =	vmul.f32 v5, v28;
	v25 =	vadd.f32 $-3.935357930e-01, v58;
	v14 =	vadd.f32 $9.797534340e-01, v14;
	[sflag:s25] =	ssyncadd.s32 $0xFFFFC000  }
0x104: {  	v2 =	vmul.f32 v13, v2;
	v13 =	vadd.f32 $-3.935357930e-01, v20;
	v20 =	vmul.f32 v24, v3;
	v61 =	vld [tilespmem:s1+$0x70]  }
0x105: {  	v6 =	vadd.f32 $-3.935357930e-01, v6;
	v60 =	vadd.f32 $-3.935357930e-01, v32;
	v5 =	vmul.f32 v14, v11;
	v34 =	vld [tilespmem:s1+$0x60]  }
0x106: {  	v59 =	vmul.f32 v25, v17;
	v2 =	vadd.f32 $9.250321310e-04, v2;
	v11 =	vadd.f32 $9.797534340e-01, v20;
	v62 =	vld [tilespmem:s1+$0x50]  }
0x107: {  	v20 =	vmul.f32 v60, v22;
	v13 =	vmul.f32 v13, v16;
	v63 =	vadd.f32 $9.250321310e-04, v5;
	v5 =	vld [tilespmem:s1+$0x40]  }
0x108: {  	s0 =	simm.s32 $0x4080;
	v14 =	vadd.f32 $9.797534340e-01, v59;
	v2 =	vadd.f32 v2, v12;
	v12 =	vmul.f32 v6, v15;
	v6 =	vld [tilespmem:s1+$0x30]  }
0x109: {  	v0 =	vadd.s32 v8, v0;
	v3 =	vmul.f32 v11, v3;
	v13 =	vadd.f32 $9.797534340e-01, v13;
	v8 =	vld [tilespmem:s0+$0x20]  }
0x10a: {  	v11 =	vmul.f32 v14, v17;
	v14 =	vadd.f32 $9.797534340e-01, v20;
	v17 =	vadd.f32 v63, v4;
	v4 =	vld [tilespmem:s1+$0x20]  }
0x10b: {  	v2 =	vnsel vm8, $0x0, v2;
	v20 =	vadd.f32 $9.250321310e-04, v3;
	v3 =	vld [tilespmem:s1+$0x10];
	v13 =	vmul.f32 v13, v16  }
0x10c: {  	v16 =	vadd.f32 $9.797534340e-01, v12;
	v12 =	vld [tilespmem:s0+$0xFFFFFFF0];
	v1 =	vadd.f32 v2, v1;
	v14 =	vmul.f32 v14, v22  }
0x10d: {  	v11 =	vadd.f32 $9.250321310e-04, v11;
	v2 =	vld [tilespmem:s1+$0x0];
	v17 =	vnsel vm6, $0x0, v17;
	v18 =	vadd.f32 v20, v18  }
0x10e: {  	v22 =	vld [tilespmem:s0+$0x0];
	v16 =	vmul.f32 v16, v15;
	v13 =	vadd.f32 $9.250321310e-04, v13;
	v1 =	vadd.f32 v17, v1  }
0x10f: {  	v15 =	vld [tilespmem:s0+$0xFFFFFFE0];
	v11 =	vadd.f32 v11, v23;
	v17 =	vnsel vm5, $0x0, v18;
	v18 =	vadd.f32 $9.250321310e-04, v14  }
0x110: {  	v10 =	vmax.f32 v10, $0.0e+00;
	v20 =	vadd.f32 $9.797534340e-01, v33;
	v14 =	vld [tilespmem:s0+$0x70];
	v1 =	vadd.f32 v17, v1  }
0x111: {  	v13 =	vadd.f32 v13, v19;
	v19 =	vld [tilespmem:s0+$0x50];
	v11 =	vnsel vm4, $0x0, v11;
	v10 =	vadd.f32 v18, v10  }
0x112: {  	v7 =	vmpcnt.ones.xlane vm1;
	v17 =	vld [tilespmem:s0+$0x60];
	v1 =	vadd.f32 v11, v1  }
0x113: {  	v18 =	vld [tilespmem:s0+$0xFFFFFFD0];
	v11 =	vadd.f32 $9.250321310e-04, v16;
	v16 =	vmul.f32 v20, v28;
	v10 =	vnsel vm3, $0x0, v10  }
0x114: {  	v0 =	vadd.s32 v7, v0;
	v20 =	vld [tilespmem:s0+$0xFFFFFFC0];
	v1 =	vadd.f32 v10, v1  }
0x115: {  	v13 =	vnsel vm2, $0x0, v13;
	v10 =	vadd.f32 $9.250321310e-04, v16;
	v21 =	vadd.f32 v11, v21;
	v16 =	vld [tilespmem:s0+$0x40]  }
0x116: {  	vm7 =	veq.s32 v34, $0x1;
	v11 =	vld [tilespmem:s0+$0xFFFFFFB0];
	v1 =	vadd.f32 v13, v1;
	v13 =	vmax.f32 v30, $0.0e+00  }
0x117: {  	vm9 =	veq.s32 v61, $0x1;
	v9 =	vnsel vm1, $0x0, v21;
	v13 =	vadd.f32 v10, v13;
	v10 =	vld [tilespmem:s0+$0x30]  }
0x118: {  	vm10 =	veq.s32 v62, $0x1;
	vm5 =	vne.s32 v4, $0x0;
	v1 =	vadd.f32 v9, v1;
	v9 =	vld [tilespmem:s0+$0xFFFFFFA0]  }
0x119: {  	vm4 =	vne.s32 v6, $0x0;
	v21 =	vmpcnt.ones.xlane vm0;
	v7 =	vnsel vm0, $0x0, v13;
	v13 =	vld [tilespmem:s0+$0x10]  }
0x11a: {  	vm2 =	vne.s32 v62, $0x0;
	vm3 =	vne.s32 v5, $0x0;
	v1 =	vadd.f32 v7, v1;
	v7 =	vld [tilespmem:s0+$0xFFFFFF90]  }
0x11b: {  	s1 =	simm.s32 $0x200;
	vm1 =	vne.s32 v34, $0x0;
	v0 =	vadd.s32 v21, v0;
	v21 =	vld [tilespmem:s0+$0xFFFFFF80];
	vm0 =	vne.s32 v61, $0x0  }
.LBB2_6:
0x11c: {  	p0 =	sne.s32 s1, $0x7E00;
	vm6 =	vne.s32 v3, $0x0;
	vm11 =	veq.s32 v5, $0x1;
	v5 =	vsub.f32 v12, v14  }
0x11d: {  	vm12 =	veq.s32 v6, $0x1;
	v6 =	vsub.f32 v18, v19;
	v12 =	vsub.f32 v15, v17  }
0x11e: {  	vm8 =	vne.s32 v2, $0x0;
	v14 =	vsub.f32 v11, v10;
	v15 =	vsub.f32 v20, v16  }
0x11f: {  	v18 =	vsub.f32 v9, v8;
	vm13 =	veq.s32 v4, $0x1;
	v17 =	vsub.f32 v7, v13  }
0x120: {  	v8 =	vmpcnt.ones.xlane vm2;
	v7 =	vmpcnt.ones.xlane vm1;
	v4 =	vsub.f32 v21, v22  }
0x121: {  	v9 =	vmpcnt.ones.xlane vm3;
	v19 =	vsub.f32 $0.0e+00, v12;
	v13 =	vsub.f32 $0.0e+00, v5  }
0x122: {  	v10 =	vmpcnt.ones.xlane vm4;
	v21 =	vsub.f32 $0.0e+00, v6;
	v20 =	vsub.f32 $0.0e+00, v4  }
0x123: {  	v23 =	vsub.f32 $0.0e+00, v15;
	v22 =	vsub.f32 $0.0e+00, v14;
	v11 =	vmin.f32 v5, v13  }
0x124: {  	v24 =	vsub.f32 $0.0e+00, v17;
	v11 =	vmul.f32 $1.442695020e+00, v11;
	v16 =	vmin.f32 v4, v20  }
0x125: {  	v25 =	vsub.f32 $0.0e+00, v18;
	v26 =	vmin.f32 v12, v19;
	v16 =	vmul.f32 $1.442695020e+00, v16  }
0x126: {  	v26 =	vmul.f32 $1.442695020e+00, v26;
	v27 =	vmin.f32 v17, v24;
	(erf) = vpow2.f32 v11  }
0x127: {  	v11 =	vmul.f32 $1.442695020e+00, v27;
	v27 =	vmin.f32 v6, v21;
	(erf) = vpow2.f32 v16  }
0x128: {  	v16 =	vmin.f32 v18, v25;
	v27 =	vmul.f32 $1.442695020e+00, v27;
	(erf) = vpow2.f32 v26  }
0x129: {  	v16 =	vmul.f32 $1.442695020e+00, v16;
	v26 =	vmin.f32 v14, v22;
	(erf) = vpow2.f32 v11  }
0x12a: {  	vm14 =	veq.s32 v3, $0x1;
	v3 =	vmul.f32 $1.442695020e+00, v26;
	(erf) = vpow2.f32 v27  }
0x12b: {  	v11 =	vmpcnt.ones.xlane vm5;
	v26 =	vmin.f32 v15, v23;
	(erf) = vpow2.f32 v16  }
0x12c: {  	vm15 =	veq.s32 v2, $0x1;
	v2 =	vmul.f32 $1.442695020e+00, v26;
	(erf) = vpow2.f32 v3  }
0x12d: {  	v13 =	vsel vm9, v5, v13;
	v26 =	vmpcnt.ones.xlane vm8;
	v16 =	vmpcnt.ones.xlane vm6  }
0x12e: {  	v27 =	vsel vm7, v12, v19;
	v3 =	vsel vm10, v6, v21;
	(erf) = vpow2.f32 v2  }
0x12f: {  	v12 =	vsel vm11, v15, v23;
	v6 =	vsel vm12, v14, v22;
	v2 =	vsel vm13, v18, v25;
	v19 =	vpop (erf)  }
0x130: {  	v4 =	vsel vm15, v4, v20;
	v14 =	vsel vm14, v17, v24;
	v21 =	vmax.f32 v27, $0.0e+00;
	v5 =	vpop (erf)  }
0x131: {  	v20 =	vmax.f32 v3, $0.0e+00;
	v18 =	vmax.f32 v12, $0.0e+00;
	v15 =	vmul.f32 $1.066847290e-01, v5;
	v17 =	vpop (erf)  }
0x132: {  	v3 =	vmax.f32 v14, $0.0e+00;
	v22 =	vmax.f32 v6, $0.0e+00;
	v12 =	vmax.f32 v2, $0.0e+00;
	v2 =	vpop (erf)  }
0x133: {  	v6 =	vadd.f32 $-3.935357930e-01, v15;
	v14 =	vmul.f32 $1.066847290e-01, v2;
	v15 =	vmul.f32 $1.066847290e-01, v19;
	v23 =	vpop (erf)  }
0x134: {  	v4 =	vmax.f32 v4, $0.0e+00;
	v25 =	vmul.f32 $1.066847290e-01, v17;
	v24 =	vmul.f32 $1.066847290e-01, v23;
	v27 =	vpop (erf)  }
0x135: {  	v6 =	vmul.f32 v6, v5;
	v14 =	vadd.f32 $-3.935357930e-01, v14;
	v28 =	vmul.f32 $1.066847290e-01, v27;
	v29 =	vpop (erf)  }
0x136: {  	v25 =	vadd.f32 $-3.935357930e-01, v25;
	v15 =	vadd.f32 $-3.935357930e-01, v15;
	v30 =	vmul.f32 $1.066847290e-01, v29  }
0x137: {  	v6 =	vadd.f32 $9.797534340e-01, v6;
	v14 =	vmul.f32 v14, v2;
	v28 =	vadd.f32 $-3.935357930e-01, v28;
	v31 =	vpop (erf)  }
0x138: {  	v24 =	vadd.f32 $-3.935357930e-01, v24;
	v30 =	vadd.f32 $-3.935357930e-01, v30;
	v32 =	vmul.f32 $1.066847290e-01, v31  }
0x139: {  	s29 =	sshra.s32 s1, $0x2;
	v5 =	vmul.f32 v6, v5;
	v6 =	vadd.f32 $9.797534340e-01, v14;
	v14 =	vmul.f32 v28, v27  }
0x13a: {  	v33 =	vmul.f32 v15, v19;
	v28 =	vld [tilespmem:s29+$0x70];
	v30 =	vmul.f32 v30, v29;
	v32 =	vadd.f32 $-3.935357930e-01, v32  }
0x13b: {  	v34 =	vld [tilespmem:s29+$0x60];
	v15 =	vadd.f32 $9.250321310e-04, v5;
	v2 =	vmul.f32 v6, v2;
	v6 =	vadd.f32 $9.797534340e-01, v14  }
0x13c: {  	v25 =	vmul.f32 v25, v17;
	v35 =	vld [tilespmem:s29+$0x50];
	v14 =	vadd.f32 $9.797534340e-01, v30;
	v30 =	vmul.f32 v32, v31  }
0x13d: {  	v5 =	vld [tilespmem:s29+$0x40];
	v15 =	vadd.f32 v15, v4;
	v2 =	vadd.f32 $9.250321310e-04, v2;
	v27 =	vmul.f32 v6, v27  }
0x13e: {  	v24 =	vmul.f32 v24, v23;
	v6 =	vld [tilespmem:s29+$0x30];
	v14 =	vmul.f32 v14, v29;
	v29 =	vadd.f32 $9.797534340e-01, v30  }
0x13f: {  	v4 =	vld [tilespmem:s29+$0x20];
	v15 =	vnsel vm8, $0x0, v15;
	v30 =	vadd.f32 v2, v3;
	v27 =	vadd.f32 $9.250321310e-04, v27  }
0x140: {  	v24 =	vadd.f32 $9.797534340e-01, v24;
	v3 =	vld [tilespmem:s29+$0x10];
	v1 =	vadd.f32 v15, v1;
	v15 =	vmul.f32 v29, v31  }
0x141: {  	s0 =	sadd.s32 $0x100, s0;
	v2 =	vld [tilespmem:s29+$0x0];
	v29 =	vnsel vm6, $0x0, v30;
	v27 =	vadd.f32 v27, v12;
	v30 =	vadd.f32 $9.250321310e-04, v14  }
0x142: {  	v23 =	vmul.f32 v24, v23;
	v24 =	vadd.f32 $9.797534340e-01, v25;
	v12 =	vld [tilespmem:s0+$0xFFFFFFF0];
	v1 =	vadd.f32 v29, v1  }
0x143: {  	v14 =	vld [tilespmem:s0+$0x70];
	v25 =	vnsel vm5, $0x0, v27;
	v22 =	vadd.f32 v30, v22;
	v27 =	vadd.f32 $9.250321310e-04, v15  }
0x144: {  	v24 =	vmul.f32 v24, v17;
	v15 =	vld [tilespmem:s0+$0xFFFFFFE0];
	v1 =	vadd.f32 v25, v1;
	v25 =	vadd.f32 $9.797534340e-01, v33  }
0x145: {  	v23 =	vadd.f32 $9.250321310e-04, v23;
	v17 =	vld [tilespmem:s0+$0x60];
	v22 =	vnsel vm4, $0x0, v22;
	v27 =	vadd.f32 v27, v18  }
0x146: {  	v18 =	vld [tilespmem:s0+$0xFFFFFFD0];
	v1 =	vadd.f32 v22, v1;
	v22 =	vadd.f32 $9.250321310e-04, v24;
	v24 =	vmul.f32 v25, v19  }
0x147: {  	v0 =	vadd.s32 v0, v26;
	v23 =	vadd.f32 v23, v20;
	v19 =	vld [tilespmem:s0+$0x50];
	v25 =	vnsel vm3, $0x0, v27  }
0x148: {  	v0 =	vadd.s32 v16, v0;
	v20 =	vld [tilespmem:s0+$0xFFFFFFC0];
	v1 =	vadd.f32 v25, v1;
	v24 =	vadd.f32 $9.250321310e-04, v24  }
0x149: {  	v0 =	vadd.s32 v11, v0;
	v23 =	vnsel vm2, $0x0, v23;
	v21 =	vadd.f32 v22, v21;
	v16 =	vld [tilespmem:s0+$0x40]  }
0x14a: {  	v13 =	vmax.f32 v13, $0.0e+00;
	v0 =	vadd.s32 v10, v0;
	v11 =	vld [tilespmem:s0+$0xFFFFFFB0];
	v1 =	vadd.f32 v23, v1  }
0x14b: {  	v0 =	vadd.s32 v9, v0;
	v21 =	vnsel vm1, $0x0, v21;
	v13 =	vadd.f32 v24, v13;
	v10 =	vld [tilespmem:s0+$0x30]  }
0x14c: {  	v0 =	vadd.s32 v8, v0;
	v9 =	vld [tilespmem:s0+$0xFFFFFFA0];
	v1 =	vadd.f32 v21, v1;
	v21 =	vmpcnt.ones.xlane vm0  }
.Ltmp2:
0x14d: {  	v0 =	vadd.s32 v7, v0;
	v13 =	vnsel vm0, $0x0, v13;
	v8 =	vld [tilespmem:s0+$0x20];
	(pc) =	sbr.rel @p0 .LBB2_6-.Ltmp2, $4  }
0x14e: {  	v7 =	vld [tilespmem:s0+$0xFFFFFF90];
	v1 =	vadd.f32 v13, v1;
	v0 =	vadd.s32 v21, v0  }
0x14f: {  	vm2 =	vne.s32 v35, $0x0;
	vm1 =	vne.s32 v34, $0x0;
	vm0 =	vne.s32 v28, $0x0;
	v13 =	vld [tilespmem:s0+$0x10]  }
0x150: {  	vm9 =	veq.s32 v28, $0x1;
	vm7 =	veq.s32 v34, $0x1;
	vm3 =	vne.s32 v5, $0x0;
	v21 =	vld [tilespmem:s0+$0xFFFFFF80]  }
0x151: {  	s1 =	sadd.s32 $0x200, s1;
	vm10 =	veq.s32 v35, $0x1;
	vm5 =	vne.s32 v4, $0x0;
	vm4 =	vne.s32 v6, $0x0;
	v22 =	vld [tilespmem:s0+$0x0]  }
0x152: {  	_ = 	snop  }
0x153: {  	v12 =	vsub.f32 v12, v14;
	v14 =	vsub.f32 v18, v19  }
0x154: {  	v15 =	vsub.f32 v15, v17;
	v10 =	vsub.f32 v11, v10  }
0x155: {  	v11 =	vsub.f32 v20, v16;
	v16 =	vsub.f32 v9, v8  }
0x156: {  	v13 =	vsub.f32 v7, v13;
	v17 =	vsub.f32 v21, v22  }
0x157: {  	v18 =	vsub.f32 $0.0e+00, v15;
	v19 =	vsub.f32 $0.0e+00, v12  }
0x158: {  	v23 =	vsub.f32 $0.0e+00, v11;
	v20 =	vsub.f32 $0.0e+00, v17  }
0x159: {  	v25 =	vsub.f32 $0.0e+00, v16;
	v21 =	vsub.f32 $0.0e+00, v14;
	v7 =	vmin.f32 v12, v19  }
0x15a: {  	v24 =	vsub.f32 $0.0e+00, v13;
	v7 =	vmul.f32 $1.442695020e+00, v7;
	v8 =	vmin.f32 v17, v20  }
0x15b: {  	v22 =	vsub.f32 $0.0e+00, v10;
	v9 =	vmin.f32 v15, v18;
	v8 =	vmul.f32 $1.442695020e+00, v8  }
0x15c: {  	v9 =	vmul.f32 $1.442695020e+00, v9;
	v26 =	vmin.f32 v13, v24;
	(erf) = vpow2.f32 v7  }
0x15d: {  	v55 =	vmin.f32 v14, v21;
	v7 =	vmul.f32 $1.442695020e+00, v26;
	(erf) = vpow2.f32 v8  }
0x15e: {  	v26 =	vmul.f32 $1.442695020e+00, v55;
	v8 =	vmin.f32 v16, v25;
	(erf) = vpow2.f32 v9  }
0x15f: {  	v8 =	vmul.f32 $1.442695020e+00, v8;
	v9 =	vmin.f32 v10, v22;
	(erf) = vpow2.f32 v7  }
0x160: {  	v7 =	vmul.f32 $1.442695020e+00, v9;
	v9 =	vmin.f32 v11, v23;
	(erf) = vpow2.f32 v26  }
0x161: {  	vm6 =	vne.s32 v3, $0x0;
	v9 =	vmul.f32 $1.442695020e+00, v9;
	(erf) = vpow2.f32 v8  }
0x162: {  	vm11 =	veq.s32 v5, $0x1;
	vm12 =	veq.s32 v6, $0x1;
	(erf) = vpow2.f32 v7  }
0x163: {  	vm8 =	vne.s32 v2, $0x0;
	vm13 =	veq.s32 v4, $0x1;
	(erf) = vpow2.f32 v9  }
0x164: {  	v56 =	vmpcnt.ones.xlane vm4;
	vm14 =	veq.s32 v3, $0x1;
	v29 =	vmpcnt.ones.xlane vm8  }
0x165: {  	v27 =	vmpcnt.ones.xlane vm5;
	vm15 =	veq.s32 v2, $0x1;
	v31 =	vmpcnt.ones.xlane vm6;
	v28 =	vpop (erf)  }
0x166: {  	v0 =	vadd.s32 v0, v29;
	v30 =	vsel vm9, v12, v19;
	v4 =	vsel vm7, v15, v18;
	v2 =	vpop (erf)  }
0x167: {  	v5 =	vsel vm13, v16, v25;
	v0 =	vadd.s32 v31, v0;
	v3 =	vsel vm10, v14, v21;
	v15 =	vpop (erf)  }
0x168: {  	s0 =	simm.s32 $0x0;
	v18 =	vmax.f32 v5, $0.0e+00;
	v6 =	vsel vm12, v10, v22;
	v10 =	vsel vm11, v11, v23;
	v11 =	vpop (erf)  }
0x169: {  	[tilespmem:s0], [sflag:$0x1] =	stream.linear.gather [hbm4b:s11+s0], $0x2000, $0x38;
	v0 =	vadd.s32 v27, v0;
	v13 =	vsel vm14, v13, v24;
	v21 =	vmax.f32 v4, $0.0e+00;
	v16 =	vpop (erf);
	[tilespmem:$0xC080] =	vst v63  }
0x16a: {  	v19 =	vmax.f32 v3, $0.0e+00;
	v12 =	vsel vm15, v17, v20;
	v14 =	vmul.f32 $1.066847290e-01, v2;
	v3 =	vpop (erf)  }
0x16b: {  	[tilespmem:s21], [sflag:$0x3] =	stream.linear.gather [hbm4b:s12+s0], $0x4000, $0x38;
	v0 =	vadd.s32 v56, v0;
	v4 =	vmax.f32 v13, $0.0e+00;
	v12 =	vmax.f32 v12, $0.0e+00;
	v17 =	vpop (erf);
	[tilespmem:$0xC080] =	vst v63  }
0x16c: {  	v8 =	vmpcnt.ones.xlane vm2;
	v13 =	vadd.f32 $-3.935357930e-01, v14;
	v14 =	vmul.f32 $1.066847290e-01, v11;
	v22 =	vpop (erf)  }
0x16d: {  	v23 =	vmax.f32 v6, $0.0e+00;
	v9 =	vmpcnt.ones.xlane vm3;
	v5 =	vmul.f32 $1.066847290e-01, v28;
	_ =	swait.ge [sflag:s26], $0x2000  }
0x16e: {  	v6 =	vmul.f32 $1.066847290e-01, v15;
	v20 =	vmul.f32 $1.066847290e-01, v16;
	v14 =	vadd.f32 $-3.935357930e-01, v14;
	[sflag:s26] =	ssyncset.done $0x0  }
0x16f: {  	v5 =	vadd.f32 $-3.935357930e-01, v5;
	v13 =	vmul.f32 v13, v2;
	v57 =	vmul.f32 $1.066847290e-01, v3;
	[sflag:s26] =	ssyncadd.s32 $0xFFFFE000  }
0x170: {  	v0 =	vadd.s32 v9, v0;
	v58 =	vmul.f32 $1.066847290e-01, v17;
	v14 =	vmul.f32 v14, v11;
	_ =	swait.ge [sflag:s28], $0x4000  }
0x171: {  	v13 =	vadd.f32 $9.797534340e-01, v13;
	v24 =	vadd.f32 $-3.935357930e-01, v57;
	v32 =	vmul.f32 $1.066847290e-01, v22;
	[sflag:s28] =	ssyncset.done $0x0  }
0x172: {  	s1 =	simm.s32 $0x0;
	v33 =	vmul.f32 v5, v28;
	v25 =	vadd.f32 $-3.935357930e-01, v58;
	v14 =	vadd.f32 $9.797534340e-01, v14;
	[sflag:s28] =	ssyncadd.s32 $0xFFFFC000  }
0x173: {  	v2 =	vmul.f32 v13, v2;
	v13 =	vadd.f32 $-3.935357930e-01, v20;
	v20 =	vmul.f32 v24, v3;
	v61 =	vld [tilespmem:s1+$0x2070]  }
0x174: {  	v6 =	vadd.f32 $-3.935357930e-01, v6;
	v60 =	vadd.f32 $-3.935357930e-01, v32;
	v5 =	vmul.f32 v14, v11;
	v34 =	vld [tilespmem:s1+$0x2060]  }
0x175: {  	v59 =	vmul.f32 v25, v17;
	v2 =	vadd.f32 $9.250321310e-04, v2;
	v11 =	vadd.f32 $9.797534340e-01, v20;
	v62 =	vld [tilespmem:s1+$0x2050]  }
0x176: {  	v20 =	vmul.f32 v60, v22;
	v13 =	vmul.f32 v13, v16;
	v63 =	vadd.f32 $9.250321310e-04, v5;
	v5 =	vld [tilespmem:s1+$0x2040]  }
0x177: {  	s0 =	simm.s32 $0x8080;
	v14 =	vadd.f32 $9.797534340e-01, v59;
	v2 =	vadd.f32 v2, v12;
	v12 =	vmul.f32 v6, v15;
	v6 =	vld [tilespmem:s1+$0x2030]  }
0x178: {  	v0 =	vadd.s32 v8, v0;
	v3 =	vmul.f32 v11, v3;
	v13 =	vadd.f32 $9.797534340e-01, v13;
	v8 =	vld [tilespmem:s0+$0x20]  }
0x179: {  	v11 =	vmul.f32 v14, v17;
	v14 =	vadd.f32 $9.797534340e-01, v20;
	v17 =	vadd.f32 v63, v4;
	v4 =	vld [tilespmem:s1+$0x2020]  }
0x17a: {  	v2 =	vnsel vm8, $0x0, v2;
	v20 =	vadd.f32 $9.250321310e-04, v3;
	v3 =	vld [tilespmem:s1+$0x2010];
	v13 =	vmul.f32 v13, v16  }
0x17b: {  	v16 =	vadd.f32 $9.797534340e-01, v12;
	v12 =	vld [tilespmem:s0+$0xFFFFFFF0];
	v1 =	vadd.f32 v2, v1;
	v14 =	vmul.f32 v14, v22  }
0x17c: {  	v11 =	vadd.f32 $9.250321310e-04, v11;
	v2 =	vld [tilespmem:s1+$0x2000];
	v17 =	vnsel vm6, $0x0, v17;
	v18 =	vadd.f32 v20, v18  }
0x17d: {  	v22 =	vld [tilespmem:s0+$0x0];
	v16 =	vmul.f32 v16, v15;
	v13 =	vadd.f32 $9.250321310e-04, v13;
	v1 =	vadd.f32 v17, v1  }
0x17e: {  	v15 =	vld [tilespmem:s0+$0xFFFFFFE0];
	v11 =	vadd.f32 v11, v23;
	v17 =	vnsel vm5, $0x0, v18;
	v18 =	vadd.f32 $9.250321310e-04, v14  }
0x17f: {  	v10 =	vmax.f32 v10, $0.0e+00;
	v20 =	vadd.f32 $9.797534340e-01, v33;
	v14 =	vld [tilespmem:s0+$0x70];
	v1 =	vadd.f32 v17, v1  }
0x180: {  	v13 =	vadd.f32 v13, v19;
	v19 =	vld [tilespmem:s0+$0x50];
	v11 =	vnsel vm4, $0x0, v11;
	v10 =	vadd.f32 v18, v10  }
0x181: {  	v7 =	vmpcnt.ones.xlane vm1;
	v17 =	vld [tilespmem:s0+$0x60];
	v1 =	vadd.f32 v11, v1  }
0x182: {  	v18 =	vld [tilespmem:s0+$0xFFFFFFD0];
	v11 =	vadd.f32 $9.250321310e-04, v16;
	v16 =	vmul.f32 v20, v28;
	v10 =	vnsel vm3, $0x0, v10  }
0x183: {  	v0 =	vadd.s32 v7, v0;
	v20 =	vld [tilespmem:s0+$0xFFFFFFC0];
	v1 =	vadd.f32 v10, v1  }
0x184: {  	v13 =	vnsel vm2, $0x0, v13;
	v10 =	vadd.f32 $9.250321310e-04, v16;
	v21 =	vadd.f32 v11, v21;
	v16 =	vld [tilespmem:s0+$0x40]  }
0x185: {  	vm7 =	veq.s32 v34, $0x1;
	v11 =	vld [tilespmem:s0+$0xFFFFFFB0];
	v1 =	vadd.f32 v13, v1;
	v13 =	vmax.f32 v30, $0.0e+00  }
0x186: {  	vm9 =	veq.s32 v61, $0x1;
	v9 =	vnsel vm1, $0x0, v21;
	v13 =	vadd.f32 v10, v13;
	v10 =	vld [tilespmem:s0+$0x30]  }
0x187: {  	vm10 =	veq.s32 v62, $0x1;
	vm5 =	vne.s32 v4, $0x0;
	v1 =	vadd.f32 v9, v1;
	v9 =	vld [tilespmem:s0+$0xFFFFFFA0]  }
0x188: {  	vm4 =	vne.s32 v6, $0x0;
	v21 =	vmpcnt.ones.xlane vm0;
	v7 =	vnsel vm0, $0x0, v13;
	v13 =	vld [tilespmem:s0+$0x10]  }
0x189: {  	vm2 =	vne.s32 v62, $0x0;
	vm3 =	vne.s32 v5, $0x0;
	v1 =	vadd.f32 v7, v1;
	v7 =	vld [tilespmem:s0+$0xFFFFFF90]  }
0x18a: {  	s1 =	simm.s32 $0x200;
	vm1 =	vne.s32 v34, $0x0;
	v0 =	vadd.s32 v21, v0;
	v21 =	vld [tilespmem:s0+$0xFFFFFF80];
	vm0 =	vne.s32 v61, $0x0  }
.LBB2_8:
0x18b: {  	p0 =	sne.s32 s1, $0x7E00;
	vm6 =	vne.s32 v3, $0x0;
	vm11 =	veq.s32 v5, $0x1;
	v5 =	vsub.f32 v12, v14  }
0x18c: {  	vm12 =	veq.s32 v6, $0x1;
	v6 =	vsub.f32 v18, v19;
	v12 =	vsub.f32 v15, v17  }
0x18d: {  	vm8 =	vne.s32 v2, $0x0;
	v14 =	vsub.f32 v11, v10;
	v15 =	vsub.f32 v20, v16  }
0x18e: {  	v18 =	vsub.f32 v9, v8;
	vm13 =	veq.s32 v4, $0x1;
	v17 =	vsub.f32 v7, v13  }
0x18f: {  	v8 =	vmpcnt.ones.xlane vm2;
	v7 =	vmpcnt.ones.xlane vm1;
	v4 =	vsub.f32 v21, v22  }
0x190: {  	v9 =	vmpcnt.ones.xlane vm3;
	v19 =	vsub.f32 $0.0e+00, v12;
	v13 =	vsub.f32 $0.0e+00, v5  }
0x191: {  	v10 =	vmpcnt.ones.xlane vm4;
	v21 =	vsub.f32 $0.0e+00, v6;
	v20 =	vsub.f32 $0.0e+00, v4  }
0x192: {  	v23 =	vsub.f32 $0.0e+00, v15;
	v22 =	vsub.f32 $0.0e+00, v14;
	v11 =	vmin.f32 v5, v13  }
0x193: {  	v24 =	vsub.f32 $0.0e+00, v17;
	v11 =	vmul.f32 $1.442695020e+00, v11;
	v16 =	vmin.f32 v4, v20  }
0x194: {  	v25 =	vsub.f32 $0.0e+00, v18;
	v26 =	vmin.f32 v12, v19;
	v16 =	vmul.f32 $1.442695020e+00, v16  }
0x195: {  	v26 =	vmul.f32 $1.442695020e+00, v26;
	v27 =	vmin.f32 v17, v24;
	(erf) = vpow2.f32 v11  }
0x196: {  	v11 =	vmul.f32 $1.442695020e+00, v27;
	v27 =	vmin.f32 v6, v21;
	(erf) = vpow2.f32 v16  }
0x197: {  	v16 =	vmin.f32 v18, v25;
	v27 =	vmul.f32 $1.442695020e+00, v27;
	(erf) = vpow2.f32 v26  }
0x198: {  	v16 =	vmul.f32 $1.442695020e+00, v16;
	v26 =	vmin.f32 v14, v22;
	(erf) = vpow2.f32 v11  }
0x199: {  	vm14 =	veq.s32 v3, $0x1;
	v3 =	vmul.f32 $1.442695020e+00, v26;
	(erf) = vpow2.f32 v27  }
0x19a: {  	v11 =	vmpcnt.ones.xlane vm5;
	v26 =	vmin.f32 v15, v23;
	(erf) = vpow2.f32 v16  }
0x19b: {  	vm15 =	veq.s32 v2, $0x1;
	v2 =	vmul.f32 $1.442695020e+00, v26;
	(erf) = vpow2.f32 v3  }
0x19c: {  	v13 =	vsel vm9, v5, v13;
	v26 =	vmpcnt.ones.xlane vm8;
	v16 =	vmpcnt.ones.xlane vm6  }
0x19d: {  	v27 =	vsel vm7, v12, v19;
	v3 =	vsel vm10, v6, v21;
	(erf) = vpow2.f32 v2  }
0x19e: {  	v12 =	vsel vm11, v15, v23;
	v6 =	vsel vm12, v14, v22;
	v2 =	vsel vm13, v18, v25;
	v19 =	vpop (erf)  }
0x19f: {  	v4 =	vsel vm15, v4, v20;
	v14 =	vsel vm14, v17, v24;
	v21 =	vmax.f32 v27, $0.0e+00;
	v5 =	vpop (erf)  }
0x1a0: {  	v20 =	vmax.f32 v3, $0.0e+00;
	v18 =	vmax.f32 v12, $0.0e+00;
	v15 =	vmul.f32 $1.066847290e-01, v5;
	v17 =	vpop (erf)  }
0x1a1: {  	v3 =	vmax.f32 v14, $0.0e+00;
	v22 =	vmax.f32 v6, $0.0e+00;
	v12 =	vmax.f32 v2, $0.0e+00;
	v2 =	vpop (erf)  }
0x1a2: {  	v6 =	vadd.f32 $-3.935357930e-01, v15;
	v14 =	vmul.f32 $1.066847290e-01, v2;
	v15 =	vmul.f32 $1.066847290e-01, v19;
	v23 =	vpop (erf)  }
0x1a3: {  	v4 =	vmax.f32 v4, $0.0e+00;
	v25 =	vmul.f32 $1.066847290e-01, v17;
	v24 =	vmul.f32 $1.066847290e-01, v23;
	v27 =	vpop (erf)  }
0x1a4: {  	v6 =	vmul.f32 v6, v5;
	v14 =	vadd.f32 $-3.935357930e-01, v14;
	v28 =	vmul.f32 $1.066847290e-01, v27;
	v29 =	vpop (erf)  }
0x1a5: {  	v25 =	vadd.f32 $-3.935357930e-01, v25;
	v15 =	vadd.f32 $-3.935357930e-01, v15;
	v30 =	vmul.f32 $1.066847290e-01, v29  }
0x1a6: {  	v6 =	vadd.f32 $9.797534340e-01, v6;
	v14 =	vmul.f32 v14, v2;
	v28 =	vadd.f32 $-3.935357930e-01, v28;
	v31 =	vpop (erf)  }
0x1a7: {  	v24 =	vadd.f32 $-3.935357930e-01, v24;
	v30 =	vadd.f32 $-3.935357930e-01, v30;
	v32 =	vmul.f32 $1.066847290e-01, v31  }
0x1a8: {  	s29 =	sshra.s32 s1, $0x2;
	v5 =	vmul.f32 v6, v5;
	v6 =	vadd.f32 $9.797534340e-01, v14;
	v14 =	vmul.f32 v28, v27  }
0x1a9: {  	v33 =	vmul.f32 v15, v19;
	v28 =	vld [tilespmem:s29+$0x2070];
	v30 =	vmul.f32 v30, v29;
	v32 =	vadd.f32 $-3.935357930e-01, v32  }
0x1aa: {  	v34 =	vld [tilespmem:s29+$0x2060];
	v15 =	vadd.f32 $9.250321310e-04, v5;
	v2 =	vmul.f32 v6, v2;
	v6 =	vadd.f32 $9.797534340e-01, v14  }
0x1ab: {  	v25 =	vmul.f32 v25, v17;
	v35 =	vld [tilespmem:s29+$0x2050];
	v14 =	vadd.f32 $9.797534340e-01, v30;
	v30 =	vmul.f32 v32, v31  }
0x1ac: {  	v5 =	vld [tilespmem:s29+$0x2040];
	v15 =	vadd.f32 v15, v4;
	v2 =	vadd.f32 $9.250321310e-04, v2;
	v27 =	vmul.f32 v6, v27  }
0x1ad: {  	v24 =	vmul.f32 v24, v23;
	v6 =	vld [tilespmem:s29+$0x2030];
	v14 =	vmul.f32 v14, v29;
	v29 =	vadd.f32 $9.797534340e-01, v30  }
0x1ae: {  	v4 =	vld [tilespmem:s29+$0x2020];
	v15 =	vnsel vm8, $0x0, v15;
	v30 =	vadd.f32 v2, v3;
	v27 =	vadd.f32 $9.250321310e-04, v27  }
0x1af: {  	v24 =	vadd.f32 $9.797534340e-01, v24;
	v3 =	vld [tilespmem:s29+$0x2010];
	v1 =	vadd.f32 v15, v1;
	v15 =	vmul.f32 v29, v31  }
0x1b0: {  	s0 =	sadd.s32 $0x100, s0;
	v2 =	vld [tilespmem:s29+$0x2000];
	v29 =	vnsel vm6, $0x0, v30;
	v27 =	vadd.f32 v27, v12;
	v30 =	vadd.f32 $9.250321310e-04, v14  }
0x1b1: {  	v23 =	vmul.f32 v24, v23;
	v24 =	vadd.f32 $9.797534340e-01, v25;
	v12 =	vld [tilespmem:s0+$0xFFFFFFF0];
	v1 =	vadd.f32 v29, v1  }
0x1b2: {  	v14 =	vld [tilespmem:s0+$0x70];
	v25 =	vnsel vm5, $0x0, v27;
	v22 =	vadd.f32 v30, v22;
	v27 =	vadd.f32 $9.250321310e-04, v15  }
0x1b3: {  	v24 =	vmul.f32 v24, v17;
	v15 =	vld [tilespmem:s0+$0xFFFFFFE0];
	v1 =	vadd.f32 v25, v1;
	v25 =	vadd.f32 $9.797534340e-01, v33  }
0x1b4: {  	v23 =	vadd.f32 $9.250321310e-04, v23;
	v17 =	vld [tilespmem:s0+$0x60];
	v22 =	vnsel vm4, $0x0, v22;
	v27 =	vadd.f32 v27, v18  }
0x1b5: {  	v18 =	vld [tilespmem:s0+$0xFFFFFFD0];
	v1 =	vadd.f32 v22, v1;
	v22 =	vadd.f32 $9.250321310e-04, v24;
	v24 =	vmul.f32 v25, v19  }
0x1b6: {  	v0 =	vadd.s32 v0, v26;
	v23 =	vadd.f32 v23, v20;
	v19 =	vld [tilespmem:s0+$0x50];
	v25 =	vnsel vm3, $0x0, v27  }
0x1b7: {  	v0 =	vadd.s32 v16, v0;
	v20 =	vld [tilespmem:s0+$0xFFFFFFC0];
	v1 =	vadd.f32 v25, v1;
	v24 =	vadd.f32 $9.250321310e-04, v24  }
0x1b8: {  	v0 =	vadd.s32 v11, v0;
	v23 =	vnsel vm2, $0x0, v23;
	v21 =	vadd.f32 v22, v21;
	v16 =	vld [tilespmem:s0+$0x40]  }
0x1b9: {  	v13 =	vmax.f32 v13, $0.0e+00;
	v0 =	vadd.s32 v10, v0;
	v11 =	vld [tilespmem:s0+$0xFFFFFFB0];
	v1 =	vadd.f32 v23, v1  }
0x1ba: {  	v0 =	vadd.s32 v9, v0;
	v21 =	vnsel vm1, $0x0, v21;
	v13 =	vadd.f32 v24, v13;
	v10 =	vld [tilespmem:s0+$0x30]  }
0x1bb: {  	v0 =	vadd.s32 v8, v0;
	v9 =	vld [tilespmem:s0+$0xFFFFFFA0];
	v1 =	vadd.f32 v21, v1;
	v21 =	vmpcnt.ones.xlane vm0  }
.Ltmp3:
0x1bc: {  	v0 =	vadd.s32 v7, v0;
	v13 =	vnsel vm0, $0x0, v13;
	v8 =	vld [tilespmem:s0+$0x20];
	(pc) =	sbr.rel @p0 .LBB2_8-.Ltmp3, $4  }
0x1bd: {  	v7 =	vld [tilespmem:s0+$0xFFFFFF90];
	v1 =	vadd.f32 v13, v1;
	v0 =	vadd.s32 v21, v0  }
0x1be: {  	vm2 =	vne.s32 v35, $0x0;
	vm1 =	vne.s32 v34, $0x0;
	vm0 =	vne.s32 v28, $0x0;
	v13 =	vld [tilespmem:s0+$0x10]  }
0x1bf: {  	vm9 =	veq.s32 v28, $0x1;
	vm7 =	veq.s32 v34, $0x1;
	vm3 =	vne.s32 v5, $0x0;
	v21 =	vld [tilespmem:s0+$0xFFFFFF80]  }
0x1c0: {  	s1 =	sadd.s32 $0x200, s1;
	vm10 =	veq.s32 v35, $0x1;
	vm5 =	vne.s32 v4, $0x0;
	vm4 =	vne.s32 v6, $0x0;
	v22 =	vld [tilespmem:s0+$0x0]  }
0x1c1: {  	_ = 	snop  }
0x1c2: {  	v12 =	vsub.f32 v12, v14;
	v14 =	vsub.f32 v18, v19  }
0x1c3: {  	v15 =	vsub.f32 v15, v17;
	v10 =	vsub.f32 v11, v10  }
0x1c4: {  	v11 =	vsub.f32 v20, v16;
	v16 =	vsub.f32 v9, v8  }
0x1c5: {  	v13 =	vsub.f32 v7, v13;
	v17 =	vsub.f32 v21, v22  }
0x1c6: {  	v18 =	vsub.f32 $0.0e+00, v15;
	v19 =	vsub.f32 $0.0e+00, v12  }
0x1c7: {  	v23 =	vsub.f32 $0.0e+00, v11;
	v20 =	vsub.f32 $0.0e+00, v17  }
0x1c8: {  	v25 =	vsub.f32 $0.0e+00, v16;
	v21 =	vsub.f32 $0.0e+00, v14;
	v7 =	vmin.f32 v12, v19  }
0x1c9: {  	v24 =	vsub.f32 $0.0e+00, v13;
	v7 =	vmul.f32 $1.442695020e+00, v7;
	v8 =	vmin.f32 v17, v20  }
0x1ca: {  	v22 =	vsub.f32 $0.0e+00, v10;
	v9 =	vmin.f32 v15, v18;
	v8 =	vmul.f32 $1.442695020e+00, v8  }
0x1cb: {  	v9 =	vmul.f32 $1.442695020e+00, v9;
	v26 =	vmin.f32 v13, v24;
	(erf) = vpow2.f32 v7  }
0x1cc: {  	v55 =	vmin.f32 v14, v21;
	v7 =	vmul.f32 $1.442695020e+00, v26;
	(erf) = vpow2.f32 v8  }
0x1cd: {  	v26 =	vmul.f32 $1.442695020e+00, v55;
	v8 =	vmin.f32 v16, v25;
	(erf) = vpow2.f32 v9  }
0x1ce: {  	v8 =	vmul.f32 $1.442695020e+00, v8;
	v9 =	vmin.f32 v10, v22;
	(erf) = vpow2.f32 v7  }
0x1cf: {  	v7 =	vmul.f32 $1.442695020e+00, v9;
	v9 =	vmin.f32 v11, v23;
	(erf) = vpow2.f32 v26  }
0x1d0: {  	vm6 =	vne.s32 v3, $0x0;
	v9 =	vmul.f32 $1.442695020e+00, v9;
	(erf) = vpow2.f32 v8  }
0x1d1: {  	vm11 =	veq.s32 v5, $0x1;
	vm12 =	veq.s32 v6, $0x1;
	(erf) = vpow2.f32 v7  }
0x1d2: {  	vm8 =	vne.s32 v2, $0x0;
	vm13 =	veq.s32 v4, $0x1;
	(erf) = vpow2.f32 v9  }
0x1d3: {  	v56 =	vmpcnt.ones.xlane vm4;
	vm14 =	veq.s32 v3, $0x1;
	v29 =	vmpcnt.ones.xlane vm8  }
0x1d4: {  	v27 =	vmpcnt.ones.xlane vm5;
	vm15 =	veq.s32 v2, $0x1;
	v31 =	vmpcnt.ones.xlane vm6;
	v28 =	vpop (erf)  }
0x1d5: {  	v0 =	vadd.s32 v0, v29;
	v30 =	vsel vm9, v12, v19;
	v4 =	vsel vm7, v15, v18;
	v2 =	vpop (erf)  }
0x1d6: {  	v5 =	vsel vm13, v16, v25;
	v0 =	vadd.s32 v31, v0;
	v3 =	vsel vm10, v14, v21;
	v15 =	vpop (erf)  }
0x1d7: {  	s0 =	simm.s32 $0x0;
	v18 =	vmax.f32 v5, $0.0e+00;
	v6 =	vsel vm12, v10, v22;
	v10 =	vsel vm11, v11, v23;
	v11 =	vpop (erf)  }
0x1d8: {  	[tilespmem:s22], [sflag:$0x2] =	stream.linear.gather [hbm4b:s13+s0], $0x2000, $0x38;
	v0 =	vadd.s32 v27, v0;
	v13 =	vsel vm14, v13, v24;
	v21 =	vmax.f32 v4, $0.0e+00;
	v16 =	vpop (erf);
	[tilespmem:$0xC080] =	vst v63  }
0x1d9: {  	v19 =	vmax.f32 v3, $0.0e+00;
	v12 =	vsel vm15, v17, v20;
	v14 =	vmul.f32 $1.066847290e-01, v2;
	v3 =	vpop (erf)  }
0x1da: {  	[tilespmem:s23], [sflag:$0x4] =	stream.linear.gather [hbm4b:s14+s0], $0x4000, $0x38;
	v0 =	vadd.s32 v56, v0;
	v4 =	vmax.f32 v13, $0.0e+00;
	v12 =	vmax.f32 v12, $0.0e+00;
	v17 =	vpop (erf);
	[tilespmem:$0xC080] =	vst v63  }
0x1db: {  	v8 =	vmpcnt.ones.xlane vm2;
	v13 =	vadd.f32 $-3.935357930e-01, v14;
	v14 =	vmul.f32 $1.066847290e-01, v11;
	v22 =	vpop (erf)  }
0x1dc: {  	v23 =	vmax.f32 v6, $0.0e+00;
	v9 =	vmpcnt.ones.xlane vm3;
	v5 =	vmul.f32 $1.066847290e-01, v28;
	_ =	swait.ge [sflag:s24], $0x2000  }
0x1dd: {  	v6 =	vmul.f32 $1.066847290e-01, v15;
	v20 =	vmul.f32 $1.066847290e-01, v16;
	v14 =	vadd.f32 $-3.935357930e-01, v14;
	[sflag:s24] =	ssyncset.done $0x0  }
0x1de: {  	v5 =	vadd.f32 $-3.935357930e-01, v5;
	v13 =	vmul.f32 v13, v2;
	v57 =	vmul.f32 $1.066847290e-01, v3;
	[sflag:s24] =	ssyncadd.s32 $0xFFFFE000  }
0x1df: {  	v0 =	vadd.s32 v9, v0;
	v58 =	vmul.f32 $1.066847290e-01, v17;
	v14 =	vmul.f32 v14, v11;
	_ =	swait.ge [sflag:s25], $0x4000  }
0x1e0: {  	v13 =	vadd.f32 $9.797534340e-01, v13;
	v24 =	vadd.f32 $-3.935357930e-01, v57;
	v32 =	vmul.f32 $1.066847290e-01, v22;
	[sflag:s25] =	ssyncset.done $0x0  }
0x1e1: {  	s1 =	simm.s32 $0x0;
	v33 =	vmul.f32 v5, v28;
	v25 =	vadd.f32 $-3.935357930e-01, v58;
	v14 =	vadd.f32 $9.797534340e-01, v14;
	[sflag:s25] =	ssyncadd.s32 $0xFFFFC000  }
0x1e2: {  	v2 =	vmul.f32 v13, v2;
	v13 =	vadd.f32 $-3.935357930e-01, v20;
	v20 =	vmul.f32 v24, v3;
	v61 =	vld [tilespmem:s1+$0x70]  }
0x1e3: {  	v6 =	vadd.f32 $-3.935357930e-01, v6;
	v60 =	vadd.f32 $-3.935357930e-01, v32;
	v5 =	vmul.f32 v14, v11;
	v34 =	vld [tilespmem:s1+$0x60]  }
0x1e4: {  	v59 =	vmul.f32 v25, v17;
	v2 =	vadd.f32 $9.250321310e-04, v2;
	v11 =	vadd.f32 $9.797534340e-01, v20;
	v62 =	vld [tilespmem:s1+$0x50]  }
0x1e5: {  	v20 =	vmul.f32 v60, v22;
	v13 =	vmul.f32 v13, v16;
	v63 =	vadd.f32 $9.250321310e-04, v5;
	v5 =	vld [tilespmem:s1+$0x40]  }
0x1e6: {  	s0 =	simm.s32 $0x4080;
	v14 =	vadd.f32 $9.797534340e-01, v59;
	v2 =	vadd.f32 v2, v12;
	v12 =	vmul.f32 v6, v15;
	v6 =	vld [tilespmem:s1+$0x30]  }
0x1e7: {  	v0 =	vadd.s32 v8, v0;
	v3 =	vmul.f32 v11, v3;
	v13 =	vadd.f32 $9.797534340e-01, v13;
	v8 =	vld [tilespmem:s0+$0x20]  }
0x1e8: {  	v11 =	vmul.f32 v14, v17;
	v14 =	vadd.f32 $9.797534340e-01, v20;
	v17 =	vadd.f32 v63, v4;
	v4 =	vld [tilespmem:s1+$0x20]  }
0x1e9: {  	v2 =	vnsel vm8, $0x0, v2;
	v20 =	vadd.f32 $9.250321310e-04, v3;
	v3 =	vld [tilespmem:s1+$0x10];
	v13 =	vmul.f32 v13, v16  }
0x1ea: {  	v16 =	vadd.f32 $9.797534340e-01, v12;
	v12 =	vld [tilespmem:s0+$0xFFFFFFF0];
	v1 =	vadd.f32 v2, v1;
	v14 =	vmul.f32 v14, v22  }
0x1eb: {  	v11 =	vadd.f32 $9.250321310e-04, v11;
	v2 =	vld [tilespmem:s1+$0x0];
	v17 =	vnsel vm6, $0x0, v17;
	v18 =	vadd.f32 v20, v18  }
0x1ec: {  	v22 =	vld [tilespmem:s0+$0x0];
	v16 =	vmul.f32 v16, v15;
	v13 =	vadd.f32 $9.250321310e-04, v13;
	v1 =	vadd.f32 v17, v1  }
0x1ed: {  	v15 =	vld [tilespmem:s0+$0xFFFFFFE0];
	v11 =	vadd.f32 v11, v23;
	v17 =	vnsel vm5, $0x0, v18;
	v18 =	vadd.f32 $9.250321310e-04, v14  }
0x1ee: {  	v10 =	vmax.f32 v10, $0.0e+00;
	v20 =	vadd.f32 $9.797534340e-01, v33;
	v14 =	vld [tilespmem:s0+$0x70];
	v1 =	vadd.f32 v17, v1  }
0x1ef: {  	v13 =	vadd.f32 v13, v19;
	v19 =	vld [tilespmem:s0+$0x50];
	v11 =	vnsel vm4, $0x0, v11;
	v10 =	vadd.f32 v18, v10  }
0x1f0: {  	v7 =	vmpcnt.ones.xlane vm1;
	v17 =	vld [tilespmem:s0+$0x60];
	v1 =	vadd.f32 v11, v1  }
0x1f1: {  	v18 =	vld [tilespmem:s0+$0xFFFFFFD0];
	v11 =	vadd.f32 $9.250321310e-04, v16;
	v16 =	vmul.f32 v20, v28;
	v10 =	vnsel vm3, $0x0, v10  }
0x1f2: {  	v0 =	vadd.s32 v7, v0;
	v20 =	vld [tilespmem:s0+$0xFFFFFFC0];
	v1 =	vadd.f32 v10, v1  }
0x1f3: {  	v13 =	vnsel vm2, $0x0, v13;
	v10 =	vadd.f32 $9.250321310e-04, v16;
	v21 =	vadd.f32 v11, v21;
	v16 =	vld [tilespmem:s0+$0x40]  }
0x1f4: {  	vm7 =	veq.s32 v34, $0x1;
	v11 =	vld [tilespmem:s0+$0xFFFFFFB0];
	v1 =	vadd.f32 v13, v1;
	v13 =	vmax.f32 v30, $0.0e+00  }
0x1f5: {  	vm9 =	veq.s32 v61, $0x1;
	v9 =	vnsel vm1, $0x0, v21;
	v13 =	vadd.f32 v10, v13;
	v10 =	vld [tilespmem:s0+$0x30]  }
0x1f6: {  	vm10 =	veq.s32 v62, $0x1;
	vm5 =	vne.s32 v4, $0x0;
	v1 =	vadd.f32 v9, v1;
	v9 =	vld [tilespmem:s0+$0xFFFFFFA0]  }
0x1f7: {  	vm4 =	vne.s32 v6, $0x0;
	v21 =	vmpcnt.ones.xlane vm0;
	v7 =	vnsel vm0, $0x0, v13;
	v13 =	vld [tilespmem:s0+$0x10]  }
0x1f8: {  	vm2 =	vne.s32 v62, $0x0;
	vm3 =	vne.s32 v5, $0x0;
	v1 =	vadd.f32 v7, v1;
	v7 =	vld [tilespmem:s0+$0xFFFFFF90]  }
0x1f9: {  	s1 =	simm.s32 $0x200;
	vm1 =	vne.s32 v34, $0x0;
	v0 =	vadd.s32 v21, v0;
	v21 =	vld [tilespmem:s0+$0xFFFFFF80];
	vm0 =	vne.s32 v61, $0x0  }
.LBB2_10:
0x1fa: {  	p0 =	sne.s32 s1, $0x7E00;
	vm6 =	vne.s32 v3, $0x0;
	vm11 =	veq.s32 v5, $0x1;
	v5 =	vsub.f32 v12, v14  }
0x1fb: {  	vm12 =	veq.s32 v6, $0x1;
	v6 =	vsub.f32 v18, v19;
	v12 =	vsub.f32 v15, v17  }
0x1fc: {  	vm8 =	vne.s32 v2, $0x0;
	v14 =	vsub.f32 v11, v10;
	v15 =	vsub.f32 v20, v16  }
0x1fd: {  	v18 =	vsub.f32 v9, v8;
	vm13 =	veq.s32 v4, $0x1;
	v17 =	vsub.f32 v7, v13  }
0x1fe: {  	v8 =	vmpcnt.ones.xlane vm2;
	v7 =	vmpcnt.ones.xlane vm1;
	v4 =	vsub.f32 v21, v22  }
0x1ff: {  	v9 =	vmpcnt.ones.xlane vm3;
	v19 =	vsub.f32 $0.0e+00, v12;
	v13 =	vsub.f32 $0.0e+00, v5  }
0x200: {  	v10 =	vmpcnt.ones.xlane vm4;
	v21 =	vsub.f32 $0.0e+00, v6;
	v20 =	vsub.f32 $0.0e+00, v4  }
0x201: {  	v23 =	vsub.f32 $0.0e+00, v15;
	v22 =	vsub.f32 $0.0e+00, v14;
	v11 =	vmin.f32 v5, v13  }
0x202: {  	v24 =	vsub.f32 $0.0e+00, v17;
	v11 =	vmul.f32 $1.442695020e+00, v11;
	v16 =	vmin.f32 v4, v20  }
0x203: {  	v25 =	vsub.f32 $0.0e+00, v18;
	v26 =	vmin.f32 v12, v19;
	v16 =	vmul.f32 $1.442695020e+00, v16  }
0x204: {  	v26 =	vmul.f32 $1.442695020e+00, v26;
	v27 =	vmin.f32 v17, v24;
	(erf) = vpow2.f32 v11  }
0x205: {  	v11 =	vmul.f32 $1.442695020e+00, v27;
	v27 =	vmin.f32 v6, v21;
	(erf) = vpow2.f32 v16  }
0x206: {  	v16 =	vmin.f32 v18, v25;
	v27 =	vmul.f32 $1.442695020e+00, v27;
	(erf) = vpow2.f32 v26  }
0x207: {  	v16 =	vmul.f32 $1.442695020e+00, v16;
	v26 =	vmin.f32 v14, v22;
	(erf) = vpow2.f32 v11  }
0x208: {  	vm14 =	veq.s32 v3, $0x1;
	v3 =	vmul.f32 $1.442695020e+00, v26;
	(erf) = vpow2.f32 v27  }
0x209: {  	v11 =	vmpcnt.ones.xlane vm5;
	v26 =	vmin.f32 v15, v23;
	(erf) = vpow2.f32 v16  }
0x20a: {  	vm15 =	veq.s32 v2, $0x1;
	v2 =	vmul.f32 $1.442695020e+00, v26;
	(erf) = vpow2.f32 v3  }
0x20b: {  	v13 =	vsel vm9, v5, v13;
	v26 =	vmpcnt.ones.xlane vm8;
	v16 =	vmpcnt.ones.xlane vm6  }
0x20c: {  	v27 =	vsel vm7, v12, v19;
	v3 =	vsel vm10, v6, v21;
	(erf) = vpow2.f32 v2  }
0x20d: {  	v12 =	vsel vm11, v15, v23;
	v6 =	vsel vm12, v14, v22;
	v2 =	vsel vm13, v18, v25;
	v19 =	vpop (erf)  }
0x20e: {  	v4 =	vsel vm15, v4, v20;
	v14 =	vsel vm14, v17, v24;
	v21 =	vmax.f32 v27, $0.0e+00;
	v5 =	vpop (erf)  }
0x20f: {  	v20 =	vmax.f32 v3, $0.0e+00;
	v18 =	vmax.f32 v12, $0.0e+00;
	v15 =	vmul.f32 $1.066847290e-01, v5;
	v17 =	vpop (erf)  }
0x210: {  	v3 =	vmax.f32 v14, $0.0e+00;
	v22 =	vmax.f32 v6, $0.0e+00;
	v12 =	vmax.f32 v2, $0.0e+00;
	v2 =	vpop (erf)  }
0x211: {  	v6 =	vadd.f32 $-3.935357930e-01, v15;
	v14 =	vmul.f32 $1.066847290e-01, v2;
	v15 =	vmul.f32 $1.066847290e-01, v19;
	v23 =	vpop (erf)  }
0x212: {  	v4 =	vmax.f32 v4, $0.0e+00;
	v25 =	vmul.f32 $1.066847290e-01, v17;
	v24 =	vmul.f32 $1.066847290e-01, v23;
	v27 =	vpop (erf)  }
0x213: {  	v6 =	vmul.f32 v6, v5;
	v14 =	vadd.f32 $-3.935357930e-01, v14;
	v28 =	vmul.f32 $1.066847290e-01, v27;
	v29 =	vpop (erf)  }
0x214: {  	v25 =	vadd.f32 $-3.935357930e-01, v25;
	v15 =	vadd.f32 $-3.935357930e-01, v15;
	v30 =	vmul.f32 $1.066847290e-01, v29  }
0x215: {  	v6 =	vadd.f32 $9.797534340e-01, v6;
	v14 =	vmul.f32 v14, v2;
	v28 =	vadd.f32 $-3.935357930e-01, v28;
	v31 =	vpop (erf)  }
0x216: {  	v24 =	vadd.f32 $-3.935357930e-01, v24;
	v30 =	vadd.f32 $-3.935357930e-01, v30;
	v32 =	vmul.f32 $1.066847290e-01, v31  }
0x217: {  	s29 =	sshra.s32 s1, $0x2;
	v5 =	vmul.f32 v6, v5;
	v6 =	vadd.f32 $9.797534340e-01, v14;
	v14 =	vmul.f32 v28, v27  }
0x218: {  	v33 =	vmul.f32 v15, v19;
	v28 =	vld [tilespmem:s29+$0x70];
	v30 =	vmul.f32 v30, v29;
	v32 =	vadd.f32 $-3.935357930e-01, v32  }
0x219: {  	v34 =	vld [tilespmem:s29+$0x60];
	v15 =	vadd.f32 $9.250321310e-04, v5;
	v2 =	vmul.f32 v6, v2;
	v6 =	vadd.f32 $9.797534340e-01, v14  }
0x21a: {  	v25 =	vmul.f32 v25, v17;
	v35 =	vld [tilespmem:s29+$0x50];
	v14 =	vadd.f32 $9.797534340e-01, v30;
	v30 =	vmul.f32 v32, v31  }
0x21b: {  	v5 =	vld [tilespmem:s29+$0x40];
	v15 =	vadd.f32 v15, v4;
	v2 =	vadd.f32 $9.250321310e-04, v2;
	v27 =	vmul.f32 v6, v27  }
0x21c: {  	v24 =	vmul.f32 v24, v23;
	v6 =	vld [tilespmem:s29+$0x30];
	v14 =	vmul.f32 v14, v29;
	v29 =	vadd.f32 $9.797534340e-01, v30  }
0x21d: {  	v4 =	vld [tilespmem:s29+$0x20];
	v15 =	vnsel vm8, $0x0, v15;
	v30 =	vadd.f32 v2, v3;
	v27 =	vadd.f32 $9.250321310e-04, v27  }
0x21e: {  	v24 =	vadd.f32 $9.797534340e-01, v24;
	v3 =	vld [tilespmem:s29+$0x10];
	v1 =	vadd.f32 v15, v1;
	v15 =	vmul.f32 v29, v31  }
0x21f: {  	s0 =	sadd.s32 $0x100, s0;
	v2 =	vld [tilespmem:s29+$0x0];
	v29 =	vnsel vm6, $0x0, v30;
	v27 =	vadd.f32 v27, v12;
	v30 =	vadd.f32 $9.250321310e-04, v14  }
0x220: {  	v23 =	vmul.f32 v24, v23;
	v24 =	vadd.f32 $9.797534340e-01, v25;
	v12 =	vld [tilespmem:s0+$0xFFFFFFF0];
	v1 =	vadd.f32 v29, v1  }
0x221: {  	v14 =	vld [tilespmem:s0+$0x70];
	v25 =	vnsel vm5, $0x0, v27;
	v22 =	vadd.f32 v30, v22;
	v27 =	vadd.f32 $9.250321310e-04, v15  }
0x222: {  	v24 =	vmul.f32 v24, v17;
	v15 =	vld [tilespmem:s0+$0xFFFFFFE0];
	v1 =	vadd.f32 v25, v1;
	v25 =	vadd.f32 $9.797534340e-01, v33  }
0x223: {  	v23 =	vadd.f32 $9.250321310e-04, v23;
	v17 =	vld [tilespmem:s0+$0x60];
	v22 =	vnsel vm4, $0x0, v22;
	v27 =	vadd.f32 v27, v18  }
0x224: {  	v18 =	vld [tilespmem:s0+$0xFFFFFFD0];
	v1 =	vadd.f32 v22, v1;
	v22 =	vadd.f32 $9.250321310e-04, v24;
	v24 =	vmul.f32 v25, v19  }
0x225: {  	v0 =	vadd.s32 v0, v26;
	v23 =	vadd.f32 v23, v20;
	v19 =	vld [tilespmem:s0+$0x50];
	v25 =	vnsel vm3, $0x0, v27  }
0x226: {  	v0 =	vadd.s32 v16, v0;
	v20 =	vld [tilespmem:s0+$0xFFFFFFC0];
	v1 =	vadd.f32 v25, v1;
	v24 =	vadd.f32 $9.250321310e-04, v24  }
0x227: {  	v0 =	vadd.s32 v11, v0;
	v23 =	vnsel vm2, $0x0, v23;
	v21 =	vadd.f32 v22, v21;
	v16 =	vld [tilespmem:s0+$0x40]  }
0x228: {  	v13 =	vmax.f32 v13, $0.0e+00;
	v0 =	vadd.s32 v10, v0;
	v11 =	vld [tilespmem:s0+$0xFFFFFFB0];
	v1 =	vadd.f32 v23, v1  }
0x229: {  	v0 =	vadd.s32 v9, v0;
	v21 =	vnsel vm1, $0x0, v21;
	v13 =	vadd.f32 v24, v13;
	v10 =	vld [tilespmem:s0+$0x30]  }
0x22a: {  	v0 =	vadd.s32 v8, v0;
	v9 =	vld [tilespmem:s0+$0xFFFFFFA0];
	v1 =	vadd.f32 v21, v1;
	v21 =	vmpcnt.ones.xlane vm0  }
.Ltmp4:
0x22b: {  	v0 =	vadd.s32 v7, v0;
	v13 =	vnsel vm0, $0x0, v13;
	v8 =	vld [tilespmem:s0+$0x20];
	(pc) =	sbr.rel @p0 .LBB2_10-.Ltmp4, $4  }
0x22c: {  	v7 =	vld [tilespmem:s0+$0xFFFFFF90];
	v1 =	vadd.f32 v13, v1;
	v0 =	vadd.s32 v21, v0  }
0x22d: {  	vm2 =	vne.s32 v35, $0x0;
	vm1 =	vne.s32 v34, $0x0;
	vm0 =	vne.s32 v28, $0x0;
	v13 =	vld [tilespmem:s0+$0x10]  }
0x22e: {  	vm9 =	veq.s32 v28, $0x1;
	vm7 =	veq.s32 v34, $0x1;
	vm3 =	vne.s32 v5, $0x0;
	v21 =	vld [tilespmem:s0+$0xFFFFFF80]  }
0x22f: {  	s1 =	sadd.s32 $0x200, s1;
	vm10 =	veq.s32 v35, $0x1;
	vm5 =	vne.s32 v4, $0x0;
	vm4 =	vne.s32 v6, $0x0;
	v22 =	vld [tilespmem:s0+$0x0]  }
0x230: {  	_ = 	snop  }
0x231: {  	v12 =	vsub.f32 v12, v14;
	v14 =	vsub.f32 v18, v19  }
0x232: {  	v15 =	vsub.f32 v15, v17;
	v10 =	vsub.f32 v11, v10  }
0x233: {  	v11 =	vsub.f32 v20, v16;
	v16 =	vsub.f32 v9, v8  }
0x234: {  	v13 =	vsub.f32 v7, v13;
	v17 =	vsub.f32 v21, v22  }
0x235: {  	v18 =	vsub.f32 $0.0e+00, v15;
	v19 =	vsub.f32 $0.0e+00, v12  }
0x236: {  	v23 =	vsub.f32 $0.0e+00, v11;
	v20 =	vsub.f32 $0.0e+00, v17  }
0x237: {  	v25 =	vsub.f32 $0.0e+00, v16;
	v21 =	vsub.f32 $0.0e+00, v14;
	v7 =	vmin.f32 v12, v19  }
0x238: {  	v24 =	vsub.f32 $0.0e+00, v13;
	v7 =	vmul.f32 $1.442695020e+00, v7;
	v8 =	vmin.f32 v17, v20  }
0x239: {  	v22 =	vsub.f32 $0.0e+00, v10;
	v9 =	vmin.f32 v15, v18;
	v8 =	vmul.f32 $1.442695020e+00, v8  }
0x23a: {  	v9 =	vmul.f32 $1.442695020e+00, v9;
	v26 =	vmin.f32 v13, v24;
	(erf) = vpow2.f32 v7  }
0x23b: {  	v55 =	vmin.f32 v14, v21;
	v7 =	vmul.f32 $1.442695020e+00, v26;
	(erf) = vpow2.f32 v8  }
0x23c: {  	v26 =	vmul.f32 $1.442695020e+00, v55;
	v8 =	vmin.f32 v16, v25;
	(erf) = vpow2.f32 v9  }
0x23d: {  	v8 =	vmul.f32 $1.442695020e+00, v8;
	v9 =	vmin.f32 v10, v22;
	(erf) = vpow2.f32 v7  }
0x23e: {  	v7 =	vmul.f32 $1.442695020e+00, v9;
	v9 =	vmin.f32 v11, v23;
	(erf) = vpow2.f32 v26  }
0x23f: {  	vm6 =	vne.s32 v3, $0x0;
	v9 =	vmul.f32 $1.442695020e+00, v9;
	(erf) = vpow2.f32 v8  }
0x240: {  	vm11 =	veq.s32 v5, $0x1;
	vm12 =	veq.s32 v6, $0x1;
	(erf) = vpow2.f32 v7  }
0x241: {  	vm8 =	vne.s32 v2, $0x0;
	vm13 =	veq.s32 v4, $0x1;
	(erf) = vpow2.f32 v9  }
0x242: {  	v56 =	vmpcnt.ones.xlane vm4;
	vm14 =	veq.s32 v3, $0x1;
	v29 =	vmpcnt.ones.xlane vm8  }
0x243: {  	v27 =	vmpcnt.ones.xlane vm5;
	vm15 =	veq.s32 v2, $0x1;
	v31 =	vmpcnt.ones.xlane vm6;
	v28 =	vpop (erf)  }
0x244: {  	v0 =	vadd.s32 v0, v29;
	v30 =	vsel vm9, v12, v19;
	v4 =	vsel vm7, v15, v18;
	v2 =	vpop (erf)  }
0x245: {  	v5 =	vsel vm13, v16, v25;
	v0 =	vadd.s32 v31, v0;
	v3 =	vsel vm10, v14, v21;
	v15 =	vpop (erf)  }
0x246: {  	s0 =	simm.s32 $0x0;
	v18 =	vmax.f32 v5, $0.0e+00;
	v6 =	vsel vm12, v10, v22;
	v10 =	vsel vm11, v11, v23;
	v11 =	vpop (erf)  }
0x247: {  	[tilespmem:s0], [sflag:$0x1] =	stream.linear.gather [hbm4b:s15+s0], $0x2000, $0x38;
	v0 =	vadd.s32 v27, v0;
	v13 =	vsel vm14, v13, v24;
	v21 =	vmax.f32 v4, $0.0e+00;
	v16 =	vpop (erf);
	[tilespmem:$0xC080] =	vst v63  }
0x248: {  	v19 =	vmax.f32 v3, $0.0e+00;
	v12 =	vsel vm15, v17, v20;
	v14 =	vmul.f32 $1.066847290e-01, v2;
	v3 =	vpop (erf)  }
0x249: {  	[tilespmem:s21], [sflag:$0x3] =	stream.linear.gather [hbm4b:s16+s0], $0x4000, $0x38;
	v0 =	vadd.s32 v56, v0;
	v4 =	vmax.f32 v13, $0.0e+00;
	v12 =	vmax.f32 v12, $0.0e+00;
	v17 =	vpop (erf);
	[tilespmem:$0xC080] =	vst v63  }
0x24a: {  	v8 =	vmpcnt.ones.xlane vm2;
	v13 =	vadd.f32 $-3.935357930e-01, v14;
	v14 =	vmul.f32 $1.066847290e-01, v11;
	v22 =	vpop (erf)  }
0x24b: {  	v23 =	vmax.f32 v6, $0.0e+00;
	v9 =	vmpcnt.ones.xlane vm3;
	v5 =	vmul.f32 $1.066847290e-01, v28;
	_ =	swait.ge [sflag:s26], $0x2000  }
0x24c: {  	v6 =	vmul.f32 $1.066847290e-01, v15;
	v20 =	vmul.f32 $1.066847290e-01, v16;
	v14 =	vadd.f32 $-3.935357930e-01, v14;
	[sflag:s26] =	ssyncset.done $0x0  }
0x24d: {  	v5 =	vadd.f32 $-3.935357930e-01, v5;
	v13 =	vmul.f32 v13, v2;
	v57 =	vmul.f32 $1.066847290e-01, v3;
	[sflag:s26] =	ssyncadd.s32 $0xFFFFE000  }
0x24e: {  	v0 =	vadd.s32 v9, v0;
	v58 =	vmul.f32 $1.066847290e-01, v17;
	v14 =	vmul.f32 v14, v11;
	_ =	swait.ge [sflag:s28], $0x4000  }
0x24f: {  	v13 =	vadd.f32 $9.797534340e-01, v13;
	v24 =	vadd.f32 $-3.935357930e-01, v57;
	v32 =	vmul.f32 $1.066847290e-01, v22;
	[sflag:s28] =	ssyncset.done $0x0  }
0x250: {  	s1 =	simm.s32 $0x0;
	v33 =	vmul.f32 v5, v28;
	v25 =	vadd.f32 $-3.935357930e-01, v58;
	v14 =	vadd.f32 $9.797534340e-01, v14;
	[sflag:s28] =	ssyncadd.s32 $0xFFFFC000  }
0x251: {  	v2 =	vmul.f32 v13, v2;
	v13 =	vadd.f32 $-3.935357930e-01, v20;
	v20 =	vmul.f32 v24, v3;
	v61 =	vld [tilespmem:s1+$0x2070]  }
0x252: {  	v6 =	vadd.f32 $-3.935357930e-01, v6;
	v60 =	vadd.f32 $-3.935357930e-01, v32;
	v5 =	vmul.f32 v14, v11;
	v34 =	vld [tilespmem:s1+$0x2060]  }
0x253: {  	v59 =	vmul.f32 v25, v17;
	v2 =	vadd.f32 $9.250321310e-04, v2;
	v11 =	vadd.f32 $9.797534340e-01, v20;
	v62 =	vld [tilespmem:s1+$0x2050]  }
0x254: {  	v20 =	vmul.f32 v60, v22;
	v13 =	vmul.f32 v13, v16;
	v63 =	vadd.f32 $9.250321310e-04, v5;
	v5 =	vld [tilespmem:s1+$0x2040]  }
0x255: {  	s0 =	simm.s32 $0x8080;
	v14 =	vadd.f32 $9.797534340e-01, v59;
	v2 =	vadd.f32 v2, v12;
	v12 =	vmul.f32 v6, v15;
	v6 =	vld [tilespmem:s1+$0x2030]  }
0x256: {  	v0 =	vadd.s32 v8, v0;
	v3 =	vmul.f32 v11, v3;
	v13 =	vadd.f32 $9.797534340e-01, v13;
	v8 =	vld [tilespmem:s0+$0x20]  }
0x257: {  	v11 =	vmul.f32 v14, v17;
	v14 =	vadd.f32 $9.797534340e-01, v20;
	v17 =	vadd.f32 v63, v4;
	v4 =	vld [tilespmem:s1+$0x2020]  }
0x258: {  	v2 =	vnsel vm8, $0x0, v2;
	v20 =	vadd.f32 $9.250321310e-04, v3;
	v3 =	vld [tilespmem:s1+$0x2010];
	v13 =	vmul.f32 v13, v16  }
0x259: {  	v16 =	vadd.f32 $9.797534340e-01, v12;
	v12 =	vld [tilespmem:s0+$0xFFFFFFF0];
	v1 =	vadd.f32 v2, v1;
	v14 =	vmul.f32 v14, v22  }
0x25a: {  	v11 =	vadd.f32 $9.250321310e-04, v11;
	v2 =	vld [tilespmem:s1+$0x2000];
	v17 =	vnsel vm6, $0x0, v17;
	v18 =	vadd.f32 v20, v18  }
0x25b: {  	v22 =	vld [tilespmem:s0+$0x0];
	v16 =	vmul.f32 v16, v15;
	v13 =	vadd.f32 $9.250321310e-04, v13;
	v1 =	vadd.f32 v17, v1  }
0x25c: {  	v15 =	vld [tilespmem:s0+$0xFFFFFFE0];
	v11 =	vadd.f32 v11, v23;
	v17 =	vnsel vm5, $0x0, v18;
	v18 =	vadd.f32 $9.250321310e-04, v14  }
0x25d: {  	v10 =	vmax.f32 v10, $0.0e+00;
	v20 =	vadd.f32 $9.797534340e-01, v33;
	v14 =	vld [tilespmem:s0+$0x70];
	v1 =	vadd.f32 v17, v1  }
0x25e: {  	v13 =	vadd.f32 v13, v19;
	v19 =	vld [tilespmem:s0+$0x50];
	v11 =	vnsel vm4, $0x0, v11;
	v10 =	vadd.f32 v18, v10  }
0x25f: {  	v7 =	vmpcnt.ones.xlane vm1;
	v17 =	vld [tilespmem:s0+$0x60];
	v1 =	vadd.f32 v11, v1  }
0x260: {  	v18 =	vld [tilespmem:s0+$0xFFFFFFD0];
	v11 =	vadd.f32 $9.250321310e-04, v16;
	v16 =	vmul.f32 v20, v28;
	v10 =	vnsel vm3, $0x0, v10  }
0x261: {  	v0 =	vadd.s32 v7, v0;
	v20 =	vld [tilespmem:s0+$0xFFFFFFC0];
	v1 =	vadd.f32 v10, v1  }
0x262: {  	v13 =	vnsel vm2, $0x0, v13;
	v10 =	vadd.f32 $9.250321310e-04, v16;
	v21 =	vadd.f32 v11, v21;
	v16 =	vld [tilespmem:s0+$0x40]  }
0x263: {  	vm7 =	veq.s32 v34, $0x1;
	v11 =	vld [tilespmem:s0+$0xFFFFFFB0];
	v1 =	vadd.f32 v13, v1;
	v13 =	vmax.f32 v30, $0.0e+00  }
0x264: {  	vm9 =	veq.s32 v61, $0x1;
	v9 =	vnsel vm1, $0x0, v21;
	v13 =	vadd.f32 v10, v13;
	v10 =	vld [tilespmem:s0+$0x30]  }
0x265: {  	vm10 =	veq.s32 v62, $0x1;
	vm5 =	vne.s32 v4, $0x0;
	v1 =	vadd.f32 v9, v1;
	v9 =	vld [tilespmem:s0+$0xFFFFFFA0]  }
0x266: {  	vm4 =	vne.s32 v6, $0x0;
	v21 =	vmpcnt.ones.xlane vm0;
	v7 =	vnsel vm0, $0x0, v13;
	v13 =	vld [tilespmem:s0+$0x10]  }
0x267: {  	vm2 =	vne.s32 v62, $0x0;
	vm3 =	vne.s32 v5, $0x0;
	v1 =	vadd.f32 v7, v1;
	v7 =	vld [tilespmem:s0+$0xFFFFFF90]  }
0x268: {  	s1 =	simm.s32 $0x200;
	vm1 =	vne.s32 v34, $0x0;
	v0 =	vadd.s32 v21, v0;
	v21 =	vld [tilespmem:s0+$0xFFFFFF80];
	vm0 =	vne.s32 v61, $0x0  }
.LBB2_12:
0x269: {  	p0 =	sne.s32 s1, $0x7E00;
	vm6 =	vne.s32 v3, $0x0;
	vm11 =	veq.s32 v5, $0x1;
	v5 =	vsub.f32 v12, v14  }
0x26a: {  	vm12 =	veq.s32 v6, $0x1;
	v6 =	vsub.f32 v18, v19;
	v12 =	vsub.f32 v15, v17  }
0x26b: {  	vm8 =	vne.s32 v2, $0x0;
	v14 =	vsub.f32 v11, v10;
	v15 =	vsub.f32 v20, v16  }
0x26c: {  	v18 =	vsub.f32 v9, v8;
	vm13 =	veq.s32 v4, $0x1;
	v17 =	vsub.f32 v7, v13  }
0x26d: {  	v8 =	vmpcnt.ones.xlane vm2;
	v7 =	vmpcnt.ones.xlane vm1;
	v4 =	vsub.f32 v21, v22  }
0x26e: {  	v9 =	vmpcnt.ones.xlane vm3;
	v19 =	vsub.f32 $0.0e+00, v12;
	v13 =	vsub.f32 $0.0e+00, v5  }
0x26f: {  	v10 =	vmpcnt.ones.xlane vm4;
	v21 =	vsub.f32 $0.0e+00, v6;
	v20 =	vsub.f32 $0.0e+00, v4  }
0x270: {  	v23 =	vsub.f32 $0.0e+00, v15;
	v22 =	vsub.f32 $0.0e+00, v14;
	v11 =	vmin.f32 v5, v13  }
0x271: {  	v24 =	vsub.f32 $0.0e+00, v17;
	v11 =	vmul.f32 $1.442695020e+00, v11;
	v16 =	vmin.f32 v4, v20  }
0x272: {  	v25 =	vsub.f32 $0.0e+00, v18;
	v26 =	vmin.f32 v12, v19;
	v16 =	vmul.f32 $1.442695020e+00, v16  }
0x273: {  	v26 =	vmul.f32 $1.442695020e+00, v26;
	v27 =	vmin.f32 v17, v24;
	(erf) = vpow2.f32 v11  }
0x274: {  	v11 =	vmul.f32 $1.442695020e+00, v27;
	v27 =	vmin.f32 v6, v21;
	(erf) = vpow2.f32 v16  }
0x275: {  	v16 =	vmin.f32 v18, v25;
	v27 =	vmul.f32 $1.442695020e+00, v27;
	(erf) = vpow2.f32 v26  }
0x276: {  	v16 =	vmul.f32 $1.442695020e+00, v16;
	v26 =	vmin.f32 v14, v22;
	(erf) = vpow2.f32 v11  }
0x277: {  	vm14 =	veq.s32 v3, $0x1;
	v3 =	vmul.f32 $1.442695020e+00, v26;
	(erf) = vpow2.f32 v27  }
0x278: {  	v11 =	vmpcnt.ones.xlane vm5;
	v26 =	vmin.f32 v15, v23;
	(erf) = vpow2.f32 v16  }
0x279: {  	vm15 =	veq.s32 v2, $0x1;
	v2 =	vmul.f32 $1.442695020e+00, v26;
	(erf) = vpow2.f32 v3  }
0x27a: {  	v13 =	vsel vm9, v5, v13;
	v26 =	vmpcnt.ones.xlane vm8;
	v16 =	vmpcnt.ones.xlane vm6  }
0x27b: {  	v27 =	vsel vm7, v12, v19;
	v3 =	vsel vm10, v6, v21;
	(erf) = vpow2.f32 v2  }
0x27c: {  	v12 =	vsel vm11, v15, v23;
	v6 =	vsel vm12, v14, v22;
	v2 =	vsel vm13, v18, v25;
	v19 =	vpop (erf)  }
0x27d: {  	v4 =	vsel vm15, v4, v20;
	v14 =	vsel vm14, v17, v24;
	v21 =	vmax.f32 v27, $0.0e+00;
	v5 =	vpop (erf)  }
0x27e: {  	v20 =	vmax.f32 v3, $0.0e+00;
	v18 =	vmax.f32 v12, $0.0e+00;
	v15 =	vmul.f32 $1.066847290e-01, v5;
	v17 =	vpop (erf)  }
0x27f: {  	v3 =	vmax.f32 v14, $0.0e+00;
	v22 =	vmax.f32 v6, $0.0e+00;
	v12 =	vmax.f32 v2, $0.0e+00;
	v2 =	vpop (erf)  }
0x280: {  	v6 =	vadd.f32 $-3.935357930e-01, v15;
	v14 =	vmul.f32 $1.066847290e-01, v2;
	v15 =	vmul.f32 $1.066847290e-01, v19;
	v23 =	vpop (erf)  }
0x281: {  	v4 =	vmax.f32 v4, $0.0e+00;
	v25 =	vmul.f32 $1.066847290e-01, v17;
	v24 =	vmul.f32 $1.066847290e-01, v23;
	v27 =	vpop (erf)  }
0x282: {  	v6 =	vmul.f32 v6, v5;
	v14 =	vadd.f32 $-3.935357930e-01, v14;
	v28 =	vmul.f32 $1.066847290e-01, v27;
	v29 =	vpop (erf)  }
0x283: {  	v25 =	vadd.f32 $-3.935357930e-01, v25;
	v15 =	vadd.f32 $-3.935357930e-01, v15;
	v30 =	vmul.f32 $1.066847290e-01, v29  }
0x284: {  	v6 =	vadd.f32 $9.797534340e-01, v6;
	v14 =	vmul.f32 v14, v2;
	v28 =	vadd.f32 $-3.935357930e-01, v28;
	v31 =	vpop (erf)  }
0x285: {  	v24 =	vadd.f32 $-3.935357930e-01, v24;
	v30 =	vadd.f32 $-3.935357930e-01, v30;
	v32 =	vmul.f32 $1.066847290e-01, v31  }
0x286: {  	s29 =	sshra.s32 s1, $0x2;
	v5 =	vmul.f32 v6, v5;
	v6 =	vadd.f32 $9.797534340e-01, v14;
	v14 =	vmul.f32 v28, v27  }
0x287: {  	v33 =	vmul.f32 v15, v19;
	v28 =	vld [tilespmem:s29+$0x2070];
	v30 =	vmul.f32 v30, v29;
	v32 =	vadd.f32 $-3.935357930e-01, v32  }
0x288: {  	v34 =	vld [tilespmem:s29+$0x2060];
	v15 =	vadd.f32 $9.250321310e-04, v5;
	v2 =	vmul.f32 v6, v2;
	v6 =	vadd.f32 $9.797534340e-01, v14  }
0x289: {  	v25 =	vmul.f32 v25, v17;
	v35 =	vld [tilespmem:s29+$0x2050];
	v14 =	vadd.f32 $9.797534340e-01, v30;
	v30 =	vmul.f32 v32, v31  }
0x28a: {  	v5 =	vld [tilespmem:s29+$0x2040];
	v15 =	vadd.f32 v15, v4;
	v2 =	vadd.f32 $9.250321310e-04, v2;
	v27 =	vmul.f32 v6, v27  }
0x28b: {  	v24 =	vmul.f32 v24, v23;
	v6 =	vld [tilespmem:s29+$0x2030];
	v14 =	vmul.f32 v14, v29;
	v29 =	vadd.f32 $9.797534340e-01, v30  }
0x28c: {  	v4 =	vld [tilespmem:s29+$0x2020];
	v15 =	vnsel vm8, $0x0, v15;
	v30 =	vadd.f32 v2, v3;
	v27 =	vadd.f32 $9.250321310e-04, v27  }
0x28d: {  	v24 =	vadd.f32 $9.797534340e-01, v24;
	v3 =	vld [tilespmem:s29+$0x2010];
	v1 =	vadd.f32 v15, v1;
	v15 =	vmul.f32 v29, v31  }
0x28e: {  	s0 =	sadd.s32 $0x100, s0;
	v2 =	vld [tilespmem:s29+$0x2000];
	v29 =	vnsel vm6, $0x0, v30;
	v27 =	vadd.f32 v27, v12;
	v30 =	vadd.f32 $9.250321310e-04, v14  }
0x28f: {  	v23 =	vmul.f32 v24, v23;
	v24 =	vadd.f32 $9.797534340e-01, v25;
	v12 =	vld [tilespmem:s0+$0xFFFFFFF0];
	v1 =	vadd.f32 v29, v1  }
0x290: {  	v14 =	vld [tilespmem:s0+$0x70];
	v25 =	vnsel vm5, $0x0, v27;
	v22 =	vadd.f32 v30, v22;
	v27 =	vadd.f32 $9.250321310e-04, v15  }
0x291: {  	v24 =	vmul.f32 v24, v17;
	v15 =	vld [tilespmem:s0+$0xFFFFFFE0];
	v1 =	vadd.f32 v25, v1;
	v25 =	vadd.f32 $9.797534340e-01, v33  }
0x292: {  	v23 =	vadd.f32 $9.250321310e-04, v23;
	v17 =	vld [tilespmem:s0+$0x60];
	v22 =	vnsel vm4, $0x0, v22;
	v27 =	vadd.f32 v27, v18  }
0x293: {  	v18 =	vld [tilespmem:s0+$0xFFFFFFD0];
	v1 =	vadd.f32 v22, v1;
	v22 =	vadd.f32 $9.250321310e-04, v24;
	v24 =	vmul.f32 v25, v19  }
0x294: {  	v0 =	vadd.s32 v0, v26;
	v23 =	vadd.f32 v23, v20;
	v19 =	vld [tilespmem:s0+$0x50];
	v25 =	vnsel vm3, $0x0, v27  }
0x295: {  	v0 =	vadd.s32 v16, v0;
	v20 =	vld [tilespmem:s0+$0xFFFFFFC0];
	v1 =	vadd.f32 v25, v1;
	v24 =	vadd.f32 $9.250321310e-04, v24  }
0x296: {  	v0 =	vadd.s32 v11, v0;
	v23 =	vnsel vm2, $0x0, v23;
	v21 =	vadd.f32 v22, v21;
	v16 =	vld [tilespmem:s0+$0x40]  }
0x297: {  	v13 =	vmax.f32 v13, $0.0e+00;
	v0 =	vadd.s32 v10, v0;
	v11 =	vld [tilespmem:s0+$0xFFFFFFB0];
	v1 =	vadd.f32 v23, v1  }
0x298: {  	v0 =	vadd.s32 v9, v0;
	v21 =	vnsel vm1, $0x0, v21;
	v13 =	vadd.f32 v24, v13;
	v10 =	vld [tilespmem:s0+$0x30]  }
0x299: {  	v0 =	vadd.s32 v8, v0;
	v9 =	vld [tilespmem:s0+$0xFFFFFFA0];
	v1 =	vadd.f32 v21, v1;
	v21 =	vmpcnt.ones.xlane vm0  }
.Ltmp5:
0x29a: {  	v0 =	vadd.s32 v7, v0;
	v13 =	vnsel vm0, $0x0, v13;
	v8 =	vld [tilespmem:s0+$0x20];
	(pc) =	sbr.rel @p0 .LBB2_12-.Ltmp5, $4  }
0x29b: {  	v7 =	vld [tilespmem:s0+$0xFFFFFF90];
	v1 =	vadd.f32 v13, v1;
	v0 =	vadd.s32 v21, v0  }
0x29c: {  	vm2 =	vne.s32 v35, $0x0;
	vm1 =	vne.s32 v34, $0x0;
	vm0 =	vne.s32 v28, $0x0;
	v13 =	vld [tilespmem:s0+$0x10]  }
0x29d: {  	vm9 =	veq.s32 v28, $0x1;
	vm7 =	veq.s32 v34, $0x1;
	vm3 =	vne.s32 v5, $0x0;
	v21 =	vld [tilespmem:s0+$0xFFFFFF80]  }
0x29e: {  	s1 =	sadd.s32 $0x200, s1;
	vm10 =	veq.s32 v35, $0x1;
	vm5 =	vne.s32 v4, $0x0;
	vm4 =	vne.s32 v6, $0x0;
	v22 =	vld [tilespmem:s0+$0x0]  }
0x29f: {  	_ = 	snop  }
0x2a0: {  	v12 =	vsub.f32 v12, v14;
	v14 =	vsub.f32 v18, v19  }
0x2a1: {  	v15 =	vsub.f32 v15, v17;
	v10 =	vsub.f32 v11, v10  }
0x2a2: {  	v11 =	vsub.f32 v20, v16;
	v16 =	vsub.f32 v9, v8  }
0x2a3: {  	v13 =	vsub.f32 v7, v13;
	v17 =	vsub.f32 v21, v22  }
0x2a4: {  	v18 =	vsub.f32 $0.0e+00, v15;
	v19 =	vsub.f32 $0.0e+00, v12  }
0x2a5: {  	v23 =	vsub.f32 $0.0e+00, v11;
	v20 =	vsub.f32 $0.0e+00, v17  }
0x2a6: {  	v25 =	vsub.f32 $0.0e+00, v16;
	v21 =	vsub.f32 $0.0e+00, v14;
	v7 =	vmin.f32 v12, v19  }
0x2a7: {  	v24 =	vsub.f32 $0.0e+00, v13;
	v7 =	vmul.f32 $1.442695020e+00, v7;
	v8 =	vmin.f32 v17, v20  }
0x2a8: {  	v22 =	vsub.f32 $0.0e+00, v10;
	v9 =	vmin.f32 v15, v18;
	v8 =	vmul.f32 $1.442695020e+00, v8  }
0x2a9: {  	v9 =	vmul.f32 $1.442695020e+00, v9;
	v26 =	vmin.f32 v13, v24;
	(erf) = vpow2.f32 v7  }
0x2aa: {  	v55 =	vmin.f32 v14, v21;
	v7 =	vmul.f32 $1.442695020e+00, v26;
	(erf) = vpow2.f32 v8  }
0x2ab: {  	v26 =	vmul.f32 $1.442695020e+00, v55;
	v8 =	vmin.f32 v16, v25;
	(erf) = vpow2.f32 v9  }
0x2ac: {  	v8 =	vmul.f32 $1.442695020e+00, v8;
	v9 =	vmin.f32 v10, v22;
	(erf) = vpow2.f32 v7  }
0x2ad: {  	v7 =	vmul.f32 $1.442695020e+00, v9;
	v9 =	vmin.f32 v11, v23;
	(erf) = vpow2.f32 v26  }
0x2ae: {  	vm6 =	vne.s32 v3, $0x0;
	v9 =	vmul.f32 $1.442695020e+00, v9;
	(erf) = vpow2.f32 v8  }
0x2af: {  	vm11 =	veq.s32 v5, $0x1;
	vm12 =	veq.s32 v6, $0x1;
	(erf) = vpow2.f32 v7  }
0x2b0: {  	vm8 =	vne.s32 v2, $0x0;
	vm13 =	veq.s32 v4, $0x1;
	(erf) = vpow2.f32 v9  }
0x2b1: {  	v56 =	vmpcnt.ones.xlane vm4;
	vm14 =	veq.s32 v3, $0x1;
	v29 =	vmpcnt.ones.xlane vm8  }
0x2b2: {  	v27 =	vmpcnt.ones.xlane vm5;
	vm15 =	veq.s32 v2, $0x1;
	v31 =	vmpcnt.ones.xlane vm6;
	v28 =	vpop (erf)  }
0x2b3: {  	v0 =	vadd.s32 v0, v29;
	v30 =	vsel vm9, v12, v19;
	v4 =	vsel vm7, v15, v18;
	v2 =	vpop (erf)  }
0x2b4: {  	v5 =	vsel vm13, v16, v25;
	v0 =	vadd.s32 v31, v0;
	v3 =	vsel vm10, v14, v21;
	v15 =	vpop (erf)  }
0x2b5: {  	s0 =	simm.s32 $0x0;
	v18 =	vmax.f32 v5, $0.0e+00;
	v6 =	vsel vm12, v10, v22;
	v10 =	vsel vm11, v11, v23;
	v11 =	vpop (erf)  }
0x2b6: {  	[tilespmem:s22], [sflag:$0x2] =	stream.linear.gather [hbm4b:s17+s0], $0x2000, $0x38;
	v0 =	vadd.s32 v27, v0;
	v13 =	vsel vm14, v13, v24;
	v21 =	vmax.f32 v4, $0.0e+00;
	v16 =	vpop (erf);
	[tilespmem:$0xC080] =	vst v63  }
0x2b7: {  	v19 =	vmax.f32 v3, $0.0e+00;
	v12 =	vsel vm15, v17, v20;
	v14 =	vmul.f32 $1.066847290e-01, v2;
	v3 =	vpop (erf)  }
0x2b8: {  	[tilespmem:s23], [sflag:$0x4] =	stream.linear.gather [hbm4b:s18+s0], $0x4000, $0x38;
	v0 =	vadd.s32 v56, v0;
	v4 =	vmax.f32 v13, $0.0e+00;
	v12 =	vmax.f32 v12, $0.0e+00;
	v17 =	vpop (erf);
	[tilespmem:$0xC080] =	vst v63  }
0x2b9: {  	v8 =	vmpcnt.ones.xlane vm2;
	v13 =	vadd.f32 $-3.935357930e-01, v14;
	v14 =	vmul.f32 $1.066847290e-01, v11;
	v22 =	vpop (erf)  }
0x2ba: {  	v23 =	vmax.f32 v6, $0.0e+00;
	v9 =	vmpcnt.ones.xlane vm3;
	v5 =	vmul.f32 $1.066847290e-01, v28;
	_ =	swait.ge [sflag:s24], $0x2000  }
0x2bb: {  	v6 =	vmul.f32 $1.066847290e-01, v15;
	v20 =	vmul.f32 $1.066847290e-01, v16;
	v14 =	vadd.f32 $-3.935357930e-01, v14;
	[sflag:s24] =	ssyncset.done $0x0  }
0x2bc: {  	v5 =	vadd.f32 $-3.935357930e-01, v5;
	v13 =	vmul.f32 v13, v2;
	v57 =	vmul.f32 $1.066847290e-01, v3;
	[sflag:s24] =	ssyncadd.s32 $0xFFFFE000  }
0x2bd: {  	v0 =	vadd.s32 v9, v0;
	v58 =	vmul.f32 $1.066847290e-01, v17;
	v14 =	vmul.f32 v14, v11;
	_ =	swait.ge [sflag:s25], $0x4000  }
0x2be: {  	v13 =	vadd.f32 $9.797534340e-01, v13;
	v24 =	vadd.f32 $-3.935357930e-01, v57;
	v32 =	vmul.f32 $1.066847290e-01, v22;
	[sflag:s25] =	ssyncset.done $0x0  }
0x2bf: {  	s1 =	simm.s32 $0x0;
	v33 =	vmul.f32 v5, v28;
	v25 =	vadd.f32 $-3.935357930e-01, v58;
	v14 =	vadd.f32 $9.797534340e-01, v14;
	[sflag:s25] =	ssyncadd.s32 $0xFFFFC000  }
0x2c0: {  	v2 =	vmul.f32 v13, v2;
	v13 =	vadd.f32 $-3.935357930e-01, v20;
	v20 =	vmul.f32 v24, v3;
	v61 =	vld [tilespmem:s1+$0x70]  }
0x2c1: {  	v6 =	vadd.f32 $-3.935357930e-01, v6;
	v60 =	vadd.f32 $-3.935357930e-01, v32;
	v5 =	vmul.f32 v14, v11;
	v34 =	vld [tilespmem:s1+$0x60]  }
0x2c2: {  	v59 =	vmul.f32 v25, v17;
	v2 =	vadd.f32 $9.250321310e-04, v2;
	v11 =	vadd.f32 $9.797534340e-01, v20;
	v62 =	vld [tilespmem:s1+$0x50]  }
0x2c3: {  	v20 =	vmul.f32 v60, v22;
	v13 =	vmul.f32 v13, v16;
	v63 =	vadd.f32 $9.250321310e-04, v5;
	v5 =	vld [tilespmem:s1+$0x40]  }
0x2c4: {  	s0 =	simm.s32 $0x4080;
	v14 =	vadd.f32 $9.797534340e-01, v59;
	v2 =	vadd.f32 v2, v12;
	v12 =	vmul.f32 v6, v15;
	v6 =	vld [tilespmem:s1+$0x30]  }
0x2c5: {  	v0 =	vadd.s32 v8, v0;
	v3 =	vmul.f32 v11, v3;
	v13 =	vadd.f32 $9.797534340e-01, v13;
	v8 =	vld [tilespmem:s0+$0x20]  }
0x2c6: {  	v11 =	vmul.f32 v14, v17;
	v14 =	vadd.f32 $9.797534340e-01, v20;
	v17 =	vadd.f32 v63, v4;
	v4 =	vld [tilespmem:s1+$0x20]  }
0x2c7: {  	v2 =	vnsel vm8, $0x0, v2;
	v20 =	vadd.f32 $9.250321310e-04, v3;
	v3 =	vld [tilespmem:s1+$0x10];
	v13 =	vmul.f32 v13, v16  }
0x2c8: {  	v16 =	vadd.f32 $9.797534340e-01, v12;
	v12 =	vld [tilespmem:s0+$0xFFFFFFF0];
	v1 =	vadd.f32 v2, v1;
	v14 =	vmul.f32 v14, v22  }
0x2c9: {  	v11 =	vadd.f32 $9.250321310e-04, v11;
	v2 =	vld [tilespmem:s1+$0x0];
	v17 =	vnsel vm6, $0x0, v17;
	v18 =	vadd.f32 v20, v18  }
0x2ca: {  	v22 =	vld [tilespmem:s0+$0x0];
	v16 =	vmul.f32 v16, v15;
	v13 =	vadd.f32 $9.250321310e-04, v13;
	v1 =	vadd.f32 v17, v1  }
0x2cb: {  	v15 =	vld [tilespmem:s0+$0xFFFFFFE0];
	v11 =	vadd.f32 v11, v23;
	v17 =	vnsel vm5, $0x0, v18;
	v18 =	vadd.f32 $9.250321310e-04, v14  }
0x2cc: {  	v10 =	vmax.f32 v10, $0.0e+00;
	v20 =	vadd.f32 $9.797534340e-01, v33;
	v14 =	vld [tilespmem:s0+$0x70];
	v1 =	vadd.f32 v17, v1  }
0x2cd: {  	v13 =	vadd.f32 v13, v19;
	v19 =	vld [tilespmem:s0+$0x50];
	v11 =	vnsel vm4, $0x0, v11;
	v10 =	vadd.f32 v18, v10  }
0x2ce: {  	v7 =	vmpcnt.ones.xlane vm1;
	v17 =	vld [tilespmem:s0+$0x60];
	v1 =	vadd.f32 v11, v1  }
0x2cf: {  	v18 =	vld [tilespmem:s0+$0xFFFFFFD0];
	v11 =	vadd.f32 $9.250321310e-04, v16;
	v16 =	vmul.f32 v20, v28;
	v10 =	vnsel vm3, $0x0, v10  }
0x2d0: {  	v0 =	vadd.s32 v7, v0;
	v20 =	vld [tilespmem:s0+$0xFFFFFFC0];
	v1 =	vadd.f32 v10, v1  }
0x2d1: {  	v13 =	vnsel vm2, $0x0, v13;
	v10 =	vadd.f32 $9.250321310e-04, v16;
	v21 =	vadd.f32 v11, v21;
	v16 =	vld [tilespmem:s0+$0x40]  }
0x2d2: {  	vm7 =	veq.s32 v34, $0x1;
	v11 =	vld [tilespmem:s0+$0xFFFFFFB0];
	v1 =	vadd.f32 v13, v1;
	v13 =	vmax.f32 v30, $0.0e+00  }
0x2d3: {  	vm9 =	veq.s32 v61, $0x1;
	v9 =	vnsel vm1, $0x0, v21;
	v13 =	vadd.f32 v10, v13;
	v10 =	vld [tilespmem:s0+$0x30]  }
0x2d4: {  	vm10 =	veq.s32 v62, $0x1;
	vm5 =	vne.s32 v4, $0x0;
	v1 =	vadd.f32 v9, v1;
	v9 =	vld [tilespmem:s0+$0xFFFFFFA0]  }
0x2d5: {  	vm4 =	vne.s32 v6, $0x0;
	v21 =	vmpcnt.ones.xlane vm0;
	v7 =	vnsel vm0, $0x0, v13;
	v13 =	vld [tilespmem:s0+$0x10]  }
0x2d6: {  	vm2 =	vne.s32 v62, $0x0;
	vm3 =	vne.s32 v5, $0x0;
	v1 =	vadd.f32 v7, v1;
	v7 =	vld [tilespmem:s0+$0xFFFFFF90]  }
0x2d7: {  	s1 =	simm.s32 $0x200;
	vm1 =	vne.s32 v34, $0x0;
	v0 =	vadd.s32 v21, v0;
	v21 =	vld [tilespmem:s0+$0xFFFFFF80];
	vm0 =	vne.s32 v61, $0x0  }
.LBB2_14:
0x2d8: {  	p0 =	sne.s32 s1, $0x7E00;
	vm6 =	vne.s32 v3, $0x0;
	vm11 =	veq.s32 v5, $0x1;
	v5 =	vsub.f32 v12, v14  }
0x2d9: {  	vm12 =	veq.s32 v6, $0x1;
	v6 =	vsub.f32 v18, v19;
	v12 =	vsub.f32 v15, v17  }
0x2da: {  	vm8 =	vne.s32 v2, $0x0;
	v14 =	vsub.f32 v11, v10;
	v15 =	vsub.f32 v20, v16  }
0x2db: {  	v18 =	vsub.f32 v9, v8;
	vm13 =	veq.s32 v4, $0x1;
	v17 =	vsub.f32 v7, v13  }
0x2dc: {  	v8 =	vmpcnt.ones.xlane vm2;
	v7 =	vmpcnt.ones.xlane vm1;
	v4 =	vsub.f32 v21, v22  }
0x2dd: {  	v9 =	vmpcnt.ones.xlane vm3;
	v19 =	vsub.f32 $0.0e+00, v12;
	v13 =	vsub.f32 $0.0e+00, v5  }
0x2de: {  	v10 =	vmpcnt.ones.xlane vm4;
	v21 =	vsub.f32 $0.0e+00, v6;
	v20 =	vsub.f32 $0.0e+00, v4  }
0x2df: {  	v23 =	vsub.f32 $0.0e+00, v15;
	v22 =	vsub.f32 $0.0e+00, v14;
	v11 =	vmin.f32 v5, v13  }
0x2e0: {  	v24 =	vsub.f32 $0.0e+00, v17;
	v11 =	vmul.f32 $1.442695020e+00, v11;
	v16 =	vmin.f32 v4, v20  }
0x2e1: {  	v25 =	vsub.f32 $0.0e+00, v18;
	v26 =	vmin.f32 v12, v19;
	v16 =	vmul.f32 $1.442695020e+00, v16  }
0x2e2: {  	v26 =	vmul.f32 $1.442695020e+00, v26;
	v27 =	vmin.f32 v17, v24;
	(erf) = vpow2.f32 v11  }
0x2e3: {  	v11 =	vmul.f32 $1.442695020e+00, v27;
	v27 =	vmin.f32 v6, v21;
	(erf) = vpow2.f32 v16  }
0x2e4: {  	v16 =	vmin.f32 v18, v25;
	v27 =	vmul.f32 $1.442695020e+00, v27;
	(erf) = vpow2.f32 v26  }
0x2e5: {  	v16 =	vmul.f32 $1.442695020e+00, v16;
	v26 =	vmin.f32 v14, v22;
	(erf) = vpow2.f32 v11  }
0x2e6: {  	vm14 =	veq.s32 v3, $0x1;
	v3 =	vmul.f32 $1.442695020e+00, v26;
	(erf) = vpow2.f32 v27  }
0x2e7: {  	v11 =	vmpcnt.ones.xlane vm5;
	v26 =	vmin.f32 v15, v23;
	(erf) = vpow2.f32 v16  }
0x2e8: {  	vm15 =	veq.s32 v2, $0x1;
	v2 =	vmul.f32 $1.442695020e+00, v26;
	(erf) = vpow2.f32 v3  }
0x2e9: {  	v13 =	vsel vm9, v5, v13;
	v26 =	vmpcnt.ones.xlane vm8;
	v16 =	vmpcnt.ones.xlane vm6  }
0x2ea: {  	v27 =	vsel vm7, v12, v19;
	v3 =	vsel vm10, v6, v21;
	(erf) = vpow2.f32 v2  }
0x2eb: {  	v12 =	vsel vm11, v15, v23;
	v6 =	vsel vm12, v14, v22;
	v2 =	vsel vm13, v18, v25;
	v19 =	vpop (erf)  }
0x2ec: {  	v4 =	vsel vm15, v4, v20;
	v14 =	vsel vm14, v17, v24;
	v21 =	vmax.f32 v27, $0.0e+00;
	v5 =	vpop (erf)  }
0x2ed: {  	v20 =	vmax.f32 v3, $0.0e+00;
	v18 =	vmax.f32 v12, $0.0e+00;
	v15 =	vmul.f32 $1.066847290e-01, v5;
	v17 =	vpop (erf)  }
0x2ee: {  	v3 =	vmax.f32 v14, $0.0e+00;
	v22 =	vmax.f32 v6, $0.0e+00;
	v12 =	vmax.f32 v2, $0.0e+00;
	v2 =	vpop (erf)  }
0x2ef: {  	v6 =	vadd.f32 $-3.935357930e-01, v15;
	v14 =	vmul.f32 $1.066847290e-01, v2;
	v15 =	vmul.f32 $1.066847290e-01, v19;
	v23 =	vpop (erf)  }
0x2f0: {  	v4 =	vmax.f32 v4, $0.0e+00;
	v25 =	vmul.f32 $1.066847290e-01, v17;
	v24 =	vmul.f32 $1.066847290e-01, v23;
	v27 =	vpop (erf)  }
0x2f1: {  	v6 =	vmul.f32 v6, v5;
	v14 =	vadd.f32 $-3.935357930e-01, v14;
	v28 =	vmul.f32 $1.066847290e-01, v27;
	v29 =	vpop (erf)  }
0x2f2: {  	v25 =	vadd.f32 $-3.935357930e-01, v25;
	v15 =	vadd.f32 $-3.935357930e-01, v15;
	v30 =	vmul.f32 $1.066847290e-01, v29  }
0x2f3: {  	v6 =	vadd.f32 $9.797534340e-01, v6;
	v14 =	vmul.f32 v14, v2;
	v28 =	vadd.f32 $-3.935357930e-01, v28;
	v31 =	vpop (erf)  }
0x2f4: {  	v24 =	vadd.f32 $-3.935357930e-01, v24;
	v30 =	vadd.f32 $-3.935357930e-01, v30;
	v32 =	vmul.f32 $1.066847290e-01, v31  }
0x2f5: {  	s29 =	sshra.s32 s1, $0x2;
	v5 =	vmul.f32 v6, v5;
	v6 =	vadd.f32 $9.797534340e-01, v14;
	v14 =	vmul.f32 v28, v27  }
0x2f6: {  	v33 =	vmul.f32 v15, v19;
	v28 =	vld [tilespmem:s29+$0x70];
	v30 =	vmul.f32 v30, v29;
	v32 =	vadd.f32 $-3.935357930e-01, v32  }
0x2f7: {  	v34 =	vld [tilespmem:s29+$0x60];
	v15 =	vadd.f32 $9.250321310e-04, v5;
	v2 =	vmul.f32 v6, v2;
	v6 =	vadd.f32 $9.797534340e-01, v14  }
0x2f8: {  	v25 =	vmul.f32 v25, v17;
	v35 =	vld [tilespmem:s29+$0x50];
	v14 =	vadd.f32 $9.797534340e-01, v30;
	v30 =	vmul.f32 v32, v31  }
0x2f9: {  	v5 =	vld [tilespmem:s29+$0x40];
	v15 =	vadd.f32 v15, v4;
	v2 =	vadd.f32 $9.250321310e-04, v2;
	v27 =	vmul.f32 v6, v27  }
0x2fa: {  	v24 =	vmul.f32 v24, v23;
	v6 =	vld [tilespmem:s29+$0x30];
	v14 =	vmul.f32 v14, v29;
	v29 =	vadd.f32 $9.797534340e-01, v30  }
0x2fb: {  	v4 =	vld [tilespmem:s29+$0x20];
	v15 =	vnsel vm8, $0x0, v15;
	v30 =	vadd.f32 v2, v3;
	v27 =	vadd.f32 $9.250321310e-04, v27  }
0x2fc: {  	v24 =	vadd.f32 $9.797534340e-01, v24;
	v3 =	vld [tilespmem:s29+$0x10];
	v1 =	vadd.f32 v15, v1;
	v15 =	vmul.f32 v29, v31  }
0x2fd: {  	s0 =	sadd.s32 $0x100, s0;
	v2 =	vld [tilespmem:s29+$0x0];
	v29 =	vnsel vm6, $0x0, v30;
	v27 =	vadd.f32 v27, v12;
	v30 =	vadd.f32 $9.250321310e-04, v14  }
0x2fe: {  	v23 =	vmul.f32 v24, v23;
	v24 =	vadd.f32 $9.797534340e-01, v25;
	v12 =	vld [tilespmem:s0+$0xFFFFFFF0];
	v1 =	vadd.f32 v29, v1  }
0x2ff: {  	v14 =	vld [tilespmem:s0+$0x70];
	v25 =	vnsel vm5, $0x0, v27;
	v22 =	vadd.f32 v30, v22;
	v27 =	vadd.f32 $9.250321310e-04, v15  }
0x300: {  	v24 =	vmul.f32 v24, v17;
	v15 =	vld [tilespmem:s0+$0xFFFFFFE0];
	v1 =	vadd.f32 v25, v1;
	v25 =	vadd.f32 $9.797534340e-01, v33  }
0x301: {  	v23 =	vadd.f32 $9.250321310e-04, v23;
	v17 =	vld [tilespmem:s0+$0x60];
	v22 =	vnsel vm4, $0x0, v22;
	v27 =	vadd.f32 v27, v18  }
0x302: {  	v18 =	vld [tilespmem:s0+$0xFFFFFFD0];
	v1 =	vadd.f32 v22, v1;
	v22 =	vadd.f32 $9.250321310e-04, v24;
	v24 =	vmul.f32 v25, v19  }
0x303: {  	v0 =	vadd.s32 v0, v26;
	v23 =	vadd.f32 v23, v20;
	v19 =	vld [tilespmem:s0+$0x50];
	v25 =	vnsel vm3, $0x0, v27  }
0x304: {  	v0 =	vadd.s32 v16, v0;
	v20 =	vld [tilespmem:s0+$0xFFFFFFC0];
	v1 =	vadd.f32 v25, v1;
	v24 =	vadd.f32 $9.250321310e-04, v24  }
0x305: {  	v0 =	vadd.s32 v11, v0;
	v23 =	vnsel vm2, $0x0, v23;
	v21 =	vadd.f32 v22, v21;
	v16 =	vld [tilespmem:s0+$0x40]  }
0x306: {  	v13 =	vmax.f32 v13, $0.0e+00;
	v0 =	vadd.s32 v10, v0;
	v11 =	vld [tilespmem:s0+$0xFFFFFFB0];
	v1 =	vadd.f32 v23, v1  }
0x307: {  	v0 =	vadd.s32 v9, v0;
	v21 =	vnsel vm1, $0x0, v21;
	v13 =	vadd.f32 v24, v13;
	v10 =	vld [tilespmem:s0+$0x30]  }
0x308: {  	v0 =	vadd.s32 v8, v0;
	v9 =	vld [tilespmem:s0+$0xFFFFFFA0];
	v1 =	vadd.f32 v21, v1;
	v21 =	vmpcnt.ones.xlane vm0  }
.Ltmp6:
0x309: {  	v0 =	vadd.s32 v7, v0;
	v13 =	vnsel vm0, $0x0, v13;
	v8 =	vld [tilespmem:s0+$0x20];
	(pc) =	sbr.rel @p0 .LBB2_14-.Ltmp6, $4  }
0x30a: {  	v7 =	vld [tilespmem:s0+$0xFFFFFF90];
	v1 =	vadd.f32 v13, v1;
	v0 =	vadd.s32 v21, v0  }
0x30b: {  	vm2 =	vne.s32 v35, $0x0;
	vm1 =	vne.s32 v34, $0x0;
	vm0 =	vne.s32 v28, $0x0;
	v13 =	vld [tilespmem:s0+$0x10]  }
0x30c: {  	vm9 =	veq.s32 v28, $0x1;
	vm7 =	veq.s32 v34, $0x1;
	vm3 =	vne.s32 v5, $0x0;
	v21 =	vld [tilespmem:s0+$0xFFFFFF80]  }
0x30d: {  	s1 =	sadd.s32 $0x200, s1;
	vm10 =	veq.s32 v35, $0x1;
	vm5 =	vne.s32 v4, $0x0;
	vm4 =	vne.s32 v6, $0x0;
	v22 =	vld [tilespmem:s0+$0x0]  }
0x30e: {  	_ = 	snop  }
0x30f: {  	v12 =	vsub.f32 v12, v14;
	v14 =	vsub.f32 v18, v19  }
0x310: {  	v15 =	vsub.f32 v15, v17;
	v10 =	vsub.f32 v11, v10  }
0x311: {  	v11 =	vsub.f32 v20, v16;
	v8 =	vsub.f32 v9, v8  }
0x312: {  	v7 =	vsub.f32 v7, v13;
	v9 =	vsub.f32 v21, v22  }
0x313: {  	v13 =	vsub.f32 $0.0e+00, v15;
	v16 =	vsub.f32 $0.0e+00, v12  }
0x314: {  	vm6 =	vne.s32 v3, $0x0;
	v18 =	vsub.f32 $0.0e+00, v14;
	v17 =	vsub.f32 $0.0e+00, v9  }
0x315: {  	v19 =	vsub.f32 $0.0e+00, v10;
	v20 =	vsub.f32 $0.0e+00, v11;
	v21 =	vmin.f32 v12, v16  }
0x316: {  	v23 =	vsub.f32 $0.0e+00, v7;
	v21 =	vmul.f32 $1.442695020e+00, v21;
	v22 =	vmin.f32 v9, v17  }
0x317: {  	v24 =	vsub.f32 $0.0e+00, v8;
	v25 =	vmin.f32 v15, v13;
	v22 =	vmul.f32 $1.442695020e+00, v22  }
0x318: {  	v25 =	vmul.f32 $1.442695020e+00, v25;
	v26 =	vmin.f32 v7, v23;
	(erf) = vpow2.f32 v21  }
0x319: {  	v48 =	vmin.f32 v14, v18;
	v21 =	vmul.f32 $1.442695020e+00, v26;
	(erf) = vpow2.f32 v22  }
0x31a: {  	v26 =	vmul.f32 $1.442695020e+00, v48;
	v22 =	vmin.f32 v8, v24;
	(erf) = vpow2.f32 v25  }
0x31b: {  	v49 =	vmin.f32 v10, v19;
	v22 =	vmul.f32 $1.442695020e+00, v22;
	(erf) = vpow2.f32 v21  }
0x31c: {  	v50 =	vmin.f32 v11, v20;
	v21 =	vmul.f32 $1.442695020e+00, v49;
	(erf) = vpow2.f32 v26  }
0x31d: {  	vm11 =	veq.s32 v5, $0x1;
	(erf) = vpow2.f32 v22;
	v22 =	vmul.f32 $1.442695020e+00, v50  }
0x31e: {  	vm8 =	vne.s32 v2, $0x0;
	v5 =	vmpcnt.ones.xlane vm2;
	(erf) = vpow2.f32 v21  }
0x31f: {  	vm12 =	veq.s32 v6, $0x1;
	v27 =	vmpcnt.ones.xlane vm8;
	(erf) = vpow2.f32 v22  }
0x320: {  	vm13 =	veq.s32 v4, $0x1;
	vm14 =	veq.s32 v3, $0x1;
	v51 =	vmpcnt.ones.xlane vm5  }
0x321: {  	vm15 =	veq.s32 v2, $0x1;
	v0 =	vadd.s32 v0, v27;
	v12 =	vsel vm9, v12, v16;
	v52 =	vpop (erf)  }
0x322: {  	v16 =	vmpcnt.ones.xlane vm6;
	v3 =	vsel vm10, v14, v18;
	v6 =	vsel vm7, v15, v13;
	v2 =	vpop (erf)  }
0x323: {  	v10 =	vsel vm12, v10, v19;
	v11 =	vsel vm11, v11, v20;
	v13 =	vpop (erf);
	v15 =	vmul.f32 $1.066847290e-01, v2  }
0x324: {  	v18 =	vmax.f32 v11, $0.0e+00;
	v19 =	vmax.f32 v3, $0.0e+00;
	v7 =	vsel vm14, v7, v23;
	v14 =	vpop (erf)  }
0x325: {  	v23 =	vmax.f32 v6, $0.0e+00;
	v9 =	vsel vm15, v9, v17;
	v8 =	vsel vm13, v8, v24;
	v17 =	vpop (erf)  }
0x326: {  	v0 =	vadd.s32 v16, v0;
	v20 =	vmax.f32 v8, $0.0e+00;
	v8 =	vmul.f32 $1.066847290e-01, v52;
	v3 =	vpop (erf)  }
0x327: {  	v6 =	vmax.f32 v7, $0.0e+00;
	v22 =	vmpcnt.ones.xlane vm4;
	v7 =	vadd.f32 $-3.935357930e-01, v15;
	v15 =	vpop (erf)  }
0x328: {  	v0 =	vadd.s32 v51, v0;
	v8 =	vadd.f32 $-3.935357930e-01, v8;
	v11 =	vmul.f32 $1.066847290e-01, v14;
	v28 =	vpop (erf)  }
0x329: {  	v9 =	vmax.f32 v9, $0.0e+00;
	v21 =	vmpcnt.ones.xlane vm3;
	v0 =	vadd.s32 v22, v0;
	_ =	swait.ge [sflag:s26], $0x2000  }
0x32a: {  	v33 =	vmul.f32 v8, v52;
	v29 =	vmul.f32 $1.066847290e-01, v13;
	v11 =	vadd.f32 $-3.935357930e-01, v11;
	[sflag:s26] =	ssyncset.done $0x0  }
0x32b: {  	v0 =	vadd.s32 v21, v0;
	v53 =	vmul.f32 $1.066847290e-01, v17;
	v7 =	vmul.f32 v7, v2;
	[sflag:s26] =	ssyncadd.s32 $0xFFFFE000  }
0x32c: {  	v63 =	vadd.f32 $9.797534340e-01, v33;
	v30 =	vmul.f32 $1.066847290e-01, v3;
	v11 =	vmul.f32 v11, v14;
	_ =	swait.ge [sflag:s28], $0x4000  }
0x32d: {  	v29 =	vadd.f32 $-3.935357930e-01, v29;
	v31 =	vmul.f32 $1.066847290e-01, v15;
	v7 =	vadd.f32 $9.797534340e-01, v7;
	[sflag:s28] =	ssyncset.done $0x0  }
0x32e: {  	s1 =	simm.s32 $0x0;
	v0 =	vadd.s32 v5, v0;
	v30 =	vadd.f32 $-3.935357930e-01, v30;
	v11 =	vadd.f32 $9.797534340e-01, v11;
	[sflag:s28] =	ssyncadd.s32 $0xFFFFC000  }
0x32f: {  	v32 =	vmul.f32 $1.066847290e-01, v28;
	v31 =	vadd.f32 $-3.935357930e-01, v31;
	v2 =	vmul.f32 v7, v2;
	v57 =	vld [tilespmem:s1+$0x2070]  }
0x330: {  	v7 =	vadd.f32 $-3.935357930e-01, v53;
	v54 =	vmul.f32 v30, v3;
	v8 =	vmul.f32 v11, v14;
	v58 =	vld [tilespmem:s1+$0x2060]  }
0x331: {  	v56 =	vadd.f32 $-3.935357930e-01, v32;
	v55 =	vmul.f32 v31, v15;
	v2 =	vadd.f32 $9.250321310e-04, v2;
	v60 =	vld [tilespmem:s1+$0x2050]  }
0x332: {  	v11 =	vadd.f32 $9.797534340e-01, v54;
	v7 =	vmul.f32 v7, v17;
	v34 =	vadd.f32 $9.250321310e-04, v8;
	v8 =	vld [tilespmem:s1+$0x2040]  }
0x333: {  	s0 =	simm.s32 $0x8080;
	v59 =	vmul.f32 v56, v28;
	v14 =	vadd.f32 $9.797534340e-01, v55;
	v2 =	vadd.f32 v2, v9;
	v9 =	vld [tilespmem:s1+$0x2030]  }
0x334: {  	v29 =	vmul.f32 v29, v13;
	v3 =	vmul.f32 v11, v3;
	v7 =	vadd.f32 $9.797534340e-01, v7;
	v16 =	vld [tilespmem:s0+$0x40]  }
0x335: {  	v5 =	vld [tilespmem:s0+$0x20];
	v11 =	vmul.f32 v14, v15;
	v14 =	vadd.f32 $9.797534340e-01, v59;
	v2 =	vnsel vm8, $0x0, v2  }
0x336: {  	v22 =	vld [tilespmem:s0+$0x0];
	v15 =	vadd.f32 v34, v6;
	v61 =	vadd.f32 $9.250321310e-04, v3;
	v7 =	vmul.f32 v7, v17  }
0x337: {  	v6 =	vld [tilespmem:s1+$0x2020];
	v1 =	vadd.f32 v2, v1;
	v14 =	vmul.f32 v14, v28;
	v62 =	vadd.f32 $9.250321310e-04, v11  }
0x338: {  	v3 =	vld [tilespmem:s1+$0x2010];
	v15 =	vnsel vm6, $0x0, v15;
	v20 =	vadd.f32 v61, v20;
	v7 =	vadd.f32 $9.250321310e-04, v7  }
0x339: {  	v10 =	vmax.f32 v10, $0.0e+00;
	v2 =	vld [tilespmem:s1+$0x2000];
	v1 =	vadd.f32 v15, v1;
	v15 =	vadd.f32 $9.797534340e-01, v29  }
0x33a: {  	v11 =	vld [tilespmem:s0+$0xFFFFFFF0];
	v10 =	vadd.f32 v62, v10;
	v17 =	vnsel vm5, $0x0, v20;
	v20 =	vadd.f32 $9.250321310e-04, v14  }
0x33b: {  	v14 =	vld [tilespmem:s0+$0x70];
	v7 =	vadd.f32 v7, v19;
	v1 =	vadd.f32 v17, v1  }
0x33c: {  	v19 =	vld [tilespmem:s0+$0x50];
	v13 =	vmul.f32 v15, v13;
	v10 =	vnsel vm4, $0x0, v10;
	v20 =	vadd.f32 v20, v18  }
0x33d: {  	v4 =	vmpcnt.ones.xlane vm1;
	v15 =	vld [tilespmem:s0+$0xFFFFFFE0];
	v1 =	vadd.f32 v10, v1  }
0x33e: {  	v17 =	vld [tilespmem:s0+$0x60];
	v10 =	vadd.f32 $9.250321310e-04, v13;
	v13 =	vmul.f32 v63, v52;
	v20 =	vnsel vm3, $0x0, v20  }
0x33f: {  	v0 =	vadd.s32 v4, v0;
	v18 =	vld [tilespmem:s0+$0xFFFFFFD0];
	v1 =	vadd.f32 v20, v1  }
0x340: {  	v7 =	vnsel vm2, $0x0, v7;
	v13 =	vadd.f32 $9.250321310e-04, v13;
	v20 =	vld [tilespmem:s0+$0xFFFFFFC0];
	v10 =	vadd.f32 v10, v23  }
0x341: {  	vm7 =	veq.s32 v58, $0x1;
	v1 =	vadd.f32 v7, v1;
	v7 =	vmax.f32 v12, $0.0e+00;
	v12 =	vld [tilespmem:s0+$0xFFFFFFB0]  }
0x342: {  	vm9 =	veq.s32 v57, $0x1;
	v21 =	vnsel vm1, $0x0, v10;
	v10 =	vld [tilespmem:s0+$0x30];
	v13 =	vadd.f32 v13, v7  }
0x343: {  	vm10 =	veq.s32 v60, $0x1;
	vm5 =	vne.s32 v6, $0x0;
	v7 =	vld [tilespmem:s0+$0xFFFFFFA0];
	v1 =	vadd.f32 v21, v1  }
0x344: {  	vm4 =	vne.s32 v9, $0x0;
	v21 =	vmpcnt.ones.xlane vm0;
	v4 =	vnsel vm0, $0x0, v13;
	v13 =	vld [tilespmem:s0+$0x10]  }
0x345: {  	vm2 =	vne.s32 v60, $0x0;
	vm3 =	vne.s32 v8, $0x0;
	v1 =	vadd.f32 v4, v1;
	v4 =	vld [tilespmem:s0+$0xFFFFFF90]  }
0x346: {  	s1 =	simm.s32 $0x200;
	vm1 =	vne.s32 v58, $0x0;
	vm0 =	vne.s32 v57, $0x0;
	v0 =	vadd.s32 v21, v0;
	v21 =	vld [tilespmem:s0+$0xFFFFFF80]  }
.LBB2_16:
0x347: {  	p0 =	sne.s32 s1, $0x7E00;
	vm6 =	vne.s32 v3, $0x0;
	vm11 =	veq.s32 v8, $0x1;
	v8 =	vsub.f32 v11, v14  }
0x348: {  	vm12 =	veq.s32 v9, $0x1;
	v9 =	vsub.f32 v18, v19;
	v11 =	vsub.f32 v15, v17  }
0x349: {  	vm8 =	vne.s32 v2, $0x0;
	v14 =	vsub.f32 v12, v10;
	v15 =	vsub.f32 v20, v16  }
0x34a: {  	v18 =	vsub.f32 v7, v5;
	vm13 =	veq.s32 v6, $0x1;
	v17 =	vsub.f32 v4, v13  }
0x34b: {  	v5 =	vmpcnt.ones.xlane vm2;
	v4 =	vmpcnt.ones.xlane vm1;
	v6 =	vsub.f32 v21, v22  }
0x34c: {  	v7 =	vmpcnt.ones.xlane vm3;
	v19 =	vsub.f32 $0.0e+00, v11;
	v13 =	vsub.f32 $0.0e+00, v8  }
0x34d: {  	v10 =	vmpcnt.ones.xlane vm4;
	v21 =	vsub.f32 $0.0e+00, v9;
	v20 =	vsub.f32 $0.0e+00, v6  }
0x34e: {  	v23 =	vsub.f32 $0.0e+00, v15;
	v22 =	vsub.f32 $0.0e+00, v14;
	v12 =	vmin.f32 v8, v13  }
0x34f: {  	v24 =	vsub.f32 $0.0e+00, v17;
	v12 =	vmul.f32 $1.442695020e+00, v12;
	v16 =	vmin.f32 v6, v20  }
0x350: {  	v25 =	vsub.f32 $0.0e+00, v18;
	v26 =	vmin.f32 v11, v19;
	v16 =	vmul.f32 $1.442695020e+00, v16  }
0x351: {  	v26 =	vmul.f32 $1.442695020e+00, v26;
	v27 =	vmin.f32 v17, v24;
	(erf) = vpow2.f32 v12  }
0x352: {  	v12 =	vmul.f32 $1.442695020e+00, v27;
	v27 =	vmin.f32 v9, v21;
	(erf) = vpow2.f32 v16  }
0x353: {  	v16 =	vmin.f32 v18, v25;
	v27 =	vmul.f32 $1.442695020e+00, v27;
	(erf) = vpow2.f32 v26  }
0x354: {  	v16 =	vmul.f32 $1.442695020e+00, v16;
	v26 =	vmin.f32 v14, v22;
	(erf) = vpow2.f32 v12  }
0x355: {  	vm14 =	veq.s32 v3, $0x1;
	v3 =	vmul.f32 $1.442695020e+00, v26;
	(erf) = vpow2.f32 v27  }
0x356: {  	v12 =	vmpcnt.ones.xlane vm5;
	v26 =	vmin.f32 v15, v23;
	(erf) = vpow2.f32 v16  }
0x357: {  	vm15 =	veq.s32 v2, $0x1;
	v2 =	vmul.f32 $1.442695020e+00, v26;
	(erf) = vpow2.f32 v3  }
0x358: {  	v13 =	vsel vm9, v8, v13;
	v26 =	vmpcnt.ones.xlane vm8;
	v16 =	vmpcnt.ones.xlane vm6  }
0x359: {  	v27 =	vsel vm7, v11, v19;
	v3 =	vsel vm10, v9, v21;
	(erf) = vpow2.f32 v2  }
0x35a: {  	v11 =	vsel vm11, v15, v23;
	v9 =	vsel vm12, v14, v22;
	v2 =	vsel vm13, v18, v25;
	v19 =	vpop (erf)  }
0x35b: {  	v6 =	vsel vm15, v6, v20;
	v14 =	vsel vm14, v17, v24;
	v21 =	vmax.f32 v27, $0.0e+00;
	v8 =	vpop (erf)  }
0x35c: {  	v20 =	vmax.f32 v3, $0.0e+00;
	v18 =	vmax.f32 v11, $0.0e+00;
	v15 =	vmul.f32 $1.066847290e-01, v8;
	v17 =	vpop (erf)  }
0x35d: {  	v3 =	vmax.f32 v14, $0.0e+00;
	v22 =	vmax.f32 v9, $0.0e+00;
	v11 =	vmax.f32 v2, $0.0e+00;
	v2 =	vpop (erf)  }
0x35e: {  	v9 =	vadd.f32 $-3.935357930e-01, v15;
	v14 =	vmul.f32 $1.066847290e-01, v2;
	v15 =	vmul.f32 $1.066847290e-01, v19;
	v23 =	vpop (erf)  }
0x35f: {  	v6 =	vmax.f32 v6, $0.0e+00;
	v25 =	vmul.f32 $1.066847290e-01, v17;
	v24 =	vmul.f32 $1.066847290e-01, v23;
	v27 =	vpop (erf)  }
0x360: {  	v9 =	vmul.f32 v9, v8;
	v14 =	vadd.f32 $-3.935357930e-01, v14;
	v28 =	vmul.f32 $1.066847290e-01, v27;
	v29 =	vpop (erf)  }
0x361: {  	v25 =	vadd.f32 $-3.935357930e-01, v25;
	v15 =	vadd.f32 $-3.935357930e-01, v15;
	v30 =	vmul.f32 $1.066847290e-01, v29  }
0x362: {  	v9 =	vadd.f32 $9.797534340e-01, v9;
	v14 =	vmul.f32 v14, v2;
	v28 =	vadd.f32 $-3.935357930e-01, v28;
	v31 =	vpop (erf)  }
0x363: {  	v24 =	vadd.f32 $-3.935357930e-01, v24;
	v30 =	vadd.f32 $-3.935357930e-01, v30;
	v32 =	vmul.f32 $1.066847290e-01, v31  }
0x364: {  	s29 =	sshra.s32 s1, $0x2;
	v8 =	vmul.f32 v9, v8;
	v9 =	vadd.f32 $9.797534340e-01, v14;
	v14 =	vmul.f32 v28, v27  }
0x365: {  	v33 =	vmul.f32 v15, v19;
	v28 =	vld [tilespmem:s29+$0x2070];
	v30 =	vmul.f32 v30, v29;
	v32 =	vadd.f32 $-3.935357930e-01, v32  }
0x366: {  	v34 =	vld [tilespmem:s29+$0x2060];
	v15 =	vadd.f32 $9.250321310e-04, v8;
	v2 =	vmul.f32 v9, v2;
	v9 =	vadd.f32 $9.797534340e-01, v14  }
0x367: {  	v25 =	vmul.f32 v25, v17;
	v35 =	vld [tilespmem:s29+$0x2050];
	v14 =	vadd.f32 $9.797534340e-01, v30;
	v30 =	vmul.f32 v32, v31  }
0x368: {  	v8 =	vld [tilespmem:s29+$0x2040];
	v15 =	vadd.f32 v15, v6;
	v2 =	vadd.f32 $9.250321310e-04, v2;
	v27 =	vmul.f32 v9, v27  }
0x369: {  	v24 =	vmul.f32 v24, v23;
	v9 =	vld [tilespmem:s29+$0x2030];
	v14 =	vmul.f32 v14, v29;
	v29 =	vadd.f32 $9.797534340e-01, v30  }
0x36a: {  	v6 =	vld [tilespmem:s29+$0x2020];
	v15 =	vnsel vm8, $0x0, v15;
	v30 =	vadd.f32 v2, v3;
	v27 =	vadd.f32 $9.250321310e-04, v27  }
0x36b: {  	v24 =	vadd.f32 $9.797534340e-01, v24;
	v3 =	vld [tilespmem:s29+$0x2010];
	v1 =	vadd.f32 v15, v1;
	v15 =	vmul.f32 v29, v31  }
0x36c: {  	s0 =	sadd.s32 $0x100, s0;
	v2 =	vld [tilespmem:s29+$0x2000];
	v29 =	vnsel vm6, $0x0, v30;
	v27 =	vadd.f32 v27, v11;
	v30 =	vadd.f32 $9.250321310e-04, v14  }
0x36d: {  	v23 =	vmul.f32 v24, v23;
	v24 =	vadd.f32 $9.797534340e-01, v25;
	v11 =	vld [tilespmem:s0+$0xFFFFFFF0];
	v1 =	vadd.f32 v29, v1  }
0x36e: {  	v14 =	vld [tilespmem:s0+$0x70];
	v25 =	vnsel vm5, $0x0, v27;
	v22 =	vadd.f32 v30, v22;
	v27 =	vadd.f32 $9.250321310e-04, v15  }
0x36f: {  	v24 =	vmul.f32 v24, v17;
	v15 =	vld [tilespmem:s0+$0xFFFFFFE0];
	v1 =	vadd.f32 v25, v1;
	v25 =	vadd.f32 $9.797534340e-01, v33  }
0x370: {  	v23 =	vadd.f32 $9.250321310e-04, v23;
	v17 =	vld [tilespmem:s0+$0x60];
	v22 =	vnsel vm4, $0x0, v22;
	v27 =	vadd.f32 v27, v18  }
0x371: {  	v18 =	vld [tilespmem:s0+$0xFFFFFFD0];
	v1 =	vadd.f32 v22, v1;
	v22 =	vadd.f32 $9.250321310e-04, v24;
	v24 =	vmul.f32 v25, v19  }
0x372: {  	v0 =	vadd.s32 v0, v26;
	v23 =	vadd.f32 v23, v20;
	v19 =	vld [tilespmem:s0+$0x50];
	v25 =	vnsel vm3, $0x0, v27  }
0x373: {  	v0 =	vadd.s32 v16, v0;
	v20 =	vld [tilespmem:s0+$0xFFFFFFC0];
	v1 =	vadd.f32 v25, v1;
	v24 =	vadd.f32 $9.250321310e-04, v24  }
0x374: {  	v0 =	vadd.s32 v12, v0;
	v23 =	vnsel vm2, $0x0, v23;
	v21 =	vadd.f32 v22, v21;
	v16 =	vld [tilespmem:s0+$0x40]  }
0x375: {  	v13 =	vmax.f32 v13, $0.0e+00;
	v0 =	vadd.s32 v10, v0;
	v12 =	vld [tilespmem:s0+$0xFFFFFFB0];
	v1 =	vadd.f32 v23, v1  }
0x376: {  	v0 =	vadd.s32 v7, v0;
	v21 =	vnsel vm1, $0x0, v21;
	v13 =	vadd.f32 v24, v13;
	v10 =	vld [tilespmem:s0+$0x30]  }
0x377: {  	v0 =	vadd.s32 v5, v0;
	v7 =	vld [tilespmem:s0+$0xFFFFFFA0];
	v1 =	vadd.f32 v21, v1;
	v21 =	vmpcnt.ones.xlane vm0  }
.Ltmp7:
0x378: {  	v0 =	vadd.s32 v4, v0;
	v13 =	vnsel vm0, $0x0, v13;
	v5 =	vld [tilespmem:s0+$0x20];
	(pc) =	sbr.rel @p0 .LBB2_16-.Ltmp7, $4  }
0x379: {  	v4 =	vld [tilespmem:s0+$0xFFFFFF90];
	v1 =	vadd.f32 v13, v1;
	v0 =	vadd.s32 v21, v0  }
0x37a: {  	vm2 =	vne.s32 v35, $0x0;
	vm1 =	vne.s32 v34, $0x0;
	vm0 =	vne.s32 v28, $0x0;
	v13 =	vld [tilespmem:s0+$0x10]  }
0x37b: {  	vm9 =	veq.s32 v28, $0x1;
	vm7 =	veq.s32 v34, $0x1;
	vm3 =	vne.s32 v8, $0x0;
	v21 =	vld [tilespmem:s0+$0xFFFFFF80]  }
0x37c: {  	s1 =	sadd.s32 $0x200, s1;
	vm10 =	veq.s32 v35, $0x1;
	vm5 =	vne.s32 v6, $0x0;
	vm4 =	vne.s32 v9, $0x0;
	v22 =	vld [tilespmem:s0+$0x0]  }
0x37d: {  	vm6 =	vne.s32 v3, $0x0;
	vm11 =	veq.s32 v8, $0x1;
	v37 =	vsub.f32 v11, v14  }
0x37e: {  	vm12 =	veq.s32 v9, $0x1;
	v38 =	vsub.f32 v18, v19;
	v39 =	vsub.f32 v15, v17  }
0x37f: {  	vm8 =	vne.s32 v2, $0x0;
	v10 =	vsub.f32 v12, v10;
	v40 =	vsub.f32 v20, v16  }
0x380: {  	v7 =	vsub.f32 v7, v5;
	vm13 =	veq.s32 v6, $0x1;
	v5 =	vmpcnt.ones.xlane vm2  }
0x381: {  	v6 =	vmpcnt.ones.xlane vm3;
	v18 =	vmpcnt.ones.xlane vm4;
	vm14 =	veq.s32 v3, $0x1  }
0x382: {  	vm15 =	veq.s32 v2, $0x1;
	v13 =	vsub.f32 v4, v13;
	v41 =	vsub.f32 v21, v22  }
0x383: {  	v3 =	vmpcnt.ones.xlane vm8;
	v15 =	vsub.f32 $0.0e+00, v39;
	v42 =	vsub.f32 $0.0e+00, v37  }
0x384: {  	v4 =	vmpcnt.ones.xlane vm1;
	v19 =	vsub.f32 $0.0e+00, v38;
	v43 =	vsub.f32 $0.0e+00, v41  }
0x385: {  	v44 =	vsub.f32 $0.0e+00, v10;
	v45 =	vsub.f32 $0.0e+00, v40;
	v46 =	vmin.f32 v37, v42  }
0x386: {  	v24 =	vsub.f32 $0.0e+00, v13;
	v22 =	vmul.f32 $1.442695020e+00, v46;
	v23 =	vmin.f32 v41, v43  }
0x387: {  	v25 =	vsub.f32 $0.0e+00, v7;
	v26 =	vmin.f32 v39, v15;
	v23 =	vmul.f32 $1.442695020e+00, v23  }
0x388: {  	v26 =	vmul.f32 $1.442695020e+00, v26;
	v27 =	vmin.f32 v13, v24;
	(erf) = vpow2.f32 v22  }
0x389: {  	v48 =	vmin.f32 v38, v19;
	v47 =	vmul.f32 $1.442695020e+00, v27;
	(erf) = vpow2.f32 v23  }
0x38a: {  	v49 =	vmin.f32 v7, v25;
	v27 =	vmul.f32 $1.442695020e+00, v48;
	(erf) = vpow2.f32 v26  }
0x38b: {  	v50 =	vmin.f32 v10, v44;
	v23 =	vmul.f32 $1.442695020e+00, v49;
	(erf) = vpow2.f32 v47  }
0x38c: {  	v0 =	vadd.s32 v0, v3;
	v51 =	vmul.f32 $1.442695020e+00, v50;
	(erf) = vpow2.f32 v27  }
0x38d: {  	v52 =	vmin.f32 v40, v45;
	v8 =	vsel vm9, v37, v42;
	(erf) = vpow2.f32 v23  }
0x38e: {  	v9 =	vsel vm10, v38, v19;
	v53 =	vmul.f32 $1.442695020e+00, v52;
	(erf) = vpow2.f32 v51  }
0x38f: {  	v11 =	vsel vm7, v39, v15;
	v54 =	vsel vm13, v7, v25;
	v55 =	vsel vm12, v10, v44  }
0x390: {  	v56 =	vsel vm11, v40, v45;
	v11 =	vmax.f32 v11, $0.0e+00;
	(erf) = vpow2.f32 v53  }
0x391: {  	v10 =	vmax.f32 v56, $0.0e+00;
	v9 =	vmax.f32 v9, $0.0e+00;
	v2 =	vmax.f32 v54, $0.0e+00;
	v12 =	vpop (erf)  }
0x392: {  	v7 =	vmax.f32 v55, $0.0e+00;
	v13 =	vsel vm14, v13, v24;
	v62 =	vmul.f32 $1.066847290e-01, v12;
	v57 =	vpop (erf)  }
0x393: {  	v22 =	vmpcnt.ones.xlane vm5;
	v13 =	vmax.f32 v13, $0.0e+00;
	v58 =	vmul.f32 $1.066847290e-01, v57;
	v59 =	vpop (erf)  }
0x394: {  	v14 =	vsel vm15, v41, v43;
	v23 =	vmpcnt.ones.xlane vm6;
	v21 =	vadd.f32 $-3.935357930e-01, v62;
	v60 =	vpop (erf)  }
0x395: {  	v14 =	vmax.f32 v14, $0.0e+00;
	v16 =	vadd.f32 $-3.935357930e-01, v58;
	v61 =	vmul.f32 $1.066847290e-01, v60;
	v63 =	vpop (erf)  }
0x396: {  	v0 =	vadd.s32 v23, v0;
	v21 =	vmul.f32 v21, v12;
	v37 =	vmul.f32 $1.066847290e-01, v59;
	v38 =	vpop (erf)  }
0x397: {  	v16 =	vmul.f32 v16, v57;
	v20 =	vadd.f32 $-3.935357930e-01, v61;
	v28 =	vmul.f32 $1.066847290e-01, v38;
	v29 =	vpop (erf)  }
0x398: {  	v0 =	vadd.s32 v22, v0;
	v36 =	vmul.f32 $1.066847290e-01, v63;
	v30 =	vmul.f32 $1.066847290e-01, v29  }
0x399: {  	v31 =	vpop (erf);
	v16 =	vadd.f32 $9.797534340e-01, v16;
	v20 =	vmul.f32 v20, v60;
	v28 =	vadd.f32 $-3.935357930e-01, v28  }
0x39a: {  	v26 =	vadd.f32 $-3.935357930e-01, v37;
	v32 =	vmul.f32 $1.066847290e-01, v31;
	v30 =	vadd.f32 $-3.935357930e-01, v30  }
0x39b: {  	v15 =	vmul.f32 v16, v57;
	v39 =	vadd.f32 $9.797534340e-01, v20;
	v40 =	vmul.f32 v28, v38  }
0x39c: {  	v25 =	vadd.f32 $-3.935357930e-01, v36;
	v42 =	vadd.f32 $-3.935357930e-01, v32;
	v41 =	vmul.f32 v30, v29  }
0x39d: {  	v15 =	vadd.f32 $9.250321310e-04, v15;
	v16 =	vmul.f32 v39, v60;
	v43 =	vadd.f32 $9.797534340e-01, v40  }
0x39e: {  	v26 =	vmul.f32 v26, v59;
	v45 =	vmul.f32 v42, v31;
	v44 =	vadd.f32 $9.797534340e-01, v41  }
0x39f: {  	v14 =	vadd.f32 v15, v14;
	v46 =	vadd.f32 $9.250321310e-04, v16;
	v47 =	vmul.f32 v43, v38  }
0x3a0: {  	v25 =	vmul.f32 v25, v63;
	v49 =	vadd.f32 $9.797534340e-01, v45;
	v48 =	vmul.f32 v44, v29  }
0x3a1: {  	v14 =	vnsel vm8, $0x0, v14;
	v13 =	vadd.f32 v46, v13;
	v50 =	vadd.f32 $9.250321310e-04, v47  }
0x3a2: {  	v52 =	vadd.f32 $9.797534340e-01, v25;
	v51 =	vmul.f32 v49, v31;
	v1 =	vadd.f32 v14, v1  }
0x3a3: {  	v53 =	vadd.f32 $9.250321310e-04, v48;
	v13 =	vnsel vm6, $0x0, v13;
	v2 =	vadd.f32 v50, v2  }
0x3a4: {  	v55 =	vadd.f32 $9.797534340e-01, v26;
	v54 =	vmul.f32 v52, v63;
	v1 =	vadd.f32 v13, v1  }
0x3a5: {  	v14 =	vadd.f32 $9.250321310e-04, v51;
	v7 =	vadd.f32 v53, v7;
	v2 =	vnsel vm5, $0x0, v2  }
0x3a6: {  	v57 =	vadd.f32 $9.797534340e-01, v21;
	v56 =	vmul.f32 v55, v59;
	v1 =	vadd.f32 v2, v1  }
0x3a7: {  	v13 =	vadd.f32 $9.250321310e-04, v54;
	v10 =	vadd.f32 v14, v10;
	v7 =	vnsel vm4, $0x0, v7  }
0x3a8: {  	v0 =	vadd.s32 v18, v0;
	v58 =	vmul.f32 v57, v12;
	v1 =	vadd.f32 v7, v1  }
0x3a9: {  	v2 =	vadd.f32 $9.250321310e-04, v56;
	v9 =	vadd.f32 v13, v9;
	v59 =	vnsel vm3, $0x0, v10  }
0x3aa: {  	v62 =	vmax.f32 v8, $0.0e+00;
	v0 =	vadd.s32 v6, v0;
	v1 =	vadd.f32 v59, v1  }
0x3ab: {  	v60 =	vadd.f32 $9.250321310e-04, v58;
	v61 =	vnsel vm2, $0x0, v9;
	v2 =	vadd.f32 v2, v11  }
0x3ac: {  	v0 =	vadd.s32 v5, v0;
	v63 =	vmpcnt.ones.xlane vm0;
	v1 =	vadd.f32 v61, v1  }
0x3ad: {  	v0 =	vadd.s32 v4, v0;
	v3 =	vadd.f32 v60, v62;
	v2 =	vnsel vm1, $0x0, v2  }
0x3ae: {  	v0 =	vadd.s32 v63, v0;
	v1 =	vadd.f32 v2, v1  }
0x3af: {  	v0 =	vcvt.s32.f32 v0;
	v3 =	vnsel vm0, $0x0, v3  }
0x3b0: {  	s31 =	sadd.s32 $0x1, s31;
	v1 =	vadd.f32 v3, v1  }
0x3b1: {  	p0 =	sne.s32 s31, s20;
	[tilespmem:$0xC010] =	vst v0  }
.Ltmp8:
0x3b2: {  	s0 =	simm.s32 $0xC000;
	[tilespmem:$0xC000] =	vst v1;
	(pc) =	sbr.rel @p0 .LBB2_1-.Ltmp8, $4  }
0x3b3: {  	[hbm4b:s19+s2] =	stream.linear.scatter [tilespmem:s0], [sflag:$0x5], $0x80, $0x38;
	[tilespmem:$0xC080] =	vst v63  }
0x3b4: {  	_ =	swait.ge [sflag:s30], $0x80  }
0x3b5: {  	[sflag:s30] =	ssyncset.done $0x0  }
0x3b6: {  	[sflag:s30] =	ssyncadd.s32 $0xFFFFFF80  }
0x3b7: {  	_ =	sfence.sel $0x180000  }
0x3b8: {  	[bflag:$0x0] =	sbarrier.arrive $0xFFFF  }
0x3b9: {  	_ =	strace $0x90000047  }
0x3ba: {  	s0 =	stileid.u32;
	[bflag:$0x2] =	sbarrier.arrive $0xFFFF  }
0x3bb: {  	p0 =	sne.s32 s0, $0x0;
	s0 =	rddreg [dreg:$0x3]  }
0x3bc: {  	s0 =	sadd.s32 @!p0 $0x100000, s0  }
0x3bd: {  	[sflag:s0] =	ssyncadd.tile.s32 @!p0 $0x1;
	_ =	shalt  }
.Lfunc_end2:
_tile_overlayer_lowered:
.L_overlay_start_2:
0x3be: {  	(tag) =	ssettag $0x2  }
0x3bf: {  	s0 =	rddreg [dreg:$0x0];
	s2 =	stileid.u32  }
0x3c0: {  	s1 =	rddreg [dreg:$0x1];
	p0 =	sne.s32 s2, $0x0  }
0x3c1: {  	s3 =	rddreg [dreg:$0x2];
	[bflag:$0x3] =	sbarrier.arrive $0xFFFF;
	s2 =	simm.s32 @!p0 $0x1C05  }
0x3c2: {  	[timem:s3], [sflag:s2] =	dma.local @!p0 [hbm:s0], s1  }
0x3c3: {  	s0 =	simm.s32 @!p0 $0x5  }
0x3c4: {  	_ =	swait.ge @!p0 [sflag:s0], s1  }
0x3c5: {  	s1 =	ssub.s32 @!p0 $0x0, s1;
	[sflag:s0] =	ssyncset.done @!p0 $0x0  }
0x3c6: {  	[sflag:s0] =	ssyncadd.s32 @!p0 s1  }
0x3c7: {  	[bflag:$0x3] =	sbarrier.arrive $0xFFFF  }
0x3c8: {  	_ =	shalt  }

</sc_bundles>
